<compile_context>
chip_gen: v7x
topology: tpu7x:2x2x1
jax: 0.10.2.dev20260603
libtpu: 0.0.44.dev20260713+nightly
codegen_flags: <defaults>
</compile_context>

<pallas_src>
import functools

import jax
import jax.numpy as jnp
from jax import lax
from jax.experimental import pallas as pl
from jax.experimental.pallas import tpu as pltpu
from jax.experimental.pallas import tpu_sc as plsc

N_NODES = 10000
D = 128
N_PAD = 10240
E = 320000
E_PAD = 327680
NC = 2
NS = 16
CHUNK = 128
EPC = E_PAD // NC
EPS = EPC // NS
NCHUNKS = EPS // CHUNK
RPS = N_PAD // NS
DW = 16
BLK = 1024
GRID = N_PAD // BLK


def _sc_mesh():
    return plsc.VectorSubcoreMesh(core_axis_name="c", subcore_axis_name="s",
                                  num_cores=NC, num_subcores=NS)


N_DEG = 2 * N_PAD
DEG_RPS = N_DEG // NS
DEG_EPS = 2 * EPS
DEG_NCHUNKS = DEG_EPS // CHUNK


@functools.cache
def _get_deg_kernel():
    return functools.partial(
        pl.kernel,
        out_type=jax.ShapeDtypeStruct((NC * N_DEG,), jnp.float32),
        mesh=_sc_mesh(),
        scratch_types=[
            pltpu.VMEM_SHARED((N_DEG,), jnp.float32),
            pltpu.VMEM((CHUNK,), jnp.int32),
            pltpu.VMEM((CHUNK,), jnp.float32),
            pltpu.VMEM((DEG_RPS,), jnp.float32),
        ],
    )(_deg_body)


def _deg_body(sd_idx, ones_h, zeros_h, deg_out,
              deg_s, idx_v, ones_v, buf):
    c = lax.axis_index("c")
    s = lax.axis_index("s")
    r0 = s * DEG_RPS
    pltpu.sync_copy(ones_h, ones_v)
    pltpu.sync_copy(zeros_h, buf)
    pltpu.sync_copy(buf, deg_s.at[pl.ds(r0, DEG_RPS)])
    plsc.subcore_barrier()

    def body(t, carry):
        base = c * (2 * EPC) + s * DEG_EPS + t * CHUNK
        pltpu.sync_copy(sd_idx.at[pl.ds(base, CHUNK)], idx_v)
        pltpu.sync_copy(ones_v, deg_s.at[idx_v], add=True)
        return carry

    lax.fori_loop(0, DEG_NCHUNKS, body, 0)
    plsc.subcore_barrier()
    pltpu.sync_copy(deg_s.at[pl.ds(r0, DEG_RPS)], buf)
    pltpu.sync_copy(buf, deg_out.at[pl.ds(c * N_DEG + r0, DEG_RPS)])


NBUF = 2
IBUF = 4


@functools.cache
def _get_edge_kernel():
    return functools.partial(
        pl.kernel,
        out_type=jax.ShapeDtypeStruct((NC * N_PAD, D), jnp.float32),
        mesh=_sc_mesh(),
        scratch_types=[
            pltpu.VMEM_SHARED((N_PAD, D), jnp.float32),
            pltpu.VMEM((IBUF, CHUNK), jnp.int32),
            pltpu.VMEM((IBUF, CHUNK), jnp.int32),
            pltpu.VMEM((NBUF, CHUNK, D), jnp.float32),
            pltpu.SemaphoreType.DMA((IBUF,)),
            pltpu.SemaphoreType.DMA((NBUF,)),
            pltpu.SemaphoreType.DMA((NBUF,)),
        ],
    )(_edge_body)


def _edge_body(hpre, src2, dst2, zeros_h, acc_out,
               acc_s, isrc, idst, rows, si, sg, ss):
    c = lax.axis_index("c")
    s = lax.axis_index("s")
    r0 = s * RPS
    w0 = (c * NS + s) * NCHUNKS

    def i_start(t, bi):
        pltpu.async_copy(src2.at[w0 + t], isrc.at[bi], si.at[bi])
        pltpu.async_copy(dst2.at[w0 + t], idst.at[bi], si.at[bi])

    def i_wait(t, bi):
        pltpu.make_async_copy(src2.at[w0 + t], isrc.at[bi], si.at[bi]).wait()
        pltpu.make_async_copy(dst2.at[w0 + t], idst.at[bi], si.at[bi]).wait()

    pltpu.sync_copy(zeros_h, rows.at[0])
    for k in range(RPS // CHUNK):
        pltpu.sync_copy(rows.at[0], acc_s.at[pl.ds(r0 + k * CHUNK, CHUNK)])
    plsc.subcore_barrier()

    i_start(0, 0)
    i_start(1, 1)
    i_wait(0, 0)
    pltpu.async_copy(hpre.at[isrc.at[0]], rows.at[0], sg.at[0])

    def body(t, carry):
        b = lax.rem(t, NBUF)
        nb = lax.rem(t + 1, NBUF)

        @pl.when(t >= 1)
        def _():
            pltpu.make_async_copy(rows.at[nb], acc_s.at[idst.at[lax.rem(t - 1, IBUF)]],
                                  ss.at[nb]).wait()
        @pl.when(t + 2 < NCHUNKS)
        def _():
            i_start(t + 2, lax.rem(t + 2, IBUF))
        @pl.when(t + 1 < NCHUNKS)
        def _():
            i_wait(t + 1, lax.rem(t + 1, IBUF))
            pltpu.async_copy(hpre.at[isrc.at[lax.rem(t + 1, IBUF)]],
                             rows.at[nb], sg.at[nb])
        pltpu.make_async_copy(hpre.at[isrc.at[lax.rem(t, IBUF)]],
                              rows.at[b], sg.at[b]).wait()
        pltpu.async_copy(rows.at[b], acc_s.at[idst.at[lax.rem(t, IBUF)]],
                         ss.at[b], add=True)
        return carry

    lax.fori_loop(0, NCHUNKS, body, 0)
    lastb = (NCHUNKS - 1) % NBUF
    pltpu.make_async_copy(rows.at[lastb],
                          acc_s.at[idst.at[(NCHUNKS - 1) % IBUF]],
                          ss.at[lastb]).wait()
    plsc.subcore_barrier()
    for k in range(RPS // CHUNK):
        pltpu.sync_copy(acc_s.at[pl.ds(r0 + k * CHUNK, CHUNK)], rows.at[0])
        pltpu.sync_copy(rows.at[0], acc_out.at[pl.ds(c * N_PAD + r0 + k * CHUNK, CHUNK)])



def _prep_body(x_ref, dego, degi, hpre_ref, sin_ref, sout_ref):
    so = lax.rsqrt(jnp.maximum(dego[...], 1.0))
    si = lax.rsqrt(jnp.maximum(degi[...], 1.0))
    hpre_ref[...] = x_ref[...] * so
    sout_ref[...] = so
    sin_ref[...] = si


def _tc_prep(x_pad, deg_all):
    return pl.pallas_call(
        _prep_body,
        grid=(GRID,),
        in_specs=[
            pl.BlockSpec((BLK, D), lambda i: (i, 0)),
            pl.BlockSpec((BLK, 1), lambda i: (i, 0)),
            pl.BlockSpec((BLK, 1), lambda i: (i + 3 * GRID, 0)),
        ],
        out_specs=[
            pl.BlockSpec((BLK, D), lambda i: (i, 0)),
            pl.BlockSpec((BLK, 1), lambda i: (i, 0)),
            pl.BlockSpec((BLK, 1), lambda i: (i, 0)),
        ],
        out_shape=[
            jax.ShapeDtypeStruct((N_PAD, D), jnp.float32),
            jax.ShapeDtypeStruct((N_PAD, 1), jnp.float32),
            jax.ShapeDtypeStruct((N_PAD, 1), jnp.float32),
        ],
    )(x_pad, deg_all, deg_all)


def _layer_body(p0, p1, sin_ref, sout_ref, w_ref, b_ref, out_ref):
    agg = (p0[...] + p1[...]) * sin_ref[...]
    h = jnp.dot(agg, w_ref[...], preferred_element_type=jnp.float32) + b_ref[...]
    out_ref[...] = jnp.maximum(h, 0.0) * sout_ref[...]


def _tc_layer(acc_partials, sin, sout, w, b):
    return pl.pallas_call(
        _layer_body,
        grid=(GRID,),
        in_specs=[
            pl.BlockSpec((BLK, D), lambda i: (i, 0)),
            pl.BlockSpec((BLK, D), lambda i: (i + GRID, 0)),
            pl.BlockSpec((BLK, 1), lambda i: (i, 0)),
            pl.BlockSpec((BLK, 1), lambda i: (i, 0)),
            pl.BlockSpec((D, D), lambda i: (0, 0)),
            pl.BlockSpec((1, D), lambda i: (0, 0)),
        ],
        out_specs=pl.BlockSpec((BLK, D), lambda i: (i, 0)),
        out_shape=jax.ShapeDtypeStruct((N_PAD, D), jnp.float32),
    )(acc_partials, acc_partials, sin, sout, w, b.reshape(1, D))


def _head_body(p0, p1, sin_ref, w_ref, b_ref, wr_row_ref, br_ref, out_ref, acc_ref):
    i = pl.program_id(0)
    agg = (p0[...] + p1[...]) * sin_ref[...]
    h = jnp.dot(agg, w_ref[...], preferred_element_type=jnp.float32) + b_ref[...]
    h = jnp.maximum(h, 0.0)
    row = i * BLK + lax.broadcasted_iota(jnp.int32, (BLK, 1), 0)
    h = jnp.where(row < N_NODES, h, 0.0)
    colsum = jnp.sum(h, axis=0, keepdims=True)

    @pl.when(i == 0)
    def _():
        acc_ref[...] = colsum

    @pl.when(i > 0)
    def _():
        acc_ref[...] = acc_ref[...] + colsum

    @pl.when(i == GRID - 1)
    def _():
        hg = acc_ref[...] * (1.0 / N_NODES)
        out_ref[...] = (jnp.sum(hg * wr_row_ref[...], axis=1, keepdims=True)
                        + br_ref[...])


def _tc_head(acc_partials, sin, w, b, wr, br):
    return pl.pallas_call(
        _head_body,
        grid=(GRID,),
        in_specs=[
            pl.BlockSpec((BLK, D), lambda i: (i, 0)),
            pl.BlockSpec((BLK, D), lambda i: (i + GRID, 0)),
            pl.BlockSpec((BLK, 1), lambda i: (i, 0)),
            pl.BlockSpec((D, D), lambda i: (0, 0)),
            pl.BlockSpec((1, D), lambda i: (0, 0)),
            pl.BlockSpec((1, D), lambda i: (0, 0)),
            pl.BlockSpec((1, 1), lambda i: (0, 0)),
        ],
        out_specs=pl.BlockSpec((1, 1), lambda i: (0, 0)),
        out_shape=jax.ShapeDtypeStruct((1, 1), jnp.float32),
        scratch_shapes=[pltpu.VMEM((1, D), jnp.float32)],
    )(acc_partials, acc_partials, sin, w, b.reshape(1, D), wr.reshape(1, D),
      br.reshape(1, 1))



def kernel(x, edge_index, W0, b0, W1, b1, W2, b2, Wr, br):
    src = edge_index[0].astype(jnp.int32)
    dst = edge_index[1].astype(jnp.int32)
    pad_idx = jnp.full((E_PAD - E,), N_NODES, dtype=jnp.int32)
    srcp = jnp.concatenate([src, pad_idx])
    dstp = jnp.concatenate([dst, pad_idx])
    x_pad = jnp.pad(x, ((0, N_PAD - N_NODES), (0, 0)))

    ones_h = jnp.ones((CHUNK,), jnp.float32)
    zeros_deg = jnp.zeros((DEG_RPS,), jnp.float32)
    zeros_row = jnp.zeros((CHUNK, D), jnp.float32)
    sd_idx = jnp.concatenate([srcp, dstp + N_PAD])

    deg_kernel = _get_deg_kernel()
    edge_kernel = _get_edge_kernel()
    deg_all = deg_kernel(sd_idx, ones_h, zeros_deg)
    hpre, sin, sout = _tc_prep(x_pad, deg_all.reshape(NC * N_DEG, 1))

    src2 = srcp.reshape(E_PAD // CHUNK, CHUNK)
    dst2 = dstp.reshape(E_PAD // CHUNK, CHUNK)
    acc1 = edge_kernel(hpre, src2, dst2, zeros_row)
    hpre2 = _tc_layer(acc1, sin, sout, W0, b0)
    acc2 = edge_kernel(hpre2, src2, dst2, zeros_row)
    hpre3 = _tc_layer(acc2, sin, sout, W1, b1)
    acc3 = edge_kernel(hpre3, src2, dst2, zeros_row)
    return _tc_head(acc3, sin, W2, b2, Wr, br)

# --- scband reference (transcript-rebuilt; emitter-appended) ---
"""Pipeline reference for scband-regressor-83923660964337 (READ-ONLY COPY).

The authoritative reference and input builder live on the scoring server;
editing this copy changes nothing except your own understanding.
"""

import jax, jax.numpy as jnp
import numpy as np

N_NODES = 10000
N_EDGES = 320000
D_IN = 128
D_HID = 128
N_PRED = 1


def setup_inputs(seed: int = 0) -> dict:
    key = jax.random.key(seed)
    ks = jax.random.split(key, 12)
    x = jax.random.normal(ks[0], (N_NODES, D_IN), dtype=jnp.float32)
    edge_index = jax.random.randint(ks[1], (2, N_EDGES), 0, N_NODES, dtype=jnp.int64)
    def glorot(k, fan_in, fan_out):
        lim = np.sqrt(6.0 / (fan_in + fan_out))
        return jax.random.uniform(k, (fan_in, fan_out), dtype=jnp.float32, minval=-lim, maxval=lim)
    W0 = glorot(ks[2], D_IN, D_HID)
    b0 = jnp.zeros((D_HID,), dtype=jnp.float32)
    W1 = glorot(ks[3], D_HID, D_HID)
    b1 = jnp.zeros((D_HID,), dtype=jnp.float32)
    W2 = glorot(ks[4], D_HID, D_HID)
    b2 = jnp.zeros((D_HID,), dtype=jnp.float32)
    Wr = glorot(ks[5], D_HID, N_PRED)
    br = jnp.zeros((N_PRED,), dtype=jnp.float32)
    return {"x": x, "edge_index": edge_index, "W0": W0, "b0": b0,
            "W1": W1, "b1": b1, "W2": W2, "b2": b2, "Wr": Wr, "br": br}


def _graph_conv(h, src, dst, W, b, n_nodes, relu=True):
    # DGL GraphConv with norm='both': D_out^{-1/2} A D_in^{-1/2} h W + b, then activation
    e_ones = jnp.ones((src.shape[0],), dtype=jnp.float32)
    deg_out = jnp.maximum(jax.ops.segment_sum(e_ones, src, num_segments=n_nodes), 1.0)
    deg_in = jnp.maximum(jax.ops.segment_sum(e_ones, dst, num_segments=n_nodes), 1.0)
    h = h * (deg_out[:, None] ** -0.5)
    msgs = jnp.take(h, src, axis=0)              # gather (SparseCore)
    agg = jax.ops.segment_sum(msgs, dst, num_segments=n_nodes)  # scatter-add
    agg = agg * (deg_in[:, None] ** -0.5)
    out = agg @ W + b
    if relu:
        out = jnp.maximum(out, 0.0)
    return out


def reference(x, edge_index, W0, b0, W1, b1, W2, b2, Wr, br):
    src = edge_index[0]
    dst = edge_index[1]
    n = x.shape[0]
    h = _graph_conv(x, src, dst, W0, b0, n)
    # dropout is identity in eval mode
    h = _graph_conv(h, src, dst, W1, b1, n)
    h = _graph_conv(h, src, dst, W2, b2, n)
    # dgl.mean_nodes over a single graph -> [1, hidden]
    hg = jnp.mean(h, axis=0, keepdims=True)
    return hg @ Wr + br

if __name__ == "__main__":
    import jax
    _d = setup_inputs()
    print(jax.jit(kernel)(*tuple(_d.values())))

</pallas_src>

<mosaic_0001>
#map = affine_map<(d0, d1) -> (0)>
module attributes {stable_mosaic.version = 14 : i64} {
  func.func @_deg_body(%arg0: i32, %arg1: i32, %arg2: memref<655360xi32, #tpu.memory_space<hbm>>, %arg3: memref<128xf32, #tpu.memory_space<hbm>>, %arg4: memref<1280xf32, #tpu.memory_space<hbm>>, %arg5: memref<40960xf32, #tpu.memory_space<hbm>>, %arg6: memref<20480xf32, #tpu.memory_space<vmem_shared>>, %arg7: memref<128xi32, #tpu.memory_space<vmem>>, %arg8: memref<128xf32, #tpu.memory_space<vmem>>, %arg9: memref<1280xf32, #tpu.memory_space<vmem>>) attributes {dimension_semantics = [#tpu.dimension_semantics<core_parallel>, #tpu.dimension_semantics<subcore_parallel>], iteration_bounds = array<i64: 2, 16>, scalar_prefetch = 0 : i64, scratch_operands = 4 : i64, tpu.core_type = #tpu.core_type<sc_vector_subcore>, window_params = [{transform_indices = #map}, {transform_indices = #map}, {transform_indices = #map}, {transform_indices = #map}]} {
    %mul3A = arith.constant 1280 : i32
    %mul3A_0 = arith.muli %arg1, %mul3A : i32
    "tpu.region"() ({
      %run_scoped3A = tpu.sem_alloc : memref<!tpu.dma_semaphore, #tpu.memory_space<semaphore_mem>>
      tpu.enqueue_dma source(%arg3 : memref<128xf32, #tpu.memory_space<hbm>>) target(%arg8 : memref<128xf32, #tpu.memory_space<vmem>>) target_semaphore(%run_scoped3A : memref<!tpu.dma_semaphore, #tpu.memory_space<semaphore_mem>>)
      tpu.wait_dma2 semaphore(%run_scoped3A : memref<!tpu.dma_semaphore, #tpu.memory_space<semaphore_mem>>) src(%arg3 : memref<128xf32, #tpu.memory_space<hbm>>) dst(%arg8 : memref<128xf32, #tpu.memory_space<vmem>>)
      tpu.yield
    }) : () -> ()
    "tpu.region"() ({
      %run_scoped3A = tpu.sem_alloc : memref<!tpu.dma_semaphore, #tpu.memory_space<semaphore_mem>>
      tpu.enqueue_dma source(%arg4 : memref<1280xf32, #tpu.memory_space<hbm>>) target(%arg9 : memref<1280xf32, #tpu.memory_space<vmem>>) target_semaphore(%run_scoped3A : memref<!tpu.dma_semaphore, #tpu.memory_space<semaphore_mem>>)
      tpu.wait_dma2 semaphore(%run_scoped3A : memref<!tpu.dma_semaphore, #tpu.memory_space<semaphore_mem>>) src(%arg4 : memref<1280xf32, #tpu.memory_space<hbm>>) dst(%arg9 : memref<1280xf32, #tpu.memory_space<vmem>>)
      tpu.yield
    }) : () -> ()
    "tpu.region"() ({
      %run_scoped3A = tpu.sem_alloc : memref<!tpu.dma_semaphore, #tpu.memory_space<semaphore_mem>>
      %dma_start3A = tpu.memref_slice %arg6[%mul3A_0] : memref<20480xf32, #tpu.memory_space<vmem_shared>> -> memref<1280xf32, #tpu.memory_space<vmem_shared>>
      %dma_start3A_9 = tpu.memref_slice %arg6[%mul3A_0] : memref<20480xf32, #tpu.memory_space<vmem_shared>> -> memref<1280xf32, #tpu.memory_space<vmem_shared>>
      tpu.enqueue_dma source(%arg9 : memref<1280xf32, #tpu.memory_space<vmem>>) target(%dma_start3A_9 : memref<1280xf32, #tpu.memory_space<vmem_shared>>) target_semaphore(%run_scoped3A : memref<!tpu.dma_semaphore, #tpu.memory_space<semaphore_mem>>)
      %dma_wait3A = tpu.memref_slice %arg6[%mul3A_0] : memref<20480xf32, #tpu.memory_space<vmem_shared>> -> memref<1280xf32, #tpu.memory_space<vmem_shared>>
      %dma_wait3A_10 = tpu.memref_slice %arg6[%mul3A_0] : memref<20480xf32, #tpu.memory_space<vmem_shared>> -> memref<1280xf32, #tpu.memory_space<vmem_shared>>
      tpu.wait_dma2 semaphore(%run_scoped3A : memref<!tpu.dma_semaphore, #tpu.memory_space<semaphore_mem>>) src(%arg9 : memref<1280xf32, #tpu.memory_space<vmem>>) dst(%dma_wait3A_10 : memref<1280xf32, #tpu.memory_space<vmem_shared>>)
      tpu.yield
    }) : () -> ()
    %barrier3A = arith.constant 0 : index
    tpu.barrier barrier_id(%barrier3A)
    %scan3A = arith.constant 0 : i32
    %scan3A_1 = arith.constant 0 : i32
    %scan3A_2 = arith.constant 160 : i32
    %scan3A_3 = arith.addi %scan3A_1, %scan3A_2 : i32
    %scan3A_4 = arith.constant 1 : i32
    scf.for %scan3A_9 = %scan3A_1 to %scan3A_3 step %scan3A_4  : i32 {
      %mul3A_10 = arith.constant 327680 : i32
      %mul3A_11 = arith.muli %arg0, %mul3A_10 : i32
      %mul3A_12 = arith.constant 20480 : i32
      %mul3A_13 = arith.muli %arg1, %mul3A_12 : i32
      %add3A_14 = arith.addi %mul3A_11, %mul3A_13 : i32
      %mul3A_15 = arith.constant 128 : i32
      %mul3A_16 = arith.muli %scan3A_9, %mul3A_15 : i32
      %add3A_17 = arith.addi %add3A_14, %mul3A_16 : i32
      "tpu.region"() ({
        %run_scoped3A = tpu.sem_alloc : memref<!tpu.dma_semaphore, #tpu.memory_space<semaphore_mem>>
        %dma_start3A = tpu.memref_slice %arg2[%add3A_17] : memref<655360xi32, #tpu.memory_space<hbm>> -> memref<128xi32, #tpu.memory_space<hbm>>
        %dma_start3A_18 = tpu.memref_slice %arg2[%add3A_17] : memref<655360xi32, #tpu.memory_space<hbm>> -> memref<128xi32, #tpu.memory_space<hbm>>
        tpu.enqueue_dma source(%dma_start3A_18 : memref<128xi32, #tpu.memory_space<hbm>>) target(%arg7 : memref<128xi32, #tpu.memory_space<vmem>>) target_semaphore(%run_scoped3A : memref<!tpu.dma_semaphore, #tpu.memory_space<semaphore_mem>>)
        %dma_wait3A = tpu.memref_slice %arg2[%add3A_17] : memref<655360xi32, #tpu.memory_space<hbm>> -> memref<128xi32, #tpu.memory_space<hbm>>
        %dma_wait3A_19 = tpu.memref_slice %arg2[%add3A_17] : memref<655360xi32, #tpu.memory_space<hbm>> -> memref<128xi32, #tpu.memory_space<hbm>>
        tpu.wait_dma2 semaphore(%run_scoped3A : memref<!tpu.dma_semaphore, #tpu.memory_space<semaphore_mem>>) src(%dma_wait3A_19 : memref<128xi32, #tpu.memory_space<hbm>>) dst(%arg7 : memref<128xi32, #tpu.memory_space<vmem>>)
        tpu.yield
      }) : () -> ()
      "tpu.region"() ({
        %run_scoped3A = tpu.sem_alloc : memref<!tpu.dma_semaphore, #tpu.memory_space<semaphore_mem>>
        %dma_start3A = arith.constant 0 : i32
        %dma_start3A_18 = tpu.memref_slice %arg6[%dma_start3A] : memref<20480xf32, #tpu.memory_space<vmem_shared>> -> memref<20480xf32, #tpu.memory_space<vmem_shared>>
        tpu.enqueue_indirect_dma source(%arg8 : memref<128xf32, #tpu.memory_space<vmem>>) target(%dma_start3A_18 : memref<20480xf32, #tpu.memory_space<vmem_shared>>) offsets(%arg7 : memref<128xi32, #tpu.memory_space<vmem>>) semaphore(%run_scoped3A : memref<!tpu.dma_semaphore, #tpu.memory_space<semaphore_mem>>) {add = true}
        %dma_wait3A = arith.constant 0 : i32
        %dma_wait3A_19 = tpu.memref_slice %arg6[%dma_wait3A] : memref<20480xf32, #tpu.memory_space<vmem_shared>> -> memref<20480xf32, #tpu.memory_space<vmem_shared>>
        tpu.wait_indirect_dma semaphore(%run_scoped3A : memref<!tpu.dma_semaphore, #tpu.memory_space<semaphore_mem>>) src(%arg8 : memref<128xf32, #tpu.memory_space<vmem>>) dst(%dma_wait3A_19 : memref<20480xf32, #tpu.memory_space<vmem_shared>>)
        tpu.yield
      }) : () -> ()
    }
    %scan3A_5 = arith.constant 160 : i32
    %barrier3A_6 = arith.constant 0 : index
    tpu.barrier barrier_id(%barrier3A_6)
    "tpu.region"() ({
      %run_scoped3A = tpu.sem_alloc : memref<!tpu.dma_semaphore, #tpu.memory_space<semaphore_mem>>
      %dma_start3A = tpu.memref_slice %arg6[%mul3A_0] : memref<20480xf32, #tpu.memory_space<vmem_shared>> -> memref<1280xf32, #tpu.memory_space<vmem_shared>>
      %dma_start3A_9 = tpu.memref_slice %arg6[%mul3A_0] : memref<20480xf32, #tpu.memory_space<vmem_shared>> -> memref<1280xf32, #tpu.memory_space<vmem_shared>>
      tpu.enqueue_dma source(%dma_start3A_9 : memref<1280xf32, #tpu.memory_space<vmem_shared>>) target(%arg9 : memref<1280xf32, #tpu.memory_space<vmem>>) target_semaphore(%run_scoped3A : memref<!tpu.dma_semaphore, #tpu.memory_space<semaphore_mem>>)
      %dma_wait3A = tpu.memref_slice %arg6[%mul3A_0] : memref<20480xf32, #tpu.memory_space<vmem_shared>> -> memref<1280xf32, #tpu.memory_space<vmem_shared>>
      %dma_wait3A_10 = tpu.memref_slice %arg6[%mul3A_0] : memref<20480xf32, #tpu.memory_space<vmem_shared>> -> memref<1280xf32, #tpu.memory_space<vmem_shared>>
      tpu.wait_dma2 semaphore(%run_scoped3A : memref<!tpu.dma_semaphore, #tpu.memory_space<semaphore_mem>>) src(%dma_wait3A_10 : memref<1280xf32, #tpu.memory_space<vmem_shared>>) dst(%arg9 : memref<1280xf32, #tpu.memory_space<vmem>>)
      tpu.yield
    }) : () -> ()
    %mul3A_7 = arith.constant 20480 : i32
    %mul3A_8 = arith.muli %arg0, %mul3A_7 : i32
    %add3A = arith.addi %mul3A_8, %mul3A_0 : i32
    "tpu.region"() ({
      %run_scoped3A = tpu.sem_alloc : memref<!tpu.dma_semaphore, #tpu.memory_space<semaphore_mem>>
      %dma_start3A = tpu.memref_slice %arg5[%add3A] : memref<40960xf32, #tpu.memory_space<hbm>> -> memref<1280xf32, #tpu.memory_space<hbm>>
      %dma_start3A_9 = tpu.memref_slice %arg5[%add3A] : memref<40960xf32, #tpu.memory_space<hbm>> -> memref<1280xf32, #tpu.memory_space<hbm>>
      tpu.enqueue_dma source(%arg9 : memref<1280xf32, #tpu.memory_space<vmem>>) target(%dma_start3A_9 : memref<1280xf32, #tpu.memory_space<hbm>>) target_semaphore(%run_scoped3A : memref<!tpu.dma_semaphore, #tpu.memory_space<semaphore_mem>>)
      %dma_wait3A = tpu.memref_slice %arg5[%add3A] : memref<40960xf32, #tpu.memory_space<hbm>> -> memref<1280xf32, #tpu.memory_space<hbm>>
      %dma_wait3A_10 = tpu.memref_slice %arg5[%add3A] : memref<40960xf32, #tpu.memory_space<hbm>> -> memref<1280xf32, #tpu.memory_space<hbm>>
      tpu.wait_dma2 semaphore(%run_scoped3A : memref<!tpu.dma_semaphore, #tpu.memory_space<semaphore_mem>>) src(%arg9 : memref<1280xf32, #tpu.memory_space<vmem>>) dst(%dma_wait3A_10 : memref<1280xf32, #tpu.memory_space<hbm>>)
      tpu.yield
    }) : () -> ()
    return
  }
}

#map = affine_map<(d0, d1) -> (0, 0)>
module attributes {stable_mosaic.version = 14 : i64} {
  func.func @_edge_body(%arg0: i32, %arg1: i32, %arg2: memref<10240x128xf32, #tpu.memory_space<hbm>>, %arg3: memref<2560x128xi32, #tpu.memory_space<hbm>>, %arg4: memref<2560x128xi32, #tpu.memory_space<hbm>>, %arg5: memref<128x128xf32, #tpu.memory_space<hbm>>, %arg6: memref<20480x128xf32, #tpu.memory_space<hbm>>, %arg7: memref<10240x128xf32, #tpu.memory_space<vmem_shared>>, %arg8: memref<4x128xi32, #tpu.memory_space<vmem>>, %arg9: memref<4x128xi32, #tpu.memory_space<vmem>>, %arg10: memref<2x128x128xf32, #tpu.memory_space<vmem>>, %arg11: memref<4x!tpu.dma_semaphore, #tpu.memory_space<semaphore_mem>>, %arg12: memref<2x!tpu.dma_semaphore, #tpu.memory_space<semaphore_mem>>, %arg13: memref<2x!tpu.dma_semaphore, #tpu.memory_space<semaphore_mem>>) attributes {dimension_semantics = [#tpu.dimension_semantics<core_parallel>, #tpu.dimension_semantics<subcore_parallel>], iteration_bounds = array<i64: 2, 16>, scalar_prefetch = 0 : i64, scratch_operands = 7 : i64, tpu.core_type = #tpu.core_type<sc_vector_subcore>, window_params = [{transform_indices = #map}, {transform_indices = #map}, {transform_indices = #map}, {transform_indices = #map}, {transform_indices = #map}]} {
    %mul3A = arith.constant 640 : i32
    %mul3A_0 = arith.muli %arg1, %mul3A : i32
    %mul3A_1 = arith.constant 16 : i32
    %mul3A_2 = arith.muli %arg0, %mul3A_1 : i32
    %add3A = arith.addi %mul3A_2, %arg1 : i32
    %mul3A_3 = arith.constant 80 : i32
    %mul3A_4 = arith.muli %add3A, %mul3A_3 : i32
    %run_scoped3A = arith.constant 0 : i32
    "tpu.region"() ({
      %run_scoped3A_207 = tpu.sem_alloc : memref<!tpu.dma_semaphore, #tpu.memory_space<semaphore_mem>>
      %dma_start3A_208 = arith.constant 0 : i32
      %dma_start3A_209 = arith.constant 0 : i32
      %dma_start3A_210 = tpu.memref_slice %arg10[%run_scoped3A, %dma_start3A_208, %dma_start3A_209] : memref<2x128x128xf32, #tpu.memory_space<vmem>> -> memref<1x128x128xf32, #tpu.memory_space<vmem>>
      %dma_start3A_211 = tpu.memref_squeeze %dma_start3A_210 : memref<1x128x128xf32, #tpu.memory_space<vmem>> -> memref<128x128xf32, #tpu.memory_space<vmem>>
      %dma_start3A_212 = arith.constant 0 : i32
      %dma_start3A_213 = arith.constant 0 : i32
      %dma_start3A_214 = tpu.memref_slice %arg10[%run_scoped3A, %dma_start3A_212, %dma_start3A_213] : memref<2x128x128xf32, #tpu.memory_space<vmem>> -> memref<1x128x128xf32, #tpu.memory_space<vmem>>
      %dma_start3A_215 = tpu.memref_squeeze %dma_start3A_214 : memref<1x128x128xf32, #tpu.memory_space<vmem>> -> memref<128x128xf32, #tpu.memory_space<vmem>>
      tpu.enqueue_dma source(%arg5 : memref<128x128xf32, #tpu.memory_space<hbm>>) target(%dma_start3A_215 : memref<128x128xf32, #tpu.memory_space<vmem>>) target_semaphore(%run_scoped3A_207 : memref<!tpu.dma_semaphore, #tpu.memory_space<semaphore_mem>>)
      %dma_wait3A_216 = arith.constant 0 : i32
      %dma_wait3A_217 = arith.constant 0 : i32
      %dma_wait3A_218 = tpu.memref_slice %arg10[%run_scoped3A, %dma_wait3A_216, %dma_wait3A_217] : memref<2x128x128xf32, #tpu.memory_space<vmem>> -> memref<1x128x128xf32, #tpu.memory_space<vmem>>
      %dma_wait3A_219 = tpu.memref_squeeze %dma_wait3A_218 : memref<1x128x128xf32, #tpu.memory_space<vmem>> -> memref<128x128xf32, #tpu.memory_space<vmem>>
      %dma_wait3A_220 = arith.constant 0 : i32
      %dma_wait3A_221 = arith.constant 0 : i32
      %dma_wait3A_222 = tpu.memref_slice %arg10[%run_scoped3A, %dma_wait3A_220, %dma_wait3A_221] : memref<2x128x128xf32, #tpu.memory_space<vmem>> -> memref<1x128x128xf32, #tpu.memory_space<vmem>>
      %dma_wait3A_223 = tpu.memref_squeeze %dma_wait3A_222 : memref<1x128x128xf32, #tpu.memory_space<vmem>> -> memref<128x128xf32, #tpu.memory_space<vmem>>
      tpu.wait_dma2 semaphore(%run_scoped3A_207 : memref<!tpu.dma_semaphore, #tpu.memory_space<semaphore_mem>>) src(%arg5 : memref<128x128xf32, #tpu.memory_space<hbm>>) dst(%dma_wait3A_223 : memref<128x128xf32, #tpu.memory_space<vmem>>)
      tpu.yield
    }) : () -> ()
    %add3A_5 = arith.constant 0 : i32
    %add3A_6 = arith.addi %mul3A_0, %add3A_5 : i32
    %run_scoped3A_7 = arith.constant 0 : i32
    "tpu.region"() ({
      %run_scoped3A_207 = tpu.sem_alloc : memref<!tpu.dma_semaphore, #tpu.memory_space<semaphore_mem>>
      %dma_start3A_208 = arith.constant 0 : i32
      %dma_start3A_209 = arith.constant 0 : i32
      %dma_start3A_210 = tpu.memref_slice %arg10[%run_scoped3A_7, %dma_start3A_208, %dma_start3A_209] : memref<2x128x128xf32, #tpu.memory_space<vmem>> -> memref<1x128x128xf32, #tpu.memory_space<vmem>>
      %dma_start3A_211 = tpu.memref_squeeze %dma_start3A_210 : memref<1x128x128xf32, #tpu.memory_space<vmem>> -> memref<128x128xf32, #tpu.memory_space<vmem>>
      %dma_start3A_212 = arith.constant 0 : i32
      %dma_start3A_213 = tpu.memref_slice %arg7[%add3A_6, %dma_start3A_212] : memref<10240x128xf32, #tpu.memory_space<vmem_shared>> -> memref<128x128xf32, #tpu.memory_space<vmem_shared>>
      %dma_start3A_214 = arith.constant 0 : i32
      %dma_start3A_215 = tpu.memref_slice %arg7[%add3A_6, %dma_start3A_214] : memref<10240x128xf32, #tpu.memory_space<vmem_shared>> -> memref<128x128xf32, #tpu.memory_space<vmem_shared>>
      %dma_start3A_216 = arith.constant 0 : i32
      %dma_start3A_217 = arith.constant 0 : i32
      %dma_start3A_218 = tpu.memref_slice %arg10[%run_scoped3A_7, %dma_start3A_216, %dma_start3A_217] : memref<2x128x128xf32, #tpu.memory_space<vmem>> -> memref<1x128x128xf32, #tpu.memory_space<vmem>>
      %dma_start3A_219 = tpu.memref_squeeze %dma_start3A_218 : memref<1x128x128xf32, #tpu.memory_space<vmem>> -> memref<128x128xf32, #tpu.memory_space<vmem>>
      tpu.enqueue_dma source(%dma_start3A_219 : memref<128x128xf32, #tpu.memory_space<vmem>>) target(%dma_start3A_215 : memref<128x128xf32, #tpu.memory_space<vmem_shared>>) target_semaphore(%run_scoped3A_207 : memref<!tpu.dma_semaphore, #tpu.memory_space<semaphore_mem>>)
      %dma_wait3A_220 = arith.constant 0 : i32
      %dma_wait3A_221 = arith.constant 0 : i32
      %dma_wait3A_222 = tpu.memref_slice %arg10[%run_scoped3A_7, %dma_wait3A_220, %dma_wait3A_221] : memref<2x128x128xf32, #tpu.memory_space<vmem>> -> memref<1x128x128xf32, #tpu.memory_space<vmem>>
      %dma_wait3A_223 = tpu.memref_squeeze %dma_wait3A_222 : memref<1x128x128xf32, #tpu.memory_space<vmem>> -> memref<128x128xf32, #tpu.memory_space<vmem>>
      %dma_wait3A_224 = arith.constant 0 : i32
      %dma_wait3A_225 = tpu.memref_slice %arg7[%add3A_6, %dma_wait3A_224] : memref<10240x128xf32, #tpu.memory_space<vmem_shared>> -> memref<128x128xf32, #tpu.memory_space<vmem_shared>>
      %dma_wait3A_226 = arith.constant 0 : i32
      %dma_wait3A_227 = tpu.memref_slice %arg7[%add3A_6, %dma_wait3A_226] : memref<10240x128xf32, #tpu.memory_space<vmem_shared>> -> memref<128x128xf32, #tpu.memory_space<vmem_shared>>
      %dma_wait3A_228 = arith.constant 0 : i32
      %dma_wait3A_229 = arith.constant 0 : i32
      %dma_wait3A_230 = tpu.memref_slice %arg10[%run_scoped3A_7, %dma_wait3A_228, %dma_wait3A_229] : memref<2x128x128xf32, #tpu.memory_space<vmem>> -> memref<1x128x128xf32, #tpu.memory_space<vmem>>
      %dma_wait3A_231 = tpu.memref_squeeze %dma_wait3A_230 : memref<1x128x128xf32, #tpu.memory_space<vmem>> -> memref<128x128xf32, #tpu.memory_space<vmem>>
      tpu.wait_dma2 semaphore(%run_scoped3A_207 : memref<!tpu.dma_semaphore, #tpu.memory_space<semaphore_mem>>) src(%dma_wait3A_231 : memref<128x128xf32, #tpu.memory_space<vmem>>) dst(%dma_wait3A_227 : memref<128x128xf32, #tpu.memory_space<vmem_shared>>)
      tpu.yield
    }) : () -> ()
    %add3A_8 = arith.constant 128 : i32
    %add3A_9 = arith.addi %mul3A_0, %add3A_8 : i32
    %run_scoped3A_10 = arith.constant 0 : i32
    "tpu.region"() ({
      %run_scoped3A_207 = tpu.sem_alloc : memref<!tpu.dma_semaphore, #tpu.memory_space<semaphore_mem>>
      %dma_start3A_208 = arith.constant 0 : i32
      %dma_start3A_209 = arith.constant 0 : i32
      %dma_start3A_210 = tpu.memref_slice %arg10[%run_scoped3A_10, %dma_start3A_208, %dma_start3A_209] : memref<2x128x128xf32, #tpu.memory_space<vmem>> -> memref<1x128x128xf32, #tpu.memory_space<vmem>>
      %dma_start3A_211 = tpu.memref_squeeze %dma_start3A_210 : memref<1x128x128xf32, #tpu.memory_space<vmem>> -> memref<128x128xf32, #tpu.memory_space<vmem>>
      %dma_start3A_212 = arith.constant 0 : i32
      %dma_start3A_213 = tpu.memref_slice %arg7[%add3A_9, %dma_start3A_212] : memref<10240x128xf32, #tpu.memory_space<vmem_shared>> -> memref<128x128xf32, #tpu.memory_space<vmem_shared>>
      %dma_start3A_214 = arith.constant 0 : i32
      %dma_start3A_215 = tpu.memref_slice %arg7[%add3A_9, %dma_start3A_214] : memref<10240x128xf32, #tpu.memory_space<vmem_shared>> -> memref<128x128xf32, #tpu.memory_space<vmem_shared>>
      %dma_start3A_216 = arith.constant 0 : i32
      %dma_start3A_217 = arith.constant 0 : i32
      %dma_start3A_218 = tpu.memref_slice %arg10[%run_scoped3A_10, %dma_start3A_216, %dma_start3A_217] : memref<2x128x128xf32, #tpu.memory_space<vmem>> -> memref<1x128x128xf32, #tpu.memory_space<vmem>>
      %dma_start3A_219 = tpu.memref_squeeze %dma_start3A_218 : memref<1x128x128xf32, #tpu.memory_space<vmem>> -> memref<128x128xf32, #tpu.memory_space<vmem>>
      tpu.enqueue_dma source(%dma_start3A_219 : memref<128x128xf32, #tpu.memory_space<vmem>>) target(%dma_start3A_215 : memref<128x128xf32, #tpu.memory_space<vmem_shared>>) target_semaphore(%run_scoped3A_207 : memref<!tpu.dma_semaphore, #tpu.memory_space<semaphore_mem>>)
      %dma_wait3A_220 = arith.constant 0 : i32
      %dma_wait3A_221 = arith.constant 0 : i32
      %dma_wait3A_222 = tpu.memref_slice %arg10[%run_scoped3A_10, %dma_wait3A_220, %dma_wait3A_221] : memref<2x128x128xf32, #tpu.memory_space<vmem>> -> memref<1x128x128xf32, #tpu.memory_space<vmem>>
      %dma_wait3A_223 = tpu.memref_squeeze %dma_wait3A_222 : memref<1x128x128xf32, #tpu.memory_space<vmem>> -> memref<128x128xf32, #tpu.memory_space<vmem>>
      %dma_wait3A_224 = arith.constant 0 : i32
      %dma_wait3A_225 = tpu.memref_slice %arg7[%add3A_9, %dma_wait3A_224] : memref<10240x128xf32, #tpu.memory_space<vmem_shared>> -> memref<128x128xf32, #tpu.memory_space<vmem_shared>>
      %dma_wait3A_226 = arith.constant 0 : i32
      %dma_wait3A_227 = tpu.memref_slice %arg7[%add3A_9, %dma_wait3A_226] : memref<10240x128xf32, #tpu.memory_space<vmem_shared>> -> memref<128x128xf32, #tpu.memory_space<vmem_shared>>
      %dma_wait3A_228 = arith.constant 0 : i32
      %dma_wait3A_229 = arith.constant 0 : i32
      %dma_wait3A_230 = tpu.memref_slice %arg10[%run_scoped3A_10, %dma_wait3A_228, %dma_wait3A_229] : memref<2x128x128xf32, #tpu.memory_space<vmem>> -> memref<1x128x128xf32, #tpu.memory_space<vmem>>
      %dma_wait3A_231 = tpu.memref_squeeze %dma_wait3A_230 : memref<1x128x128xf32, #tpu.memory_space<vmem>> -> memref<128x128xf32, #tpu.memory_space<vmem>>
      tpu.wait_dma2 semaphore(%run_scoped3A_207 : memref<!tpu.dma_semaphore, #tpu.memory_space<semaphore_mem>>) src(%dma_wait3A_231 : memref<128x128xf32, #tpu.memory_space<vmem>>) dst(%dma_wait3A_227 : memref<128x128xf32, #tpu.memory_space<vmem_shared>>)
      tpu.yield
    }) : () -> ()
    %add3A_11 = arith.constant 256 : i32
    %add3A_12 = arith.addi %mul3A_0, %add3A_11 : i32
    %run_scoped3A_13 = arith.constant 0 : i32
    "tpu.region"() ({
      %run_scoped3A_207 = tpu.sem_alloc : memref<!tpu.dma_semaphore, #tpu.memory_space<semaphore_mem>>
      %dma_start3A_208 = arith.constant 0 : i32
      %dma_start3A_209 = arith.constant 0 : i32
      %dma_start3A_210 = tpu.memref_slice %arg10[%run_scoped3A_13, %dma_start3A_208, %dma_start3A_209] : memref<2x128x128xf32, #tpu.memory_space<vmem>> -> memref<1x128x128xf32, #tpu.memory_space<vmem>>
      %dma_start3A_211 = tpu.memref_squeeze %dma_start3A_210 : memref<1x128x128xf32, #tpu.memory_space<vmem>> -> memref<128x128xf32, #tpu.memory_space<vmem>>
      %dma_start3A_212 = arith.constant 0 : i32
      %dma_start3A_213 = tpu.memref_slice %arg7[%add3A_12, %dma_start3A_212] : memref<10240x128xf32, #tpu.memory_space<vmem_shared>> -> memref<128x128xf32, #tpu.memory_space<vmem_shared>>
      %dma_start3A_214 = arith.constant 0 : i32
      %dma_start3A_215 = tpu.memref_slice %arg7[%add3A_12, %dma_start3A_214] : memref<10240x128xf32, #tpu.memory_space<vmem_shared>> -> memref<128x128xf32, #tpu.memory_space<vmem_shared>>
      %dma_start3A_216 = arith.constant 0 : i32
      %dma_start3A_217 = arith.constant 0 : i32
      %dma_start3A_218 = tpu.memref_slice %arg10[%run_scoped3A_13, %dma_start3A_216, %dma_start3A_217] : memref<2x128x128xf32, #tpu.memory_space<vmem>> -> memref<1x128x128xf32, #tpu.memory_space<vmem>>
      %dma_start3A_219 = tpu.memref_squeeze %dma_start3A_218 : memref<1x128x128xf32, #tpu.memory_space<vmem>> -> memref<128x128xf32, #tpu.memory_space<vmem>>
      tpu.enqueue_dma source(%dma_start3A_219 : memref<128x128xf32, #tpu.memory_space<vmem>>) target(%dma_start3A_215 : memref<128x128xf32, #tpu.memory_space<vmem_shared>>) target_semaphore(%run_scoped3A_207 : memref<!tpu.dma_semaphore, #tpu.memory_space<semaphore_mem>>)
      %dma_wait3A_220 = arith.constant 0 : i32
      %dma_wait3A_221 = arith.constant 0 : i32
      %dma_wait3A_222 = tpu.memref_slice %arg10[%run_scoped3A_13, %dma_wait3A_220, %dma_wait3A_221] : memref<2x128x128xf32, #tpu.memory_space<vmem>> -> memref<1x128x128xf32, #tpu.memory_space<vmem>>
      %dma_wait3A_223 = tpu.memref_squeeze %dma_wait3A_222 : memref<1x128x128xf32, #tpu.memory_space<vmem>> -> memref<128x128xf32, #tpu.memory_space<vmem>>
      %dma_wait3A_224 = arith.constant 0 : i32
      %dma_wait3A_225 = tpu.memref_slice %arg7[%add3A_12, %dma_wait3A_224] : memref<10240x128xf32, #tpu.memory_space<vmem_shared>> -> memref<128x128xf32, #tpu.memory_space<vmem_shared>>
      %dma_wait3A_226 = arith.constant 0 : i32
      %dma_wait3A_227 = tpu.memref_slice %arg7[%add3A_12, %dma_wait3A_226] : memref<10240x128xf32, #tpu.memory_space<vmem_shared>> -> memref<128x128xf32, #tpu.memory_space<vmem_shared>>
      %dma_wait3A_228 = arith.constant 0 : i32
      %dma_wait3A_229 = arith.constant 0 : i32
      %dma_wait3A_230 = tpu.memref_slice %arg10[%run_scoped3A_13, %dma_wait3A_228, %dma_wait3A_229] : memref<2x128x128xf32, #tpu.memory_space<vmem>> -> memref<1x128x128xf32, #tpu.memory_space<vmem>>
      %dma_wait3A_231 = tpu.memref_squeeze %dma_wait3A_230 : memref<1x128x128xf32, #tpu.memory_space<vmem>> -> memref<128x128xf32, #tpu.memory_space<vmem>>
      tpu.wait_dma2 semaphore(%run_scoped3A_207 : memref<!tpu.dma_semaphore, #tpu.memory_space<semaphore_mem>>) src(%dma_wait3A_231 : memref<128x128xf32, #tpu.memory_space<vmem>>) dst(%dma_wait3A_227 : memref<128x128xf32, #tpu.memory_space<vmem_shared>>)
      tpu.yield
    }) : () -> ()
    %add3A_14 = arith.constant 384 : i32
    %add3A_15 = arith.addi %mul3A_0, %add3A_14 : i32
    %run_scoped3A_16 = arith.constant 0 : i32
    "tpu.region"() ({
      %run_scoped3A_207 = tpu.sem_alloc : memref<!tpu.dma_semaphore, #tpu.memory_space<semaphore_mem>>
      %dma_start3A_208 = arith.constant 0 : i32
      %dma_start3A_209 = arith.constant 0 : i32
      %dma_start3A_210 = tpu.memref_slice %arg10[%run_scoped3A_16, %dma_start3A_208, %dma_start3A_209] : memref<2x128x128xf32, #tpu.memory_space<vmem>> -> memref<1x128x128xf32, #tpu.memory_space<vmem>>
      %dma_start3A_211 = tpu.memref_squeeze %dma_start3A_210 : memref<1x128x128xf32, #tpu.memory_space<vmem>> -> memref<128x128xf32, #tpu.memory_space<vmem>>
      %dma_start3A_212 = arith.constant 0 : i32
      %dma_start3A_213 = tpu.memref_slice %arg7[%add3A_15, %dma_start3A_212] : memref<10240x128xf32, #tpu.memory_space<vmem_shared>> -> memref<128x128xf32, #tpu.memory_space<vmem_shared>>
      %dma_start3A_214 = arith.constant 0 : i32
      %dma_start3A_215 = tpu.memref_slice %arg7[%add3A_15, %dma_start3A_214] : memref<10240x128xf32, #tpu.memory_space<vmem_shared>> -> memref<128x128xf32, #tpu.memory_space<vmem_shared>>
      %dma_start3A_216 = arith.constant 0 : i32
      %dma_start3A_217 = arith.constant 0 : i32
      %dma_start3A_218 = tpu.memref_slice %arg10[%run_scoped3A_16, %dma_start3A_216, %dma_start3A_217] : memref<2x128x128xf32, #tpu.memory_space<vmem>> -> memref<1x128x128xf32, #tpu.memory_space<vmem>>
      %dma_start3A_219 = tpu.memref_squeeze %dma_start3A_218 : memref<1x128x128xf32, #tpu.memory_space<vmem>> -> memref<128x128xf32, #tpu.memory_space<vmem>>
      tpu.enqueue_dma source(%dma_start3A_219 : memref<128x128xf32, #tpu.memory_space<vmem>>) target(%dma_start3A_215 : memref<128x128xf32, #tpu.memory_space<vmem_shared>>) target_semaphore(%run_scoped3A_207 : memref<!tpu.dma_semaphore, #tpu.memory_space<semaphore_mem>>)
      %dma_wait3A_220 = arith.constant 0 : i32
      %dma_wait3A_221 = arith.constant 0 : i32
      %dma_wait3A_222 = tpu.memref_slice %arg10[%run_scoped3A_16, %dma_wait3A_220, %dma_wait3A_221] : memref<2x128x128xf32, #tpu.memory_space<vmem>> -> memref<1x128x128xf32, #tpu.memory_space<vmem>>
      %dma_wait3A_223 = tpu.memref_squeeze %dma_wait3A_222 : memref<1x128x128xf32, #tpu.memory_space<vmem>> -> memref<128x128xf32, #tpu.memory_space<vmem>>
      %dma_wait3A_224 = arith.constant 0 : i32
      %dma_wait3A_225 = tpu.memref_slice %arg7[%add3A_15, %dma_wait3A_224] : memref<10240x128xf32, #tpu.memory_space<vmem_shared>> -> memref<128x128xf32, #tpu.memory_space<vmem_shared>>
      %dma_wait3A_226 = arith.constant 0 : i32
      %dma_wait3A_227 = tpu.memref_slice %arg7[%add3A_15, %dma_wait3A_226] : memref<10240x128xf32, #tpu.memory_space<vmem_shared>> -> memref<128x128xf32, #tpu.memory_space<vmem_shared>>
      %dma_wait3A_228 = arith.constant 0 : i32
      %dma_wait3A_229 = arith.constant 0 : i32
      %dma_wait3A_230 = tpu.memref_slice %arg10[%run_scoped3A_16, %dma_wait3A_228, %dma_wait3A_229] : memref<2x128x128xf32, #tpu.memory_space<vmem>> -> memref<1x128x128xf32, #tpu.memory_space<vmem>>
      %dma_wait3A_231 = tpu.memref_squeeze %dma_wait3A_230 : memref<1x128x128xf32, #tpu.memory_space<vmem>> -> memref<128x128xf32, #tpu.memory_space<vmem>>
      tpu.wait_dma2 semaphore(%run_scoped3A_207 : memref<!tpu.dma_semaphore, #tpu.memory_space<semaphore_mem>>) src(%dma_wait3A_231 : memref<128x128xf32, #tpu.memory_space<vmem>>) dst(%dma_wait3A_227 : memref<128x128xf32, #tpu.memory_space<vmem_shared>>)
      tpu.yield
    }) : () -> ()
    %add3A_17 = arith.constant 512 : i32
    %add3A_18 = arith.addi %mul3A_0, %add3A_17 : i32
    %run_scoped3A_19 = arith.constant 0 : i32
    "tpu.region"() ({
      %run_scoped3A_207 = tpu.sem_alloc : memref<!tpu.dma_semaphore, #tpu.memory_space<semaphore_mem>>
      %dma_start3A_208 = arith.constant 0 : i32
      %dma_start3A_209 = arith.constant 0 : i32
      %dma_start3A_210 = tpu.memref_slice %arg10[%run_scoped3A_19, %dma_start3A_208, %dma_start3A_209] : memref<2x128x128xf32, #tpu.memory_space<vmem>> -> memref<1x128x128xf32, #tpu.memory_space<vmem>>
      %dma_start3A_211 = tpu.memref_squeeze %dma_start3A_210 : memref<1x128x128xf32, #tpu.memory_space<vmem>> -> memref<128x128xf32, #tpu.memory_space<vmem>>
      %dma_start3A_212 = arith.constant 0 : i32
      %dma_start3A_213 = tpu.memref_slice %arg7[%add3A_18, %dma_start3A_212] : memref<10240x128xf32, #tpu.memory_space<vmem_shared>> -> memref<128x128xf32, #tpu.memory_space<vmem_shared>>
      %dma_start3A_214 = arith.constant 0 : i32
      %dma_start3A_215 = tpu.memref_slice %arg7[%add3A_18, %dma_start3A_214] : memref<10240x128xf32, #tpu.memory_space<vmem_shared>> -> memref<128x128xf32, #tpu.memory_space<vmem_shared>>
      %dma_start3A_216 = arith.constant 0 : i32
      %dma_start3A_217 = arith.constant 0 : i32
      %dma_start3A_218 = tpu.memref_slice %arg10[%run_scoped3A_19, %dma_start3A_216, %dma_start3A_217] : memref<2x128x128xf32, #tpu.memory_space<vmem>> -> memref<1x128x128xf32, #tpu.memory_space<vmem>>
      %dma_start3A_219 = tpu.memref_squeeze %dma_start3A_218 : memref<1x128x128xf32, #tpu.memory_space<vmem>> -> memref<128x128xf32, #tpu.memory_space<vmem>>
      tpu.enqueue_dma source(%dma_start3A_219 : memref<128x128xf32, #tpu.memory_space<vmem>>) target(%dma_start3A_215 : memref<128x128xf32, #tpu.memory_space<vmem_shared>>) target_semaphore(%run_scoped3A_207 : memref<!tpu.dma_semaphore, #tpu.memory_space<semaphore_mem>>)
      %dma_wait3A_220 = arith.constant 0 : i32
      %dma_wait3A_221 = arith.constant 0 : i32
      %dma_wait3A_222 = tpu.memref_slice %arg10[%run_scoped3A_19, %dma_wait3A_220, %dma_wait3A_221] : memref<2x128x128xf32, #tpu.memory_space<vmem>> -> memref<1x128x128xf32, #tpu.memory_space<vmem>>
      %dma_wait3A_223 = tpu.memref_squeeze %dma_wait3A_222 : memref<1x128x128xf32, #tpu.memory_space<vmem>> -> memref<128x128xf32, #tpu.memory_space<vmem>>
      %dma_wait3A_224 = arith.constant 0 : i32
      %dma_wait3A_225 = tpu.memref_slice %arg7[%add3A_18, %dma_wait3A_224] : memref<10240x128xf32, #tpu.memory_space<vmem_shared>> -> memref<128x128xf32, #tpu.memory_space<vmem_shared>>
      %dma_wait3A_226 = arith.constant 0 : i32
      %dma_wait3A_227 = tpu.memref_slice %arg7[%add3A_18, %dma_wait3A_226] : memref<10240x128xf32, #tpu.memory_space<vmem_shared>> -> memref<128x128xf32, #tpu.memory_space<vmem_shared>>
      %dma_wait3A_228 = arith.constant 0 : i32
      %dma_wait3A_229 = arith.constant 0 : i32
      %dma_wait3A_230 = tpu.memref_slice %arg10[%run_scoped3A_19, %dma_wait3A_228, %dma_wait3A_229] : memref<2x128x128xf32, #tpu.memory_space<vmem>> -> memref<1x128x128xf32, #tpu.memory_space<vmem>>
      %dma_wait3A_231 = tpu.memref_squeeze %dma_wait3A_230 : memref<1x128x128xf32, #tpu.memory_space<vmem>> -> memref<128x128xf32, #tpu.memory_space<vmem>>
      tpu.wait_dma2 semaphore(%run_scoped3A_207 : memref<!tpu.dma_semaphore, #tpu.memory_space<semaphore_mem>>) src(%dma_wait3A_231 : memref<128x128xf32, #tpu.memory_space<vmem>>) dst(%dma_wait3A_227 : memref<128x128xf32, #tpu.memory_space<vmem_shared>>)
      tpu.yield
    }) : () -> ()
    %barrier3A = arith.constant 0 : index
    tpu.barrier barrier_id(%barrier3A)
    %add3A_20 = arith.constant 0 : i32
    %add3A_21 = arith.addi %mul3A_4, %add3A_20 : i32
    %dma_start3A = arith.constant 0 : i32
    %dma_start3A_22 = arith.constant 0 : i32
    %dma_start3A_23 = arith.constant 0 : i32
    %dma_start3A_24 = tpu.memref_slice %arg8[%dma_start3A, %dma_start3A_23] : memref<4x128xi32, #tpu.memory_space<vmem>> -> memref<1x128xi32, #tpu.memory_space<vmem>>
    %dma_start3A_25 = tpu.memref_squeeze %dma_start3A_24 : memref<1x128xi32, #tpu.memory_space<vmem>> -> memref<128xi32, #tpu.memory_space<vmem>>
    %dma_start3A_26 = arith.constant 0 : i32
    %dma_start3A_27 = tpu.memref_slice %arg3[%add3A_21, %dma_start3A_26] : memref<2560x128xi32, #tpu.memory_space<hbm>> -> memref<1x128xi32, #tpu.memory_space<hbm>>
    %dma_start3A_28 = tpu.memref_squeeze %dma_start3A_27 : memref<1x128xi32, #tpu.memory_space<hbm>> -> memref<128xi32, #tpu.memory_space<hbm>>
    %dma_start3A_29 = tpu.memref_slice %arg11[%dma_start3A_22] : memref<4x!tpu.dma_semaphore, #tpu.memory_space<semaphore_mem>> -> memref<1x!tpu.dma_semaphore, #tpu.memory_space<semaphore_mem>>
    %dma_start3A_30 = tpu.memref_squeeze %dma_start3A_29 : memref<1x!tpu.dma_semaphore, #tpu.memory_space<semaphore_mem>> -> memref<!tpu.dma_semaphore, #tpu.memory_space<semaphore_mem>>
    %dma_start3A_31 = arith.constant 0 : i32
    %dma_start3A_32 = tpu.memref_slice %arg8[%dma_start3A, %dma_start3A_31] : memref<4x128xi32, #tpu.memory_space<vmem>> -> memref<1x128xi32, #tpu.memory_space<vmem>>
    %dma_start3A_33 = tpu.memref_squeeze %dma_start3A_32 : memref<1x128xi32, #tpu.memory_space<vmem>> -> memref<128xi32, #tpu.memory_space<vmem>>
    %dma_start3A_34 = arith.constant 0 : i32
    %dma_start3A_35 = tpu.memref_slice %arg3[%add3A_21, %dma_start3A_34] : memref<2560x128xi32, #tpu.memory_space<hbm>> -> memref<1x128xi32, #tpu.memory_space<hbm>>
    %dma_start3A_36 = tpu.memref_squeeze %dma_start3A_35 : memref<1x128xi32, #tpu.memory_space<hbm>> -> memref<128xi32, #tpu.memory_space<hbm>>
    tpu.enqueue_dma source(%dma_start3A_36 : memref<128xi32, #tpu.memory_space<hbm>>) target(%dma_start3A_33 : memref<128xi32, #tpu.memory_space<vmem>>) target_semaphore(%dma_start3A_30 : memref<!tpu.dma_semaphore, #tpu.memory_space<semaphore_mem>>)
    %add3A_37 = arith.constant 0 : i32
    %add3A_38 = arith.addi %mul3A_4, %add3A_37 : i32
    %dma_start3A_39 = arith.constant 0 : i32
    %dma_start3A_40 = arith.constant 0 : i32
    %dma_start3A_41 = arith.constant 0 : i32
    %dma_start3A_42 = tpu.memref_slice %arg9[%dma_start3A_39, %dma_start3A_41] : memref<4x128xi32, #tpu.memory_space<vmem>> -> memref<1x128xi32, #tpu.memory_space<vmem>>
    %dma_start3A_43 = tpu.memref_squeeze %dma_start3A_42 : memref<1x128xi32, #tpu.memory_space<vmem>> -> memref<128xi32, #tpu.memory_space<vmem>>
    %dma_start3A_44 = arith.constant 0 : i32
    %dma_start3A_45 = tpu.memref_slice %arg4[%add3A_38, %dma_start3A_44] : memref<2560x128xi32, #tpu.memory_space<hbm>> -> memref<1x128xi32, #tpu.memory_space<hbm>>
    %dma_start3A_46 = tpu.memref_squeeze %dma_start3A_45 : memref<1x128xi32, #tpu.memory_space<hbm>> -> memref<128xi32, #tpu.memory_space<hbm>>
    %dma_start3A_47 = tpu.memref_slice %arg11[%dma_start3A_40] : memref<4x!tpu.dma_semaphore, #tpu.memory_space<semaphore_mem>> -> memref<1x!tpu.dma_semaphore, #tpu.memory_space<semaphore_mem>>
    %dma_start3A_48 = tpu.memref_squeeze %dma_start3A_47 : memref<1x!tpu.dma_semaphore, #tpu.memory_space<semaphore_mem>> -> memref<!tpu.dma_semaphore, #tpu.memory_space<semaphore_mem>>
    %dma_start3A_49 = arith.constant 0 : i32
    %dma_start3A_50 = tpu.memref_slice %arg9[%dma_start3A_39, %dma_start3A_49] : memref<4x128xi32, #tpu.memory_space<vmem>> -> memref<1x128xi32, #tpu.memory_space<vmem>>
    %dma_start3A_51 = tpu.memref_squeeze %dma_start3A_50 : memref<1x128xi32, #tpu.memory_space<vmem>> -> memref<128xi32, #tpu.memory_space<vmem>>
    %dma_start3A_52 = arith.constant 0 : i32
    %dma_start3A_53 = tpu.memref_slice %arg4[%add3A_38, %dma_start3A_52] : memref<2560x128xi32, #tpu.memory_space<hbm>> -> memref<1x128xi32, #tpu.memory_space<hbm>>
    %dma_start3A_54 = tpu.memref_squeeze %dma_start3A_53 : memref<1x128xi32, #tpu.memory_space<hbm>> -> memref<128xi32, #tpu.memory_space<hbm>>
    tpu.enqueue_dma source(%dma_start3A_54 : memref<128xi32, #tpu.memory_space<hbm>>) target(%dma_start3A_51 : memref<128xi32, #tpu.memory_space<vmem>>) target_semaphore(%dma_start3A_48 : memref<!tpu.dma_semaphore, #tpu.memory_space<semaphore_mem>>)
    %add3A_55 = arith.constant 1 : i32
    %add3A_56 = arith.addi %mul3A_4, %add3A_55 : i32
    %dma_start3A_57 = arith.constant 1 : i32
    %dma_start3A_58 = arith.constant 1 : i32
    %dma_start3A_59 = arith.constant 0 : i32
    %dma_start3A_60 = tpu.memref_slice %arg8[%dma_start3A_57, %dma_start3A_59] : memref<4x128xi32, #tpu.memory_space<vmem>> -> memref<1x128xi32, #tpu.memory_space<vmem>>
    %dma_start3A_61 = tpu.memref_squeeze %dma_start3A_60 : memref<1x128xi32, #tpu.memory_space<vmem>> -> memref<128xi32, #tpu.memory_space<vmem>>
    %dma_start3A_62 = arith.constant 0 : i32
    %dma_start3A_63 = tpu.memref_slice %arg3[%add3A_56, %dma_start3A_62] : memref<2560x128xi32, #tpu.memory_space<hbm>> -> memref<1x128xi32, #tpu.memory_space<hbm>>
    %dma_start3A_64 = tpu.memref_squeeze %dma_start3A_63 : memref<1x128xi32, #tpu.memory_space<hbm>> -> memref<128xi32, #tpu.memory_space<hbm>>
    %dma_start3A_65 = tpu.memref_slice %arg11[%dma_start3A_58] : memref<4x!tpu.dma_semaphore, #tpu.memory_space<semaphore_mem>> -> memref<1x!tpu.dma_semaphore, #tpu.memory_space<semaphore_mem>>
    %dma_start3A_66 = tpu.memref_squeeze %dma_start3A_65 : memref<1x!tpu.dma_semaphore, #tpu.memory_space<semaphore_mem>> -> memref<!tpu.dma_semaphore, #tpu.memory_space<semaphore_mem>>
    %dma_start3A_67 = arith.constant 0 : i32
    %dma_start3A_68 = tpu.memref_slice %arg8[%dma_start3A_57, %dma_start3A_67] : memref<4x128xi32, #tpu.memory_space<vmem>> -> memref<1x128xi32, #tpu.memory_space<vmem>>
    %dma_start3A_69 = tpu.memref_squeeze %dma_start3A_68 : memref<1x128xi32, #tpu.memory_space<vmem>> -> memref<128xi32, #tpu.memory_space<vmem>>
    %dma_start3A_70 = arith.constant 0 : i32
    %dma_start3A_71 = tpu.memref_slice %arg3[%add3A_56, %dma_start3A_70] : memref<2560x128xi32, #tpu.memory_space<hbm>> -> memref<1x128xi32, #tpu.memory_space<hbm>>
    %dma_start3A_72 = tpu.memref_squeeze %dma_start3A_71 : memref<1x128xi32, #tpu.memory_space<hbm>> -> memref<128xi32, #tpu.memory_space<hbm>>
    tpu.enqueue_dma source(%dma_start3A_72 : memref<128xi32, #tpu.memory_space<hbm>>) target(%dma_start3A_69 : memref<128xi32, #tpu.memory_space<vmem>>) target_semaphore(%dma_start3A_66 : memref<!tpu.dma_semaphore, #tpu.memory_space<semaphore_mem>>)
    %add3A_73 = arith.constant 1 : i32
    %add3A_74 = arith.addi %mul3A_4, %add3A_73 : i32
    %dma_start3A_75 = arith.constant 1 : i32
    %dma_start3A_76 = arith.constant 1 : i32
    %dma_start3A_77 = arith.constant 0 : i32
    %dma_start3A_78 = tpu.memref_slice %arg9[%dma_start3A_75, %dma_start3A_77] : memref<4x128xi32, #tpu.memory_space<vmem>> -> memref<1x128xi32, #tpu.memory_space<vmem>>
    %dma_start3A_79 = tpu.memref_squeeze %dma_start3A_78 : memref<1x128xi32, #tpu.memory_space<vmem>> -> memref<128xi32, #tpu.memory_space<vmem>>
    %dma_start3A_80 = arith.constant 0 : i32
    %dma_start3A_81 = tpu.memref_slice %arg4[%add3A_74, %dma_start3A_80] : memref<2560x128xi32, #tpu.memory_space<hbm>> -> memref<1x128xi32, #tpu.memory_space<hbm>>
    %dma_start3A_82 = tpu.memref_squeeze %dma_start3A_81 : memref<1x128xi32, #tpu.memory_space<hbm>> -> memref<128xi32, #tpu.memory_space<hbm>>
    %dma_start3A_83 = tpu.memref_slice %arg11[%dma_start3A_76] : memref<4x!tpu.dma_semaphore, #tpu.memory_space<semaphore_mem>> -> memref<1x!tpu.dma_semaphore, #tpu.memory_space<semaphore_mem>>
    %dma_start3A_84 = tpu.memref_squeeze %dma_start3A_83 : memref<1x!tpu.dma_semaphore, #tpu.memory_space<semaphore_mem>> -> memref<!tpu.dma_semaphore, #tpu.memory_space<semaphore_mem>>
    %dma_start3A_85 = arith.constant 0 : i32
    %dma_start3A_86 = tpu.memref_slice %arg9[%dma_start3A_75, %dma_start3A_85] : memref<4x128xi32, #tpu.memory_space<vmem>> -> memref<1x128xi32, #tpu.memory_space<vmem>>
    %dma_start3A_87 = tpu.memref_squeeze %dma_start3A_86 : memref<1x128xi32, #tpu.memory_space<vmem>> -> memref<128xi32, #tpu.memory_space<vmem>>
    %dma_start3A_88 = arith.constant 0 : i32
    %dma_start3A_89 = tpu.memref_slice %arg4[%add3A_74, %dma_start3A_88] : memref<2560x128xi32, #tpu.memory_space<hbm>> -> memref<1x128xi32, #tpu.memory_space<hbm>>
    %dma_start3A_90 = tpu.memref_squeeze %dma_start3A_89 : memref<1x128xi32, #tpu.memory_space<hbm>> -> memref<128xi32, #tpu.memory_space<hbm>>
    tpu.enqueue_dma source(%dma_start3A_90 : memref<128xi32, #tpu.memory_space<hbm>>) target(%dma_start3A_87 : memref<128xi32, #tpu.memory_space<vmem>>) target_semaphore(%dma_start3A_84 : memref<!tpu.dma_semaphore, #tpu.memory_space<semaphore_mem>>)
    %add3A_91 = arith.constant 0 : i32
    %add3A_92 = arith.addi %mul3A_4, %add3A_91 : i32
    %dma_wait3A = arith.constant 0 : i32
    %dma_wait3A_93 = arith.constant 0 : i32
    %dma_wait3A_94 = arith.constant 0 : i32
    %dma_wait3A_95 = tpu.memref_slice %arg8[%dma_wait3A, %dma_wait3A_94] : memref<4x128xi32, #tpu.memory_space<vmem>> -> memref<1x128xi32, #tpu.memory_space<vmem>>
    %dma_wait3A_96 = tpu.memref_squeeze %dma_wait3A_95 : memref<1x128xi32, #tpu.memory_space<vmem>> -> memref<128xi32, #tpu.memory_space<vmem>>
    %dma_wait3A_97 = arith.constant 0 : i32
    %dma_wait3A_98 = tpu.memref_slice %arg3[%add3A_92, %dma_wait3A_97] : memref<2560x128xi32, #tpu.memory_space<hbm>> -> memref<1x128xi32, #tpu.memory_space<hbm>>
    %dma_wait3A_99 = tpu.memref_squeeze %dma_wait3A_98 : memref<1x128xi32, #tpu.memory_space<hbm>> -> memref<128xi32, #tpu.memory_space<hbm>>
    %dma_wait3A_100 = tpu.memref_slice %arg11[%dma_wait3A_93] : memref<4x!tpu.dma_semaphore, #tpu.memory_space<semaphore_mem>> -> memref<1x!tpu.dma_semaphore, #tpu.memory_space<semaphore_mem>>
    %dma_wait3A_101 = tpu.memref_squeeze %dma_wait3A_100 : memref<1x!tpu.dma_semaphore, #tpu.memory_space<semaphore_mem>> -> memref<!tpu.dma_semaphore, #tpu.memory_space<semaphore_mem>>
    %dma_wait3A_102 = arith.constant 0 : i32
    %dma_wait3A_103 = tpu.memref_slice %arg8[%dma_wait3A, %dma_wait3A_102] : memref<4x128xi32, #tpu.memory_space<vmem>> -> memref<1x128xi32, #tpu.memory_space<vmem>>
    %dma_wait3A_104 = tpu.memref_squeeze %dma_wait3A_103 : memref<1x128xi32, #tpu.memory_space<vmem>> -> memref<128xi32, #tpu.memory_space<vmem>>
    %dma_wait3A_105 = arith.constant 0 : i32
    %dma_wait3A_106 = tpu.memref_slice %arg3[%add3A_92, %dma_wait3A_105] : memref<2560x128xi32, #tpu.memory_space<hbm>> -> memref<1x128xi32, #tpu.memory_space<hbm>>
    %dma_wait3A_107 = tpu.memref_squeeze %dma_wait3A_106 : memref<1x128xi32, #tpu.memory_space<hbm>> -> memref<128xi32, #tpu.memory_space<hbm>>
    tpu.wait_dma2 semaphore(%dma_wait3A_101 : memref<!tpu.dma_semaphore, #tpu.memory_space<semaphore_mem>>) src(%dma_wait3A_107 : memref<128xi32, #tpu.memory_space<hbm>>) dst(%dma_wait3A_104 : memref<128xi32, #tpu.memory_space<vmem>>)
    %add3A_108 = arith.constant 0 : i32
    %add3A_109 = arith.addi %mul3A_4, %add3A_108 : i32
    %dma_wait3A_110 = arith.constant 0 : i32
    %dma_wait3A_111 = arith.constant 0 : i32
    %dma_wait3A_112 = arith.constant 0 : i32
    %dma_wait3A_113 = tpu.memref_slice %arg9[%dma_wait3A_110, %dma_wait3A_112] : memref<4x128xi32, #tpu.memory_space<vmem>> -> memref<1x128xi32, #tpu.memory_space<vmem>>
    %dma_wait3A_114 = tpu.memref_squeeze %dma_wait3A_113 : memref<1x128xi32, #tpu.memory_space<vmem>> -> memref<128xi32, #tpu.memory_space<vmem>>
    %dma_wait3A_115 = arith.constant 0 : i32
    %dma_wait3A_116 = tpu.memref_slice %arg4[%add3A_109, %dma_wait3A_115] : memref<2560x128xi32, #tpu.memory_space<hbm>> -> memref<1x128xi32, #tpu.memory_space<hbm>>
    %dma_wait3A_117 = tpu.memref_squeeze %dma_wait3A_116 : memref<1x128xi32, #tpu.memory_space<hbm>> -> memref<128xi32, #tpu.memory_space<hbm>>
    %dma_wait3A_118 = tpu.memref_slice %arg11[%dma_wait3A_111] : memref<4x!tpu.dma_semaphore, #tpu.memory_space<semaphore_mem>> -> memref<1x!tpu.dma_semaphore, #tpu.memory_space<semaphore_mem>>
    %dma_wait3A_119 = tpu.memref_squeeze %dma_wait3A_118 : memref<1x!tpu.dma_semaphore, #tpu.memory_space<semaphore_mem>> -> memref<!tpu.dma_semaphore, #tpu.memory_space<semaphore_mem>>
    %dma_wait3A_120 = arith.constant 0 : i32
    %dma_wait3A_121 = tpu.memref_slice %arg9[%dma_wait3A_110, %dma_wait3A_120] : memref<4x128xi32, #tpu.memory_space<vmem>> -> memref<1x128xi32, #tpu.memory_space<vmem>>
    %dma_wait3A_122 = tpu.memref_squeeze %dma_wait3A_121 : memref<1x128xi32, #tpu.memory_space<vmem>> -> memref<128xi32, #tpu.memory_space<vmem>>
    %dma_wait3A_123 = arith.constant 0 : i32
    %dma_wait3A_124 = tpu.memref_slice %arg4[%add3A_109, %dma_wait3A_123] : memref<2560x128xi32, #tpu.memory_space<hbm>> -> memref<1x128xi32, #tpu.memory_space<hbm>>
    %dma_wait3A_125 = tpu.memref_squeeze %dma_wait3A_124 : memref<1x128xi32, #tpu.memory_space<hbm>> -> memref<128xi32, #tpu.memory_space<hbm>>
    tpu.wait_dma2 semaphore(%dma_wait3A_119 : memref<!tpu.dma_semaphore, #tpu.memory_space<semaphore_mem>>) src(%dma_wait3A_125 : memref<128xi32, #tpu.memory_space<hbm>>) dst(%dma_wait3A_122 : memref<128xi32, #tpu.memory_space<vmem>>)
    %dma_start3A_126 = arith.constant 0 : i32
    %dma_start3A_127 = arith.constant 0 : i32
    %dma_start3A_128 = arith.constant 0 : i32
    %dma_start3A_129 = arith.constant 0 : i32
    %dma_start3A_130 = arith.constant 0 : i32
    %dma_start3A_131 = tpu.memref_slice %arg10[%dma_start3A_127, %dma_start3A_129, %dma_start3A_130] : memref<2x128x128xf32, #tpu.memory_space<vmem>> -> memref<1x128x128xf32, #tpu.memory_space<vmem>>
    %dma_start3A_132 = tpu.memref_squeeze %dma_start3A_131 : memref<1x128x128xf32, #tpu.memory_space<vmem>> -> memref<128x128xf32, #tpu.memory_space<vmem>>
    %dma_start3A_133 = arith.constant 0 : i32
    %dma_start3A_134 = tpu.memref_slice %arg8[%dma_start3A_126, %dma_start3A_133] : memref<4x128xi32, #tpu.memory_space<vmem>> -> memref<1x128xi32, #tpu.memory_space<vmem>>
    %dma_start3A_135 = tpu.memref_squeeze %dma_start3A_134 : memref<1x128xi32, #tpu.memory_space<vmem>> -> memref<128xi32, #tpu.memory_space<vmem>>
    %dma_start3A_136 = arith.constant 0 : i32
    %dma_start3A_137 = arith.constant 0 : i32
    %dma_start3A_138 = tpu.memref_slice %arg2[%dma_start3A_136, %dma_start3A_137] : memref<10240x128xf32, #tpu.memory_space<hbm>> -> memref<10240x128xf32, #tpu.memory_space<hbm>>
    %dma_start3A_139 = tpu.memref_slice %arg12[%dma_start3A_128] : memref<2x!tpu.dma_semaphore, #tpu.memory_space<semaphore_mem>> -> memref<1x!tpu.dma_semaphore, #tpu.memory_space<semaphore_mem>>
    %dma_start3A_140 = tpu.memref_squeeze %dma_start3A_139 : memref<1x!tpu.dma_semaphore, #tpu.memory_space<semaphore_mem>> -> memref<!tpu.dma_semaphore, #tpu.memory_space<semaphore_mem>>
    tpu.enqueue_indirect_dma source(%dma_start3A_138 : memref<10240x128xf32, #tpu.memory_space<hbm>>) target(%dma_start3A_132 : memref<128x128xf32, #tpu.memory_space<vmem>>) offsets(%dma_start3A_135 : memref<128xi32, #tpu.memory_space<vmem>>) semaphore(%dma_start3A_140 : memref<!tpu.dma_semaphore, #tpu.memory_space<semaphore_mem>>)
    %scan3A = arith.constant 0 : i32
    %scan3A_141 = arith.constant 0 : i32
    %scan3A_142 = arith.constant 80 : i32
    %scan3A_143 = arith.addi %scan3A_141, %scan3A_142 : i32
    %scan3A_144 = arith.constant 1 : i32
    scf.for %scan3A_207 = %scan3A_141 to %scan3A_143 step %scan3A_144  : i32 {
      %rem3A = arith.constant 2 : i32
      %rem3A_208 = arith.remsi %scan3A_207, %rem3A : i32
      %add3A_209 = arith.constant 1 : i32
      %add3A_210 = arith.addi %scan3A_207, %add3A_209 : i32
      %rem3A_211 = arith.constant 2 : i32
      %rem3A_212 = arith.remsi %add3A_210, %rem3A_211 : i32
      %ge3A = arith.constant 1 : i32
      %ge3A_213 = arith.cmpi sge, %scan3A_207, %ge3A : i32
      %convert_element_type3A = arith.extui %ge3A_213 : i1 to i32
      %cond3A = arith.constant 0 : i32
      %cond3A_214 = arith.cmpi ne, %convert_element_type3A, %cond3A : i32
      scf.if %cond3A_214 {
        %sub3A = arith.constant 1 : i32
        %sub3A_256 = arith.subi %scan3A_207, %sub3A : i32
        %rem3A_257 = arith.constant 4 : i32
        %rem3A_258 = arith.remsi %sub3A_256, %rem3A_257 : i32
        %dma_wait3A_259 = arith.constant 0 : i32
        %dma_wait3A_260 = arith.constant 0 : i32
        %dma_wait3A_261 = tpu.memref_slice %arg10[%rem3A_212, %dma_wait3A_259, %dma_wait3A_260] : memref<2x128x128xf32, #tpu.memory_space<vmem>> -> memref<1x128x128xf32, #tpu.memory_space<vmem>>
        %dma_wait3A_262 = tpu.memref_squeeze %dma_wait3A_261 : memref<1x128x128xf32, #tpu.memory_space<vmem>> -> memref<128x128xf32, #tpu.memory_space<vmem>>
        %dma_wait3A_263 = arith.constant 0 : i32
        %dma_wait3A_264 = tpu.memref_slice %arg9[%rem3A_258, %dma_wait3A_263] : memref<4x128xi32, #tpu.memory_space<vmem>> -> memref<1x128xi32, #tpu.memory_space<vmem>>
        %dma_wait3A_265 = tpu.memref_squeeze %dma_wait3A_264 : memref<1x128xi32, #tpu.memory_space<vmem>> -> memref<128xi32, #tpu.memory_space<vmem>>
        %dma_wait3A_266 = arith.constant 0 : i32
        %dma_wait3A_267 = arith.constant 0 : i32
        %dma_wait3A_268 = tpu.memref_slice %arg7[%dma_wait3A_266, %dma_wait3A_267] : memref<10240x128xf32, #tpu.memory_space<vmem_shared>> -> memref<10240x128xf32, #tpu.memory_space<vmem_shared>>
        %dma_wait3A_269 = tpu.memref_slice %arg13[%rem3A_212] : memref<2x!tpu.dma_semaphore, #tpu.memory_space<semaphore_mem>> -> memref<1x!tpu.dma_semaphore, #tpu.memory_space<semaphore_mem>>
        %dma_wait3A_270 = tpu.memref_squeeze %dma_wait3A_269 : memref<1x!tpu.dma_semaphore, #tpu.memory_space<semaphore_mem>> -> memref<!tpu.dma_semaphore, #tpu.memory_space<semaphore_mem>>
        tpu.wait_indirect_dma semaphore(%dma_wait3A_270 : memref<!tpu.dma_semaphore, #tpu.memory_space<semaphore_mem>>) src(%dma_wait3A_262 : memref<128x128xf32, #tpu.memory_space<vmem>>) dst(%dma_wait3A_268 : memref<10240x128xf32, #tpu.memory_space<vmem_shared>>)
      } else {
      }
      %add3A_215 = arith.constant 2 : i32
      %add3A_216 = arith.addi %scan3A_207, %add3A_215 : i32
      %lt3A = arith.constant 80 : i32
      %lt3A_217 = arith.cmpi slt, %add3A_216, %lt3A : i32
      %convert_element_type3A_218 = arith.extui %lt3A_217 : i1 to i32
      %cond3A_219 = arith.constant 0 : i32
      %cond3A_220 = arith.cmpi ne, %convert_element_type3A_218, %cond3A_219 : i32
      scf.if %cond3A_220 {
        %add3A_256 = arith.constant 2 : i32
        %add3A_257 = arith.addi %scan3A_207, %add3A_256 : i32
        %add3A_258 = arith.constant 2 : i32
        %add3A_259 = arith.addi %scan3A_207, %add3A_258 : i32
        %rem3A_260 = arith.constant 4 : i32
        %rem3A_261 = arith.remsi %add3A_259, %rem3A_260 : i32
        %add3A_262 = arith.addi %mul3A_4, %add3A_257 : i32
        %dma_start3A_263 = arith.constant 0 : i32
        %dma_start3A_264 = tpu.memref_slice %arg8[%rem3A_261, %dma_start3A_263] : memref<4x128xi32, #tpu.memory_space<vmem>> -> memref<1x128xi32, #tpu.memory_space<vmem>>
        %dma_start3A_265 = tpu.memref_squeeze %dma_start3A_264 : memref<1x128xi32, #tpu.memory_space<vmem>> -> memref<128xi32, #tpu.memory_space<vmem>>
        %dma_start3A_266 = arith.constant 0 : i32
        %dma_start3A_267 = tpu.memref_slice %arg3[%add3A_262, %dma_start3A_266] : memref<2560x128xi32, #tpu.memory_space<hbm>> -> memref<1x128xi32, #tpu.memory_space<hbm>>
        %dma_start3A_268 = tpu.memref_squeeze %dma_start3A_267 : memref<1x128xi32, #tpu.memory_space<hbm>> -> memref<128xi32, #tpu.memory_space<hbm>>
        %dma_start3A_269 = tpu.memref_slice %arg11[%rem3A_261] : memref<4x!tpu.dma_semaphore, #tpu.memory_space<semaphore_mem>> -> memref<1x!tpu.dma_semaphore, #tpu.memory_space<semaphore_mem>>
        %dma_start3A_270 = tpu.memref_squeeze %dma_start3A_269 : memref<1x!tpu.dma_semaphore, #tpu.memory_space<semaphore_mem>> -> memref<!tpu.dma_semaphore, #tpu.memory_space<semaphore_mem>>
        %dma_start3A_271 = arith.constant 0 : i32
        %dma_start3A_272 = tpu.memref_slice %arg8[%rem3A_261, %dma_start3A_271] : memref<4x128xi32, #tpu.memory_space<vmem>> -> memref<1x128xi32, #tpu.memory_space<vmem>>
        %dma_start3A_273 = tpu.memref_squeeze %dma_start3A_272 : memref<1x128xi32, #tpu.memory_space<vmem>> -> memref<128xi32, #tpu.memory_space<vmem>>
        %dma_start3A_274 = arith.constant 0 : i32
        %dma_start3A_275 = tpu.memref_slice %arg3[%add3A_262, %dma_start3A_274] : memref<2560x128xi32, #tpu.memory_space<hbm>> -> memref<1x128xi32, #tpu.memory_space<hbm>>
        %dma_start3A_276 = tpu.memref_squeeze %dma_start3A_275 : memref<1x128xi32, #tpu.memory_space<hbm>> -> memref<128xi32, #tpu.memory_space<hbm>>
        tpu.enqueue_dma source(%dma_start3A_276 : memref<128xi32, #tpu.memory_space<hbm>>) target(%dma_start3A_273 : memref<128xi32, #tpu.memory_space<vmem>>) target_semaphore(%dma_start3A_270 : memref<!tpu.dma_semaphore, #tpu.memory_space<semaphore_mem>>)
        %add3A_277 = arith.addi %mul3A_4, %add3A_257 : i32
        %dma_start3A_278 = arith.constant 0 : i32
        %dma_start3A_279 = tpu.memref_slice %arg9[%rem3A_261, %dma_start3A_278] : memref<4x128xi32, #tpu.memory_space<vmem>> -> memref<1x128xi32, #tpu.memory_space<vmem>>
        %dma_start3A_280 = tpu.memref_squeeze %dma_start3A_279 : memref<1x128xi32, #tpu.memory_space<vmem>> -> memref<128xi32, #tpu.memory_space<vmem>>
        %dma_start3A_281 = arith.constant 0 : i32
        %dma_start3A_282 = tpu.memref_slice %arg4[%add3A_277, %dma_start3A_281] : memref<2560x128xi32, #tpu.memory_space<hbm>> -> memref<1x128xi32, #tpu.memory_space<hbm>>
        %dma_start3A_283 = tpu.memref_squeeze %dma_start3A_282 : memref<1x128xi32, #tpu.memory_space<hbm>> -> memref<128xi32, #tpu.memory_space<hbm>>
        %dma_start3A_284 = tpu.memref_slice %arg11[%rem3A_261] : memref<4x!tpu.dma_semaphore, #tpu.memory_space<semaphore_mem>> -> memref<1x!tpu.dma_semaphore, #tpu.memory_space<semaphore_mem>>
        %dma_start3A_285 = tpu.memref_squeeze %dma_start3A_284 : memref<1x!tpu.dma_semaphore, #tpu.memory_space<semaphore_mem>> -> memref<!tpu.dma_semaphore, #tpu.memory_space<semaphore_mem>>
        %dma_start3A_286 = arith.constant 0 : i32
        %dma_start3A_287 = tpu.memref_slice %arg9[%rem3A_261, %dma_start3A_286] : memref<4x128xi32, #tpu.memory_space<vmem>> -> memref<1x128xi32, #tpu.memory_space<vmem>>
        %dma_start3A_288 = tpu.memref_squeeze %dma_start3A_287 : memref<1x128xi32, #tpu.memory_space<vmem>> -> memref<128xi32, #tpu.memory_space<vmem>>
        %dma_start3A_289 = arith.constant 0 : i32
        %dma_start3A_290 = tpu.memref_slice %arg4[%add3A_277, %dma_start3A_289] : memref<2560x128xi32, #tpu.memory_space<hbm>> -> memref<1x128xi32, #tpu.memory_space<hbm>>
        %dma_start3A_291 = tpu.memref_squeeze %dma_start3A_290 : memref<1x128xi32, #tpu.memory_space<hbm>> -> memref<128xi32, #tpu.memory_space<hbm>>
        tpu.enqueue_dma source(%dma_start3A_291 : memref<128xi32, #tpu.memory_space<hbm>>) target(%dma_start3A_288 : memref<128xi32, #tpu.memory_space<vmem>>) target_semaphore(%dma_start3A_285 : memref<!tpu.dma_semaphore, #tpu.memory_space<semaphore_mem>>)
      } else {
      }
      %add3A_221 = arith.constant 1 : i32
      %add3A_222 = arith.addi %scan3A_207, %add3A_221 : i32
      %lt3A_223 = arith.constant 80 : i32
      %lt3A_224 = arith.cmpi slt, %add3A_222, %lt3A_223 : i32
      %convert_element_type3A_225 = arith.extui %lt3A_224 : i1 to i32
      %cond3A_226 = arith.constant 0 : i32
      %cond3A_227 = arith.cmpi ne, %convert_element_type3A_225, %cond3A_226 : i32
      scf.if %cond3A_227 {
        %add3A_256 = arith.constant 1 : i32
        %add3A_257 = arith.addi %scan3A_207, %add3A_256 : i32
        %add3A_258 = arith.constant 1 : i32
        %add3A_259 = arith.addi %scan3A_207, %add3A_258 : i32
        %rem3A_260 = arith.constant 4 : i32
        %rem3A_261 = arith.remsi %add3A_259, %rem3A_260 : i32
        %add3A_262 = arith.addi %mul3A_4, %add3A_257 : i32
        %dma_wait3A_263 = arith.constant 0 : i32
        %dma_wait3A_264 = tpu.memref_slice %arg8[%rem3A_261, %dma_wait3A_263] : memref<4x128xi32, #tpu.memory_space<vmem>> -> memref<1x128xi32, #tpu.memory_space<vmem>>
        %dma_wait3A_265 = tpu.memref_squeeze %dma_wait3A_264 : memref<1x128xi32, #tpu.memory_space<vmem>> -> memref<128xi32, #tpu.memory_space<vmem>>
        %dma_wait3A_266 = arith.constant 0 : i32
        %dma_wait3A_267 = tpu.memref_slice %arg3[%add3A_262, %dma_wait3A_266] : memref<2560x128xi32, #tpu.memory_space<hbm>> -> memref<1x128xi32, #tpu.memory_space<hbm>>
        %dma_wait3A_268 = tpu.memref_squeeze %dma_wait3A_267 : memref<1x128xi32, #tpu.memory_space<hbm>> -> memref<128xi32, #tpu.memory_space<hbm>>
        %dma_wait3A_269 = tpu.memref_slice %arg11[%rem3A_261] : memref<4x!tpu.dma_semaphore, #tpu.memory_space<semaphore_mem>> -> memref<1x!tpu.dma_semaphore, #tpu.memory_space<semaphore_mem>>
        %dma_wait3A_270 = tpu.memref_squeeze %dma_wait3A_269 : memref<1x!tpu.dma_semaphore, #tpu.memory_space<semaphore_mem>> -> memref<!tpu.dma_semaphore, #tpu.memory_space<semaphore_mem>>
        %dma_wait3A_271 = arith.constant 0 : i32
        %dma_wait3A_272 = tpu.memref_slice %arg8[%rem3A_261, %dma_wait3A_271] : memref<4x128xi32, #tpu.memory_space<vmem>> -> memref<1x128xi32, #tpu.memory_space<vmem>>
        %dma_wait3A_273 = tpu.memref_squeeze %dma_wait3A_272 : memref<1x128xi32, #tpu.memory_space<vmem>> -> memref<128xi32, #tpu.memory_space<vmem>>
        %dma_wait3A_274 = arith.constant 0 : i32
        %dma_wait3A_275 = tpu.memref_slice %arg3[%add3A_262, %dma_wait3A_274] : memref<2560x128xi32, #tpu.memory_space<hbm>> -> memref<1x128xi32, #tpu.memory_space<hbm>>
        %dma_wait3A_276 = tpu.memref_squeeze %dma_wait3A_275 : memref<1x128xi32, #tpu.memory_space<hbm>> -> memref<128xi32, #tpu.memory_space<hbm>>
        tpu.wait_dma2 semaphore(%dma_wait3A_270 : memref<!tpu.dma_semaphore, #tpu.memory_space<semaphore_mem>>) src(%dma_wait3A_276 : memref<128xi32, #tpu.memory_space<hbm>>) dst(%dma_wait3A_273 : memref<128xi32, #tpu.memory_space<vmem>>)
        %add3A_277 = arith.addi %mul3A_4, %add3A_257 : i32
        %dma_wait3A_278 = arith.constant 0 : i32
        %dma_wait3A_279 = tpu.memref_slice %arg9[%rem3A_261, %dma_wait3A_278] : memref<4x128xi32, #tpu.memory_space<vmem>> -> memref<1x128xi32, #tpu.memory_space<vmem>>
        %dma_wait3A_280 = tpu.memref_squeeze %dma_wait3A_279 : memref<1x128xi32, #tpu.memory_space<vmem>> -> memref<128xi32, #tpu.memory_space<vmem>>
        %dma_wait3A_281 = arith.constant 0 : i32
        %dma_wait3A_282 = tpu.memref_slice %arg4[%add3A_277, %dma_wait3A_281] : memref<2560x128xi32, #tpu.memory_space<hbm>> -> memref<1x128xi32, #tpu.memory_space<hbm>>
        %dma_wait3A_283 = tpu.memref_squeeze %dma_wait3A_282 : memref<1x128xi32, #tpu.memory_space<hbm>> -> memref<128xi32, #tpu.memory_space<hbm>>
        %dma_wait3A_284 = tpu.memref_slice %arg11[%rem3A_261] : memref<4x!tpu.dma_semaphore, #tpu.memory_space<semaphore_mem>> -> memref<1x!tpu.dma_semaphore, #tpu.memory_space<semaphore_mem>>
        %dma_wait3A_285 = tpu.memref_squeeze %dma_wait3A_284 : memref<1x!tpu.dma_semaphore, #tpu.memory_space<semaphore_mem>> -> memref<!tpu.dma_semaphore, #tpu.memory_space<semaphore_mem>>
        %dma_wait3A_286 = arith.constant 0 : i32
        %dma_wait3A_287 = tpu.memref_slice %arg9[%rem3A_261, %dma_wait3A_286] : memref<4x128xi32, #tpu.memory_space<vmem>> -> memref<1x128xi32, #tpu.memory_space<vmem>>
        %dma_wait3A_288 = tpu.memref_squeeze %dma_wait3A_287 : memref<1x128xi32, #tpu.memory_space<vmem>> -> memref<128xi32, #tpu.memory_space<vmem>>
        %dma_wait3A_289 = arith.constant 0 : i32
        %dma_wait3A_290 = tpu.memref_slice %arg4[%add3A_277, %dma_wait3A_289] : memref<2560x128xi32, #tpu.memory_space<hbm>> -> memref<1x128xi32, #tpu.memory_space<hbm>>
        %dma_wait3A_291 = tpu.memref_squeeze %dma_wait3A_290 : memref<1x128xi32, #tpu.memory_space<hbm>> -> memref<128xi32, #tpu.memory_space<hbm>>
        tpu.wait_dma2 semaphore(%dma_wait3A_285 : memref<!tpu.dma_semaphore, #tpu.memory_space<semaphore_mem>>) src(%dma_wait3A_291 : memref<128xi32, #tpu.memory_space<hbm>>) dst(%dma_wait3A_288 : memref<128xi32, #tpu.memory_space<vmem>>)
        %add3A_292 = arith.constant 1 : i32
        %add3A_293 = arith.addi %scan3A_207, %add3A_292 : i32
        %rem3A_294 = arith.constant 4 : i32
        %rem3A_295 = arith.remsi %add3A_293, %rem3A_294 : i32
        %dma_start3A_296 = arith.constant 0 : i32
        %dma_start3A_297 = arith.constant 0 : i32
        %dma_start3A_298 = tpu.memref_slice %arg10[%rem3A_212, %dma_start3A_296, %dma_start3A_297] : memref<2x128x128xf32, #tpu.memory_space<vmem>> -> memref<1x128x128xf32, #tpu.memory_space<vmem>>
        %dma_start3A_299 = tpu.memref_squeeze %dma_start3A_298 : memref<1x128x128xf32, #tpu.memory_space<vmem>> -> memref<128x128xf32, #tpu.memory_space<vmem>>
        %dma_start3A_300 = arith.constant 0 : i32
        %dma_start3A_301 = tpu.memref_slice %arg8[%rem3A_295, %dma_start3A_300] : memref<4x128xi32, #tpu.memory_space<vmem>> -> memref<1x128xi32, #tpu.memory_space<vmem>>
        %dma_start3A_302 = tpu.memref_squeeze %dma_start3A_301 : memref<1x128xi32, #tpu.memory_space<vmem>> -> memref<128xi32, #tpu.memory_space<vmem>>
        %dma_start3A_303 = arith.constant 0 : i32
        %dma_start3A_304 = arith.constant 0 : i32
        %dma_start3A_305 = tpu.memref_slice %arg2[%dma_start3A_303, %dma_start3A_304] : memref<10240x128xf32, #tpu.memory_space<hbm>> -> memref<10240x128xf32, #tpu.memory_space<hbm>>
        %dma_start3A_306 = tpu.memref_slice %arg12[%rem3A_212] : memref<2x!tpu.dma_semaphore, #tpu.memory_space<semaphore_mem>> -> memref<1x!tpu.dma_semaphore, #tpu.memory_space<semaphore_mem>>
        %dma_start3A_307 = tpu.memref_squeeze %dma_start3A_306 : memref<1x!tpu.dma_semaphore, #tpu.memory_space<semaphore_mem>> -> memref<!tpu.dma_semaphore, #tpu.memory_space<semaphore_mem>>
        tpu.enqueue_indirect_dma source(%dma_start3A_305 : memref<10240x128xf32, #tpu.memory_space<hbm>>) target(%dma_start3A_299 : memref<128x128xf32, #tpu.memory_space<vmem>>) offsets(%dma_start3A_302 : memref<128xi32, #tpu.memory_space<vmem>>) semaphore(%dma_start3A_307 : memref<!tpu.dma_semaphore, #tpu.memory_space<semaphore_mem>>)
      } else {
      }
      %rem3A_228 = arith.constant 4 : i32
      %rem3A_229 = arith.remsi %scan3A_207, %rem3A_228 : i32
      %dma_wait3A_230 = arith.constant 0 : i32
      %dma_wait3A_231 = arith.constant 0 : i32
      %dma_wait3A_232 = tpu.memref_slice %arg10[%rem3A_208, %dma_wait3A_230, %dma_wait3A_231] : memref<2x128x128xf32, #tpu.memory_space<vmem>> -> memref<1x128x128xf32, #tpu.memory_space<vmem>>
      %dma_wait3A_233 = tpu.memref_squeeze %dma_wait3A_232 : memref<1x128x128xf32, #tpu.memory_space<vmem>> -> memref<128x128xf32, #tpu.memory_space<vmem>>
      %dma_wait3A_234 = arith.constant 0 : i32
      %dma_wait3A_235 = tpu.memref_slice %arg8[%rem3A_229, %dma_wait3A_234] : memref<4x128xi32, #tpu.memory_space<vmem>> -> memref<1x128xi32, #tpu.memory_space<vmem>>
      %dma_wait3A_236 = tpu.memref_squeeze %dma_wait3A_235 : memref<1x128xi32, #tpu.memory_space<vmem>> -> memref<128xi32, #tpu.memory_space<vmem>>
      %dma_wait3A_237 = arith.constant 0 : i32
      %dma_wait3A_238 = arith.constant 0 : i32
      %dma_wait3A_239 = tpu.memref_slice %arg2[%dma_wait3A_237, %dma_wait3A_238] : memref<10240x128xf32, #tpu.memory_space<hbm>> -> memref<10240x128xf32, #tpu.memory_space<hbm>>
      %dma_wait3A_240 = tpu.memref_slice %arg12[%rem3A_208] : memref<2x!tpu.dma_semaphore, #tpu.memory_space<semaphore_mem>> -> memref<1x!tpu.dma_semaphore, #tpu.memory_space<semaphore_mem>>
      %dma_wait3A_241 = tpu.memref_squeeze %dma_wait3A_240 : memref<1x!tpu.dma_semaphore, #tpu.memory_space<semaphore_mem>> -> memref<!tpu.dma_semaphore, #tpu.memory_space<semaphore_mem>>
      tpu.wait_indirect_dma semaphore(%dma_wait3A_241 : memref<!tpu.dma_semaphore, #tpu.memory_space<semaphore_mem>>) src(%dma_wait3A_239 : memref<10240x128xf32, #tpu.memory_space<hbm>>) dst(%dma_wait3A_233 : memref<128x128xf32, #tpu.memory_space<vmem>>)
      %rem3A_242 = arith.constant 4 : i32
      %rem3A_243 = arith.remsi %scan3A_207, %rem3A_242 : i32
      %dma_start3A_244 = arith.constant 0 : i32
      %dma_start3A_245 = arith.constant 0 : i32
      %dma_start3A_246 = tpu.memref_slice %arg10[%rem3A_208, %dma_start3A_244, %dma_start3A_245] : memref<2x128x128xf32, #tpu.memory_space<vmem>> -> memref<1x128x128xf32, #tpu.memory_space<vmem>>
      %dma_start3A_247 = tpu.memref_squeeze %dma_start3A_246 : memref<1x128x128xf32, #tpu.memory_space<vmem>> -> memref<128x128xf32, #tpu.memory_space<vmem>>
      %dma_start3A_248 = arith.constant 0 : i32
      %dma_start3A_249 = tpu.memref_slice %arg9[%rem3A_243, %dma_start3A_248] : memref<4x128xi32, #tpu.memory_space<vmem>> -> memref<1x128xi32, #tpu.memory_space<vmem>>
      %dma_start3A_250 = tpu.memref_squeeze %dma_start3A_249 : memref<1x128xi32, #tpu.memory_space<vmem>> -> memref<128xi32, #tpu.memory_space<vmem>>
      %dma_start3A_251 = arith.constant 0 : i32
      %dma_start3A_252 = arith.constant 0 : i32
      %dma_start3A_253 = tpu.memref_slice %arg7[%dma_start3A_251, %dma_start3A_252] : memref<10240x128xf32, #tpu.memory_space<vmem_shared>> -> memref<10240x128xf32, #tpu.memory_space<vmem_shared>>
      %dma_start3A_254 = tpu.memref_slice %arg13[%rem3A_208] : memref<2x!tpu.dma_semaphore, #tpu.memory_space<semaphore_mem>> -> memref<1x!tpu.dma_semaphore, #tpu.memory_space<semaphore_mem>>
      %dma_start3A_255 = tpu.memref_squeeze %dma_start3A_254 : memref<1x!tpu.dma_semaphore, #tpu.memory_space<semaphore_mem>> -> memref<!tpu.dma_semaphore, #tpu.memory_space<semaphore_mem>>
      tpu.enqueue_indirect_dma source(%dma_start3A_247 : memref<128x128xf32, #tpu.memory_space<vmem>>) target(%dma_start3A_253 : memref<10240x128xf32, #tpu.memory_space<vmem_shared>>) offsets(%dma_start3A_250 : memref<128xi32, #tpu.memory_space<vmem>>) semaphore(%dma_start3A_255 : memref<!tpu.dma_semaphore, #tpu.memory_space<semaphore_mem>>) {add = true}
    }
    %scan3A_145 = arith.constant 80 : i32
    %dma_wait3A_146 = arith.constant 1 : i32
    %dma_wait3A_147 = arith.constant 3 : i32
    %dma_wait3A_148 = arith.constant 1 : i32
    %dma_wait3A_149 = arith.constant 0 : i32
    %dma_wait3A_150 = arith.constant 0 : i32
    %dma_wait3A_151 = tpu.memref_slice %arg10[%dma_wait3A_146, %dma_wait3A_149, %dma_wait3A_150] : memref<2x128x128xf32, #tpu.memory_space<vmem>> -> memref<1x128x128xf32, #tpu.memory_space<vmem>>
    %dma_wait3A_152 = tpu.memref_squeeze %dma_wait3A_151 : memref<1x128x128xf32, #tpu.memory_space<vmem>> -> memref<128x128xf32, #tpu.memory_space<vmem>>
    %dma_wait3A_153 = arith.constant 0 : i32
    %dma_wait3A_154 = tpu.memref_slice %arg9[%dma_wait3A_147, %dma_wait3A_153] : memref<4x128xi32, #tpu.memory_space<vmem>> -> memref<1x128xi32, #tpu.memory_space<vmem>>
    %dma_wait3A_155 = tpu.memref_squeeze %dma_wait3A_154 : memref<1x128xi32, #tpu.memory_space<vmem>> -> memref<128xi32, #tpu.memory_space<vmem>>
    %dma_wait3A_156 = arith.constant 0 : i32
    %dma_wait3A_157 = arith.constant 0 : i32
    %dma_wait3A_158 = tpu.memref_slice %arg7[%dma_wait3A_156, %dma_wait3A_157] : memref<10240x128xf32, #tpu.memory_space<vmem_shared>> -> memref<10240x128xf32, #tpu.memory_space<vmem_shared>>
    %dma_wait3A_159 = tpu.memref_slice %arg13[%dma_wait3A_148] : memref<2x!tpu.dma_semaphore, #tpu.memory_space<semaphore_mem>> -> memref<1x!tpu.dma_semaphore, #tpu.memory_space<semaphore_mem>>
    %dma_wait3A_160 = tpu.memref_squeeze %dma_wait3A_159 : memref<1x!tpu.dma_semaphore, #tpu.memory_space<semaphore_mem>> -> memref<!tpu.dma_semaphore, #tpu.memory_space<semaphore_mem>>
    tpu.wait_indirect_dma semaphore(%dma_wait3A_160 : memref<!tpu.dma_semaphore, #tpu.memory_space<semaphore_mem>>) src(%dma_wait3A_152 : memref<128x128xf32, #tpu.memory_space<vmem>>) dst(%dma_wait3A_158 : memref<10240x128xf32, #tpu.memory_space<vmem_shared>>)
    %barrier3A_161 = arith.constant 0 : index
    tpu.barrier barrier_id(%barrier3A_161)
    %add3A_162 = arith.constant 0 : i32
    %add3A_163 = arith.addi %mul3A_0, %add3A_162 : i32
    %run_scoped3A_164 = arith.constant 0 : i32
    "tpu.region"() ({
      %run_scoped3A_207 = tpu.sem_alloc : memref<!tpu.dma_semaphore, #tpu.memory_space<semaphore_mem>>
      %dma_start3A_208 = arith.constant 0 : i32
      %dma_start3A_209 = arith.constant 0 : i32
      %dma_start3A_210 = tpu.memref_slice %arg10[%run_scoped3A_164, %dma_start3A_208, %dma_start3A_209] : memref<2x128x128xf32, #tpu.memory_space<vmem>> -> memref<1x128x128xf32, #tpu.memory_space<vmem>>
      %dma_start3A_211 = tpu.memref_squeeze %dma_start3A_210 : memref<1x128x128xf32, #tpu.memory_space<vmem>> -> memref<128x128xf32, #tpu.memory_space<vmem>>
      %dma_start3A_212 = arith.constant 0 : i32
      %dma_start3A_213 = tpu.memref_slice %arg7[%add3A_163, %dma_start3A_212] : memref<10240x128xf32, #tpu.memory_space<vmem_shared>> -> memref<128x128xf32, #tpu.memory_space<vmem_shared>>
      %dma_start3A_214 = arith.constant 0 : i32
      %dma_start3A_215 = arith.constant 0 : i32
      %dma_start3A_216 = tpu.memref_slice %arg10[%run_scoped3A_164, %dma_start3A_214, %dma_start3A_215] : memref<2x128x128xf32, #tpu.memory_space<vmem>> -> memref<1x128x128xf32, #tpu.memory_space<vmem>>
      %dma_start3A_217 = tpu.memref_squeeze %dma_start3A_216 : memref<1x128x128xf32, #tpu.memory_space<vmem>> -> memref<128x128xf32, #tpu.memory_space<vmem>>
      %dma_start3A_218 = arith.constant 0 : i32
      %dma_start3A_219 = tpu.memref_slice %arg7[%add3A_163, %dma_start3A_218] : memref<10240x128xf32, #tpu.memory_space<vmem_shared>> -> memref<128x128xf32, #tpu.memory_space<vmem_shared>>
      tpu.enqueue_dma source(%dma_start3A_219 : memref<128x128xf32, #tpu.memory_space<vmem_shared>>) target(%dma_start3A_217 : memref<128x128xf32, #tpu.memory_space<vmem>>) target_semaphore(%run_scoped3A_207 : memref<!tpu.dma_semaphore, #tpu.memory_space<semaphore_mem>>)
      %dma_wait3A_220 = arith.constant 0 : i32
      %dma_wait3A_221 = arith.constant 0 : i32
      %dma_wait3A_222 = tpu.memref_slice %arg10[%run_scoped3A_164, %dma_wait3A_220, %dma_wait3A_221] : memref<2x128x128xf32, #tpu.memory_space<vmem>> -> memref<1x128x128xf32, #tpu.memory_space<vmem>>
      %dma_wait3A_223 = tpu.memref_squeeze %dma_wait3A_222 : memref<1x128x128xf32, #tpu.memory_space<vmem>> -> memref<128x128xf32, #tpu.memory_space<vmem>>
      %dma_wait3A_224 = arith.constant 0 : i32
      %dma_wait3A_225 = tpu.memref_slice %arg7[%add3A_163, %dma_wait3A_224] : memref<10240x128xf32, #tpu.memory_space<vmem_shared>> -> memref<128x128xf32, #tpu.memory_space<vmem_shared>>
      %dma_wait3A_226 = arith.constant 0 : i32
      %dma_wait3A_227 = arith.constant 0 : i32
      %dma_wait3A_228 = tpu.memref_slice %arg10[%run_scoped3A_164, %dma_wait3A_226, %dma_wait3A_227] : memref<2x128x128xf32, #tpu.memory_space<vmem>> -> memref<1x128x128xf32, #tpu.memory_space<vmem>>
      %dma_wait3A_229 = tpu.memref_squeeze %dma_wait3A_228 : memref<1x128x128xf32, #tpu.memory_space<vmem>> -> memref<128x128xf32, #tpu.memory_space<vmem>>
      %dma_wait3A_230 = arith.constant 0 : i32
      %dma_wait3A_231 = tpu.memref_slice %arg7[%add3A_163, %dma_wait3A_230] : memref<10240x128xf32, #tpu.memory_space<vmem_shared>> -> memref<128x128xf32, #tpu.memory_space<vmem_shared>>
      tpu.wait_dma2 semaphore(%run_scoped3A_207 : memref<!tpu.dma_semaphore, #tpu.memory_space<semaphore_mem>>) src(%dma_wait3A_231 : memref<128x128xf32, #tpu.memory_space<vmem_shared>>) dst(%dma_wait3A_229 : memref<128x128xf32, #tpu.memory_space<vmem>>)
      tpu.yield
    }) : () -> ()
    %mul3A_165 = arith.constant 10240 : i32
    %mul3A_166 = arith.muli %arg0, %mul3A_165 : i32
    %add3A_167 = arith.addi %mul3A_166, %mul3A_0 : i32
    %add3A_168 = arith.constant 0 : i32
    %add3A_169 = arith.addi %add3A_167, %add3A_168 : i32
    %run_scoped3A_170 = arith.constant 0 : i32
    "tpu.region"() ({
      %run_scoped3A_207 = tpu.sem_alloc : memref<!tpu.dma_semaphore, #tpu.memory_space<semaphore_mem>>
      %dma_start3A_208 = arith.constant 0 : i32
      %dma_start3A_209 = arith.constant 0 : i32
      %dma_start3A_210 = tpu.memref_slice %arg10[%run_scoped3A_170, %dma_start3A_208, %dma_start3A_209] : memref<2x128x128xf32, #tpu.memory_space<vmem>> -> memref<1x128x128xf32, #tpu.memory_space<vmem>>
      %dma_start3A_211 = tpu.memref_squeeze %dma_start3A_210 : memref<1x128x128xf32, #tpu.memory_space<vmem>> -> memref<128x128xf32, #tpu.memory_space<vmem>>
      %dma_start3A_212 = arith.constant 0 : i32
      %dma_start3A_213 = tpu.memref_slice %arg6[%add3A_169, %dma_start3A_212] : memref<20480x128xf32, #tpu.memory_space<hbm>> -> memref<128x128xf32, #tpu.memory_space<hbm>>
      %dma_start3A_214 = arith.constant 0 : i32
      %dma_start3A_215 = tpu.memref_slice %arg6[%add3A_169, %dma_start3A_214] : memref<20480x128xf32, #tpu.memory_space<hbm>> -> memref<128x128xf32, #tpu.memory_space<hbm>>
      %dma_start3A_216 = arith.constant 0 : i32
      %dma_start3A_217 = arith.constant 0 : i32
      %dma_start3A_218 = tpu.memref_slice %arg10[%run_scoped3A_170, %dma_start3A_216, %dma_start3A_217] : memref<2x128x128xf32, #tpu.memory_space<vmem>> -> memref<1x128x128xf32, #tpu.memory_space<vmem>>
      %dma_start3A_219 = tpu.memref_squeeze %dma_start3A_218 : memref<1x128x128xf32, #tpu.memory_space<vmem>> -> memref<128x128xf32, #tpu.memory_space<vmem>>
      tpu.enqueue_dma source(%dma_start3A_219 : memref<128x128xf32, #tpu.memory_space<vmem>>) target(%dma_start3A_215 : memref<128x128xf32, #tpu.memory_space<hbm>>) target_semaphore(%run_scoped3A_207 : memref<!tpu.dma_semaphore, #tpu.memory_space<semaphore_mem>>)
      %dma_wait3A_220 = arith.constant 0 : i32
      %dma_wait3A_221 = arith.constant 0 : i32
      %dma_wait3A_222 = tpu.memref_slice %arg10[%run_scoped3A_170, %dma_wait3A_220, %dma_wait3A_221] : memref<2x128x128xf32, #tpu.memory_space<vmem>> -> memref<1x128x128xf32, #tpu.memory_space<vmem>>
      %dma_wait3A_223 = tpu.memref_squeeze %dma_wait3A_222 : memref<1x128x128xf32, #tpu.memory_space<vmem>> -> memref<128x128xf32, #tpu.memory_space<vmem>>
      %dma_wait3A_224 = arith.constant 0 : i32
      %dma_wait3A_225 = tpu.memref_slice %arg6[%add3A_169, %dma_wait3A_224] : memref<20480x128xf32, #tpu.memory_space<hbm>> -> memref<128x128xf32, #tpu.memory_space<hbm>>
      %dma_wait3A_226 = arith.constant 0 : i32
      %dma_wait3A_227 = tpu.memref_slice %arg6[%add3A_169, %dma_wait3A_226] : memref<20480x128xf32, #tpu.memory_space<hbm>> -> memref<128x128xf32, #tpu.memory_space<hbm>>
      %dma_wait3A_228 = arith.constant 0 : i32
      %dma_wait3A_229 = arith.constant 0 : i32
      %dma_wait3A_230 = tpu.memref_slice %arg10[%run_scoped3A_170, %dma_wait3A_228, %dma_wait3A_229] : memref<2x128x128xf32, #tpu.memory_space<vmem>> -> memref<1x128x128xf32, #tpu.memory_space<vmem>>
      %dma_wait3A_231 = tpu.memref_squeeze %dma_wait3A_230 : memref<1x128x128xf32, #tpu.memory_space<vmem>> -> memref<128x128xf32, #tpu.memory_space<vmem>>
      tpu.wait_dma2 semaphore(%run_scoped3A_207 : memref<!tpu.dma_semaphore, #tpu.memory_space<semaphore_mem>>) src(%dma_wait3A_231 : memref<128x128xf32, #tpu.memory_space<vmem>>) dst(%dma_wait3A_227 : memref<128x128xf32, #tpu.memory_space<hbm>>)
      tpu.yield
    }) : () -> ()
    %add3A_171 = arith.constant 128 : i32
    %add3A_172 = arith.addi %mul3A_0, %add3A_171 : i32
    %run_scoped3A_173 = arith.constant 0 : i32
    "tpu.region"() ({
      %run_scoped3A_207 = tpu.sem_alloc : memref<!tpu.dma_semaphore, #tpu.memory_space<semaphore_mem>>
      %dma_start3A_208 = arith.constant 0 : i32
      %dma_start3A_209 = arith.constant 0 : i32
      %dma_start3A_210 = tpu.memref_slice %arg10[%run_scoped3A_173, %dma_start3A_208, %dma_start3A_209] : memref<2x128x128xf32, #tpu.memory_space<vmem>> -> memref<1x128x128xf32, #tpu.memory_space<vmem>>
      %dma_start3A_211 = tpu.memref_squeeze %dma_start3A_210 : memref<1x128x128xf32, #tpu.memory_space<vmem>> -> memref<128x128xf32, #tpu.memory_space<vmem>>
      %dma_start3A_212 = arith.constant 0 : i32
      %dma_start3A_213 = tpu.memref_slice %arg7[%add3A_172, %dma_start3A_212] : memref<10240x128xf32, #tpu.memory_space<vmem_shared>> -> memref<128x128xf32, #tpu.memory_space<vmem_shared>>
      %dma_start3A_214 = arith.constant 0 : i32
      %dma_start3A_215 = arith.constant 0 : i32
      %dma_start3A_216 = tpu.memref_slice %arg10[%run_scoped3A_173, %dma_start3A_214, %dma_start3A_215] : memref<2x128x128xf32, #tpu.memory_space<vmem>> -> memref<1x128x128xf32, #tpu.memory_space<vmem>>
      %dma_start3A_217 = tpu.memref_squeeze %dma_start3A_216 : memref<1x128x128xf32, #tpu.memory_space<vmem>> -> memref<128x128xf32, #tpu.memory_space<vmem>>
      %dma_start3A_218 = arith.constant 0 : i32
      %dma_start3A_219 = tpu.memref_slice %arg7[%add3A_172, %dma_start3A_218] : memref<10240x128xf32, #tpu.memory_space<vmem_shared>> -> memref<128x128xf32, #tpu.memory_space<vmem_shared>>
      tpu.enqueue_dma source(%dma_start3A_219 : memref<128x128xf32, #tpu.memory_space<vmem_shared>>) target(%dma_start3A_217 : memref<128x128xf32, #tpu.memory_space<vmem>>) target_semaphore(%run_scoped3A_207 : memref<!tpu.dma_semaphore, #tpu.memory_space<semaphore_mem>>)
      %dma_wait3A_220 = arith.constant 0 : i32
      %dma_wait3A_221 = arith.constant 0 : i32
      %dma_wait3A_222 = tpu.memref_slice %arg10[%run_scoped3A_173, %dma_wait3A_220, %dma_wait3A_221] : memref<2x128x128xf32, #tpu.memory_space<vmem>> -> memref<1x128x128xf32, #tpu.memory_space<vmem>>
      %dma_wait3A_223 = tpu.memref_squeeze %dma_wait3A_222 : memref<1x128x128xf32, #tpu.memory_space<vmem>> -> memref<128x128xf32, #tpu.memory_space<vmem>>
      %dma_wait3A_224 = arith.constant 0 : i32
      %dma_wait3A_225 = tpu.memref_slice %arg7[%add3A_172, %dma_wait3A_224] : memref<10240x128xf32, #tpu.memory_space<vmem_shared>> -> memref<128x128xf32, #tpu.memory_space<vmem_shared>>
      %dma_wait3A_226 = arith.constant 0 : i32
      %dma_wait3A_227 = arith.constant 0 : i32
      %dma_wait3A_228 = tpu.memref_slice %arg10[%run_scoped3A_173, %dma_wait3A_226, %dma_wait3A_227] : memref<2x128x128xf32, #tpu.memory_space<vmem>> -> memref<1x128x128xf32, #tpu.memory_space<vmem>>
      %dma_wait3A_229 = tpu.memref_squeeze %dma_wait3A_228 : memref<1x128x128xf32, #tpu.memory_space<vmem>> -> memref<128x128xf32, #tpu.memory_space<vmem>>
      %dma_wait3A_230 = arith.constant 0 : i32
      %dma_wait3A_231 = tpu.memref_slice %arg7[%add3A_172, %dma_wait3A_230] : memref<10240x128xf32, #tpu.memory_space<vmem_shared>> -> memref<128x128xf32, #tpu.memory_space<vmem_shared>>
      tpu.wait_dma2 semaphore(%run_scoped3A_207 : memref<!tpu.dma_semaphore, #tpu.memory_space<semaphore_mem>>) src(%dma_wait3A_231 : memref<128x128xf32, #tpu.memory_space<vmem_shared>>) dst(%dma_wait3A_229 : memref<128x128xf32, #tpu.memory_space<vmem>>)
      tpu.yield
    }) : () -> ()
    %mul3A_174 = arith.constant 10240 : i32
    %mul3A_175 = arith.muli %arg0, %mul3A_174 : i32
    %add3A_176 = arith.addi %mul3A_175, %mul3A_0 : i32
    %add3A_177 = arith.constant 128 : i32
    %add3A_178 = arith.addi %add3A_176, %add3A_177 : i32
    %run_scoped3A_179 = arith.constant 0 : i32
    "tpu.region"() ({
      %run_scoped3A_207 = tpu.sem_alloc : memref<!tpu.dma_semaphore, #tpu.memory_space<semaphore_mem>>
      %dma_start3A_208 = arith.constant 0 : i32
      %dma_start3A_209 = arith.constant 0 : i32
      %dma_start3A_210 = tpu.memref_slice %arg10[%run_scoped3A_179, %dma_start3A_208, %dma_start3A_209] : memref<2x128x128xf32, #tpu.memory_space<vmem>> -> memref<1x128x128xf32, #tpu.memory_space<vmem>>
      %dma_start3A_211 = tpu.memref_squeeze %dma_start3A_210 : memref<1x128x128xf32, #tpu.memory_space<vmem>> -> memref<128x128xf32, #tpu.memory_space<vmem>>
      %dma_start3A_212 = arith.constant 0 : i32
      %dma_start3A_213 = tpu.memref_slice %arg6[%add3A_178, %dma_start3A_212] : memref<20480x128xf32, #tpu.memory_space<hbm>> -> memref<128x128xf32, #tpu.memory_space<hbm>>
      %dma_start3A_214 = arith.constant 0 : i32
      %dma_start3A_215 = tpu.memref_slice %arg6[%add3A_178, %dma_start3A_214] : memref<20480x128xf32, #tpu.memory_space<hbm>> -> memref<128x128xf32, #tpu.memory_space<hbm>>
      %dma_start3A_216 = arith.constant 0 : i32
      %dma_start3A_217 = arith.constant 0 : i32
      %dma_start3A_218 = tpu.memref_slice %arg10[%run_scoped3A_179, %dma_start3A_216, %dma_start3A_217] : memref<2x128x128xf32, #tpu.memory_space<vmem>> -> memref<1x128x128xf32, #tpu.memory_space<vmem>>
      %dma_start3A_219 = tpu.memref_squeeze %dma_start3A_218 : memref<1x128x128xf32, #tpu.memory_space<vmem>> -> memref<128x128xf32, #tpu.memory_space<vmem>>
      tpu.enqueue_dma source(%dma_start3A_219 : memref<128x128xf32, #tpu.memory_space<vmem>>) target(%dma_start3A_215 : memref<128x128xf32, #tpu.memory_space<hbm>>) target_semaphore(%run_scoped3A_207 : memref<!tpu.dma_semaphore, #tpu.memory_space<semaphore_mem>>)
      %dma_wait3A_220 = arith.constant 0 : i32
      %dma_wait3A_221 = arith.constant 0 : i32
      %dma_wait3A_222 = tpu.memref_slice %arg10[%run_scoped3A_179, %dma_wait3A_220, %dma_wait3A_221] : memref<2x128x128xf32, #tpu.memory_space<vmem>> -> memref<1x128x128xf32, #tpu.memory_space<vmem>>
      %dma_wait3A_223 = tpu.memref_squeeze %dma_wait3A_222 : memref<1x128x128xf32, #tpu.memory_space<vmem>> -> memref<128x128xf32, #tpu.memory_space<vmem>>
      %dma_wait3A_224 = arith.constant 0 : i32
      %dma_wait3A_225 = tpu.memref_slice %arg6[%add3A_178, %dma_wait3A_224] : memref<20480x128xf32, #tpu.memory_space<hbm>> -> memref<128x128xf32, #tpu.memory_space<hbm>>
      %dma_wait3A_226 = arith.constant 0 : i32
      %dma_wait3A_227 = tpu.memref_slice %arg6[%add3A_178, %dma_wait3A_226] : memref<20480x128xf32, #tpu.memory_space<hbm>> -> memref<128x128xf32, #tpu.memory_space<hbm>>
      %dma_wait3A_228 = arith.constant 0 : i32
      %dma_wait3A_229 = arith.constant 0 : i32
      %dma_wait3A_230 = tpu.memref_slice %arg10[%run_scoped3A_179, %dma_wait3A_228, %dma_wait3A_229] : memref<2x128x128xf32, #tpu.memory_space<vmem>> -> memref<1x128x128xf32, #tpu.memory_space<vmem>>
      %dma_wait3A_231 = tpu.memref_squeeze %dma_wait3A_230 : memref<1x128x128xf32, #tpu.memory_space<vmem>> -> memref<128x128xf32, #tpu.memory_space<vmem>>
      tpu.wait_dma2 semaphore(%run_scoped3A_207 : memref<!tpu.dma_semaphore, #tpu.memory_space<semaphore_mem>>) src(%dma_wait3A_231 : memref<128x128xf32, #tpu.memory_space<vmem>>) dst(%dma_wait3A_227 : memref<128x128xf32, #tpu.memory_space<hbm>>)
      tpu.yield
    }) : () -> ()
    %add3A_180 = arith.constant 256 : i32
    %add3A_181 = arith.addi %mul3A_0, %add3A_180 : i32
    %run_scoped3A_182 = arith.constant 0 : i32
    "tpu.region"() ({
      %run_scoped3A_207 = tpu.sem_alloc : memref<!tpu.dma_semaphore, #tpu.memory_space<semaphore_mem>>
      %dma_start3A_208 = arith.constant 0 : i32
      %dma_start3A_209 = arith.constant 0 : i32
      %dma_start3A_210 = tpu.memref_slice %arg10[%run_scoped3A_182, %dma_start3A_208, %dma_start3A_209] : memref<2x128x128xf32, #tpu.memory_space<vmem>> -> memref<1x128x128xf32, #tpu.memory_space<vmem>>
      %dma_start3A_211 = tpu.memref_squeeze %dma_start3A_210 : memref<1x128x128xf32, #tpu.memory_space<vmem>> -> memref<128x128xf32, #tpu.memory_space<vmem>>
      %dma_start3A_212 = arith.constant 0 : i32
      %dma_start3A_213 = tpu.memref_slice %arg7[%add3A_181, %dma_start3A_212] : memref<10240x128xf32, #tpu.memory_space<vmem_shared>> -> memref<128x128xf32, #tpu.memory_space<vmem_shared>>
      %dma_start3A_214 = arith.constant 0 : i32
      %dma_start3A_215 = arith.constant 0 : i32
      %dma_start3A_216 = tpu.memref_slice %arg10[%run_scoped3A_182, %dma_start3A_214, %dma_start3A_215] : memref<2x128x128xf32, #tpu.memory_space<vmem>> -> memref<1x128x128xf32, #tpu.memory_space<vmem>>
      %dma_start3A_217 = tpu.memref_squeeze %dma_start3A_216 : memref<1x128x128xf32, #tpu.memory_space<vmem>> -> memref<128x128xf32, #tpu.memory_space<vmem>>
      %dma_start3A_218 = arith.constant 0 : i32
      %dma_start3A_219 = tpu.memref_slice %arg7[%add3A_181, %dma_start3A_218] : memref<10240x128xf32, #tpu.memory_space<vmem_shared>> -> memref<128x128xf32, #tpu.memory_space<vmem_shared>>
      tpu.enqueue_dma source(%dma_start3A_219 : memref<128x128xf32, #tpu.memory_space<vmem_shared>>) target(%dma_start3A_217 : memref<128x128xf32, #tpu.memory_space<vmem>>) target_semaphore(%run_scoped3A_207 : memref<!tpu.dma_semaphore, #tpu.memory_space<semaphore_mem>>)
      %dma_wait3A_220 = arith.constant 0 : i32
      %dma_wait3A_221 = arith.constant 0 : i32
      %dma_wait3A_222 = tpu.memref_slice %arg10[%run_scoped3A_182, %dma_wait3A_220, %dma_wait3A_221] : memref<2x128x128xf32, #tpu.memory_space<vmem>> -> memref<1x128x128xf32, #tpu.memory_space<vmem>>
      %dma_wait3A_223 = tpu.memref_squeeze %dma_wait3A_222 : memref<1x128x128xf32, #tpu.memory_space<vmem>> -> memref<128x128xf32, #tpu.memory_space<vmem>>
      %dma_wait3A_224 = arith.constant 0 : i32
      %dma_wait3A_225 = tpu.memref_slice %arg7[%add3A_181, %dma_wait3A_224] : memref<10240x128xf32, #tpu.memory_space<vmem_shared>> -> memref<128x128xf32, #tpu.memory_space<vmem_shared>>
      %dma_wait3A_226 = arith.constant 0 : i32
      %dma_wait3A_227 = arith.constant 0 : i32
      %dma_wait3A_228 = tpu.memref_slice %arg10[%run_scoped3A_182, %dma_wait3A_226, %dma_wait3A_227] : memref<2x128x128xf32, #tpu.memory_space<vmem>> -> memref<1x128x128xf32, #tpu.memory_space<vmem>>
      %dma_wait3A_229 = tpu.memref_squeeze %dma_wait3A_228 : memref<1x128x128xf32, #tpu.memory_space<vmem>> -> memref<128x128xf32, #tpu.memory_space<vmem>>
      %dma_wait3A_230 = arith.constant 0 : i32
      %dma_wait3A_231 = tpu.memref_slice %arg7[%add3A_181, %dma_wait3A_230] : memref<10240x128xf32, #tpu.memory_space<vmem_shared>> -> memref<128x128xf32, #tpu.memory_space<vmem_shared>>
      tpu.wait_dma2 semaphore(%run_scoped3A_207 : memref<!tpu.dma_semaphore, #tpu.memory_space<semaphore_mem>>) src(%dma_wait3A_231 : memref<128x128xf32, #tpu.memory_space<vmem_shared>>) dst(%dma_wait3A_229 : memref<128x128xf32, #tpu.memory_space<vmem>>)
      tpu.yield
    }) : () -> ()
    %mul3A_183 = arith.constant 10240 : i32
    %mul3A_184 = arith.muli %arg0, %mul3A_183 : i32
    %add3A_185 = arith.addi %mul3A_184, %mul3A_0 : i32
    %add3A_186 = arith.constant 256 : i32
    %add3A_187 = arith.addi %add3A_185, %add3A_186 : i32
    %run_scoped3A_188 = arith.constant 0 : i32
    "tpu.region"() ({
      %run_scoped3A_207 = tpu.sem_alloc : memref<!tpu.dma_semaphore, #tpu.memory_space<semaphore_mem>>
      %dma_start3A_208 = arith.constant 0 : i32
      %dma_start3A_209 = arith.constant 0 : i32
      %dma_start3A_210 = tpu.memref_slice %arg10[%run_scoped3A_188, %dma_start3A_208, %dma_start3A_209] : memref<2x128x128xf32, #tpu.memory_space<vmem>> -> memref<1x128x128xf32, #tpu.memory_space<vmem>>
      %dma_start3A_211 = tpu.memref_squeeze %dma_start3A_210 : memref<1x128x128xf32, #tpu.memory_space<vmem>> -> memref<128x128xf32, #tpu.memory_space<vmem>>
      %dma_start3A_212 = arith.constant 0 : i32
      %dma_start3A_213 = tpu.memref_slice %arg6[%add3A_187, %dma_start3A_212] : memref<20480x128xf32, #tpu.memory_space<hbm>> -> memref<128x128xf32, #tpu.memory_space<hbm>>
      %dma_start3A_214 = arith.constant 0 : i32
      %dma_start3A_215 = tpu.memref_slice %arg6[%add3A_187, %dma_start3A_214] : memref<20480x128xf32, #tpu.memory_space<hbm>> -> memref<128x128xf32, #tpu.memory_space<hbm>>
      %dma_start3A_216 = arith.constant 0 : i32
      %dma_start3A_217 = arith.constant 0 : i32
      %dma_start3A_218 = tpu.memref_slice %arg10[%run_scoped3A_188, %dma_start3A_216, %dma_start3A_217] : memref<2x128x128xf32, #tpu.memory_space<vmem>> -> memref<1x128x128xf32, #tpu.memory_space<vmem>>
      %dma_start3A_219 = tpu.memref_squeeze %dma_start3A_218 : memref<1x128x128xf32, #tpu.memory_space<vmem>> -> memref<128x128xf32, #tpu.memory_space<vmem>>
      tpu.enqueue_dma source(%dma_start3A_219 : memref<128x128xf32, #tpu.memory_space<vmem>>) target(%dma_start3A_215 : memref<128x128xf32, #tpu.memory_space<hbm>>) target_semaphore(%run_scoped3A_207 : memref<!tpu.dma_semaphore, #tpu.memory_space<semaphore_mem>>)
      %dma_wait3A_220 = arith.constant 0 : i32
      %dma_wait3A_221 = arith.constant 0 : i32
      %dma_wait3A_222 = tpu.memref_slice %arg10[%run_scoped3A_188, %dma_wait3A_220, %dma_wait3A_221] : memref<2x128x128xf32, #tpu.memory_space<vmem>> -> memref<1x128x128xf32, #tpu.memory_space<vmem>>
      %dma_wait3A_223 = tpu.memref_squeeze %dma_wait3A_222 : memref<1x128x128xf32, #tpu.memory_space<vmem>> -> memref<128x128xf32, #tpu.memory_space<vmem>>
      %dma_wait3A_224 = arith.constant 0 : i32
      %dma_wait3A_225 = tpu.memref_slice %arg6[%add3A_187, %dma_wait3A_224] : memref<20480x128xf32, #tpu.memory_space<hbm>> -> memref<128x128xf32, #tpu.memory_space<hbm>>
      %dma_wait3A_226 = arith.constant 0 : i32
      %dma_wait3A_227 = tpu.memref_slice %arg6[%add3A_187, %dma_wait3A_226] : memref<20480x128xf32, #tpu.memory_space<hbm>> -> memref<128x128xf32, #tpu.memory_space<hbm>>
      %dma_wait3A_228 = arith.constant 0 : i32
      %dma_wait3A_229 = arith.constant 0 : i32
      %dma_wait3A_230 = tpu.memref_slice %arg10[%run_scoped3A_188, %dma_wait3A_228, %dma_wait3A_229] : memref<2x128x128xf32, #tpu.memory_space<vmem>> -> memref<1x128x128xf32, #tpu.memory_space<vmem>>
      %dma_wait3A_231 = tpu.memref_squeeze %dma_wait3A_230 : memref<1x128x128xf32, #tpu.memory_space<vmem>> -> memref<128x128xf32, #tpu.memory_space<vmem>>
      tpu.wait_dma2 semaphore(%run_scoped3A_207 : memref<!tpu.dma_semaphore, #tpu.memory_space<semaphore_mem>>) src(%dma_wait3A_231 : memref<128x128xf32, #tpu.memory_space<vmem>>) dst(%dma_wait3A_227 : memref<128x128xf32, #tpu.memory_space<hbm>>)
      tpu.yield
    }) : () -> ()
    %add3A_189 = arith.constant 384 : i32
    %add3A_190 = arith.addi %mul3A_0, %add3A_189 : i32
    %run_scoped3A_191 = arith.constant 0 : i32
    "tpu.region"() ({
      %run_scoped3A_207 = tpu.sem_alloc : memref<!tpu.dma_semaphore, #tpu.memory_space<semaphore_mem>>
      %dma_start3A_208 = arith.constant 0 : i32
      %dma_start3A_209 = arith.constant 0 : i32
      %dma_start3A_210 = tpu.memref_slice %arg10[%run_scoped3A_191, %dma_start3A_208, %dma_start3A_209] : memref<2x128x128xf32, #tpu.memory_space<vmem>> -> memref<1x128x128xf32, #tpu.memory_space<vmem>>
      %dma_start3A_211 = tpu.memref_squeeze %dma_start3A_210 : memref<1x128x128xf32, #tpu.memory_space<vmem>> -> memref<128x128xf32, #tpu.memory_space<vmem>>
      %dma_start3A_212 = arith.constant 0 : i32
      %dma_start3A_213 = tpu.memref_slice %arg7[%add3A_190, %dma_start3A_212] : memref<10240x128xf32, #tpu.memory_space<vmem_shared>> -> memref<128x128xf32, #tpu.memory_space<vmem_shared>>
      %dma_start3A_214 = arith.constant 0 : i32
      %dma_start3A_215 = arith.constant 0 : i32
      %dma_start3A_216 = tpu.memref_slice %arg10[%run_scoped3A_191, %dma_start3A_214, %dma_start3A_215] : memref<2x128x128xf32, #tpu.memory_space<vmem>> -> memref<1x128x128xf32, #tpu.memory_space<vmem>>
      %dma_start3A_217 = tpu.memref_squeeze %dma_start3A_216 : memref<1x128x128xf32, #tpu.memory_space<vmem>> -> memref<128x128xf32, #tpu.memory_space<vmem>>
      %dma_start3A_218 = arith.constant 0 : i32
      %dma_start3A_219 = tpu.memref_slice %arg7[%add3A_190, %dma_start3A_218] : memref<10240x128xf32, #tpu.memory_space<vmem_shared>> -> memref<128x128xf32, #tpu.memory_space<vmem_shared>>
      tpu.enqueue_dma source(%dma_start3A_219 : memref<128x128xf32, #tpu.memory_space<vmem_shared>>) target(%dma_start3A_217 : memref<128x128xf32, #tpu.memory_space<vmem>>) target_semaphore(%run_scoped3A_207 : memref<!tpu.dma_semaphore, #tpu.memory_space<semaphore_mem>>)
      %dma_wait3A_220 = arith.constant 0 : i32
      %dma_wait3A_221 = arith.constant 0 : i32
      %dma_wait3A_222 = tpu.memref_slice %arg10[%run_scoped3A_191, %dma_wait3A_220, %dma_wait3A_221] : memref<2x128x128xf32, #tpu.memory_space<vmem>> -> memref<1x128x128xf32, #tpu.memory_space<vmem>>
      %dma_wait3A_223 = tpu.memref_squeeze %dma_wait3A_222 : memref<1x128x128xf32, #tpu.memory_space<vmem>> -> memref<128x128xf32, #tpu.memory_space<vmem>>
      %dma_wait3A_224 = arith.constant 0 : i32
      %dma_wait3A_225 = tpu.memref_slice %arg7[%add3A_190, %dma_wait3A_224] : memref<10240x128xf32, #tpu.memory_space<vmem_shared>> -> memref<128x128xf32, #tpu.memory_space<vmem_shared>>
      %dma_wait3A_226 = arith.constant 0 : i32
      %dma_wait3A_227 = arith.constant 0 : i32
      %dma_wait3A_228 = tpu.memref_slice %arg10[%run_scoped3A_191, %dma_wait3A_226, %dma_wait3A_227] : memref<2x128x128xf32, #tpu.memory_space<vmem>> -> memref<1x128x128xf32, #tpu.memory_space<vmem>>
      %dma_wait3A_229 = tpu.memref_squeeze %dma_wait3A_228 : memref<1x128x128xf32, #tpu.memory_space<vmem>> -> memref<128x128xf32, #tpu.memory_space<vmem>>
      %dma_wait3A_230 = arith.constant 0 : i32
      %dma_wait3A_231 = tpu.memref_slice %arg7[%add3A_190, %dma_wait3A_230] : memref<10240x128xf32, #tpu.memory_space<vmem_shared>> -> memref<128x128xf32, #tpu.memory_space<vmem_shared>>
      tpu.wait_dma2 semaphore(%run_scoped3A_207 : memref<!tpu.dma_semaphore, #tpu.memory_space<semaphore_mem>>) src(%dma_wait3A_231 : memref<128x128xf32, #tpu.memory_space<vmem_shared>>) dst(%dma_wait3A_229 : memref<128x128xf32, #tpu.memory_space<vmem>>)
      tpu.yield
    }) : () -> ()
    %mul3A_192 = arith.constant 10240 : i32
    %mul3A_193 = arith.muli %arg0, %mul3A_192 : i32
    %add3A_194 = arith.addi %mul3A_193, %mul3A_0 : i32
    %add3A_195 = arith.constant 384 : i32
    %add3A_196 = arith.addi %add3A_194, %add3A_195 : i32
    %run_scoped3A_197 = arith.constant 0 : i32
    "tpu.region"() ({
      %run_scoped3A_207 = tpu.sem_alloc : memref<!tpu.dma_semaphore, #tpu.memory_space<semaphore_mem>>
      %dma_start3A_208 = arith.constant 0 : i32
      %dma_start3A_209 = arith.constant 0 : i32
      %dma_start3A_210 = tpu.memref_slice %arg10[%run_scoped3A_197, %dma_start3A_208, %dma_start3A_209] : memref<2x128x128xf32, #tpu.memory_space<vmem>> -> memref<1x128x128xf32, #tpu.memory_space<vmem>>
      %dma_start3A_211 = tpu.memref_squeeze %dma_start3A_210 : memref<1x128x128xf32, #tpu.memory_space<vmem>> -> memref<128x128xf32, #tpu.memory_space<vmem>>
      %dma_start3A_212 = arith.constant 0 : i32
      %dma_start3A_213 = tpu.memref_slice %arg6[%add3A_196, %dma_start3A_212] : memref<20480x128xf32, #tpu.memory_space<hbm>> -> memref<128x128xf32, #tpu.memory_space<hbm>>
      %dma_start3A_214 = arith.constant 0 : i32
      %dma_start3A_215 = tpu.memref_slice %arg6[%add3A_196, %dma_start3A_214] : memref<20480x128xf32, #tpu.memory_space<hbm>> -> memref<128x128xf32, #tpu.memory_space<hbm>>
      %dma_start3A_216 = arith.constant 0 : i32
      %dma_start3A_217 = arith.constant 0 : i32
      %dma_start3A_218 = tpu.memref_slice %arg10[%run_scoped3A_197, %dma_start3A_216, %dma_start3A_217] : memref<2x128x128xf32, #tpu.memory_space<vmem>> -> memref<1x128x128xf32, #tpu.memory_space<vmem>>
      %dma_start3A_219 = tpu.memref_squeeze %dma_start3A_218 : memref<1x128x128xf32, #tpu.memory_space<vmem>> -> memref<128x128xf32, #tpu.memory_space<vmem>>
      tpu.enqueue_dma source(%dma_start3A_219 : memref<128x128xf32, #tpu.memory_space<vmem>>) target(%dma_start3A_215 : memref<128x128xf32, #tpu.memory_space<hbm>>) target_semaphore(%run_scoped3A_207 : memref<!tpu.dma_semaphore, #tpu.memory_space<semaphore_mem>>)
      %dma_wait3A_220 = arith.constant 0 : i32
      %dma_wait3A_221 = arith.constant 0 : i32
      %dma_wait3A_222 = tpu.memref_slice %arg10[%run_scoped3A_197, %dma_wait3A_220, %dma_wait3A_221] : memref<2x128x128xf32, #tpu.memory_space<vmem>> -> memref<1x128x128xf32, #tpu.memory_space<vmem>>
      %dma_wait3A_223 = tpu.memref_squeeze %dma_wait3A_222 : memref<1x128x128xf32, #tpu.memory_space<vmem>> -> memref<128x128xf32, #tpu.memory_space<vmem>>
      %dma_wait3A_224 = arith.constant 0 : i32
      %dma_wait3A_225 = tpu.memref_slice %arg6[%add3A_196, %dma_wait3A_224] : memref<20480x128xf32, #tpu.memory_space<hbm>> -> memref<128x128xf32, #tpu.memory_space<hbm>>
      %dma_wait3A_226 = arith.constant 0 : i32
      %dma_wait3A_227 = tpu.memref_slice %arg6[%add3A_196, %dma_wait3A_226] : memref<20480x128xf32, #tpu.memory_space<hbm>> -> memref<128x128xf32, #tpu.memory_space<hbm>>
      %dma_wait3A_228 = arith.constant 0 : i32
      %dma_wait3A_229 = arith.constant 0 : i32
      %dma_wait3A_230 = tpu.memref_slice %arg10[%run_scoped3A_197, %dma_wait3A_228, %dma_wait3A_229] : memref<2x128x128xf32, #tpu.memory_space<vmem>> -> memref<1x128x128xf32, #tpu.memory_space<vmem>>
      %dma_wait3A_231 = tpu.memref_squeeze %dma_wait3A_230 : memref<1x128x128xf32, #tpu.memory_space<vmem>> -> memref<128x128xf32, #tpu.memory_space<vmem>>
      tpu.wait_dma2 semaphore(%run_scoped3A_207 : memref<!tpu.dma_semaphore, #tpu.memory_space<semaphore_mem>>) src(%dma_wait3A_231 : memref<128x128xf32, #tpu.memory_space<vmem>>) dst(%dma_wait3A_227 : memref<128x128xf32, #tpu.memory_space<hbm>>)
      tpu.yield
    }) : () -> ()
    %add3A_198 = arith.constant 512 : i32
    %add3A_199 = arith.addi %mul3A_0, %add3A_198 : i32
    %run_scoped3A_200 = arith.constant 0 : i32
    "tpu.region"() ({
      %run_scoped3A_207 = tpu.sem_alloc : memref<!tpu.dma_semaphore, #tpu.memory_space<semaphore_mem>>
      %dma_start3A_208 = arith.constant 0 : i32
      %dma_start3A_209 = arith.constant 0 : i32
      %dma_start3A_210 = tpu.memref_slice %arg10[%run_scoped3A_200, %dma_start3A_208, %dma_start3A_209] : memref<2x128x128xf32, #tpu.memory_space<vmem>> -> memref<1x128x128xf32, #tpu.memory_space<vmem>>
      %dma_start3A_211 = tpu.memref_squeeze %dma_start3A_210 : memref<1x128x128xf32, #tpu.memory_space<vmem>> -> memref<128x128xf32, #tpu.memory_space<vmem>>
      %dma_start3A_212 = arith.constant 0 : i32
      %dma_start3A_213 = tpu.memref_slice %arg7[%add3A_199, %dma_start3A_212] : memref<10240x128xf32, #tpu.memory_space<vmem_shared>> -> memref<128x128xf32, #tpu.memory_space<vmem_shared>>
      %dma_start3A_214 = arith.constant 0 : i32
      %dma_start3A_215 = arith.constant 0 : i32
      %dma_start3A_216 = tpu.memref_slice %arg10[%run_scoped3A_200, %dma_start3A_214, %dma_start3A_215] : memref<2x128x128xf32, #tpu.memory_space<vmem>> -> memref<1x128x128xf32, #tpu.memory_space<vmem>>
      %dma_start3A_217 = tpu.memref_squeeze %dma_start3A_216 : memref<1x128x128xf32, #tpu.memory_space<vmem>> -> memref<128x128xf32, #tpu.memory_space<vmem>>
      %dma_start3A_218 = arith.constant 0 : i32
      %dma_start3A_219 = tpu.memref_slice %arg7[%add3A_199, %dma_start3A_218] : memref<10240x128xf32, #tpu.memory_space<vmem_shared>> -> memref<128x128xf32, #tpu.memory_space<vmem_shared>>
      tpu.enqueue_dma source(%dma_start3A_219 : memref<128x128xf32, #tpu.memory_space<vmem_shared>>) target(%dma_start3A_217 : memref<128x128xf32, #tpu.memory_space<vmem>>) target_semaphore(%run_scoped3A_207 : memref<!tpu.dma_semaphore, #tpu.memory_space<semaphore_mem>>)
      %dma_wait3A_220 = arith.constant 0 : i32
      %dma_wait3A_221 = arith.constant 0 : i32
      %dma_wait3A_222 = tpu.memref_slice %arg10[%run_scoped3A_200, %dma_wait3A_220, %dma_wait3A_221] : memref<2x128x128xf32, #tpu.memory_space<vmem>> -> memref<1x128x128xf32, #tpu.memory_space<vmem>>
      %dma_wait3A_223 = tpu.memref_squeeze %dma_wait3A_222 : memref<1x128x128xf32, #tpu.memory_space<vmem>> -> memref<128x128xf32, #tpu.memory_space<vmem>>
      %dma_wait3A_224 = arith.constant 0 : i32
      %dma_wait3A_225 = tpu.memref_slice %arg7[%add3A_199, %dma_wait3A_224] : memref<10240x128xf32, #tpu.memory_space<vmem_shared>> -> memref<128x128xf32, #tpu.memory_space<vmem_shared>>
      %dma_wait3A_226 = arith.constant 0 : i32
      %dma_wait3A_227 = arith.constant 0 : i32
      %dma_wait3A_228 = tpu.memref_slice %arg10[%run_scoped3A_200, %dma_wait3A_226, %dma_wait3A_227] : memref<2x128x128xf32, #tpu.memory_space<vmem>> -> memref<1x128x128xf32, #tpu.memory_space<vmem>>
      %dma_wait3A_229 = tpu.memref_squeeze %dma_wait3A_228 : memref<1x128x128xf32, #tpu.memory_space<vmem>> -> memref<128x128xf32, #tpu.memory_space<vmem>>
      %dma_wait3A_230 = arith.constant 0 : i32
      %dma_wait3A_231 = tpu.memref_slice %arg7[%add3A_199, %dma_wait3A_230] : memref<10240x128xf32, #tpu.memory_space<vmem_shared>> -> memref<128x128xf32, #tpu.memory_space<vmem_shared>>
      tpu.wait_dma2 semaphore(%run_scoped3A_207 : memref<!tpu.dma_semaphore, #tpu.memory_space<semaphore_mem>>) src(%dma_wait3A_231 : memref<128x128xf32, #tpu.memory_space<vmem_shared>>) dst(%dma_wait3A_229 : memref<128x128xf32, #tpu.memory_space<vmem>>)
      tpu.yield
    }) : () -> ()
    %mul3A_201 = arith.constant 10240 : i32
    %mul3A_202 = arith.muli %arg0, %mul3A_201 : i32
    %add3A_203 = arith.addi %mul3A_202, %mul3A_0 : i32
    %add3A_204 = arith.constant 512 : i32
    %add3A_205 = arith.addi %add3A_203, %add3A_204 : i32
    %run_scoped3A_206 = arith.constant 0 : i32
    "tpu.region"() ({
      %run_scoped3A_207 = tpu.sem_alloc : memref<!tpu.dma_semaphore, #tpu.memory_space<semaphore_mem>>
      %dma_start3A_208 = arith.constant 0 : i32
      %dma_start3A_209 = arith.constant 0 : i32
      %dma_start3A_210 = tpu.memref_slice %arg10[%run_scoped3A_206, %dma_start3A_208, %dma_start3A_209] : memref<2x128x128xf32, #tpu.memory_space<vmem>> -> memref<1x128x128xf32, #tpu.memory_space<vmem>>
      %dma_start3A_211 = tpu.memref_squeeze %dma_start3A_210 : memref<1x128x128xf32, #tpu.memory_space<vmem>> -> memref<128x128xf32, #tpu.memory_space<vmem>>
      %dma_start3A_212 = arith.constant 0 : i32
      %dma_start3A_213 = tpu.memref_slice %arg6[%add3A_205, %dma_start3A_212] : memref<20480x128xf32, #tpu.memory_space<hbm>> -> memref<128x128xf32, #tpu.memory_space<hbm>>
      %dma_start3A_214 = arith.constant 0 : i32
      %dma_start3A_215 = tpu.memref_slice %arg6[%add3A_205, %dma_start3A_214] : memref<20480x128xf32, #tpu.memory_space<hbm>> -> memref<128x128xf32, #tpu.memory_space<hbm>>
      %dma_start3A_216 = arith.constant 0 : i32
      %dma_start3A_217 = arith.constant 0 : i32
      %dma_start3A_218 = tpu.memref_slice %arg10[%run_scoped3A_206, %dma_start3A_216, %dma_start3A_217] : memref<2x128x128xf32, #tpu.memory_space<vmem>> -> memref<1x128x128xf32, #tpu.memory_space<vmem>>
      %dma_start3A_219 = tpu.memref_squeeze %dma_start3A_218 : memref<1x128x128xf32, #tpu.memory_space<vmem>> -> memref<128x128xf32, #tpu.memory_space<vmem>>
      tpu.enqueue_dma source(%dma_start3A_219 : memref<128x128xf32, #tpu.memory_space<vmem>>) target(%dma_start3A_215 : memref<128x128xf32, #tpu.memory_space<hbm>>) target_semaphore(%run_scoped3A_207 : memref<!tpu.dma_semaphore, #tpu.memory_space<semaphore_mem>>)
      %dma_wait3A_220 = arith.constant 0 : i32
      %dma_wait3A_221 = arith.constant 0 : i32
      %dma_wait3A_222 = tpu.memref_slice %arg10[%run_scoped3A_206, %dma_wait3A_220, %dma_wait3A_221] : memref<2x128x128xf32, #tpu.memory_space<vmem>> -> memref<1x128x128xf32, #tpu.memory_space<vmem>>
      %dma_wait3A_223 = tpu.memref_squeeze %dma_wait3A_222 : memref<1x128x128xf32, #tpu.memory_space<vmem>> -> memref<128x128xf32, #tpu.memory_space<vmem>>
      %dma_wait3A_224 = arith.constant 0 : i32
      %dma_wait3A_225 = tpu.memref_slice %arg6[%add3A_205, %dma_wait3A_224] : memref<20480x128xf32, #tpu.memory_space<hbm>> -> memref<128x128xf32, #tpu.memory_space<hbm>>
      %dma_wait3A_226 = arith.constant 0 : i32
      %dma_wait3A_227 = tpu.memref_slice %arg6[%add3A_205, %dma_wait3A_226] : memref<20480x128xf32, #tpu.memory_space<hbm>> -> memref<128x128xf32, #tpu.memory_space<hbm>>
      %dma_wait3A_228 = arith.constant 0 : i32
      %dma_wait3A_229 = arith.constant 0 : i32
      %dma_wait3A_230 = tpu.memref_slice %arg10[%run_scoped3A_206, %dma_wait3A_228, %dma_wait3A_229] : memref<2x128x128xf32, #tpu.memory_space<vmem>> -> memref<1x128x128xf32, #tpu.memory_space<vmem>>
      %dma_wait3A_231 = tpu.memref_squeeze %dma_wait3A_230 : memref<1x128x128xf32, #tpu.memory_space<vmem>> -> memref<128x128xf32, #tpu.memory_space<vmem>>
      tpu.wait_dma2 semaphore(%run_scoped3A_207 : memref<!tpu.dma_semaphore, #tpu.memory_space<semaphore_mem>>) src(%dma_wait3A_231 : memref<128x128xf32, #tpu.memory_space<vmem>>) dst(%dma_wait3A_227 : memref<128x128xf32, #tpu.memory_space<hbm>>)
      tpu.yield
    }) : () -> ()
    return
  }
}

#map = affine_map<(d0, d1) -> (0, 0)>
module attributes {stable_mosaic.version = 14 : i64} {
  func.func @_edge_body(%arg0: i32, %arg1: i32, %arg2: memref<10240x128xf32, #tpu.memory_space<hbm>>, %arg3: memref<2560x128xi32, #tpu.memory_space<hbm>>, %arg4: memref<2560x128xi32, #tpu.memory_space<hbm>>, %arg5: memref<128x128xf32, #tpu.memory_space<hbm>>, %arg6: memref<20480x128xf32, #tpu.memory_space<hbm>>, %arg7: memref<10240x128xf32, #tpu.memory_space<vmem_shared>>, %arg8: memref<4x128xi32, #tpu.memory_space<vmem>>, %arg9: memref<4x128xi32, #tpu.memory_space<vmem>>, %arg10: memref<2x128x128xf32, #tpu.memory_space<vmem>>, %arg11: memref<4x!tpu.dma_semaphore, #tpu.memory_space<semaphore_mem>>, %arg12: memref<2x!tpu.dma_semaphore, #tpu.memory_space<semaphore_mem>>, %arg13: memref<2x!tpu.dma_semaphore, #tpu.memory_space<semaphore_mem>>) attributes {dimension_semantics = [#tpu.dimension_semantics<core_parallel>, #tpu.dimension_semantics<subcore_parallel>], iteration_bounds = array<i64: 2, 16>, scalar_prefetch = 0 : i64, scratch_operands = 7 : i64, tpu.core_type = #tpu.core_type<sc_vector_subcore>, window_params = [{transform_indices = #map}, {transform_indices = #map}, {transform_indices = #map}, {transform_indices = #map}, {transform_indices = #map}]} {
    %mul3A = arith.constant 640 : i32
    %mul3A_0 = arith.muli %arg1, %mul3A : i32
    %mul3A_1 = arith.constant 16 : i32
    %mul3A_2 = arith.muli %arg0, %mul3A_1 : i32
    %add3A = arith.addi %mul3A_2, %arg1 : i32
    %mul3A_3 = arith.constant 80 : i32
    %mul3A_4 = arith.muli %add3A, %mul3A_3 : i32
    %run_scoped3A = arith.constant 0 : i32
    "tpu.region"() ({
      %run_scoped3A_207 = tpu.sem_alloc : memref<!tpu.dma_semaphore, #tpu.memory_space<semaphore_mem>>
      %dma_start3A_208 = arith.constant 0 : i32
      %dma_start3A_209 = arith.constant 0 : i32
      %dma_start3A_210 = tpu.memref_slice %arg10[%run_scoped3A, %dma_start3A_208, %dma_start3A_209] : memref<2x128x128xf32, #tpu.memory_space<vmem>> -> memref<1x128x128xf32, #tpu.memory_space<vmem>>
      %dma_start3A_211 = tpu.memref_squeeze %dma_start3A_210 : memref<1x128x128xf32, #tpu.memory_space<vmem>> -> memref<128x128xf32, #tpu.memory_space<vmem>>
      %dma_start3A_212 = arith.constant 0 : i32
      %dma_start3A_213 = arith.constant 0 : i32
      %dma_start3A_214 = tpu.memref_slice %arg10[%run_scoped3A, %dma_start3A_212, %dma_start3A_213] : memref<2x128x128xf32, #tpu.memory_space<vmem>> -> memref<1x128x128xf32, #tpu.memory_space<vmem>>
      %dma_start3A_215 = tpu.memref_squeeze %dma_start3A_214 : memref<1x128x128xf32, #tpu.memory_space<vmem>> -> memref<128x128xf32, #tpu.memory_space<vmem>>
      tpu.enqueue_dma source(%arg5 : memref<128x128xf32, #tpu.memory_space<hbm>>) target(%dma_start3A_215 : memref<128x128xf32, #tpu.memory_space<vmem>>) target_semaphore(%run_scoped3A_207 : memref<!tpu.dma_semaphore, #tpu.memory_space<semaphore_mem>>)
      %dma_wait3A_216 = arith.constant 0 : i32
      %dma_wait3A_217 = arith.constant 0 : i32
      %dma_wait3A_218 = tpu.memref_slice %arg10[%run_scoped3A, %dma_wait3A_216, %dma_wait3A_217] : memref<2x128x128xf32, #tpu.memory_space<vmem>> -> memref<1x128x128xf32, #tpu.memory_space<vmem>>
      %dma_wait3A_219 = tpu.memref_squeeze %dma_wait3A_218 : memref<1x128x128xf32, #tpu.memory_space<vmem>> -> memref<128x128xf32, #tpu.memory_space<vmem>>
      %dma_wait3A_220 = arith.constant 0 : i32
      %dma_wait3A_221 = arith.constant 0 : i32
      %dma_wait3A_222 = tpu.memref_slice %arg10[%run_scoped3A, %dma_wait3A_220, %dma_wait3A_221] : memref<2x128x128xf32, #tpu.memory_space<vmem>> -> memref<1x128x128xf32, #tpu.memory_space<vmem>>
      %dma_wait3A_223 = tpu.memref_squeeze %dma_wait3A_222 : memref<1x128x128xf32, #tpu.memory_space<vmem>> -> memref<128x128xf32, #tpu.memory_space<vmem>>
      tpu.wait_dma2 semaphore(%run_scoped3A_207 : memref<!tpu.dma_semaphore, #tpu.memory_space<semaphore_mem>>) src(%arg5 : memref<128x128xf32, #tpu.memory_space<hbm>>) dst(%dma_wait3A_223 : memref<128x128xf32, #tpu.memory_space<vmem>>)
      tpu.yield
    }) : () -> ()
    %add3A_5 = arith.constant 0 : i32
    %add3A_6 = arith.addi %mul3A_0, %add3A_5 : i32
    %run_scoped3A_7 = arith.constant 0 : i32
    "tpu.region"() ({
      %run_scoped3A_207 = tpu.sem_alloc : memref<!tpu.dma_semaphore, #tpu.memory_space<semaphore_mem>>
      %dma_start3A_208 = arith.constant 0 : i32
      %dma_start3A_209 = arith.constant 0 : i32
      %dma_start3A_210 = tpu.memref_slice %arg10[%run_scoped3A_7, %dma_start3A_208, %dma_start3A_209] : memref<2x128x128xf32, #tpu.memory_space<vmem>> -> memref<1x128x128xf32, #tpu.memory_space<vmem>>
      %dma_start3A_211 = tpu.memref_squeeze %dma_start3A_210 : memref<1x128x128xf32, #tpu.memory_space<vmem>> -> memref<128x128xf32, #tpu.memory_space<vmem>>
      %dma_start3A_212 = arith.constant 0 : i32
      %dma_start3A_213 = tpu.memref_slice %arg7[%add3A_6, %dma_start3A_212] : memref<10240x128xf32, #tpu.memory_space<vmem_shared>> -> memref<128x128xf32, #tpu.memory_space<vmem_shared>>
      %dma_start3A_214 = arith.constant 0 : i32
      %dma_start3A_215 = tpu.memref_slice %arg7[%add3A_6, %dma_start3A_214] : memref<10240x128xf32, #tpu.memory_space<vmem_shared>> -> memref<128x128xf32, #tpu.memory_space<vmem_shared>>
      %dma_start3A_216 = arith.constant 0 : i32
      %dma_start3A_217 = arith.constant 0 : i32
      %dma_start3A_218 = tpu.memref_slice %arg10[%run_scoped3A_7, %dma_start3A_216, %dma_start3A_217] : memref<2x128x128xf32, #tpu.memory_space<vmem>> -> memref<1x128x128xf32, #tpu.memory_space<vmem>>
      %dma_start3A_219 = tpu.memref_squeeze %dma_start3A_218 : memref<1x128x128xf32, #tpu.memory_space<vmem>> -> memref<128x128xf32, #tpu.memory_space<vmem>>
      tpu.enqueue_dma source(%dma_start3A_219 : memref<128x128xf32, #tpu.memory_space<vmem>>) target(%dma_start3A_215 : memref<128x128xf32, #tpu.memory_space<vmem_shared>>) target_semaphore(%run_scoped3A_207 : memref<!tpu.dma_semaphore, #tpu.memory_space<semaphore_mem>>)
      %dma_wait3A_220 = arith.constant 0 : i32
      %dma_wait3A_221 = arith.constant 0 : i32
      %dma_wait3A_222 = tpu.memref_slice %arg10[%run_scoped3A_7, %dma_wait3A_220, %dma_wait3A_221] : memref<2x128x128xf32, #tpu.memory_space<vmem>> -> memref<1x128x128xf32, #tpu.memory_space<vmem>>
      %dma_wait3A_223 = tpu.memref_squeeze %dma_wait3A_222 : memref<1x128x128xf32, #tpu.memory_space<vmem>> -> memref<128x128xf32, #tpu.memory_space<vmem>>
      %dma_wait3A_224 = arith.constant 0 : i32
      %dma_wait3A_225 = tpu.memref_slice %arg7[%add3A_6, %dma_wait3A_224] : memref<10240x128xf32, #tpu.memory_space<vmem_shared>> -> memref<128x128xf32, #tpu.memory_space<vmem_shared>>
      %dma_wait3A_226 = arith.constant 0 : i32
      %dma_wait3A_227 = tpu.memref_slice %arg7[%add3A_6, %dma_wait3A_226] : memref<10240x128xf32, #tpu.memory_space<vmem_shared>> -> memref<128x128xf32, #tpu.memory_space<vmem_shared>>
      %dma_wait3A_228 = arith.constant 0 : i32
      %dma_wait3A_229 = arith.constant 0 : i32
      %dma_wait3A_230 = tpu.memref_slice %arg10[%run_scoped3A_7, %dma_wait3A_228, %dma_wait3A_229] : memref<2x128x128xf32, #tpu.memory_space<vmem>> -> memref<1x128x128xf32, #tpu.memory_space<vmem>>
      %dma_wait3A_231 = tpu.memref_squeeze %dma_wait3A_230 : memref<1x128x128xf32, #tpu.memory_space<vmem>> -> memref<128x128xf32, #tpu.memory_space<vmem>>
      tpu.wait_dma2 semaphore(%run_scoped3A_207 : memref<!tpu.dma_semaphore, #tpu.memory_space<semaphore_mem>>) src(%dma_wait3A_231 : memref<128x128xf32, #tpu.memory_space<vmem>>) dst(%dma_wait3A_227 : memref<128x128xf32, #tpu.memory_space<vmem_shared>>)
      tpu.yield
    }) : () -> ()
    %add3A_8 = arith.constant 128 : i32
    %add3A_9 = arith.addi %mul3A_0, %add3A_8 : i32
    %run_scoped3A_10 = arith.constant 0 : i32
    "tpu.region"() ({
      %run_scoped3A_207 = tpu.sem_alloc : memref<!tpu.dma_semaphore, #tpu.memory_space<semaphore_mem>>
      %dma_start3A_208 = arith.constant 0 : i32
      %dma_start3A_209 = arith.constant 0 : i32
      %dma_start3A_210 = tpu.memref_slice %arg10[%run_scoped3A_10, %dma_start3A_208, %dma_start3A_209] : memref<2x128x128xf32, #tpu.memory_space<vmem>> -> memref<1x128x128xf32, #tpu.memory_space<vmem>>
      %dma_start3A_211 = tpu.memref_squeeze %dma_start3A_210 : memref<1x128x128xf32, #tpu.memory_space<vmem>> -> memref<128x128xf32, #tpu.memory_space<vmem>>
      %dma_start3A_212 = arith.constant 0 : i32
      %dma_start3A_213 = tpu.memref_slice %arg7[%add3A_9, %dma_start3A_212] : memref<10240x128xf32, #tpu.memory_space<vmem_shared>> -> memref<128x128xf32, #tpu.memory_space<vmem_shared>>
      %dma_start3A_214 = arith.constant 0 : i32
      %dma_start3A_215 = tpu.memref_slice %arg7[%add3A_9, %dma_start3A_214] : memref<10240x128xf32, #tpu.memory_space<vmem_shared>> -> memref<128x128xf32, #tpu.memory_space<vmem_shared>>
      %dma_start3A_216 = arith.constant 0 : i32
      %dma_start3A_217 = arith.constant 0 : i32
      %dma_start3A_218 = tpu.memref_slice %arg10[%run_scoped3A_10, %dma_start3A_216, %dma_start3A_217] : memref<2x128x128xf32, #tpu.memory_space<vmem>> -> memref<1x128x128xf32, #tpu.memory_space<vmem>>
      %dma_start3A_219 = tpu.memref_squeeze %dma_start3A_218 : memref<1x128x128xf32, #tpu.memory_space<vmem>> -> memref<128x128xf32, #tpu.memory_space<vmem>>
      tpu.enqueue_dma source(%dma_start3A_219 : memref<128x128xf32, #tpu.memory_space<vmem>>) target(%dma_start3A_215 : memref<128x128xf32, #tpu.memory_space<vmem_shared>>) target_semaphore(%run_scoped3A_207 : memref<!tpu.dma_semaphore, #tpu.memory_space<semaphore_mem>>)
      %dma_wait3A_220 = arith.constant 0 : i32
      %dma_wait3A_221 = arith.constant 0 : i32
      %dma_wait3A_222 = tpu.memref_slice %arg10[%run_scoped3A_10, %dma_wait3A_220, %dma_wait3A_221] : memref<2x128x128xf32, #tpu.memory_space<vmem>> -> memref<1x128x128xf32, #tpu.memory_space<vmem>>
      %dma_wait3A_223 = tpu.memref_squeeze %dma_wait3A_222 : memref<1x128x128xf32, #tpu.memory_space<vmem>> -> memref<128x128xf32, #tpu.memory_space<vmem>>
      %dma_wait3A_224 = arith.constant 0 : i32
      %dma_wait3A_225 = tpu.memref_slice %arg7[%add3A_9, %dma_wait3A_224] : memref<10240x128xf32, #tpu.memory_space<vmem_shared>> -> memref<128x128xf32, #tpu.memory_space<vmem_shared>>
      %dma_wait3A_226 = arith.constant 0 : i32
      %dma_wait3A_227 = tpu.memref_slice %arg7[%add3A_9, %dma_wait3A_226] : memref<10240x128xf32, #tpu.memory_space<vmem_shared>> -> memref<128x128xf32, #tpu.memory_space<vmem_shared>>
      %dma_wait3A_228 = arith.constant 0 : i32
      %dma_wait3A_229 = arith.constant 0 : i32
      %dma_wait3A_230 = tpu.memref_slice %arg10[%run_scoped3A_10, %dma_wait3A_228, %dma_wait3A_229] : memref<2x128x128xf32, #tpu.memory_space<vmem>> -> memref<1x128x128xf32, #tpu.memory_space<vmem>>
      %dma_wait3A_231 = tpu.memref_squeeze %dma_wait3A_230 : memref<1x128x128xf32, #tpu.memory_space<vmem>> -> memref<128x128xf32, #tpu.memory_space<vmem>>
      tpu.wait_dma2 semaphore(%run_scoped3A_207 : memref<!tpu.dma_semaphore, #tpu.memory_space<semaphore_mem>>) src(%dma_wait3A_231 : memref<128x128xf32, #tpu.memory_space<vmem>>) dst(%dma_wait3A_227 : memref<128x128xf32, #tpu.memory_space<vmem_shared>>)
      tpu.yield
    }) : () -> ()
    %add3A_11 = arith.constant 256 : i32
    %add3A_12 = arith.addi %mul3A_0, %add3A_11 : i32
    %run_scoped3A_13 = arith.constant 0 : i32
    "tpu.region"() ({
      %run_scoped3A_207 = tpu.sem_alloc : memref<!tpu.dma_semaphore, #tpu.memory_space<semaphore_mem>>
      %dma_start3A_208 = arith.constant 0 : i32
      %dma_start3A_209 = arith.constant 0 : i32
      %dma_start3A_210 = tpu.memref_slice %arg10[%run_scoped3A_13, %dma_start3A_208, %dma_start3A_209] : memref<2x128x128xf32, #tpu.memory_space<vmem>> -> memref<1x128x128xf32, #tpu.memory_space<vmem>>
      %dma_start3A_211 = tpu.memref_squeeze %dma_start3A_210 : memref<1x128x128xf32, #tpu.memory_space<vmem>> -> memref<128x128xf32, #tpu.memory_space<vmem>>
      %dma_start3A_212 = arith.constant 0 : i32
      %dma_start3A_213 = tpu.memref_slice %arg7[%add3A_12, %dma_start3A_212] : memref<10240x128xf32, #tpu.memory_space<vmem_shared>> -> memref<128x128xf32, #tpu.memory_space<vmem_shared>>
      %dma_start3A_214 = arith.constant 0 : i32
      %dma_start3A_215 = tpu.memref_slice %arg7[%add3A_12, %dma_start3A_214] : memref<10240x128xf32, #tpu.memory_space<vmem_shared>> -> memref<128x128xf32, #tpu.memory_space<vmem_shared>>
      %dma_start3A_216 = arith.constant 0 : i32
      %dma_start3A_217 = arith.constant 0 : i32
      %dma_start3A_218 = tpu.memref_slice %arg10[%run_scoped3A_13, %dma_start3A_216, %dma_start3A_217] : memref<2x128x128xf32, #tpu.memory_space<vmem>> -> memref<1x128x128xf32, #tpu.memory_space<vmem>>
      %dma_start3A_219 = tpu.memref_squeeze %dma_start3A_218 : memref<1x128x128xf32, #tpu.memory_space<vmem>> -> memref<128x128xf32, #tpu.memory_space<vmem>>
      tpu.enqueue_dma source(%dma_start3A_219 : memref<128x128xf32, #tpu.memory_space<vmem>>) target(%dma_start3A_215 : memref<128x128xf32, #tpu.memory_space<vmem_shared>>) target_semaphore(%run_scoped3A_207 : memref<!tpu.dma_semaphore, #tpu.memory_space<semaphore_mem>>)
      %dma_wait3A_220 = arith.constant 0 : i32
      %dma_wait3A_221 = arith.constant 0 : i32
      %dma_wait3A_222 = tpu.memref_slice %arg10[%run_scoped3A_13, %dma_wait3A_220, %dma_wait3A_221] : memref<2x128x128xf32, #tpu.memory_space<vmem>> -> memref<1x128x128xf32, #tpu.memory_space<vmem>>
      %dma_wait3A_223 = tpu.memref_squeeze %dma_wait3A_222 : memref<1x128x128xf32, #tpu.memory_space<vmem>> -> memref<128x128xf32, #tpu.memory_space<vmem>>
      %dma_wait3A_224 = arith.constant 0 : i32
      %dma_wait3A_225 = tpu.memref_slice %arg7[%add3A_12, %dma_wait3A_224] : memref<10240x128xf32, #tpu.memory_space<vmem_shared>> -> memref<128x128xf32, #tpu.memory_space<vmem_shared>>
      %dma_wait3A_226 = arith.constant 0 : i32
      %dma_wait3A_227 = tpu.memref_slice %arg7[%add3A_12, %dma_wait3A_226] : memref<10240x128xf32, #tpu.memory_space<vmem_shared>> -> memref<128x128xf32, #tpu.memory_space<vmem_shared>>
      %dma_wait3A_228 = arith.constant 0 : i32
      %dma_wait3A_229 = arith.constant 0 : i32
      %dma_wait3A_230 = tpu.memref_slice %arg10[%run_scoped3A_13, %dma_wait3A_228, %dma_wait3A_229] : memref<2x128x128xf32, #tpu.memory_space<vmem>> -> memref<1x128x128xf32, #tpu.memory_space<vmem>>
      %dma_wait3A_231 = tpu.memref_squeeze %dma_wait3A_230 : memref<1x128x128xf32, #tpu.memory_space<vmem>> -> memref<128x128xf32, #tpu.memory_space<vmem>>
      tpu.wait_dma2 semaphore(%run_scoped3A_207 : memref<!tpu.dma_semaphore, #tpu.memory_space<semaphore_mem>>) src(%dma_wait3A_231 : memref<128x128xf32, #tpu.memory_space<vmem>>) dst(%dma_wait3A_227 : memref<128x128xf32, #tpu.memory_space<vmem_shared>>)
      tpu.yield
    }) : () -> ()
    %add3A_14 = arith.constant 384 : i32
    %add3A_15 = arith.addi %mul3A_0, %add3A_14 : i32
    %run_scoped3A_16 = arith.constant 0 : i32
    "tpu.region"() ({
      %run_scoped3A_207 = tpu.sem_alloc : memref<!tpu.dma_semaphore, #tpu.memory_space<semaphore_mem>>
      %dma_start3A_208 = arith.constant 0 : i32
      %dma_start3A_209 = arith.constant 0 : i32
      %dma_start3A_210 = tpu.memref_slice %arg10[%run_scoped3A_16, %dma_start3A_208, %dma_start3A_209] : memref<2x128x128xf32, #tpu.memory_space<vmem>> -> memref<1x128x128xf32, #tpu.memory_space<vmem>>
      %dma_start3A_211 = tpu.memref_squeeze %dma_start3A_210 : memref<1x128x128xf32, #tpu.memory_space<vmem>> -> memref<128x128xf32, #tpu.memory_space<vmem>>
      %dma_start3A_212 = arith.constant 0 : i32
      %dma_start3A_213 = tpu.memref_slice %arg7[%add3A_15, %dma_start3A_212] : memref<10240x128xf32, #tpu.memory_space<vmem_shared>> -> memref<128x128xf32, #tpu.memory_space<vmem_shared>>
      %dma_start3A_214 = arith.constant 0 : i32
      %dma_start3A_215 = tpu.memref_slice %arg7[%add3A_15, %dma_start3A_214] : memref<10240x128xf32, #tpu.memory_space<vmem_shared>> -> memref<128x128xf32, #tpu.memory_space<vmem_shared>>
      %dma_start3A_216 = arith.constant 0 : i32
      %dma_start3A_217 = arith.constant 0 : i32
      %dma_start3A_218 = tpu.memref_slice %arg10[%run_scoped3A_16, %dma_start3A_216, %dma_start3A_217] : memref<2x128x128xf32, #tpu.memory_space<vmem>> -> memref<1x128x128xf32, #tpu.memory_space<vmem>>
      %dma_start3A_219 = tpu.memref_squeeze %dma_start3A_218 : memref<1x128x128xf32, #tpu.memory_space<vmem>> -> memref<128x128xf32, #tpu.memory_space<vmem>>
      tpu.enqueue_dma source(%dma_start3A_219 : memref<128x128xf32, #tpu.memory_space<vmem>>) target(%dma_start3A_215 : memref<128x128xf32, #tpu.memory_space<vmem_shared>>) target_semaphore(%run_scoped3A_207 : memref<!tpu.dma_semaphore, #tpu.memory_space<semaphore_mem>>)
      %dma_wait3A_220 = arith.constant 0 : i32
      %dma_wait3A_221 = arith.constant 0 : i32
      %dma_wait3A_222 = tpu.memref_slice %arg10[%run_scoped3A_16, %dma_wait3A_220, %dma_wait3A_221] : memref<2x128x128xf32, #tpu.memory_space<vmem>> -> memref<1x128x128xf32, #tpu.memory_space<vmem>>
      %dma_wait3A_223 = tpu.memref_squeeze %dma_wait3A_222 : memref<1x128x128xf32, #tpu.memory_space<vmem>> -> memref<128x128xf32, #tpu.memory_space<vmem>>
      %dma_wait3A_224 = arith.constant 0 : i32
      %dma_wait3A_225 = tpu.memref_slice %arg7[%add3A_15, %dma_wait3A_224] : memref<10240x128xf32, #tpu.memory_space<vmem_shared>> -> memref<128x128xf32, #tpu.memory_space<vmem_shared>>
      %dma_wait3A_226 = arith.constant 0 : i32
      %dma_wait3A_227 = tpu.memref_slice %arg7[%add3A_15, %dma_wait3A_226] : memref<10240x128xf32, #tpu.memory_space<vmem_shared>> -> memref<128x128xf32, #tpu.memory_space<vmem_shared>>
      %dma_wait3A_228 = arith.constant 0 : i32
      %dma_wait3A_229 = arith.constant 0 : i32
      %dma_wait3A_230 = tpu.memref_slice %arg10[%run_scoped3A_16, %dma_wait3A_228, %dma_wait3A_229] : memref<2x128x128xf32, #tpu.memory_space<vmem>> -> memref<1x128x128xf32, #tpu.memory_space<vmem>>
      %dma_wait3A_231 = tpu.memref_squeeze %dma_wait3A_230 : memref<1x128x128xf32, #tpu.memory_space<vmem>> -> memref<128x128xf32, #tpu.memory_space<vmem>>
      tpu.wait_dma2 semaphore(%run_scoped3A_207 : memref<!tpu.dma_semaphore, #tpu.memory_space<semaphore_mem>>) src(%dma_wait3A_231 : memref<128x128xf32, #tpu.memory_space<vmem>>) dst(%dma_wait3A_227 : memref<128x128xf32, #tpu.memory_space<vmem_shared>>)
      tpu.yield
    }) : () -> ()
    %add3A_17 = arith.constant 512 : i32
    %add3A_18 = arith.addi %mul3A_0, %add3A_17 : i32
    %run_scoped3A_19 = arith.constant 0 : i32
    "tpu.region"() ({
      %run_scoped3A_207 = tpu.sem_alloc : memref<!tpu.dma_semaphore, #tpu.memory_space<semaphore_mem>>
      %dma_start3A_208 = arith.constant 0 : i32
      %dma_start3A_209 = arith.constant 0 : i32
      %dma_start3A_210 = tpu.memref_slice %arg10[%run_scoped3A_19, %dma_start3A_208, %dma_start3A_209] : memref<2x128x128xf32, #tpu.memory_space<vmem>> -> memref<1x128x128xf32, #tpu.memory_space<vmem>>
      %dma_start3A_211 = tpu.memref_squeeze %dma_start3A_210 : memref<1x128x128xf32, #tpu.memory_space<vmem>> -> memref<128x128xf32, #tpu.memory_space<vmem>>
      %dma_start3A_212 = arith.constant 0 : i32
      %dma_start3A_213 = tpu.memref_slice %arg7[%add3A_18, %dma_start3A_212] : memref<10240x128xf32, #tpu.memory_space<vmem_shared>> -> memref<128x128xf32, #tpu.memory_space<vmem_shared>>
      %dma_start3A_214 = arith.constant 0 : i32
      %dma_start3A_215 = tpu.memref_slice %arg7[%add3A_18, %dma_start3A_214] : memref<10240x128xf32, #tpu.memory_space<vmem_shared>> -> memref<128x128xf32, #tpu.memory_space<vmem_shared>>
      %dma_start3A_216 = arith.constant 0 : i32
      %dma_start3A_217 = arith.constant 0 : i32
      %dma_start3A_218 = tpu.memref_slice %arg10[%run_scoped3A_19, %dma_start3A_216, %dma_start3A_217] : memref<2x128x128xf32, #tpu.memory_space<vmem>> -> memref<1x128x128xf32, #tpu.memory_space<vmem>>
      %dma_start3A_219 = tpu.memref_squeeze %dma_start3A_218 : memref<1x128x128xf32, #tpu.memory_space<vmem>> -> memref<128x128xf32, #tpu.memory_space<vmem>>
      tpu.enqueue_dma source(%dma_start3A_219 : memref<128x128xf32, #tpu.memory_space<vmem>>) target(%dma_start3A_215 : memref<128x128xf32, #tpu.memory_space<vmem_shared>>) target_semaphore(%run_scoped3A_207 : memref<!tpu.dma_semaphore, #tpu.memory_space<semaphore_mem>>)
      %dma_wait3A_220 = arith.constant 0 : i32
      %dma_wait3A_221 = arith.constant 0 : i32
      %dma_wait3A_222 = tpu.memref_slice %arg10[%run_scoped3A_19, %dma_wait3A_220, %dma_wait3A_221] : memref<2x128x128xf32, #tpu.memory_space<vmem>> -> memref<1x128x128xf32, #tpu.memory_space<vmem>>
      %dma_wait3A_223 = tpu.memref_squeeze %dma_wait3A_222 : memref<1x128x128xf32, #tpu.memory_space<vmem>> -> memref<128x128xf32, #tpu.memory_space<vmem>>
      %dma_wait3A_224 = arith.constant 0 : i32
      %dma_wait3A_225 = tpu.memref_slice %arg7[%add3A_18, %dma_wait3A_224] : memref<10240x128xf32, #tpu.memory_space<vmem_shared>> -> memref<128x128xf32, #tpu.memory_space<vmem_shared>>
      %dma_wait3A_226 = arith.constant 0 : i32
      %dma_wait3A_227 = tpu.memref_slice %arg7[%add3A_18, %dma_wait3A_226] : memref<10240x128xf32, #tpu.memory_space<vmem_shared>> -> memref<128x128xf32, #tpu.memory_space<vmem_shared>>
      %dma_wait3A_228 = arith.constant 0 : i32
      %dma_wait3A_229 = arith.constant 0 : i32
      %dma_wait3A_230 = tpu.memref_slice %arg10[%run_scoped3A_19, %dma_wait3A_228, %dma_wait3A_229] : memref<2x128x128xf32, #tpu.memory_space<vmem>> -> memref<1x128x128xf32, #tpu.memory_space<vmem>>
      %dma_wait3A_231 = tpu.memref_squeeze %dma_wait3A_230 : memref<1x128x128xf32, #tpu.memory_space<vmem>> -> memref<128x128xf32, #tpu.memory_space<vmem>>
      tpu.wait_dma2 semaphore(%run_scoped3A_207 : memref<!tpu.dma_semaphore, #tpu.memory_space<semaphore_mem>>) src(%dma_wait3A_231 : memref<128x128xf32, #tpu.memory_space<vmem>>) dst(%dma_wait3A_227 : memref<128x128xf32, #tpu.memory_space<vmem_shared>>)
      tpu.yield
    }) : () -> ()
    %barrier3A = arith.constant 0 : index
    tpu.barrier barrier_id(%barrier3A)
    %add3A_20 = arith.constant 0 : i32
    %add3A_21 = arith.addi %mul3A_4, %add3A_20 : i32
    %dma_start3A = arith.constant 0 : i32
    %dma_start3A_22 = arith.constant 0 : i32
    %dma_start3A_23 = arith.constant 0 : i32
    %dma_start3A_24 = tpu.memref_slice %arg8[%dma_start3A, %dma_start3A_23] : memref<4x128xi32, #tpu.memory_space<vmem>> -> memref<1x128xi32, #tpu.memory_space<vmem>>
    %dma_start3A_25 = tpu.memref_squeeze %dma_start3A_24 : memref<1x128xi32, #tpu.memory_space<vmem>> -> memref<128xi32, #tpu.memory_space<vmem>>
    %dma_start3A_26 = arith.constant 0 : i32
    %dma_start3A_27 = tpu.memref_slice %arg3[%add3A_21, %dma_start3A_26] : memref<2560x128xi32, #tpu.memory_space<hbm>> -> memref<1x128xi32, #tpu.memory_space<hbm>>
    %dma_start3A_28 = tpu.memref_squeeze %dma_start3A_27 : memref<1x128xi32, #tpu.memory_space<hbm>> -> memref<128xi32, #tpu.memory_space<hbm>>
    %dma_start3A_29 = tpu.memref_slice %arg11[%dma_start3A_22] : memref<4x!tpu.dma_semaphore, #tpu.memory_space<semaphore_mem>> -> memref<1x!tpu.dma_semaphore, #tpu.memory_space<semaphore_mem>>
    %dma_start3A_30 = tpu.memref_squeeze %dma_start3A_29 : memref<1x!tpu.dma_semaphore, #tpu.memory_space<semaphore_mem>> -> memref<!tpu.dma_semaphore, #tpu.memory_space<semaphore_mem>>
    %dma_start3A_31 = arith.constant 0 : i32
    %dma_start3A_32 = tpu.memref_slice %arg8[%dma_start3A, %dma_start3A_31] : memref<4x128xi32, #tpu.memory_space<vmem>> -> memref<1x128xi32, #tpu.memory_space<vmem>>
    %dma_start3A_33 = tpu.memref_squeeze %dma_start3A_32 : memref<1x128xi32, #tpu.memory_space<vmem>> -> memref<128xi32, #tpu.memory_space<vmem>>
    %dma_start3A_34 = arith.constant 0 : i32
    %dma_start3A_35 = tpu.memref_slice %arg3[%add3A_21, %dma_start3A_34] : memref<2560x128xi32, #tpu.memory_space<hbm>> -> memref<1x128xi32, #tpu.memory_space<hbm>>
    %dma_start3A_36 = tpu.memref_squeeze %dma_start3A_35 : memref<1x128xi32, #tpu.memory_space<hbm>> -> memref<128xi32, #tpu.memory_space<hbm>>
    tpu.enqueue_dma source(%dma_start3A_36 : memref<128xi32, #tpu.memory_space<hbm>>) target(%dma_start3A_33 : memref<128xi32, #tpu.memory_space<vmem>>) target_semaphore(%dma_start3A_30 : memref<!tpu.dma_semaphore, #tpu.memory_space<semaphore_mem>>)
    %add3A_37 = arith.constant 0 : i32
    %add3A_38 = arith.addi %mul3A_4, %add3A_37 : i32
    %dma_start3A_39 = arith.constant 0 : i32
    %dma_start3A_40 = arith.constant 0 : i32
    %dma_start3A_41 = arith.constant 0 : i32
    %dma_start3A_42 = tpu.memref_slice %arg9[%dma_start3A_39, %dma_start3A_41] : memref<4x128xi32, #tpu.memory_space<vmem>> -> memref<1x128xi32, #tpu.memory_space<vmem>>
    %dma_start3A_43 = tpu.memref_squeeze %dma_start3A_42 : memref<1x128xi32, #tpu.memory_space<vmem>> -> memref<128xi32, #tpu.memory_space<vmem>>
    %dma_start3A_44 = arith.constant 0 : i32
    %dma_start3A_45 = tpu.memref_slice %arg4[%add3A_38, %dma_start3A_44] : memref<2560x128xi32, #tpu.memory_space<hbm>> -> memref<1x128xi32, #tpu.memory_space<hbm>>
    %dma_start3A_46 = tpu.memref_squeeze %dma_start3A_45 : memref<1x128xi32, #tpu.memory_space<hbm>> -> memref<128xi32, #tpu.memory_space<hbm>>
    %dma_start3A_47 = tpu.memref_slice %arg11[%dma_start3A_40] : memref<4x!tpu.dma_semaphore, #tpu.memory_space<semaphore_mem>> -> memref<1x!tpu.dma_semaphore, #tpu.memory_space<semaphore_mem>>
    %dma_start3A_48 = tpu.memref_squeeze %dma_start3A_47 : memref<1x!tpu.dma_semaphore, #tpu.memory_space<semaphore_mem>> -> memref<!tpu.dma_semaphore, #tpu.memory_space<semaphore_mem>>
    %dma_start3A_49 = arith.constant 0 : i32
    %dma_start3A_50 = tpu.memref_slice %arg9[%dma_start3A_39, %dma_start3A_49] : memref<4x128xi32, #tpu.memory_space<vmem>> -> memref<1x128xi32, #tpu.memory_space<vmem>>
    %dma_start3A_51 = tpu.memref_squeeze %dma_start3A_50 : memref<1x128xi32, #tpu.memory_space<vmem>> -> memref<128xi32, #tpu.memory_space<vmem>>
    %dma_start3A_52 = arith.constant 0 : i32
    %dma_start3A_53 = tpu.memref_slice %arg4[%add3A_38, %dma_start3A_52] : memref<2560x128xi32, #tpu.memory_space<hbm>> -> memref<1x128xi32, #tpu.memory_space<hbm>>
    %dma_start3A_54 = tpu.memref_squeeze %dma_start3A_53 : memref<1x128xi32, #tpu.memory_space<hbm>> -> memref<128xi32, #tpu.memory_space<hbm>>
    tpu.enqueue_dma source(%dma_start3A_54 : memref<128xi32, #tpu.memory_space<hbm>>) target(%dma_start3A_51 : memref<128xi32, #tpu.memory_space<vmem>>) target_semaphore(%dma_start3A_48 : memref<!tpu.dma_semaphore, #tpu.memory_space<semaphore_mem>>)
    %add3A_55 = arith.constant 1 : i32
    %add3A_56 = arith.addi %mul3A_4, %add3A_55 : i32
    %dma_start3A_57 = arith.constant 1 : i32
    %dma_start3A_58 = arith.constant 1 : i32
    %dma_start3A_59 = arith.constant 0 : i32
    %dma_start3A_60 = tpu.memref_slice %arg8[%dma_start3A_57, %dma_start3A_59] : memref<4x128xi32, #tpu.memory_space<vmem>> -> memref<1x128xi32, #tpu.memory_space<vmem>>
    %dma_start3A_61 = tpu.memref_squeeze %dma_start3A_60 : memref<1x128xi32, #tpu.memory_space<vmem>> -> memref<128xi32, #tpu.memory_space<vmem>>
    %dma_start3A_62 = arith.constant 0 : i32
    %dma_start3A_63 = tpu.memref_slice %arg3[%add3A_56, %dma_start3A_62] : memref<2560x128xi32, #tpu.memory_space<hbm>> -> memref<1x128xi32, #tpu.memory_space<hbm>>
    %dma_start3A_64 = tpu.memref_squeeze %dma_start3A_63 : memref<1x128xi32, #tpu.memory_space<hbm>> -> memref<128xi32, #tpu.memory_space<hbm>>
    %dma_start3A_65 = tpu.memref_slice %arg11[%dma_start3A_58] : memref<4x!tpu.dma_semaphore, #tpu.memory_space<semaphore_mem>> -> memref<1x!tpu.dma_semaphore, #tpu.memory_space<semaphore_mem>>
    %dma_start3A_66 = tpu.memref_squeeze %dma_start3A_65 : memref<1x!tpu.dma_semaphore, #tpu.memory_space<semaphore_mem>> -> memref<!tpu.dma_semaphore, #tpu.memory_space<semaphore_mem>>
    %dma_start3A_67 = arith.constant 0 : i32
    %dma_start3A_68 = tpu.memref_slice %arg8[%dma_start3A_57, %dma_start3A_67] : memref<4x128xi32, #tpu.memory_space<vmem>> -> memref<1x128xi32, #tpu.memory_space<vmem>>
    %dma_start3A_69 = tpu.memref_squeeze %dma_start3A_68 : memref<1x128xi32, #tpu.memory_space<vmem>> -> memref<128xi32, #tpu.memory_space<vmem>>
    %dma_start3A_70 = arith.constant 0 : i32
    %dma_start3A_71 = tpu.memref_slice %arg3[%add3A_56, %dma_start3A_70] : memref<2560x128xi32, #tpu.memory_space<hbm>> -> memref<1x128xi32, #tpu.memory_space<hbm>>
    %dma_start3A_72 = tpu.memref_squeeze %dma_start3A_71 : memref<1x128xi32, #tpu.memory_space<hbm>> -> memref<128xi32, #tpu.memory_space<hbm>>
    tpu.enqueue_dma source(%dma_start3A_72 : memref<128xi32, #tpu.memory_space<hbm>>) target(%dma_start3A_69 : memref<128xi32, #tpu.memory_space<vmem>>) target_semaphore(%dma_start3A_66 : memref<!tpu.dma_semaphore, #tpu.memory_space<semaphore_mem>>)
    %add3A_73 = arith.constant 1 : i32
    %add3A_74 = arith.addi %mul3A_4, %add3A_73 : i32
    %dma_start3A_75 = arith.constant 1 : i32
    %dma_start3A_76 = arith.constant 1 : i32
    %dma_start3A_77 = arith.constant 0 : i32
    %dma_start3A_78 = tpu.memref_slice %arg9[%dma_start3A_75, %dma_start3A_77] : memref<4x128xi32, #tpu.memory_space<vmem>> -> memref<1x128xi32, #tpu.memory_space<vmem>>
    %dma_start3A_79 = tpu.memref_squeeze %dma_start3A_78 : memref<1x128xi32, #tpu.memory_space<vmem>> -> memref<128xi32, #tpu.memory_space<vmem>>
    %dma_start3A_80 = arith.constant 0 : i32
    %dma_start3A_81 = tpu.memref_slice %arg4[%add3A_74, %dma_start3A_80] : memref<2560x128xi32, #tpu.memory_space<hbm>> -> memref<1x128xi32, #tpu.memory_space<hbm>>
    %dma_start3A_82 = tpu.memref_squeeze %dma_start3A_81 : memref<1x128xi32, #tpu.memory_space<hbm>> -> memref<128xi32, #tpu.memory_space<hbm>>
    %dma_start3A_83 = tpu.memref_slice %arg11[%dma_start3A_76] : memref<4x!tpu.dma_semaphore, #tpu.memory_space<semaphore_mem>> -> memref<1x!tpu.dma_semaphore, #tpu.memory_space<semaphore_mem>>
    %dma_start3A_84 = tpu.memref_squeeze %dma_start3A_83 : memref<1x!tpu.dma_semaphore, #tpu.memory_space<semaphore_mem>> -> memref<!tpu.dma_semaphore, #tpu.memory_space<semaphore_mem>>
    %dma_start3A_85 = arith.constant 0 : i32
    %dma_start3A_86 = tpu.memref_slice %arg9[%dma_start3A_75, %dma_start3A_85] : memref<4x128xi32, #tpu.memory_space<vmem>> -> memref<1x128xi32, #tpu.memory_space<vmem>>
    %dma_start3A_87 = tpu.memref_squeeze %dma_start3A_86 : memref<1x128xi32, #tpu.memory_space<vmem>> -> memref<128xi32, #tpu.memory_space<vmem>>
    %dma_start3A_88 = arith.constant 0 : i32
    %dma_start3A_89 = tpu.memref_slice %arg4[%add3A_74, %dma_start3A_88] : memref<2560x128xi32, #tpu.memory_space<hbm>> -> memref<1x128xi32, #tpu.memory_space<hbm>>
    %dma_start3A_90 = tpu.memref_squeeze %dma_start3A_89 : memref<1x128xi32, #tpu.memory_space<hbm>> -> memref<128xi32, #tpu.memory_space<hbm>>
    tpu.enqueue_dma source(%dma_start3A_90 : memref<128xi32, #tpu.memory_space<hbm>>) target(%dma_start3A_87 : memref<128xi32, #tpu.memory_space<vmem>>) target_semaphore(%dma_start3A_84 : memref<!tpu.dma_semaphore, #tpu.memory_space<semaphore_mem>>)
    %add3A_91 = arith.constant 0 : i32
    %add3A_92 = arith.addi %mul3A_4, %add3A_91 : i32
    %dma_wait3A = arith.constant 0 : i32
    %dma_wait3A_93 = arith.constant 0 : i32
    %dma_wait3A_94 = arith.constant 0 : i32
    %dma_wait3A_95 = tpu.memref_slice %arg8[%dma_wait3A, %dma_wait3A_94] : memref<4x128xi32, #tpu.memory_space<vmem>> -> memref<1x128xi32, #tpu.memory_space<vmem>>
    %dma_wait3A_96 = tpu.memref_squeeze %dma_wait3A_95 : memref<1x128xi32, #tpu.memory_space<vmem>> -> memref<128xi32, #tpu.memory_space<vmem>>
    %dma_wait3A_97 = arith.constant 0 : i32
    %dma_wait3A_98 = tpu.memref_slice %arg3[%add3A_92, %dma_wait3A_97] : memref<2560x128xi32, #tpu.memory_space<hbm>> -> memref<1x128xi32, #tpu.memory_space<hbm>>
    %dma_wait3A_99 = tpu.memref_squeeze %dma_wait3A_98 : memref<1x128xi32, #tpu.memory_space<hbm>> -> memref<128xi32, #tpu.memory_space<hbm>>
    %dma_wait3A_100 = tpu.memref_slice %arg11[%dma_wait3A_93] : memref<4x!tpu.dma_semaphore, #tpu.memory_space<semaphore_mem>> -> memref<1x!tpu.dma_semaphore, #tpu.memory_space<semaphore_mem>>
    %dma_wait3A_101 = tpu.memref_squeeze %dma_wait3A_100 : memref<1x!tpu.dma_semaphore, #tpu.memory_space<semaphore_mem>> -> memref<!tpu.dma_semaphore, #tpu.memory_space<semaphore_mem>>
    %dma_wait3A_102 = arith.constant 0 : i32
    %dma_wait3A_103 = tpu.memref_slice %arg8[%dma_wait3A, %dma_wait3A_102] : memref<4x128xi32, #tpu.memory_space<vmem>> -> memref<1x128xi32, #tpu.memory_space<vmem>>
    %dma_wait3A_104 = tpu.memref_squeeze %dma_wait3A_103 : memref<1x128xi32, #tpu.memory_space<vmem>> -> memref<128xi32, #tpu.memory_space<vmem>>
    %dma_wait3A_105 = arith.constant 0 : i32
    %dma_wait3A_106 = tpu.memref_slice %arg3[%add3A_92, %dma_wait3A_105] : memref<2560x128xi32, #tpu.memory_space<hbm>> -> memref<1x128xi32, #tpu.memory_space<hbm>>
    %dma_wait3A_107 = tpu.memref_squeeze %dma_wait3A_106 : memref<1x128xi32, #tpu.memory_space<hbm>> -> memref<128xi32, #tpu.memory_space<hbm>>
    tpu.wait_dma2 semaphore(%dma_wait3A_101 : memref<!tpu.dma_semaphore, #tpu.memory_space<semaphore_mem>>) src(%dma_wait3A_107 : memref<128xi32, #tpu.memory_space<hbm>>) dst(%dma_wait3A_104 : memref<128xi32, #tpu.memory_space<vmem>>)
    %add3A_108 = arith.constant 0 : i32
    %add3A_109 = arith.addi %mul3A_4, %add3A_108 : i32
    %dma_wait3A_110 = arith.constant 0 : i32
    %dma_wait3A_111 = arith.constant 0 : i32
    %dma_wait3A_112 = arith.constant 0 : i32
    %dma_wait3A_113 = tpu.memref_slice %arg9[%dma_wait3A_110, %dma_wait3A_112] : memref<4x128xi32, #tpu.memory_space<vmem>> -> memref<1x128xi32, #tpu.memory_space<vmem>>
    %dma_wait3A_114 = tpu.memref_squeeze %dma_wait3A_113 : memref<1x128xi32, #tpu.memory_space<vmem>> -> memref<128xi32, #tpu.memory_space<vmem>>
    %dma_wait3A_115 = arith.constant 0 : i32
    %dma_wait3A_116 = tpu.memref_slice %arg4[%add3A_109, %dma_wait3A_115] : memref<2560x128xi32, #tpu.memory_space<hbm>> -> memref<1x128xi32, #tpu.memory_space<hbm>>
    %dma_wait3A_117 = tpu.memref_squeeze %dma_wait3A_116 : memref<1x128xi32, #tpu.memory_space<hbm>> -> memref<128xi32, #tpu.memory_space<hbm>>
    %dma_wait3A_118 = tpu.memref_slice %arg11[%dma_wait3A_111] : memref<4x!tpu.dma_semaphore, #tpu.memory_space<semaphore_mem>> -> memref<1x!tpu.dma_semaphore, #tpu.memory_space<semaphore_mem>>
    %dma_wait3A_119 = tpu.memref_squeeze %dma_wait3A_118 : memref<1x!tpu.dma_semaphore, #tpu.memory_space<semaphore_mem>> -> memref<!tpu.dma_semaphore, #tpu.memory_space<semaphore_mem>>
    %dma_wait3A_120 = arith.constant 0 : i32
    %dma_wait3A_121 = tpu.memref_slice %arg9[%dma_wait3A_110, %dma_wait3A_120] : memref<4x128xi32, #tpu.memory_space<vmem>> -> memref<1x128xi32, #tpu.memory_space<vmem>>
    %dma_wait3A_122 = tpu.memref_squeeze %dma_wait3A_121 : memref<1x128xi32, #tpu.memory_space<vmem>> -> memref<128xi32, #tpu.memory_space<vmem>>
    %dma_wait3A_123 = arith.constant 0 : i32
    %dma_wait3A_124 = tpu.memref_slice %arg4[%add3A_109, %dma_wait3A_123] : memref<2560x128xi32, #tpu.memory_space<hbm>> -> memref<1x128xi32, #tpu.memory_space<hbm>>
    %dma_wait3A_125 = tpu.memref_squeeze %dma_wait3A_124 : memref<1x128xi32, #tpu.memory_space<hbm>> -> memref<128xi32, #tpu.memory_space<hbm>>
    tpu.wait_dma2 semaphore(%dma_wait3A_119 : memref<!tpu.dma_semaphore, #tpu.memory_space<semaphore_mem>>) src(%dma_wait3A_125 : memref<128xi32, #tpu.memory_space<hbm>>) dst(%dma_wait3A_122 : memref<128xi32, #tpu.memory_space<vmem>>)
    %dma_start3A_126 = arith.constant 0 : i32
    %dma_start3A_127 = arith.constant 0 : i32
    %dma_start3A_128 = arith.constant 0 : i32
    %dma_start3A_129 = arith.constant 0 : i32
    %dma_start3A_130 = arith.constant 0 : i32
    %dma_start3A_131 = tpu.memref_slice %arg10[%dma_start3A_127, %dma_start3A_129, %dma_start3A_130] : memref<2x128x128xf32, #tpu.memory_space<vmem>> -> memref<1x128x128xf32, #tpu.memory_space<vmem>>
    %dma_start3A_132 = tpu.memref_squeeze %dma_start3A_131 : memref<1x128x128xf32, #tpu.memory_space<vmem>> -> memref<128x128xf32, #tpu.memory_space<vmem>>
    %dma_start3A_133 = arith.constant 0 : i32
    %dma_start3A_134 = tpu.memref_slice %arg8[%dma_start3A_126, %dma_start3A_133] : memref<4x128xi32, #tpu.memory_space<vmem>> -> memref<1x128xi32, #tpu.memory_space<vmem>>
    %dma_start3A_135 = tpu.memref_squeeze %dma_start3A_134 : memref<1x128xi32, #tpu.memory_space<vmem>> -> memref<128xi32, #tpu.memory_space<vmem>>
    %dma_start3A_136 = arith.constant 0 : i32
    %dma_start3A_137 = arith.constant 0 : i32
    %dma_start3A_138 = tpu.memref_slice %arg2[%dma_start3A_136, %dma_start3A_137] : memref<10240x128xf32, #tpu.memory_space<hbm>> -> memref<10240x128xf32, #tpu.memory_space<hbm>>
    %dma_start3A_139 = tpu.memref_slice %arg12[%dma_start3A_128] : memref<2x!tpu.dma_semaphore, #tpu.memory_space<semaphore_mem>> -> memref<1x!tpu.dma_semaphore, #tpu.memory_space<semaphore_mem>>
    %dma_start3A_140 = tpu.memref_squeeze %dma_start3A_139 : memref<1x!tpu.dma_semaphore, #tpu.memory_space<semaphore_mem>> -> memref<!tpu.dma_semaphore, #tpu.memory_space<semaphore_mem>>
    tpu.enqueue_indirect_dma source(%dma_start3A_138 : memref<10240x128xf32, #tpu.memory_space<hbm>>) target(%dma_start3A_132 : memref<128x128xf32, #tpu.memory_space<vmem>>) offsets(%dma_start3A_135 : memref<128xi32, #tpu.memory_space<vmem>>) semaphore(%dma_start3A_140 : memref<!tpu.dma_semaphore, #tpu.memory_space<semaphore_mem>>)
    %scan3A = arith.constant 0 : i32
    %scan3A_141 = arith.constant 0 : i32
    %scan3A_142 = arith.constant 80 : i32
    %scan3A_143 = arith.addi %scan3A_141, %scan3A_142 : i32
    %scan3A_144 = arith.constant 1 : i32
    scf.for %scan3A_207 = %scan3A_141 to %scan3A_143 step %scan3A_144  : i32 {
      %rem3A = arith.constant 2 : i32
      %rem3A_208 = arith.remsi %scan3A_207, %rem3A : i32
      %add3A_209 = arith.constant 1 : i32
      %add3A_210 = arith.addi %scan3A_207, %add3A_209 : i32
      %rem3A_211 = arith.constant 2 : i32
      %rem3A_212 = arith.remsi %add3A_210, %rem3A_211 : i32
      %ge3A = arith.constant 1 : i32
      %ge3A_213 = arith.cmpi sge, %scan3A_207, %ge3A : i32
      %convert_element_type3A = arith.extui %ge3A_213 : i1 to i32
      %cond3A = arith.constant 0 : i32
      %cond3A_214 = arith.cmpi ne, %convert_element_type3A, %cond3A : i32
      scf.if %cond3A_214 {
        %sub3A = arith.constant 1 : i32
        %sub3A_256 = arith.subi %scan3A_207, %sub3A : i32
        %rem3A_257 = arith.constant 4 : i32
        %rem3A_258 = arith.remsi %sub3A_256, %rem3A_257 : i32
        %dma_wait3A_259 = arith.constant 0 : i32
        %dma_wait3A_260 = arith.constant 0 : i32
        %dma_wait3A_261 = tpu.memref_slice %arg10[%rem3A_212, %dma_wait3A_259, %dma_wait3A_260] : memref<2x128x128xf32, #tpu.memory_space<vmem>> -> memref<1x128x128xf32, #tpu.memory_space<vmem>>
        %dma_wait3A_262 = tpu.memref_squeeze %dma_wait3A_261 : memref<1x128x128xf32, #tpu.memory_space<vmem>> -> memref<128x128xf32, #tpu.memory_space<vmem>>
        %dma_wait3A_263 = arith.constant 0 : i32
        %dma_wait3A_264 = tpu.memref_slice %arg9[%rem3A_258, %dma_wait3A_263] : memref<4x128xi32, #tpu.memory_space<vmem>> -> memref<1x128xi32, #tpu.memory_space<vmem>>
        %dma_wait3A_265 = tpu.memref_squeeze %dma_wait3A_264 : memref<1x128xi32, #tpu.memory_space<vmem>> -> memref<128xi32, #tpu.memory_space<vmem>>
        %dma_wait3A_266 = arith.constant 0 : i32
        %dma_wait3A_267 = arith.constant 0 : i32
        %dma_wait3A_268 = tpu.memref_slice %arg7[%dma_wait3A_266, %dma_wait3A_267] : memref<10240x128xf32, #tpu.memory_space<vmem_shared>> -> memref<10240x128xf32, #tpu.memory_space<vmem_shared>>
        %dma_wait3A_269 = tpu.memref_slice %arg13[%rem3A_212] : memref<2x!tpu.dma_semaphore, #tpu.memory_space<semaphore_mem>> -> memref<1x!tpu.dma_semaphore, #tpu.memory_space<semaphore_mem>>
        %dma_wait3A_270 = tpu.memref_squeeze %dma_wait3A_269 : memref<1x!tpu.dma_semaphore, #tpu.memory_space<semaphore_mem>> -> memref<!tpu.dma_semaphore, #tpu.memory_space<semaphore_mem>>
        tpu.wait_indirect_dma semaphore(%dma_wait3A_270 : memref<!tpu.dma_semaphore, #tpu.memory_space<semaphore_mem>>) src(%dma_wait3A_262 : memref<128x128xf32, #tpu.memory_space<vmem>>) dst(%dma_wait3A_268 : memref<10240x128xf32, #tpu.memory_space<vmem_shared>>)
      } else {
      }
      %add3A_215 = arith.constant 2 : i32
      %add3A_216 = arith.addi %scan3A_207, %add3A_215 : i32
      %lt3A = arith.constant 80 : i32
      %lt3A_217 = arith.cmpi slt, %add3A_216, %lt3A : i32
      %convert_element_type3A_218 = arith.extui %lt3A_217 : i1 to i32
      %cond3A_219 = arith.constant 0 : i32
      %cond3A_220 = arith.cmpi ne, %convert_element_type3A_218, %cond3A_219 : i32
      scf.if %cond3A_220 {
        %add3A_256 = arith.constant 2 : i32
        %add3A_257 = arith.addi %scan3A_207, %add3A_256 : i32
        %add3A_258 = arith.constant 2 : i32
        %add3A_259 = arith.addi %scan3A_207, %add3A_258 : i32
        %rem3A_260 = arith.constant 4 : i32
        %rem3A_261 = arith.remsi %add3A_259, %rem3A_260 : i32
        %add3A_262 = arith.addi %mul3A_4, %add3A_257 : i32
        %dma_start3A_263 = arith.constant 0 : i32
        %dma_start3A_264 = tpu.memref_slice %arg8[%rem3A_261, %dma_start3A_263] : memref<4x128xi32, #tpu.memory_space<vmem>> -> memref<1x128xi32, #tpu.memory_space<vmem>>
        %dma_start3A_265 = tpu.memref_squeeze %dma_start3A_264 : memref<1x128xi32, #tpu.memory_space<vmem>> -> memref<128xi32, #tpu.memory_space<vmem>>
        %dma_start3A_266 = arith.constant 0 : i32
        %dma_start3A_267 = tpu.memref_slice %arg3[%add3A_262, %dma_start3A_266] : memref<2560x128xi32, #tpu.memory_space<hbm>> -> memref<1x128xi32, #tpu.memory_space<hbm>>
        %dma_start3A_268 = tpu.memref_squeeze %dma_start3A_267 : memref<1x128xi32, #tpu.memory_space<hbm>> -> memref<128xi32, #tpu.memory_space<hbm>>
        %dma_start3A_269 = tpu.memref_slice %arg11[%rem3A_261] : memref<4x!tpu.dma_semaphore, #tpu.memory_space<semaphore_mem>> -> memref<1x!tpu.dma_semaphore, #tpu.memory_space<semaphore_mem>>
        %dma_start3A_270 = tpu.memref_squeeze %dma_start3A_269 : memref<1x!tpu.dma_semaphore, #tpu.memory_space<semaphore_mem>> -> memref<!tpu.dma_semaphore, #tpu.memory_space<semaphore_mem>>
        %dma_start3A_271 = arith.constant 0 : i32
        %dma_start3A_272 = tpu.memref_slice %arg8[%rem3A_261, %dma_start3A_271] : memref<4x128xi32, #tpu.memory_space<vmem>> -> memref<1x128xi32, #tpu.memory_space<vmem>>
        %dma_start3A_273 = tpu.memref_squeeze %dma_start3A_272 : memref<1x128xi32, #tpu.memory_space<vmem>> -> memref<128xi32, #tpu.memory_space<vmem>>
        %dma_start3A_274 = arith.constant 0 : i32
        %dma_start3A_275 = tpu.memref_slice %arg3[%add3A_262, %dma_start3A_274] : memref<2560x128xi32, #tpu.memory_space<hbm>> -> memref<1x128xi32, #tpu.memory_space<hbm>>
        %dma_start3A_276 = tpu.memref_squeeze %dma_start3A_275 : memref<1x128xi32, #tpu.memory_space<hbm>> -> memref<128xi32, #tpu.memory_space<hbm>>
        tpu.enqueue_dma source(%dma_start3A_276 : memref<128xi32, #tpu.memory_space<hbm>>) target(%dma_start3A_273 : memref<128xi32, #tpu.memory_space<vmem>>) target_semaphore(%dma_start3A_270 : memref<!tpu.dma_semaphore, #tpu.memory_space<semaphore_mem>>)
        %add3A_277 = arith.addi %mul3A_4, %add3A_257 : i32
        %dma_start3A_278 = arith.constant 0 : i32
        %dma_start3A_279 = tpu.memref_slice %arg9[%rem3A_261, %dma_start3A_278] : memref<4x128xi32, #tpu.memory_space<vmem>> -> memref<1x128xi32, #tpu.memory_space<vmem>>
        %dma_start3A_280 = tpu.memref_squeeze %dma_start3A_279 : memref<1x128xi32, #tpu.memory_space<vmem>> -> memref<128xi32, #tpu.memory_space<vmem>>
        %dma_start3A_281 = arith.constant 0 : i32
        %dma_start3A_282 = tpu.memref_slice %arg4[%add3A_277, %dma_start3A_281] : memref<2560x128xi32, #tpu.memory_space<hbm>> -> memref<1x128xi32, #tpu.memory_space<hbm>>
        %dma_start3A_283 = tpu.memref_squeeze %dma_start3A_282 : memref<1x128xi32, #tpu.memory_space<hbm>> -> memref<128xi32, #tpu.memory_space<hbm>>
        %dma_start3A_284 = tpu.memref_slice %arg11[%rem3A_261] : memref<4x!tpu.dma_semaphore, #tpu.memory_space<semaphore_mem>> -> memref<1x!tpu.dma_semaphore, #tpu.memory_space<semaphore_mem>>
        %dma_start3A_285 = tpu.memref_squeeze %dma_start3A_284 : memref<1x!tpu.dma_semaphore, #tpu.memory_space<semaphore_mem>> -> memref<!tpu.dma_semaphore, #tpu.memory_space<semaphore_mem>>
        %dma_start3A_286 = arith.constant 0 : i32
        %dma_start3A_287 = tpu.memref_slice %arg9[%rem3A_261, %dma_start3A_286] : memref<4x128xi32, #tpu.memory_space<vmem>> -> memref<1x128xi32, #tpu.memory_space<vmem>>
        %dma_start3A_288 = tpu.memref_squeeze %dma_start3A_287 : memref<1x128xi32, #tpu.memory_space<vmem>> -> memref<128xi32, #tpu.memory_space<vmem>>
        %dma_start3A_289 = arith.constant 0 : i32
        %dma_start3A_290 = tpu.memref_slice %arg4[%add3A_277, %dma_start3A_289] : memref<2560x128xi32, #tpu.memory_space<hbm>> -> memref<1x128xi32, #tpu.memory_space<hbm>>
        %dma_start3A_291 = tpu.memref_squeeze %dma_start3A_290 : memref<1x128xi32, #tpu.memory_space<hbm>> -> memref<128xi32, #tpu.memory_space<hbm>>
        tpu.enqueue_dma source(%dma_start3A_291 : memref<128xi32, #tpu.memory_space<hbm>>) target(%dma_start3A_288 : memref<128xi32, #tpu.memory_space<vmem>>) target_semaphore(%dma_start3A_285 : memref<!tpu.dma_semaphore, #tpu.memory_space<semaphore_mem>>)
      } else {
      }
      %add3A_221 = arith.constant 1 : i32
      %add3A_222 = arith.addi %scan3A_207, %add3A_221 : i32
      %lt3A_223 = arith.constant 80 : i32
      %lt3A_224 = arith.cmpi slt, %add3A_222, %lt3A_223 : i32
      %convert_element_type3A_225 = arith.extui %lt3A_224 : i1 to i32
      %cond3A_226 = arith.constant 0 : i32
      %cond3A_227 = arith.cmpi ne, %convert_element_type3A_225, %cond3A_226 : i32
      scf.if %cond3A_227 {
        %add3A_256 = arith.constant 1 : i32
        %add3A_257 = arith.addi %scan3A_207, %add3A_256 : i32
        %add3A_258 = arith.constant 1 : i32
        %add3A_259 = arith.addi %scan3A_207, %add3A_258 : i32
        %rem3A_260 = arith.constant 4 : i32
        %rem3A_261 = arith.remsi %add3A_259, %rem3A_260 : i32
        %add3A_262 = arith.addi %mul3A_4, %add3A_257 : i32
        %dma_wait3A_263 = arith.constant 0 : i32
        %dma_wait3A_264 = tpu.memref_slice %arg8[%rem3A_261, %dma_wait3A_263] : memref<4x128xi32, #tpu.memory_space<vmem>> -> memref<1x128xi32, #tpu.memory_space<vmem>>
        %dma_wait3A_265 = tpu.memref_squeeze %dma_wait3A_264 : memref<1x128xi32, #tpu.memory_space<vmem>> -> memref<128xi32, #tpu.memory_space<vmem>>
        %dma_wait3A_266 = arith.constant 0 : i32
        %dma_wait3A_267 = tpu.memref_slice %arg3[%add3A_262, %dma_wait3A_266] : memref<2560x128xi32, #tpu.memory_space<hbm>> -> memref<1x128xi32, #tpu.memory_space<hbm>>
        %dma_wait3A_268 = tpu.memref_squeeze %dma_wait3A_267 : memref<1x128xi32, #tpu.memory_space<hbm>> -> memref<128xi32, #tpu.memory_space<hbm>>
        %dma_wait3A_269 = tpu.memref_slice %arg11[%rem3A_261] : memref<4x!tpu.dma_semaphore, #tpu.memory_space<semaphore_mem>> -> memref<1x!tpu.dma_semaphore, #tpu.memory_space<semaphore_mem>>
        %dma_wait3A_270 = tpu.memref_squeeze %dma_wait3A_269 : memref<1x!tpu.dma_semaphore, #tpu.memory_space<semaphore_mem>> -> memref<!tpu.dma_semaphore, #tpu.memory_space<semaphore_mem>>
        %dma_wait3A_271 = arith.constant 0 : i32
        %dma_wait3A_272 = tpu.memref_slice %arg8[%rem3A_261, %dma_wait3A_271] : memref<4x128xi32, #tpu.memory_space<vmem>> -> memref<1x128xi32, #tpu.memory_space<vmem>>
        %dma_wait3A_273 = tpu.memref_squeeze %dma_wait3A_272 : memref<1x128xi32, #tpu.memory_space<vmem>> -> memref<128xi32, #tpu.memory_space<vmem>>
        %dma_wait3A_274 = arith.constant 0 : i32
        %dma_wait3A_275 = tpu.memref_slice %arg3[%add3A_262, %dma_wait3A_274] : memref<2560x128xi32, #tpu.memory_space<hbm>> -> memref<1x128xi32, #tpu.memory_space<hbm>>
        %dma_wait3A_276 = tpu.memref_squeeze %dma_wait3A_275 : memref<1x128xi32, #tpu.memory_space<hbm>> -> memref<128xi32, #tpu.memory_space<hbm>>
        tpu.wait_dma2 semaphore(%dma_wait3A_270 : memref<!tpu.dma_semaphore, #tpu.memory_space<semaphore_mem>>) src(%dma_wait3A_276 : memref<128xi32, #tpu.memory_space<hbm>>) dst(%dma_wait3A_273 : memref<128xi32, #tpu.memory_space<vmem>>)
        %add3A_277 = arith.addi %mul3A_4, %add3A_257 : i32
        %dma_wait3A_278 = arith.constant 0 : i32
        %dma_wait3A_279 = tpu.memref_slice %arg9[%rem3A_261, %dma_wait3A_278] : memref<4x128xi32, #tpu.memory_space<vmem>> -> memref<1x128xi32, #tpu.memory_space<vmem>>
        %dma_wait3A_280 = tpu.memref_squeeze %dma_wait3A_279 : memref<1x128xi32, #tpu.memory_space<vmem>> -> memref<128xi32, #tpu.memory_space<vmem>>
        %dma_wait3A_281 = arith.constant 0 : i32
        %dma_wait3A_282 = tpu.memref_slice %arg4[%add3A_277, %dma_wait3A_281] : memref<2560x128xi32, #tpu.memory_space<hbm>> -> memref<1x128xi32, #tpu.memory_space<hbm>>
        %dma_wait3A_283 = tpu.memref_squeeze %dma_wait3A_282 : memref<1x128xi32, #tpu.memory_space<hbm>> -> memref<128xi32, #tpu.memory_space<hbm>>
        %dma_wait3A_284 = tpu.memref_slice %arg11[%rem3A_261] : memref<4x!tpu.dma_semaphore, #tpu.memory_space<semaphore_mem>> -> memref<1x!tpu.dma_semaphore, #tpu.memory_space<semaphore_mem>>
        %dma_wait3A_285 = tpu.memref_squeeze %dma_wait3A_284 : memref<1x!tpu.dma_semaphore, #tpu.memory_space<semaphore_mem>> -> memref<!tpu.dma_semaphore, #tpu.memory_space<semaphore_mem>>
        %dma_wait3A_286 = arith.constant 0 : i32
        %dma_wait3A_287 = tpu.memref_slice %arg9[%rem3A_261, %dma_wait3A_286] : memref<4x128xi32, #tpu.memory_space<vmem>> -> memref<1x128xi32, #tpu.memory_space<vmem>>
        %dma_wait3A_288 = tpu.memref_squeeze %dma_wait3A_287 : memref<1x128xi32, #tpu.memory_space<vmem>> -> memref<128xi32, #tpu.memory_space<vmem>>
        %dma_wait3A_289 = arith.constant 0 : i32
        %dma_wait3A_290 = tpu.memref_slice %arg4[%add3A_277, %dma_wait3A_289] : memref<2560x128xi32, #tpu.memory_space<hbm>> -> memref<1x128xi32, #tpu.memory_space<hbm>>
        %dma_wait3A_291 = tpu.memref_squeeze %dma_wait3A_290 : memref<1x128xi32, #tpu.memory_space<hbm>> -> memref<128xi32, #tpu.memory_space<hbm>>
        tpu.wait_dma2 semaphore(%dma_wait3A_285 : memref<!tpu.dma_semaphore, #tpu.memory_space<semaphore_mem>>) src(%dma_wait3A_291 : memref<128xi32, #tpu.memory_space<hbm>>) dst(%dma_wait3A_288 : memref<128xi32, #tpu.memory_space<vmem>>)
        %add3A_292 = arith.constant 1 : i32
        %add3A_293 = arith.addi %scan3A_207, %add3A_292 : i32
        %rem3A_294 = arith.constant 4 : i32
        %rem3A_295 = arith.remsi %add3A_293, %rem3A_294 : i32
        %dma_start3A_296 = arith.constant 0 : i32
        %dma_start3A_297 = arith.constant 0 : i32
        %dma_start3A_298 = tpu.memref_slice %arg10[%rem3A_212, %dma_start3A_296, %dma_start3A_297] : memref<2x128x128xf32, #tpu.memory_space<vmem>> -> memref<1x128x128xf32, #tpu.memory_space<vmem>>
        %dma_start3A_299 = tpu.memref_squeeze %dma_start3A_298 : memref<1x128x128xf32, #tpu.memory_space<vmem>> -> memref<128x128xf32, #tpu.memory_space<vmem>>
        %dma_start3A_300 = arith.constant 0 : i32
        %dma_start3A_301 = tpu.memref_slice %arg8[%rem3A_295, %dma_start3A_300] : memref<4x128xi32, #tpu.memory_space<vmem>> -> memref<1x128xi32, #tpu.memory_space<vmem>>
        %dma_start3A_302 = tpu.memref_squeeze %dma_start3A_301 : memref<1x128xi32, #tpu.memory_space<vmem>> -> memref<128xi32, #tpu.memory_space<vmem>>
        %dma_start3A_303 = arith.constant 0 : i32
        %dma_start3A_304 = arith.constant 0 : i32
        %dma_start3A_305 = tpu.memref_slice %arg2[%dma_start3A_303, %dma_start3A_304] : memref<10240x128xf32, #tpu.memory_space<hbm>> -> memref<10240x128xf32, #tpu.memory_space<hbm>>
        %dma_start3A_306 = tpu.memref_slice %arg12[%rem3A_212] : memref<2x!tpu.dma_semaphore, #tpu.memory_space<semaphore_mem>> -> memref<1x!tpu.dma_semaphore, #tpu.memory_space<semaphore_mem>>
        %dma_start3A_307 = tpu.memref_squeeze %dma_start3A_306 : memref<1x!tpu.dma_semaphore, #tpu.memory_space<semaphore_mem>> -> memref<!tpu.dma_semaphore, #tpu.memory_space<semaphore_mem>>
        tpu.enqueue_indirect_dma source(%dma_start3A_305 : memref<10240x128xf32, #tpu.memory_space<hbm>>) target(%dma_start3A_299 : memref<128x128xf32, #tpu.memory_space<vmem>>) offsets(%dma_start3A_302 : memref<128xi32, #tpu.memory_space<vmem>>) semaphore(%dma_start3A_307 : memref<!tpu.dma_semaphore, #tpu.memory_space<semaphore_mem>>)
      } else {
      }
      %rem3A_228 = arith.constant 4 : i32
      %rem3A_229 = arith.remsi %scan3A_207, %rem3A_228 : i32
      %dma_wait3A_230 = arith.constant 0 : i32
      %dma_wait3A_231 = arith.constant 0 : i32
      %dma_wait3A_232 = tpu.memref_slice %arg10[%rem3A_208, %dma_wait3A_230, %dma_wait3A_231] : memref<2x128x128xf32, #tpu.memory_space<vmem>> -> memref<1x128x128xf32, #tpu.memory_space<vmem>>
      %dma_wait3A_233 = tpu.memref_squeeze %dma_wait3A_232 : memref<1x128x128xf32, #tpu.memory_space<vmem>> -> memref<128x128xf32, #tpu.memory_space<vmem>>
      %dma_wait3A_234 = arith.constant 0 : i32
      %dma_wait3A_235 = tpu.memref_slice %arg8[%rem3A_229, %dma_wait3A_234] : memref<4x128xi32, #tpu.memory_space<vmem>> -> memref<1x128xi32, #tpu.memory_space<vmem>>
      %dma_wait3A_236 = tpu.memref_squeeze %dma_wait3A_235 : memref<1x128xi32, #tpu.memory_space<vmem>> -> memref<128xi32, #tpu.memory_space<vmem>>
      %dma_wait3A_237 = arith.constant 0 : i32
      %dma_wait3A_238 = arith.constant 0 : i32
      %dma_wait3A_239 = tpu.memref_slice %arg2[%dma_wait3A_237, %dma_wait3A_238] : memref<10240x128xf32, #tpu.memory_space<hbm>> -> memref<10240x128xf32, #tpu.memory_space<hbm>>
      %dma_wait3A_240 = tpu.memref_slice %arg12[%rem3A_208] : memref<2x!tpu.dma_semaphore, #tpu.memory_space<semaphore_mem>> -> memref<1x!tpu.dma_semaphore, #tpu.memory_space<semaphore_mem>>
      %dma_wait3A_241 = tpu.memref_squeeze %dma_wait3A_240 : memref<1x!tpu.dma_semaphore, #tpu.memory_space<semaphore_mem>> -> memref<!tpu.dma_semaphore, #tpu.memory_space<semaphore_mem>>
      tpu.wait_indirect_dma semaphore(%dma_wait3A_241 : memref<!tpu.dma_semaphore, #tpu.memory_space<semaphore_mem>>) src(%dma_wait3A_239 : memref<10240x128xf32, #tpu.memory_space<hbm>>) dst(%dma_wait3A_233 : memref<128x128xf32, #tpu.memory_space<vmem>>)
      %rem3A_242 = arith.constant 4 : i32
      %rem3A_243 = arith.remsi %scan3A_207, %rem3A_242 : i32
      %dma_start3A_244 = arith.constant 0 : i32
      %dma_start3A_245 = arith.constant 0 : i32
      %dma_start3A_246 = tpu.memref_slice %arg10[%rem3A_208, %dma_start3A_244, %dma_start3A_245] : memref<2x128x128xf32, #tpu.memory_space<vmem>> -> memref<1x128x128xf32, #tpu.memory_space<vmem>>
      %dma_start3A_247 = tpu.memref_squeeze %dma_start3A_246 : memref<1x128x128xf32, #tpu.memory_space<vmem>> -> memref<128x128xf32, #tpu.memory_space<vmem>>
      %dma_start3A_248 = arith.constant 0 : i32
      %dma_start3A_249 = tpu.memref_slice %arg9[%rem3A_243, %dma_start3A_248] : memref<4x128xi32, #tpu.memory_space<vmem>> -> memref<1x128xi32, #tpu.memory_space<vmem>>
      %dma_start3A_250 = tpu.memref_squeeze %dma_start3A_249 : memref<1x128xi32, #tpu.memory_space<vmem>> -> memref<128xi32, #tpu.memory_space<vmem>>
      %dma_start3A_251 = arith.constant 0 : i32
      %dma_start3A_252 = arith.constant 0 : i32
      %dma_start3A_253 = tpu.memref_slice %arg7[%dma_start3A_251, %dma_start3A_252] : memref<10240x128xf32, #tpu.memory_space<vmem_shared>> -> memref<10240x128xf32, #tpu.memory_space<vmem_shared>>
      %dma_start3A_254 = tpu.memref_slice %arg13[%rem3A_208] : memref<2x!tpu.dma_semaphore, #tpu.memory_space<semaphore_mem>> -> memref<1x!tpu.dma_semaphore, #tpu.memory_space<semaphore_mem>>
      %dma_start3A_255 = tpu.memref_squeeze %dma_start3A_254 : memref<1x!tpu.dma_semaphore, #tpu.memory_space<semaphore_mem>> -> memref<!tpu.dma_semaphore, #tpu.memory_space<semaphore_mem>>
      tpu.enqueue_indirect_dma source(%dma_start3A_247 : memref<128x128xf32, #tpu.memory_space<vmem>>) target(%dma_start3A_253 : memref<10240x128xf32, #tpu.memory_space<vmem_shared>>) offsets(%dma_start3A_250 : memref<128xi32, #tpu.memory_space<vmem>>) semaphore(%dma_start3A_255 : memref<!tpu.dma_semaphore, #tpu.memory_space<semaphore_mem>>) {add = true}
    }
    %scan3A_145 = arith.constant 80 : i32
    %dma_wait3A_146 = arith.constant 1 : i32
    %dma_wait3A_147 = arith.constant 3 : i32
    %dma_wait3A_148 = arith.constant 1 : i32
    %dma_wait3A_149 = arith.constant 0 : i32
    %dma_wait3A_150 = arith.constant 0 : i32
    %dma_wait3A_151 = tpu.memref_slice %arg10[%dma_wait3A_146, %dma_wait3A_149, %dma_wait3A_150] : memref<2x128x128xf32, #tpu.memory_space<vmem>> -> memref<1x128x128xf32, #tpu.memory_space<vmem>>
    %dma_wait3A_152 = tpu.memref_squeeze %dma_wait3A_151 : memref<1x128x128xf32, #tpu.memory_space<vmem>> -> memref<128x128xf32, #tpu.memory_space<vmem>>
    %dma_wait3A_153 = arith.constant 0 : i32
    %dma_wait3A_154 = tpu.memref_slice %arg9[%dma_wait3A_147, %dma_wait3A_153] : memref<4x128xi32, #tpu.memory_space<vmem>> -> memref<1x128xi32, #tpu.memory_space<vmem>>
    %dma_wait3A_155 = tpu.memref_squeeze %dma_wait3A_154 : memref<1x128xi32, #tpu.memory_space<vmem>> -> memref<128xi32, #tpu.memory_space<vmem>>
    %dma_wait3A_156 = arith.constant 0 : i32
    %dma_wait3A_157 = arith.constant 0 : i32
    %dma_wait3A_158 = tpu.memref_slice %arg7[%dma_wait3A_156, %dma_wait3A_157] : memref<10240x128xf32, #tpu.memory_space<vmem_shared>> -> memref<10240x128xf32, #tpu.memory_space<vmem_shared>>
    %dma_wait3A_159 = tpu.memref_slice %arg13[%dma_wait3A_148] : memref<2x!tpu.dma_semaphore, #tpu.memory_space<semaphore_mem>> -> memref<1x!tpu.dma_semaphore, #tpu.memory_space<semaphore_mem>>
    %dma_wait3A_160 = tpu.memref_squeeze %dma_wait3A_159 : memref<1x!tpu.dma_semaphore, #tpu.memory_space<semaphore_mem>> -> memref<!tpu.dma_semaphore, #tpu.memory_space<semaphore_mem>>
    tpu.wait_indirect_dma semaphore(%dma_wait3A_160 : memref<!tpu.dma_semaphore, #tpu.memory_space<semaphore_mem>>) src(%dma_wait3A_152 : memref<128x128xf32, #tpu.memory_space<vmem>>) dst(%dma_wait3A_158 : memref<10240x128xf32, #tpu.memory_space<vmem_shared>>)
    %barrier3A_161 = arith.constant 0 : index
    tpu.barrier barrier_id(%barrier3A_161)
    %add3A_162 = arith.constant 0 : i32
    %add3A_163 = arith.addi %mul3A_0, %add3A_162 : i32
    %run_scoped3A_164 = arith.constant 0 : i32
    "tpu.region"() ({
      %run_scoped3A_207 = tpu.sem_alloc : memref<!tpu.dma_semaphore, #tpu.memory_space<semaphore_mem>>
      %dma_start3A_208 = arith.constant 0 : i32
      %dma_start3A_209 = arith.constant 0 : i32
      %dma_start3A_210 = tpu.memref_slice %arg10[%run_scoped3A_164, %dma_start3A_208, %dma_start3A_209] : memref<2x128x128xf32, #tpu.memory_space<vmem>> -> memref<1x128x128xf32, #tpu.memory_space<vmem>>
      %dma_start3A_211 = tpu.memref_squeeze %dma_start3A_210 : memref<1x128x128xf32, #tpu.memory_space<vmem>> -> memref<128x128xf32, #tpu.memory_space<vmem>>
      %dma_start3A_212 = arith.constant 0 : i32
      %dma_start3A_213 = tpu.memref_slice %arg7[%add3A_163, %dma_start3A_212] : memref<10240x128xf32, #tpu.memory_space<vmem_shared>> -> memref<128x128xf32, #tpu.memory_space<vmem_shared>>
      %dma_start3A_214 = arith.constant 0 : i32
      %dma_start3A_215 = arith.constant 0 : i32
      %dma_start3A_216 = tpu.memref_slice %arg10[%run_scoped3A_164, %dma_start3A_214, %dma_start3A_215] : memref<2x128x128xf32, #tpu.memory_space<vmem>> -> memref<1x128x128xf32, #tpu.memory_space<vmem>>
      %dma_start3A_217 = tpu.memref_squeeze %dma_start3A_216 : memref<1x128x128xf32, #tpu.memory_space<vmem>> -> memref<128x128xf32, #tpu.memory_space<vmem>>
      %dma_start3A_218 = arith.constant 0 : i32
      %dma_start3A_219 = tpu.memref_slice %arg7[%add3A_163, %dma_start3A_218] : memref<10240x128xf32, #tpu.memory_space<vmem_shared>> -> memref<128x128xf32, #tpu.memory_space<vmem_shared>>
      tpu.enqueue_dma source(%dma_start3A_219 : memref<128x128xf32, #tpu.memory_space<vmem_shared>>) target(%dma_start3A_217 : memref<128x128xf32, #tpu.memory_space<vmem>>) target_semaphore(%run_scoped3A_207 : memref<!tpu.dma_semaphore, #tpu.memory_space<semaphore_mem>>)
      %dma_wait3A_220 = arith.constant 0 : i32
      %dma_wait3A_221 = arith.constant 0 : i32
      %dma_wait3A_222 = tpu.memref_slice %arg10[%run_scoped3A_164, %dma_wait3A_220, %dma_wait3A_221] : memref<2x128x128xf32, #tpu.memory_space<vmem>> -> memref<1x128x128xf32, #tpu.memory_space<vmem>>
      %dma_wait3A_223 = tpu.memref_squeeze %dma_wait3A_222 : memref<1x128x128xf32, #tpu.memory_space<vmem>> -> memref<128x128xf32, #tpu.memory_space<vmem>>
      %dma_wait3A_224 = arith.constant 0 : i32
      %dma_wait3A_225 = tpu.memref_slice %arg7[%add3A_163, %dma_wait3A_224] : memref<10240x128xf32, #tpu.memory_space<vmem_shared>> -> memref<128x128xf32, #tpu.memory_space<vmem_shared>>
      %dma_wait3A_226 = arith.constant 0 : i32
      %dma_wait3A_227 = arith.constant 0 : i32
      %dma_wait3A_228 = tpu.memref_slice %arg10[%run_scoped3A_164, %dma_wait3A_226, %dma_wait3A_227] : memref<2x128x128xf32, #tpu.memory_space<vmem>> -> memref<1x128x128xf32, #tpu.memory_space<vmem>>
      %dma_wait3A_229 = tpu.memref_squeeze %dma_wait3A_228 : memref<1x128x128xf32, #tpu.memory_space<vmem>> -> memref<128x128xf32, #tpu.memory_space<vmem>>
      %dma_wait3A_230 = arith.constant 0 : i32
      %dma_wait3A_231 = tpu.memref_slice %arg7[%add3A_163, %dma_wait3A_230] : memref<10240x128xf32, #tpu.memory_space<vmem_shared>> -> memref<128x128xf32, #tpu.memory_space<vmem_shared>>
      tpu.wait_dma2 semaphore(%run_scoped3A_207 : memref<!tpu.dma_semaphore, #tpu.memory_space<semaphore_mem>>) src(%dma_wait3A_231 : memref<128x128xf32, #tpu.memory_space<vmem_shared>>) dst(%dma_wait3A_229 : memref<128x128xf32, #tpu.memory_space<vmem>>)
      tpu.yield
    }) : () -> ()
    %mul3A_165 = arith.constant 10240 : i32
    %mul3A_166 = arith.muli %arg0, %mul3A_165 : i32
    %add3A_167 = arith.addi %mul3A_166, %mul3A_0 : i32
    %add3A_168 = arith.constant 0 : i32
    %add3A_169 = arith.addi %add3A_167, %add3A_168 : i32
    %run_scoped3A_170 = arith.constant 0 : i32
    "tpu.region"() ({
      %run_scoped3A_207 = tpu.sem_alloc : memref<!tpu.dma_semaphore, #tpu.memory_space<semaphore_mem>>
      %dma_start3A_208 = arith.constant 0 : i32
      %dma_start3A_209 = arith.constant 0 : i32
      %dma_start3A_210 = tpu.memref_slice %arg10[%run_scoped3A_170, %dma_start3A_208, %dma_start3A_209] : memref<2x128x128xf32, #tpu.memory_space<vmem>> -> memref<1x128x128xf32, #tpu.memory_space<vmem>>
      %dma_start3A_211 = tpu.memref_squeeze %dma_start3A_210 : memref<1x128x128xf32, #tpu.memory_space<vmem>> -> memref<128x128xf32, #tpu.memory_space<vmem>>
      %dma_start3A_212 = arith.constant 0 : i32
      %dma_start3A_213 = tpu.memref_slice %arg6[%add3A_169, %dma_start3A_212] : memref<20480x128xf32, #tpu.memory_space<hbm>> -> memref<128x128xf32, #tpu.memory_space<hbm>>
      %dma_start3A_214 = arith.constant 0 : i32
      %dma_start3A_215 = tpu.memref_slice %arg6[%add3A_169, %dma_start3A_214] : memref<20480x128xf32, #tpu.memory_space<hbm>> -> memref<128x128xf32, #tpu.memory_space<hbm>>
      %dma_start3A_216 = arith.constant 0 : i32
      %dma_start3A_217 = arith.constant 0 : i32
      %dma_start3A_218 = tpu.memref_slice %arg10[%run_scoped3A_170, %dma_start3A_216, %dma_start3A_217] : memref<2x128x128xf32, #tpu.memory_space<vmem>> -> memref<1x128x128xf32, #tpu.memory_space<vmem>>
      %dma_start3A_219 = tpu.memref_squeeze %dma_start3A_218 : memref<1x128x128xf32, #tpu.memory_space<vmem>> -> memref<128x128xf32, #tpu.memory_space<vmem>>
      tpu.enqueue_dma source(%dma_start3A_219 : memref<128x128xf32, #tpu.memory_space<vmem>>) target(%dma_start3A_215 : memref<128x128xf32, #tpu.memory_space<hbm>>) target_semaphore(%run_scoped3A_207 : memref<!tpu.dma_semaphore, #tpu.memory_space<semaphore_mem>>)
      %dma_wait3A_220 = arith.constant 0 : i32
      %dma_wait3A_221 = arith.constant 0 : i32
      %dma_wait3A_222 = tpu.memref_slice %arg10[%run_scoped3A_170, %dma_wait3A_220, %dma_wait3A_221] : memref<2x128x128xf32, #tpu.memory_space<vmem>> -> memref<1x128x128xf32, #tpu.memory_space<vmem>>
      %dma_wait3A_223 = tpu.memref_squeeze %dma_wait3A_222 : memref<1x128x128xf32, #tpu.memory_space<vmem>> -> memref<128x128xf32, #tpu.memory_space<vmem>>
      %dma_wait3A_224 = arith.constant 0 : i32
      %dma_wait3A_225 = tpu.memref_slice %arg6[%add3A_169, %dma_wait3A_224] : memref<20480x128xf32, #tpu.memory_space<hbm>> -> memref<128x128xf32, #tpu.memory_space<hbm>>
      %dma_wait3A_226 = arith.constant 0 : i32
      %dma_wait3A_227 = tpu.memref_slice %arg6[%add3A_169, %dma_wait3A_226] : memref<20480x128xf32, #tpu.memory_space<hbm>> -> memref<128x128xf32, #tpu.memory_space<hbm>>
      %dma_wait3A_228 = arith.constant 0 : i32
      %dma_wait3A_229 = arith.constant 0 : i32
      %dma_wait3A_230 = tpu.memref_slice %arg10[%run_scoped3A_170, %dma_wait3A_228, %dma_wait3A_229] : memref<2x128x128xf32, #tpu.memory_space<vmem>> -> memref<1x128x128xf32, #tpu.memory_space<vmem>>
      %dma_wait3A_231 = tpu.memref_squeeze %dma_wait3A_230 : memref<1x128x128xf32, #tpu.memory_space<vmem>> -> memref<128x128xf32, #tpu.memory_space<vmem>>
      tpu.wait_dma2 semaphore(%run_scoped3A_207 : memref<!tpu.dma_semaphore, #tpu.memory_space<semaphore_mem>>) src(%dma_wait3A_231 : memref<128x128xf32, #tpu.memory_space<vmem>>) dst(%dma_wait3A_227 : memref<128x128xf32, #tpu.memory_space<hbm>>)
      tpu.yield
    }) : () -> ()
    %add3A_171 = arith.constant 128 : i32
    %add3A_172 = arith.addi %mul3A_0, %add3A_171 : i32
    %run_scoped3A_173 = arith.constant 0 : i32
    "tpu.region"() ({
      %run_scoped3A_207 = tpu.sem_alloc : memref<!tpu.dma_semaphore, #tpu.memory_space<semaphore_mem>>
      %dma_start3A_208 = arith.constant 0 : i32
      %dma_start3A_209 = arith.constant 0 : i32
      %dma_start3A_210 = tpu.memref_slice %arg10[%run_scoped3A_173, %dma_start3A_208, %dma_start3A_209] : memref<2x128x128xf32, #tpu.memory_space<vmem>> -> memref<1x128x128xf32, #tpu.memory_space<vmem>>
      %dma_start3A_211 = tpu.memref_squeeze %dma_start3A_210 : memref<1x128x128xf32, #tpu.memory_space<vmem>> -> memref<128x128xf32, #tpu.memory_space<vmem>>
      %dma_start3A_212 = arith.constant 0 : i32
      %dma_start3A_213 = tpu.memref_slice %arg7[%add3A_172, %dma_start3A_212] : memref<10240x128xf32, #tpu.memory_space<vmem_shared>> -> memref<128x128xf32, #tpu.memory_space<vmem_shared>>
      %dma_start3A_214 = arith.constant 0 : i32
      %dma_start3A_215 = arith.constant 0 : i32
      %dma_start3A_216 = tpu.memref_slice %arg10[%run_scoped3A_173, %dma_start3A_214, %dma_start3A_215] : memref<2x128x128xf32, #tpu.memory_space<vmem>> -> memref<1x128x128xf32, #tpu.memory_space<vmem>>
      %dma_start3A_217 = tpu.memref_squeeze %dma_start3A_216 : memref<1x128x128xf32, #tpu.memory_space<vmem>> -> memref<128x128xf32, #tpu.memory_space<vmem>>
      %dma_start3A_218 = arith.constant 0 : i32
      %dma_start3A_219 = tpu.memref_slice %arg7[%add3A_172, %dma_start3A_218] : memref<10240x128xf32, #tpu.memory_space<vmem_shared>> -> memref<128x128xf32, #tpu.memory_space<vmem_shared>>
      tpu.enqueue_dma source(%dma_start3A_219 : memref<128x128xf32, #tpu.memory_space<vmem_shared>>) target(%dma_start3A_217 : memref<128x128xf32, #tpu.memory_space<vmem>>) target_semaphore(%run_scoped3A_207 : memref<!tpu.dma_semaphore, #tpu.memory_space<semaphore_mem>>)
      %dma_wait3A_220 = arith.constant 0 : i32
      %dma_wait3A_221 = arith.constant 0 : i32
      %dma_wait3A_222 = tpu.memref_slice %arg10[%run_scoped3A_173, %dma_wait3A_220, %dma_wait3A_221] : memref<2x128x128xf32, #tpu.memory_space<vmem>> -> memref<1x128x128xf32, #tpu.memory_space<vmem>>
      %dma_wait3A_223 = tpu.memref_squeeze %dma_wait3A_222 : memref<1x128x128xf32, #tpu.memory_space<vmem>> -> memref<128x128xf32, #tpu.memory_space<vmem>>
      %dma_wait3A_224 = arith.constant 0 : i32
      %dma_wait3A_225 = tpu.memref_slice %arg7[%add3A_172, %dma_wait3A_224] : memref<10240x128xf32, #tpu.memory_space<vmem_shared>> -> memref<128x128xf32, #tpu.memory_space<vmem_shared>>
      %dma_wait3A_226 = arith.constant 0 : i32
      %dma_wait3A_227 = arith.constant 0 : i32
      %dma_wait3A_228 = tpu.memref_slice %arg10[%run_scoped3A_173, %dma_wait3A_226, %dma_wait3A_227] : memref<2x128x128xf32, #tpu.memory_space<vmem>> -> memref<1x128x128xf32, #tpu.memory_space<vmem>>
      %dma_wait3A_229 = tpu.memref_squeeze %dma_wait3A_228 : memref<1x128x128xf32, #tpu.memory_space<vmem>> -> memref<128x128xf32, #tpu.memory_space<vmem>>
      %dma_wait3A_230 = arith.constant 0 : i32
      %dma_wait3A_231 = tpu.memref_slice %arg7[%add3A_172, %dma_wait3A_230] : memref<10240x128xf32, #tpu.memory_space<vmem_shared>> -> memref<128x128xf32, #tpu.memory_space<vmem_shared>>
      tpu.wait_dma2 semaphore(%run_scoped3A_207 : memref<!tpu.dma_semaphore, #tpu.memory_space<semaphore_mem>>) src(%dma_wait3A_231 : memref<128x128xf32, #tpu.memory_space<vmem_shared>>) dst(%dma_wait3A_229 : memref<128x128xf32, #tpu.memory_space<vmem>>)
      tpu.yield
    }) : () -> ()
    %mul3A_174 = arith.constant 10240 : i32
    %mul3A_175 = arith.muli %arg0, %mul3A_174 : i32
    %add3A_176 = arith.addi %mul3A_175, %mul3A_0 : i32
    %add3A_177 = arith.constant 128 : i32
    %add3A_178 = arith.addi %add3A_176, %add3A_177 : i32
    %run_scoped3A_179 = arith.constant 0 : i32
    "tpu.region"() ({
      %run_scoped3A_207 = tpu.sem_alloc : memref<!tpu.dma_semaphore, #tpu.memory_space<semaphore_mem>>
      %dma_start3A_208 = arith.constant 0 : i32
      %dma_start3A_209 = arith.constant 0 : i32
      %dma_start3A_210 = tpu.memref_slice %arg10[%run_scoped3A_179, %dma_start3A_208, %dma_start3A_209] : memref<2x128x128xf32, #tpu.memory_space<vmem>> -> memref<1x128x128xf32, #tpu.memory_space<vmem>>
      %dma_start3A_211 = tpu.memref_squeeze %dma_start3A_210 : memref<1x128x128xf32, #tpu.memory_space<vmem>> -> memref<128x128xf32, #tpu.memory_space<vmem>>
      %dma_start3A_212 = arith.constant 0 : i32
      %dma_start3A_213 = tpu.memref_slice %arg6[%add3A_178, %dma_start3A_212] : memref<20480x128xf32, #tpu.memory_space<hbm>> -> memref<128x128xf32, #tpu.memory_space<hbm>>
      %dma_start3A_214 = arith.constant 0 : i32
      %dma_start3A_215 = tpu.memref_slice %arg6[%add3A_178, %dma_start3A_214] : memref<20480x128xf32, #tpu.memory_space<hbm>> -> memref<128x128xf32, #tpu.memory_space<hbm>>
      %dma_start3A_216 = arith.constant 0 : i32
      %dma_start3A_217 = arith.constant 0 : i32
      %dma_start3A_218 = tpu.memref_slice %arg10[%run_scoped3A_179, %dma_start3A_216, %dma_start3A_217] : memref<2x128x128xf32, #tpu.memory_space<vmem>> -> memref<1x128x128xf32, #tpu.memory_space<vmem>>
      %dma_start3A_219 = tpu.memref_squeeze %dma_start3A_218 : memref<1x128x128xf32, #tpu.memory_space<vmem>> -> memref<128x128xf32, #tpu.memory_space<vmem>>
      tpu.enqueue_dma source(%dma_start3A_219 : memref<128x128xf32, #tpu.memory_space<vmem>>) target(%dma_start3A_215 : memref<128x128xf32, #tpu.memory_space<hbm>>) target_semaphore(%run_scoped3A_207 : memref<!tpu.dma_semaphore, #tpu.memory_space<semaphore_mem>>)
      %dma_wait3A_220 = arith.constant 0 : i32
      %dma_wait3A_221 = arith.constant 0 : i32
      %dma_wait3A_222 = tpu.memref_slice %arg10[%run_scoped3A_179, %dma_wait3A_220, %dma_wait3A_221] : memref<2x128x128xf32, #tpu.memory_space<vmem>> -> memref<1x128x128xf32, #tpu.memory_space<vmem>>
      %dma_wait3A_223 = tpu.memref_squeeze %dma_wait3A_222 : memref<1x128x128xf32, #tpu.memory_space<vmem>> -> memref<128x128xf32, #tpu.memory_space<vmem>>
      %dma_wait3A_224 = arith.constant 0 : i32
      %dma_wait3A_225 = tpu.memref_slice %arg6[%add3A_178, %dma_wait3A_224] : memref<20480x128xf32, #tpu.memory_space<hbm>> -> memref<128x128xf32, #tpu.memory_space<hbm>>
      %dma_wait3A_226 = arith.constant 0 : i32
      %dma_wait3A_227 = tpu.memref_slice %arg6[%add3A_178, %dma_wait3A_226] : memref<20480x128xf32, #tpu.memory_space<hbm>> -> memref<128x128xf32, #tpu.memory_space<hbm>>
      %dma_wait3A_228 = arith.constant 0 : i32
      %dma_wait3A_229 = arith.constant 0 : i32
      %dma_wait3A_230 = tpu.memref_slice %arg10[%run_scoped3A_179, %dma_wait3A_228, %dma_wait3A_229] : memref<2x128x128xf32, #tpu.memory_space<vmem>> -> memref<1x128x128xf32, #tpu.memory_space<vmem>>
      %dma_wait3A_231 = tpu.memref_squeeze %dma_wait3A_230 : memref<1x128x128xf32, #tpu.memory_space<vmem>> -> memref<128x128xf32, #tpu.memory_space<vmem>>
      tpu.wait_dma2 semaphore(%run_scoped3A_207 : memref<!tpu.dma_semaphore, #tpu.memory_space<semaphore_mem>>) src(%dma_wait3A_231 : memref<128x128xf32, #tpu.memory_space<vmem>>) dst(%dma_wait3A_227 : memref<128x128xf32, #tpu.memory_space<hbm>>)
      tpu.yield
    }) : () -> ()
    %add3A_180 = arith.constant 256 : i32
    %add3A_181 = arith.addi %mul3A_0, %add3A_180 : i32
    %run_scoped3A_182 = arith.constant 0 : i32
    "tpu.region"() ({
      %run_scoped3A_207 = tpu.sem_alloc : memref<!tpu.dma_semaphore, #tpu.memory_space<semaphore_mem>>
      %dma_start3A_208 = arith.constant 0 : i32
      %dma_start3A_209 = arith.constant 0 : i32
      %dma_start3A_210 = tpu.memref_slice %arg10[%run_scoped3A_182, %dma_start3A_208, %dma_start3A_209] : memref<2x128x128xf32, #tpu.memory_space<vmem>> -> memref<1x128x128xf32, #tpu.memory_space<vmem>>
      %dma_start3A_211 = tpu.memref_squeeze %dma_start3A_210 : memref<1x128x128xf32, #tpu.memory_space<vmem>> -> memref<128x128xf32, #tpu.memory_space<vmem>>
      %dma_start3A_212 = arith.constant 0 : i32
      %dma_start3A_213 = tpu.memref_slice %arg7[%add3A_181, %dma_start3A_212] : memref<10240x128xf32, #tpu.memory_space<vmem_shared>> -> memref<128x128xf32, #tpu.memory_space<vmem_shared>>
      %dma_start3A_214 = arith.constant 0 : i32
      %dma_start3A_215 = arith.constant 0 : i32
      %dma_start3A_216 = tpu.memref_slice %arg10[%run_scoped3A_182, %dma_start3A_214, %dma_start3A_215] : memref<2x128x128xf32, #tpu.memory_space<vmem>> -> memref<1x128x128xf32, #tpu.memory_space<vmem>>
      %dma_start3A_217 = tpu.memref_squeeze %dma_start3A_216 : memref<1x128x128xf32, #tpu.memory_space<vmem>> -> memref<128x128xf32, #tpu.memory_space<vmem>>
      %dma_start3A_218 = arith.constant 0 : i32
      %dma_start3A_219 = tpu.memref_slice %arg7[%add3A_181, %dma_start3A_218] : memref<10240x128xf32, #tpu.memory_space<vmem_shared>> -> memref<128x128xf32, #tpu.memory_space<vmem_shared>>
      tpu.enqueue_dma source(%dma_start3A_219 : memref<128x128xf32, #tpu.memory_space<vmem_shared>>) target(%dma_start3A_217 : memref<128x128xf32, #tpu.memory_space<vmem>>) target_semaphore(%run_scoped3A_207 : memref<!tpu.dma_semaphore, #tpu.memory_space<semaphore_mem>>)
      %dma_wait3A_220 = arith.constant 0 : i32
      %dma_wait3A_221 = arith.constant 0 : i32
      %dma_wait3A_222 = tpu.memref_slice %arg10[%run_scoped3A_182, %dma_wait3A_220, %dma_wait3A_221] : memref<2x128x128xf32, #tpu.memory_space<vmem>> -> memref<1x128x128xf32, #tpu.memory_space<vmem>>
      %dma_wait3A_223 = tpu.memref_squeeze %dma_wait3A_222 : memref<1x128x128xf32, #tpu.memory_space<vmem>> -> memref<128x128xf32, #tpu.memory_space<vmem>>
      %dma_wait3A_224 = arith.constant 0 : i32
      %dma_wait3A_225 = tpu.memref_slice %arg7[%add3A_181, %dma_wait3A_224] : memref<10240x128xf32, #tpu.memory_space<vmem_shared>> -> memref<128x128xf32, #tpu.memory_space<vmem_shared>>
      %dma_wait3A_226 = arith.constant 0 : i32
      %dma_wait3A_227 = arith.constant 0 : i32
      %dma_wait3A_228 = tpu.memref_slice %arg10[%run_scoped3A_182, %dma_wait3A_226, %dma_wait3A_227] : memref<2x128x128xf32, #tpu.memory_space<vmem>> -> memref<1x128x128xf32, #tpu.memory_space<vmem>>
      %dma_wait3A_229 = tpu.memref_squeeze %dma_wait3A_228 : memref<1x128x128xf32, #tpu.memory_space<vmem>> -> memref<128x128xf32, #tpu.memory_space<vmem>>
      %dma_wait3A_230 = arith.constant 0 : i32
      %dma_wait3A_231 = tpu.memref_slice %arg7[%add3A_181, %dma_wait3A_230] : memref<10240x128xf32, #tpu.memory_space<vmem_shared>> -> memref<128x128xf32, #tpu.memory_space<vmem_shared>>
      tpu.wait_dma2 semaphore(%run_scoped3A_207 : memref<!tpu.dma_semaphore, #tpu.memory_space<semaphore_mem>>) src(%dma_wait3A_231 : memref<128x128xf32, #tpu.memory_space<vmem_shared>>) dst(%dma_wait3A_229 : memref<128x128xf32, #tpu.memory_space<vmem>>)
      tpu.yield
    }) : () -> ()
    %mul3A_183 = arith.constant 10240 : i32
    %mul3A_184 = arith.muli %arg0, %mul3A_183 : i32
    %add3A_185 = arith.addi %mul3A_184, %mul3A_0 : i32
    %add3A_186 = arith.constant 256 : i32
    %add3A_187 = arith.addi %add3A_185, %add3A_186 : i32
    %run_scoped3A_188 = arith.constant 0 : i32
    "tpu.region"() ({
      %run_scoped3A_207 = tpu.sem_alloc : memref<!tpu.dma_semaphore, #tpu.memory_space<semaphore_mem>>
      %dma_start3A_208 = arith.constant 0 : i32
      %dma_start3A_209 = arith.constant 0 : i32
      %dma_start3A_210 = tpu.memref_slice %arg10[%run_scoped3A_188, %dma_start3A_208, %dma_start3A_209] : memref<2x128x128xf32, #tpu.memory_space<vmem>> -> memref<1x128x128xf32, #tpu.memory_space<vmem>>
      %dma_start3A_211 = tpu.memref_squeeze %dma_start3A_210 : memref<1x128x128xf32, #tpu.memory_space<vmem>> -> memref<128x128xf32, #tpu.memory_space<vmem>>
      %dma_start3A_212 = arith.constant 0 : i32
      %dma_start3A_213 = tpu.memref_slice %arg6[%add3A_187, %dma_start3A_212] : memref<20480x128xf32, #tpu.memory_space<hbm>> -> memref<128x128xf32, #tpu.memory_space<hbm>>
      %dma_start3A_214 = arith.constant 0 : i32
      %dma_start3A_215 = tpu.memref_slice %arg6[%add3A_187, %dma_start3A_214] : memref<20480x128xf32, #tpu.memory_space<hbm>> -> memref<128x128xf32, #tpu.memory_space<hbm>>
      %dma_start3A_216 = arith.constant 0 : i32
      %dma_start3A_217 = arith.constant 0 : i32
      %dma_start3A_218 = tpu.memref_slice %arg10[%run_scoped3A_188, %dma_start3A_216, %dma_start3A_217] : memref<2x128x128xf32, #tpu.memory_space<vmem>> -> memref<1x128x128xf32, #tpu.memory_space<vmem>>
      %dma_start3A_219 = tpu.memref_squeeze %dma_start3A_218 : memref<1x128x128xf32, #tpu.memory_space<vmem>> -> memref<128x128xf32, #tpu.memory_space<vmem>>
      tpu.enqueue_dma source(%dma_start3A_219 : memref<128x128xf32, #tpu.memory_space<vmem>>) target(%dma_start3A_215 : memref<128x128xf32, #tpu.memory_space<hbm>>) target_semaphore(%run_scoped3A_207 : memref<!tpu.dma_semaphore, #tpu.memory_space<semaphore_mem>>)
      %dma_wait3A_220 = arith.constant 0 : i32
      %dma_wait3A_221 = arith.constant 0 : i32
      %dma_wait3A_222 = tpu.memref_slice %arg10[%run_scoped3A_188, %dma_wait3A_220, %dma_wait3A_221] : memref<2x128x128xf32, #tpu.memory_space<vmem>> -> memref<1x128x128xf32, #tpu.memory_space<vmem>>
      %dma_wait3A_223 = tpu.memref_squeeze %dma_wait3A_222 : memref<1x128x128xf32, #tpu.memory_space<vmem>> -> memref<128x128xf32, #tpu.memory_space<vmem>>
      %dma_wait3A_224 = arith.constant 0 : i32
      %dma_wait3A_225 = tpu.memref_slice %arg6[%add3A_187, %dma_wait3A_224] : memref<20480x128xf32, #tpu.memory_space<hbm>> -> memref<128x128xf32, #tpu.memory_space<hbm>>
      %dma_wait3A_226 = arith.constant 0 : i32
      %dma_wait3A_227 = tpu.memref_slice %arg6[%add3A_187, %dma_wait3A_226] : memref<20480x128xf32, #tpu.memory_space<hbm>> -> memref<128x128xf32, #tpu.memory_space<hbm>>
      %dma_wait3A_228 = arith.constant 0 : i32
      %dma_wait3A_229 = arith.constant 0 : i32
      %dma_wait3A_230 = tpu.memref_slice %arg10[%run_scoped3A_188, %dma_wait3A_228, %dma_wait3A_229] : memref<2x128x128xf32, #tpu.memory_space<vmem>> -> memref<1x128x128xf32, #tpu.memory_space<vmem>>
      %dma_wait3A_231 = tpu.memref_squeeze %dma_wait3A_230 : memref<1x128x128xf32, #tpu.memory_space<vmem>> -> memref<128x128xf32, #tpu.memory_space<vmem>>
      tpu.wait_dma2 semaphore(%run_scoped3A_207 : memref<!tpu.dma_semaphore, #tpu.memory_space<semaphore_mem>>) src(%dma_wait3A_231 : memref<128x128xf32, #tpu.memory_space<vmem>>) dst(%dma_wait3A_227 : memref<128x128xf32, #tpu.memory_space<hbm>>)
      tpu.yield
    }) : () -> ()
    %add3A_189 = arith.constant 384 : i32
    %add3A_190 = arith.addi %mul3A_0, %add3A_189 : i32
    %run_scoped3A_191 = arith.constant 0 : i32
    "tpu.region"() ({
      %run_scoped3A_207 = tpu.sem_alloc : memref<!tpu.dma_semaphore, #tpu.memory_space<semaphore_mem>>
      %dma_start3A_208 = arith.constant 0 : i32
      %dma_start3A_209 = arith.constant 0 : i32
      %dma_start3A_210 = tpu.memref_slice %arg10[%run_scoped3A_191, %dma_start3A_208, %dma_start3A_209] : memref<2x128x128xf32, #tpu.memory_space<vmem>> -> memref<1x128x128xf32, #tpu.memory_space<vmem>>
      %dma_start3A_211 = tpu.memref_squeeze %dma_start3A_210 : memref<1x128x128xf32, #tpu.memory_space<vmem>> -> memref<128x128xf32, #tpu.memory_space<vmem>>
      %dma_start3A_212 = arith.constant 0 : i32
      %dma_start3A_213 = tpu.memref_slice %arg7[%add3A_190, %dma_start3A_212] : memref<10240x128xf32, #tpu.memory_space<vmem_shared>> -> memref<128x128xf32, #tpu.memory_space<vmem_shared>>
      %dma_start3A_214 = arith.constant 0 : i32
      %dma_start3A_215 = arith.constant 0 : i32
      %dma_start3A_216 = tpu.memref_slice %arg10[%run_scoped3A_191, %dma_start3A_214, %dma_start3A_215] : memref<2x128x128xf32, #tpu.memory_space<vmem>> -> memref<1x128x128xf32, #tpu.memory_space<vmem>>
      %dma_start3A_217 = tpu.memref_squeeze %dma_start3A_216 : memref<1x128x128xf32, #tpu.memory_space<vmem>> -> memref<128x128xf32, #tpu.memory_space<vmem>>
      %dma_start3A_218 = arith.constant 0 : i32
      %dma_start3A_219 = tpu.memref_slice %arg7[%add3A_190, %dma_start3A_218] : memref<10240x128xf32, #tpu.memory_space<vmem_shared>> -> memref<128x128xf32, #tpu.memory_space<vmem_shared>>
      tpu.enqueue_dma source(%dma_start3A_219 : memref<128x128xf32, #tpu.memory_space<vmem_shared>>) target(%dma_start3A_217 : memref<128x128xf32, #tpu.memory_space<vmem>>) target_semaphore(%run_scoped3A_207 : memref<!tpu.dma_semaphore, #tpu.memory_space<semaphore_mem>>)
      %dma_wait3A_220 = arith.constant 0 : i32
      %dma_wait3A_221 = arith.constant 0 : i32
      %dma_wait3A_222 = tpu.memref_slice %arg10[%run_scoped3A_191, %dma_wait3A_220, %dma_wait3A_221] : memref<2x128x128xf32, #tpu.memory_space<vmem>> -> memref<1x128x128xf32, #tpu.memory_space<vmem>>
      %dma_wait3A_223 = tpu.memref_squeeze %dma_wait3A_222 : memref<1x128x128xf32, #tpu.memory_space<vmem>> -> memref<128x128xf32, #tpu.memory_space<vmem>>
      %dma_wait3A_224 = arith.constant 0 : i32
      %dma_wait3A_225 = tpu.memref_slice %arg7[%add3A_190, %dma_wait3A_224] : memref<10240x128xf32, #tpu.memory_space<vmem_shared>> -> memref<128x128xf32, #tpu.memory_space<vmem_shared>>
      %dma_wait3A_226 = arith.constant 0 : i32
      %dma_wait3A_227 = arith.constant 0 : i32
      %dma_wait3A_228 = tpu.memref_slice %arg10[%run_scoped3A_191, %dma_wait3A_226, %dma_wait3A_227] : memref<2x128x128xf32, #tpu.memory_space<vmem>> -> memref<1x128x128xf32, #tpu.memory_space<vmem>>
      %dma_wait3A_229 = tpu.memref_squeeze %dma_wait3A_228 : memref<1x128x128xf32, #tpu.memory_space<vmem>> -> memref<128x128xf32, #tpu.memory_space<vmem>>
      %dma_wait3A_230 = arith.constant 0 : i32
      %dma_wait3A_231 = tpu.memref_slice %arg7[%add3A_190, %dma_wait3A_230] : memref<10240x128xf32, #tpu.memory_space<vmem_shared>> -> memref<128x128xf32, #tpu.memory_space<vmem_shared>>
      tpu.wait_dma2 semaphore(%run_scoped3A_207 : memref<!tpu.dma_semaphore, #tpu.memory_space<semaphore_mem>>) src(%dma_wait3A_231 : memref<128x128xf32, #tpu.memory_space<vmem_shared>>) dst(%dma_wait3A_229 : memref<128x128xf32, #tpu.memory_space<vmem>>)
      tpu.yield
    }) : () -> ()
    %mul3A_192 = arith.constant 10240 : i32
    %mul3A_193 = arith.muli %arg0, %mul3A_192 : i32
    %add3A_194 = arith.addi %mul3A_193, %mul3A_0 : i32
    %add3A_195 = arith.constant 384 : i32
    %add3A_196 = arith.addi %add3A_194, %add3A_195 : i32
    %run_scoped3A_197 = arith.constant 0 : i32
    "tpu.region"() ({
      %run_scoped3A_207 = tpu.sem_alloc : memref<!tpu.dma_semaphore, #tpu.memory_space<semaphore_mem>>
      %dma_start3A_208 = arith.constant 0 : i32
      %dma_start3A_209 = arith.constant 0 : i32
      %dma_start3A_210 = tpu.memref_slice %arg10[%run_scoped3A_197, %dma_start3A_208, %dma_start3A_209] : memref<2x128x128xf32, #tpu.memory_space<vmem>> -> memref<1x128x128xf32, #tpu.memory_space<vmem>>
      %dma_start3A_211 = tpu.memref_squeeze %dma_start3A_210 : memref<1x128x128xf32, #tpu.memory_space<vmem>> -> memref<128x128xf32, #tpu.memory_space<vmem>>
      %dma_start3A_212 = arith.constant 0 : i32
      %dma_start3A_213 = tpu.memref_slice %arg6[%add3A_196, %dma_start3A_212] : memref<20480x128xf32, #tpu.memory_space<hbm>> -> memref<128x128xf32, #tpu.memory_space<hbm>>
      %dma_start3A_214 = arith.constant 0 : i32
      %dma_start3A_215 = tpu.memref_slice %arg6[%add3A_196, %dma_start3A_214] : memref<20480x128xf32, #tpu.memory_space<hbm>> -> memref<128x128xf32, #tpu.memory_space<hbm>>
      %dma_start3A_216 = arith.constant 0 : i32
      %dma_start3A_217 = arith.constant 0 : i32
      %dma_start3A_218 = tpu.memref_slice %arg10[%run_scoped3A_197, %dma_start3A_216, %dma_start3A_217] : memref<2x128x128xf32, #tpu.memory_space<vmem>> -> memref<1x128x128xf32, #tpu.memory_space<vmem>>
      %dma_start3A_219 = tpu.memref_squeeze %dma_start3A_218 : memref<1x128x128xf32, #tpu.memory_space<vmem>> -> memref<128x128xf32, #tpu.memory_space<vmem>>
      tpu.enqueue_dma source(%dma_start3A_219 : memref<128x128xf32, #tpu.memory_space<vmem>>) target(%dma_start3A_215 : memref<128x128xf32, #tpu.memory_space<hbm>>) target_semaphore(%run_scoped3A_207 : memref<!tpu.dma_semaphore, #tpu.memory_space<semaphore_mem>>)
      %dma_wait3A_220 = arith.constant 0 : i32
      %dma_wait3A_221 = arith.constant 0 : i32
      %dma_wait3A_222 = tpu.memref_slice %arg10[%run_scoped3A_197, %dma_wait3A_220, %dma_wait3A_221] : memref<2x128x128xf32, #tpu.memory_space<vmem>> -> memref<1x128x128xf32, #tpu.memory_space<vmem>>
      %dma_wait3A_223 = tpu.memref_squeeze %dma_wait3A_222 : memref<1x128x128xf32, #tpu.memory_space<vmem>> -> memref<128x128xf32, #tpu.memory_space<vmem>>
      %dma_wait3A_224 = arith.constant 0 : i32
      %dma_wait3A_225 = tpu.memref_slice %arg6[%add3A_196, %dma_wait3A_224] : memref<20480x128xf32, #tpu.memory_space<hbm>> -> memref<128x128xf32, #tpu.memory_space<hbm>>
      %dma_wait3A_226 = arith.constant 0 : i32
      %dma_wait3A_227 = tpu.memref_slice %arg6[%add3A_196, %dma_wait3A_226] : memref<20480x128xf32, #tpu.memory_space<hbm>> -> memref<128x128xf32, #tpu.memory_space<hbm>>
      %dma_wait3A_228 = arith.constant 0 : i32
      %dma_wait3A_229 = arith.constant 0 : i32
      %dma_wait3A_230 = tpu.memref_slice %arg10[%run_scoped3A_197, %dma_wait3A_228, %dma_wait3A_229] : memref<2x128x128xf32, #tpu.memory_space<vmem>> -> memref<1x128x128xf32, #tpu.memory_space<vmem>>
      %dma_wait3A_231 = tpu.memref_squeeze %dma_wait3A_230 : memref<1x128x128xf32, #tpu.memory_space<vmem>> -> memref<128x128xf32, #tpu.memory_space<vmem>>
      tpu.wait_dma2 semaphore(%run_scoped3A_207 : memref<!tpu.dma_semaphore, #tpu.memory_space<semaphore_mem>>) src(%dma_wait3A_231 : memref<128x128xf32, #tpu.memory_space<vmem>>) dst(%dma_wait3A_227 : memref<128x128xf32, #tpu.memory_space<hbm>>)
      tpu.yield
    }) : () -> ()
    %add3A_198 = arith.constant 512 : i32
    %add3A_199 = arith.addi %mul3A_0, %add3A_198 : i32
    %run_scoped3A_200 = arith.constant 0 : i32
    "tpu.region"() ({
      %run_scoped3A_207 = tpu.sem_alloc : memref<!tpu.dma_semaphore, #tpu.memory_space<semaphore_mem>>
      %dma_start3A_208 = arith.constant 0 : i32
      %dma_start3A_209 = arith.constant 0 : i32
      %dma_start3A_210 = tpu.memref_slice %arg10[%run_scoped3A_200, %dma_start3A_208, %dma_start3A_209] : memref<2x128x128xf32, #tpu.memory_space<vmem>> -> memref<1x128x128xf32, #tpu.memory_space<vmem>>
      %dma_start3A_211 = tpu.memref_squeeze %dma_start3A_210 : memref<1x128x128xf32, #tpu.memory_space<vmem>> -> memref<128x128xf32, #tpu.memory_space<vmem>>
      %dma_start3A_212 = arith.constant 0 : i32
      %dma_start3A_213 = tpu.memref_slice %arg7[%add3A_199, %dma_start3A_212] : memref<10240x128xf32, #tpu.memory_space<vmem_shared>> -> memref<128x128xf32, #tpu.memory_space<vmem_shared>>
      %dma_start3A_214 = arith.constant 0 : i32
      %dma_start3A_215 = arith.constant 0 : i32
      %dma_start3A_216 = tpu.memref_slice %arg10[%run_scoped3A_200, %dma_start3A_214, %dma_start3A_215] : memref<2x128x128xf32, #tpu.memory_space<vmem>> -> memref<1x128x128xf32, #tpu.memory_space<vmem>>
      %dma_start3A_217 = tpu.memref_squeeze %dma_start3A_216 : memref<1x128x128xf32, #tpu.memory_space<vmem>> -> memref<128x128xf32, #tpu.memory_space<vmem>>
      %dma_start3A_218 = arith.constant 0 : i32
      %dma_start3A_219 = tpu.memref_slice %arg7[%add3A_199, %dma_start3A_218] : memref<10240x128xf32, #tpu.memory_space<vmem_shared>> -> memref<128x128xf32, #tpu.memory_space<vmem_shared>>
      tpu.enqueue_dma source(%dma_start3A_219 : memref<128x128xf32, #tpu.memory_space<vmem_shared>>) target(%dma_start3A_217 : memref<128x128xf32, #tpu.memory_space<vmem>>) target_semaphore(%run_scoped3A_207 : memref<!tpu.dma_semaphore, #tpu.memory_space<semaphore_mem>>)
      %dma_wait3A_220 = arith.constant 0 : i32
      %dma_wait3A_221 = arith.constant 0 : i32
      %dma_wait3A_222 = tpu.memref_slice %arg10[%run_scoped3A_200, %dma_wait3A_220, %dma_wait3A_221] : memref<2x128x128xf32, #tpu.memory_space<vmem>> -> memref<1x128x128xf32, #tpu.memory_space<vmem>>
      %dma_wait3A_223 = tpu.memref_squeeze %dma_wait3A_222 : memref<1x128x128xf32, #tpu.memory_space<vmem>> -> memref<128x128xf32, #tpu.memory_space<vmem>>
      %dma_wait3A_224 = arith.constant 0 : i32
      %dma_wait3A_225 = tpu.memref_slice %arg7[%add3A_199, %dma_wait3A_224] : memref<10240x128xf32, #tpu.memory_space<vmem_shared>> -> memref<128x128xf32, #tpu.memory_space<vmem_shared>>
      %dma_wait3A_226 = arith.constant 0 : i32
      %dma_wait3A_227 = arith.constant 0 : i32
      %dma_wait3A_228 = tpu.memref_slice %arg10[%run_scoped3A_200, %dma_wait3A_226, %dma_wait3A_227] : memref<2x128x128xf32, #tpu.memory_space<vmem>> -> memref<1x128x128xf32, #tpu.memory_space<vmem>>
      %dma_wait3A_229 = tpu.memref_squeeze %dma_wait3A_228 : memref<1x128x128xf32, #tpu.memory_space<vmem>> -> memref<128x128xf32, #tpu.memory_space<vmem>>
      %dma_wait3A_230 = arith.constant 0 : i32
      %dma_wait3A_231 = tpu.memref_slice %arg7[%add3A_199, %dma_wait3A_230] : memref<10240x128xf32, #tpu.memory_space<vmem_shared>> -> memref<128x128xf32, #tpu.memory_space<vmem_shared>>
      tpu.wait_dma2 semaphore(%run_scoped3A_207 : memref<!tpu.dma_semaphore, #tpu.memory_space<semaphore_mem>>) src(%dma_wait3A_231 : memref<128x128xf32, #tpu.memory_space<vmem_shared>>) dst(%dma_wait3A_229 : memref<128x128xf32, #tpu.memory_space<vmem>>)
      tpu.yield
    }) : () -> ()
    %mul3A_201 = arith.constant 10240 : i32
    %mul3A_202 = arith.muli %arg0, %mul3A_201 : i32
    %add3A_203 = arith.addi %mul3A_202, %mul3A_0 : i32
    %add3A_204 = arith.constant 512 : i32
    %add3A_205 = arith.addi %add3A_203, %add3A_204 : i32
    %run_scoped3A_206 = arith.constant 0 : i32
    "tpu.region"() ({
      %run_scoped3A_207 = tpu.sem_alloc : memref<!tpu.dma_semaphore, #tpu.memory_space<semaphore_mem>>
      %dma_start3A_208 = arith.constant 0 : i32
      %dma_start3A_209 = arith.constant 0 : i32
      %dma_start3A_210 = tpu.memref_slice %arg10[%run_scoped3A_206, %dma_start3A_208, %dma_start3A_209] : memref<2x128x128xf32, #tpu.memory_space<vmem>> -> memref<1x128x128xf32, #tpu.memory_space<vmem>>
      %dma_start3A_211 = tpu.memref_squeeze %dma_start3A_210 : memref<1x128x128xf32, #tpu.memory_space<vmem>> -> memref<128x128xf32, #tpu.memory_space<vmem>>
      %dma_start3A_212 = arith.constant 0 : i32
      %dma_start3A_213 = tpu.memref_slice %arg6[%add3A_205, %dma_start3A_212] : memref<20480x128xf32, #tpu.memory_space<hbm>> -> memref<128x128xf32, #tpu.memory_space<hbm>>
      %dma_start3A_214 = arith.constant 0 : i32
      %dma_start3A_215 = tpu.memref_slice %arg6[%add3A_205, %dma_start3A_214] : memref<20480x128xf32, #tpu.memory_space<hbm>> -> memref<128x128xf32, #tpu.memory_space<hbm>>
      %dma_start3A_216 = arith.constant 0 : i32
      %dma_start3A_217 = arith.constant 0 : i32
      %dma_start3A_218 = tpu.memref_slice %arg10[%run_scoped3A_206, %dma_start3A_216, %dma_start3A_217] : memref<2x128x128xf32, #tpu.memory_space<vmem>> -> memref<1x128x128xf32, #tpu.memory_space<vmem>>
      %dma_start3A_219 = tpu.memref_squeeze %dma_start3A_218 : memref<1x128x128xf32, #tpu.memory_space<vmem>> -> memref<128x128xf32, #tpu.memory_space<vmem>>
      tpu.enqueue_dma source(%dma_start3A_219 : memref<128x128xf32, #tpu.memory_space<vmem>>) target(%dma_start3A_215 : memref<128x128xf32, #tpu.memory_space<hbm>>) target_semaphore(%run_scoped3A_207 : memref<!tpu.dma_semaphore, #tpu.memory_space<semaphore_mem>>)
      %dma_wait3A_220 = arith.constant 0 : i32
      %dma_wait3A_221 = arith.constant 0 : i32
      %dma_wait3A_222 = tpu.memref_slice %arg10[%run_scoped3A_206, %dma_wait3A_220, %dma_wait3A_221] : memref<2x128x128xf32, #tpu.memory_space<vmem>> -> memref<1x128x128xf32, #tpu.memory_space<vmem>>
      %dma_wait3A_223 = tpu.memref_squeeze %dma_wait3A_222 : memref<1x128x128xf32, #tpu.memory_space<vmem>> -> memref<128x128xf32, #tpu.memory_space<vmem>>
      %dma_wait3A_224 = arith.constant 0 : i32
      %dma_wait3A_225 = tpu.memref_slice %arg6[%add3A_205, %dma_wait3A_224] : memref<20480x128xf32, #tpu.memory_space<hbm>> -> memref<128x128xf32, #tpu.memory_space<hbm>>
      %dma_wait3A_226 = arith.constant 0 : i32
      %dma_wait3A_227 = tpu.memref_slice %arg6[%add3A_205, %dma_wait3A_226] : memref<20480x128xf32, #tpu.memory_space<hbm>> -> memref<128x128xf32, #tpu.memory_space<hbm>>
      %dma_wait3A_228 = arith.constant 0 : i32
      %dma_wait3A_229 = arith.constant 0 : i32
      %dma_wait3A_230 = tpu.memref_slice %arg10[%run_scoped3A_206, %dma_wait3A_228, %dma_wait3A_229] : memref<2x128x128xf32, #tpu.memory_space<vmem>> -> memref<1x128x128xf32, #tpu.memory_space<vmem>>
      %dma_wait3A_231 = tpu.memref_squeeze %dma_wait3A_230 : memref<1x128x128xf32, #tpu.memory_space<vmem>> -> memref<128x128xf32, #tpu.memory_space<vmem>>
      tpu.wait_dma2 semaphore(%run_scoped3A_207 : memref<!tpu.dma_semaphore, #tpu.memory_space<semaphore_mem>>) src(%dma_wait3A_231 : memref<128x128xf32, #tpu.memory_space<vmem>>) dst(%dma_wait3A_227 : memref<128x128xf32, #tpu.memory_space<hbm>>)
      tpu.yield
    }) : () -> ()
    return
  }
}

#map = affine_map<(d0, d1) -> (0, 0)>
module attributes {stable_mosaic.version = 14 : i64} {
  func.func @_edge_body(%arg0: i32, %arg1: i32, %arg2: memref<10240x128xf32, #tpu.memory_space<hbm>>, %arg3: memref<2560x128xi32, #tpu.memory_space<hbm>>, %arg4: memref<2560x128xi32, #tpu.memory_space<hbm>>, %arg5: memref<128x128xf32, #tpu.memory_space<hbm>>, %arg6: memref<20480x128xf32, #tpu.memory_space<hbm>>, %arg7: memref<10240x128xf32, #tpu.memory_space<vmem_shared>>, %arg8: memref<4x128xi32, #tpu.memory_space<vmem>>, %arg9: memref<4x128xi32, #tpu.memory_space<vmem>>, %arg10: memref<2x128x128xf32, #tpu.memory_space<vmem>>, %arg11: memref<4x!tpu.dma_semaphore, #tpu.memory_space<semaphore_mem>>, %arg12: memref<2x!tpu.dma_semaphore, #tpu.memory_space<semaphore_mem>>, %arg13: memref<2x!tpu.dma_semaphore, #tpu.memory_space<semaphore_mem>>) attributes {dimension_semantics = [#tpu.dimension_semantics<core_parallel>, #tpu.dimension_semantics<subcore_parallel>], iteration_bounds = array<i64: 2, 16>, scalar_prefetch = 0 : i64, scratch_operands = 7 : i64, tpu.core_type = #tpu.core_type<sc_vector_subcore>, window_params = [{transform_indices = #map}, {transform_indices = #map}, {transform_indices = #map}, {transform_indices = #map}, {transform_indices = #map}]} {
    %mul3A = arith.constant 640 : i32
    %mul3A_0 = arith.muli %arg1, %mul3A : i32
    %mul3A_1 = arith.constant 16 : i32
    %mul3A_2 = arith.muli %arg0, %mul3A_1 : i32
    %add3A = arith.addi %mul3A_2, %arg1 : i32
    %mul3A_3 = arith.constant 80 : i32
    %mul3A_4 = arith.muli %add3A, %mul3A_3 : i32
    %run_scoped3A = arith.constant 0 : i32
    "tpu.region"() ({
      %run_scoped3A_207 = tpu.sem_alloc : memref<!tpu.dma_semaphore, #tpu.memory_space<semaphore_mem>>
      %dma_start3A_208 = arith.constant 0 : i32
      %dma_start3A_209 = arith.constant 0 : i32
      %dma_start3A_210 = tpu.memref_slice %arg10[%run_scoped3A, %dma_start3A_208, %dma_start3A_209] : memref<2x128x128xf32, #tpu.memory_space<vmem>> -> memref<1x128x128xf32, #tpu.memory_space<vmem>>
      %dma_start3A_211 = tpu.memref_squeeze %dma_start3A_210 : memref<1x128x128xf32, #tpu.memory_space<vmem>> -> memref<128x128xf32, #tpu.memory_space<vmem>>
      %dma_start3A_212 = arith.constant 0 : i32
      %dma_start3A_213 = arith.constant 0 : i32
      %dma_start3A_214 = tpu.memref_slice %arg10[%run_scoped3A, %dma_start3A_212, %dma_start3A_213] : memref<2x128x128xf32, #tpu.memory_space<vmem>> -> memref<1x128x128xf32, #tpu.memory_space<vmem>>
      %dma_start3A_215 = tpu.memref_squeeze %dma_start3A_214 : memref<1x128x128xf32, #tpu.memory_space<vmem>> -> memref<128x128xf32, #tpu.memory_space<vmem>>
      tpu.enqueue_dma source(%arg5 : memref<128x128xf32, #tpu.memory_space<hbm>>) target(%dma_start3A_215 : memref<128x128xf32, #tpu.memory_space<vmem>>) target_semaphore(%run_scoped3A_207 : memref<!tpu.dma_semaphore, #tpu.memory_space<semaphore_mem>>)
      %dma_wait3A_216 = arith.constant 0 : i32
      %dma_wait3A_217 = arith.constant 0 : i32
      %dma_wait3A_218 = tpu.memref_slice %arg10[%run_scoped3A, %dma_wait3A_216, %dma_wait3A_217] : memref<2x128x128xf32, #tpu.memory_space<vmem>> -> memref<1x128x128xf32, #tpu.memory_space<vmem>>
      %dma_wait3A_219 = tpu.memref_squeeze %dma_wait3A_218 : memref<1x128x128xf32, #tpu.memory_space<vmem>> -> memref<128x128xf32, #tpu.memory_space<vmem>>
      %dma_wait3A_220 = arith.constant 0 : i32
      %dma_wait3A_221 = arith.constant 0 : i32
      %dma_wait3A_222 = tpu.memref_slice %arg10[%run_scoped3A, %dma_wait3A_220, %dma_wait3A_221] : memref<2x128x128xf32, #tpu.memory_space<vmem>> -> memref<1x128x128xf32, #tpu.memory_space<vmem>>
      %dma_wait3A_223 = tpu.memref_squeeze %dma_wait3A_222 : memref<1x128x128xf32, #tpu.memory_space<vmem>> -> memref<128x128xf32, #tpu.memory_space<vmem>>
      tpu.wait_dma2 semaphore(%run_scoped3A_207 : memref<!tpu.dma_semaphore, #tpu.memory_space<semaphore_mem>>) src(%arg5 : memref<128x128xf32, #tpu.memory_space<hbm>>) dst(%dma_wait3A_223 : memref<128x128xf32, #tpu.memory_space<vmem>>)
      tpu.yield
    }) : () -> ()
    %add3A_5 = arith.constant 0 : i32
    %add3A_6 = arith.addi %mul3A_0, %add3A_5 : i32
    %run_scoped3A_7 = arith.constant 0 : i32
    "tpu.region"() ({
      %run_scoped3A_207 = tpu.sem_alloc : memref<!tpu.dma_semaphore, #tpu.memory_space<semaphore_mem>>
      %dma_start3A_208 = arith.constant 0 : i32
      %dma_start3A_209 = arith.constant 0 : i32
      %dma_start3A_210 = tpu.memref_slice %arg10[%run_scoped3A_7, %dma_start3A_208, %dma_start3A_209] : memref<2x128x128xf32, #tpu.memory_space<vmem>> -> memref<1x128x128xf32, #tpu.memory_space<vmem>>
      %dma_start3A_211 = tpu.memref_squeeze %dma_start3A_210 : memref<1x128x128xf32, #tpu.memory_space<vmem>> -> memref<128x128xf32, #tpu.memory_space<vmem>>
      %dma_start3A_212 = arith.constant 0 : i32
      %dma_start3A_213 = tpu.memref_slice %arg7[%add3A_6, %dma_start3A_212] : memref<10240x128xf32, #tpu.memory_space<vmem_shared>> -> memref<128x128xf32, #tpu.memory_space<vmem_shared>>
      %dma_start3A_214 = arith.constant 0 : i32
      %dma_start3A_215 = tpu.memref_slice %arg7[%add3A_6, %dma_start3A_214] : memref<10240x128xf32, #tpu.memory_space<vmem_shared>> -> memref<128x128xf32, #tpu.memory_space<vmem_shared>>
      %dma_start3A_216 = arith.constant 0 : i32
      %dma_start3A_217 = arith.constant 0 : i32
      %dma_start3A_218 = tpu.memref_slice %arg10[%run_scoped3A_7, %dma_start3A_216, %dma_start3A_217] : memref<2x128x128xf32, #tpu.memory_space<vmem>> -> memref<1x128x128xf32, #tpu.memory_space<vmem>>
      %dma_start3A_219 = tpu.memref_squeeze %dma_start3A_218 : memref<1x128x128xf32, #tpu.memory_space<vmem>> -> memref<128x128xf32, #tpu.memory_space<vmem>>
      tpu.enqueue_dma source(%dma_start3A_219 : memref<128x128xf32, #tpu.memory_space<vmem>>) target(%dma_start3A_215 : memref<128x128xf32, #tpu.memory_space<vmem_shared>>) target_semaphore(%run_scoped3A_207 : memref<!tpu.dma_semaphore, #tpu.memory_space<semaphore_mem>>)
      %dma_wait3A_220 = arith.constant 0 : i32
      %dma_wait3A_221 = arith.constant 0 : i32
      %dma_wait3A_222 = tpu.memref_slice %arg10[%run_scoped3A_7, %dma_wait3A_220, %dma_wait3A_221] : memref<2x128x128xf32, #tpu.memory_space<vmem>> -> memref<1x128x128xf32, #tpu.memory_space<vmem>>
      %dma_wait3A_223 = tpu.memref_squeeze %dma_wait3A_222 : memref<1x128x128xf32, #tpu.memory_space<vmem>> -> memref<128x128xf32, #tpu.memory_space<vmem>>
      %dma_wait3A_224 = arith.constant 0 : i32
      %dma_wait3A_225 = tpu.memref_slice %arg7[%add3A_6, %dma_wait3A_224] : memref<10240x128xf32, #tpu.memory_space<vmem_shared>> -> memref<128x128xf32, #tpu.memory_space<vmem_shared>>
      %dma_wait3A_226 = arith.constant 0 : i32
      %dma_wait3A_227 = tpu.memref_slice %arg7[%add3A_6, %dma_wait3A_226] : memref<10240x128xf32, #tpu.memory_space<vmem_shared>> -> memref<128x128xf32, #tpu.memory_space<vmem_shared>>
      %dma_wait3A_228 = arith.constant 0 : i32
      %dma_wait3A_229 = arith.constant 0 : i32
      %dma_wait3A_230 = tpu.memref_slice %arg10[%run_scoped3A_7, %dma_wait3A_228, %dma_wait3A_229] : memref<2x128x128xf32, #tpu.memory_space<vmem>> -> memref<1x128x128xf32, #tpu.memory_space<vmem>>
      %dma_wait3A_231 = tpu.memref_squeeze %dma_wait3A_230 : memref<1x128x128xf32, #tpu.memory_space<vmem>> -> memref<128x128xf32, #tpu.memory_space<vmem>>
      tpu.wait_dma2 semaphore(%run_scoped3A_207 : memref<!tpu.dma_semaphore, #tpu.memory_space<semaphore_mem>>) src(%dma_wait3A_231 : memref<128x128xf32, #tpu.memory_space<vmem>>) dst(%dma_wait3A_227 : memref<128x128xf32, #tpu.memory_space<vmem_shared>>)
      tpu.yield
    }) : () -> ()
    %add3A_8 = arith.constant 128 : i32
    %add3A_9 = arith.addi %mul3A_0, %add3A_8 : i32
    %run_scoped3A_10 = arith.constant 0 : i32
    "tpu.region"() ({
      %run_scoped3A_207 = tpu.sem_alloc : memref<!tpu.dma_semaphore, #tpu.memory_space<semaphore_mem>>
      %dma_start3A_208 = arith.constant 0 : i32
      %dma_start3A_209 = arith.constant 0 : i32
      %dma_start3A_210 = tpu.memref_slice %arg10[%run_scoped3A_10, %dma_start3A_208, %dma_start3A_209] : memref<2x128x128xf32, #tpu.memory_space<vmem>> -> memref<1x128x128xf32, #tpu.memory_space<vmem>>
      %dma_start3A_211 = tpu.memref_squeeze %dma_start3A_210 : memref<1x128x128xf32, #tpu.memory_space<vmem>> -> memref<128x128xf32, #tpu.memory_space<vmem>>
      %dma_start3A_212 = arith.constant 0 : i32
      %dma_start3A_213 = tpu.memref_slice %arg7[%add3A_9, %dma_start3A_212] : memref<10240x128xf32, #tpu.memory_space<vmem_shared>> -> memref<128x128xf32, #tpu.memory_space<vmem_shared>>
      %dma_start3A_214 = arith.constant 0 : i32
      %dma_start3A_215 = tpu.memref_slice %arg7[%add3A_9, %dma_start3A_214] : memref<10240x128xf32, #tpu.memory_space<vmem_shared>> -> memref<128x128xf32, #tpu.memory_space<vmem_shared>>
      %dma_start3A_216 = arith.constant 0 : i32
      %dma_start3A_217 = arith.constant 0 : i32
      %dma_start3A_218 = tpu.memref_slice %arg10[%run_scoped3A_10, %dma_start3A_216, %dma_start3A_217] : memref<2x128x128xf32, #tpu.memory_space<vmem>> -> memref<1x128x128xf32, #tpu.memory_space<vmem>>
      %dma_start3A_219 = tpu.memref_squeeze %dma_start3A_218 : memref<1x128x128xf32, #tpu.memory_space<vmem>> -> memref<128x128xf32, #tpu.memory_space<vmem>>
      tpu.enqueue_dma source(%dma_start3A_219 : memref<128x128xf32, #tpu.memory_space<vmem>>) target(%dma_start3A_215 : memref<128x128xf32, #tpu.memory_space<vmem_shared>>) target_semaphore(%run_scoped3A_207 : memref<!tpu.dma_semaphore, #tpu.memory_space<semaphore_mem>>)
      %dma_wait3A_220 = arith.constant 0 : i32
      %dma_wait3A_221 = arith.constant 0 : i32
      %dma_wait3A_222 = tpu.memref_slice %arg10[%run_scoped3A_10, %dma_wait3A_220, %dma_wait3A_221] : memref<2x128x128xf32, #tpu.memory_space<vmem>> -> memref<1x128x128xf32, #tpu.memory_space<vmem>>
      %dma_wait3A_223 = tpu.memref_squeeze %dma_wait3A_222 : memref<1x128x128xf32, #tpu.memory_space<vmem>> -> memref<128x128xf32, #tpu.memory_space<vmem>>
      %dma_wait3A_224 = arith.constant 0 : i32
      %dma_wait3A_225 = tpu.memref_slice %arg7[%add3A_9, %dma_wait3A_224] : memref<10240x128xf32, #tpu.memory_space<vmem_shared>> -> memref<128x128xf32, #tpu.memory_space<vmem_shared>>
      %dma_wait3A_226 = arith.constant 0 : i32
      %dma_wait3A_227 = tpu.memref_slice %arg7[%add3A_9, %dma_wait3A_226] : memref<10240x128xf32, #tpu.memory_space<vmem_shared>> -> memref<128x128xf32, #tpu.memory_space<vmem_shared>>
      %dma_wait3A_228 = arith.constant 0 : i32
      %dma_wait3A_229 = arith.constant 0 : i32
      %dma_wait3A_230 = tpu.memref_slice %arg10[%run_scoped3A_10, %dma_wait3A_228, %dma_wait3A_229] : memref<2x128x128xf32, #tpu.memory_space<vmem>> -> memref<1x128x128xf32, #tpu.memory_space<vmem>>
      %dma_wait3A_231 = tpu.memref_squeeze %dma_wait3A_230 : memref<1x128x128xf32, #tpu.memory_space<vmem>> -> memref<128x128xf32, #tpu.memory_space<vmem>>
      tpu.wait_dma2 semaphore(%run_scoped3A_207 : memref<!tpu.dma_semaphore, #tpu.memory_space<semaphore_mem>>) src(%dma_wait3A_231 : memref<128x128xf32, #tpu.memory_space<vmem>>) dst(%dma_wait3A_227 : memref<128x128xf32, #tpu.memory_space<vmem_shared>>)
      tpu.yield
    }) : () -> ()
    %add3A_11 = arith.constant 256 : i32
    %add3A_12 = arith.addi %mul3A_0, %add3A_11 : i32
    %run_scoped3A_13 = arith.constant 0 : i32
    "tpu.region"() ({
      %run_scoped3A_207 = tpu.sem_alloc : memref<!tpu.dma_semaphore, #tpu.memory_space<semaphore_mem>>
      %dma_start3A_208 = arith.constant 0 : i32
      %dma_start3A_209 = arith.constant 0 : i32
      %dma_start3A_210 = tpu.memref_slice %arg10[%run_scoped3A_13, %dma_start3A_208, %dma_start3A_209] : memref<2x128x128xf32, #tpu.memory_space<vmem>> -> memref<1x128x128xf32, #tpu.memory_space<vmem>>
      %dma_start3A_211 = tpu.memref_squeeze %dma_start3A_210 : memref<1x128x128xf32, #tpu.memory_space<vmem>> -> memref<128x128xf32, #tpu.memory_space<vmem>>
      %dma_start3A_212 = arith.constant 0 : i32
      %dma_start3A_213 = tpu.memref_slice %arg7[%add3A_12, %dma_start3A_212] : memref<10240x128xf32, #tpu.memory_space<vmem_shared>> -> memref<128x128xf32, #tpu.memory_space<vmem_shared>>
      %dma_start3A_214 = arith.constant 0 : i32
      %dma_start3A_215 = tpu.memref_slice %arg7[%add3A_12, %dma_start3A_214] : memref<10240x128xf32, #tpu.memory_space<vmem_shared>> -> memref<128x128xf32, #tpu.memory_space<vmem_shared>>
      %dma_start3A_216 = arith.constant 0 : i32
      %dma_start3A_217 = arith.constant 0 : i32
      %dma_start3A_218 = tpu.memref_slice %arg10[%run_scoped3A_13, %dma_start3A_216, %dma_start3A_217] : memref<2x128x128xf32, #tpu.memory_space<vmem>> -> memref<1x128x128xf32, #tpu.memory_space<vmem>>
      %dma_start3A_219 = tpu.memref_squeeze %dma_start3A_218 : memref<1x128x128xf32, #tpu.memory_space<vmem>> -> memref<128x128xf32, #tpu.memory_space<vmem>>
      tpu.enqueue_dma source(%dma_start3A_219 : memref<128x128xf32, #tpu.memory_space<vmem>>) target(%dma_start3A_215 : memref<128x128xf32, #tpu.memory_space<vmem_shared>>) target_semaphore(%run_scoped3A_207 : memref<!tpu.dma_semaphore, #tpu.memory_space<semaphore_mem>>)
      %dma_wait3A_220 = arith.constant 0 : i32
      %dma_wait3A_221 = arith.constant 0 : i32
      %dma_wait3A_222 = tpu.memref_slice %arg10[%run_scoped3A_13, %dma_wait3A_220, %dma_wait3A_221] : memref<2x128x128xf32, #tpu.memory_space<vmem>> -> memref<1x128x128xf32, #tpu.memory_space<vmem>>
      %dma_wait3A_223 = tpu.memref_squeeze %dma_wait3A_222 : memref<1x128x128xf32, #tpu.memory_space<vmem>> -> memref<128x128xf32, #tpu.memory_space<vmem>>
      %dma_wait3A_224 = arith.constant 0 : i32
      %dma_wait3A_225 = tpu.memref_slice %arg7[%add3A_12, %dma_wait3A_224] : memref<10240x128xf32, #tpu.memory_space<vmem_shared>> -> memref<128x128xf32, #tpu.memory_space<vmem_shared>>
      %dma_wait3A_226 = arith.constant 0 : i32
      %dma_wait3A_227 = tpu.memref_slice %arg7[%add3A_12, %dma_wait3A_226] : memref<10240x128xf32, #tpu.memory_space<vmem_shared>> -> memref<128x128xf32, #tpu.memory_space<vmem_shared>>
      %dma_wait3A_228 = arith.constant 0 : i32
      %dma_wait3A_229 = arith.constant 0 : i32
      %dma_wait3A_230 = tpu.memref_slice %arg10[%run_scoped3A_13, %dma_wait3A_228, %dma_wait3A_229] : memref<2x128x128xf32, #tpu.memory_space<vmem>> -> memref<1x128x128xf32, #tpu.memory_space<vmem>>
      %dma_wait3A_231 = tpu.memref_squeeze %dma_wait3A_230 : memref<1x128x128xf32, #tpu.memory_space<vmem>> -> memref<128x128xf32, #tpu.memory_space<vmem>>
      tpu.wait_dma2 semaphore(%run_scoped3A_207 : memref<!tpu.dma_semaphore, #tpu.memory_space<semaphore_mem>>) src(%dma_wait3A_231 : memref<128x128xf32, #tpu.memory_space<vmem>>) dst(%dma_wait3A_227 : memref<128x128xf32, #tpu.memory_space<vmem_shared>>)
      tpu.yield
    }) : () -> ()
    %add3A_14 = arith.constant 384 : i32
    %add3A_15 = arith.addi %mul3A_0, %add3A_14 : i32
    %run_scoped3A_16 = arith.constant 0 : i32
    "tpu.region"() ({
      %run_scoped3A_207 = tpu.sem_alloc : memref<!tpu.dma_semaphore, #tpu.memory_space<semaphore_mem>>
      %dma_start3A_208 = arith.constant 0 : i32
      %dma_start3A_209 = arith.constant 0 : i32
      %dma_start3A_210 = tpu.memref_slice %arg10[%run_scoped3A_16, %dma_start3A_208, %dma_start3A_209] : memref<2x128x128xf32, #tpu.memory_space<vmem>> -> memref<1x128x128xf32, #tpu.memory_space<vmem>>
      %dma_start3A_211 = tpu.memref_squeeze %dma_start3A_210 : memref<1x128x128xf32, #tpu.memory_space<vmem>> -> memref<128x128xf32, #tpu.memory_space<vmem>>
      %dma_start3A_212 = arith.constant 0 : i32
      %dma_start3A_213 = tpu.memref_slice %arg7[%add3A_15, %dma_start3A_212] : memref<10240x128xf32, #tpu.memory_space<vmem_shared>> -> memref<128x128xf32, #tpu.memory_space<vmem_shared>>
      %dma_start3A_214 = arith.constant 0 : i32
      %dma_start3A_215 = tpu.memref_slice %arg7[%add3A_15, %dma_start3A_214] : memref<10240x128xf32, #tpu.memory_space<vmem_shared>> -> memref<128x128xf32, #tpu.memory_space<vmem_shared>>
      %dma_start3A_216 = arith.constant 0 : i32
      %dma_start3A_217 = arith.constant 0 : i32
      %dma_start3A_218 = tpu.memref_slice %arg10[%run_scoped3A_16, %dma_start3A_216, %dma_start3A_217] : memref<2x128x128xf32, #tpu.memory_space<vmem>> -> memref<1x128x128xf32, #tpu.memory_space<vmem>>
      %dma_start3A_219 = tpu.memref_squeeze %dma_start3A_218 : memref<1x128x128xf32, #tpu.memory_space<vmem>> -> memref<128x128xf32, #tpu.memory_space<vmem>>
      tpu.enqueue_dma source(%dma_start3A_219 : memref<128x128xf32, #tpu.memory_space<vmem>>) target(%dma_start3A_215 : memref<128x128xf32, #tpu.memory_space<vmem_shared>>) target_semaphore(%run_scoped3A_207 : memref<!tpu.dma_semaphore, #tpu.memory_space<semaphore_mem>>)
      %dma_wait3A_220 = arith.constant 0 : i32
      %dma_wait3A_221 = arith.constant 0 : i32
      %dma_wait3A_222 = tpu.memref_slice %arg10[%run_scoped3A_16, %dma_wait3A_220, %dma_wait3A_221] : memref<2x128x128xf32, #tpu.memory_space<vmem>> -> memref<1x128x128xf32, #tpu.memory_space<vmem>>
      %dma_wait3A_223 = tpu.memref_squeeze %dma_wait3A_222 : memref<1x128x128xf32, #tpu.memory_space<vmem>> -> memref<128x128xf32, #tpu.memory_space<vmem>>
      %dma_wait3A_224 = arith.constant 0 : i32
      %dma_wait3A_225 = tpu.memref_slice %arg7[%add3A_15, %dma_wait3A_224] : memref<10240x128xf32, #tpu.memory_space<vmem_shared>> -> memref<128x128xf32, #tpu.memory_space<vmem_shared>>
      %dma_wait3A_226 = arith.constant 0 : i32
      %dma_wait3A_227 = tpu.memref_slice %arg7[%add3A_15, %dma_wait3A_226] : memref<10240x128xf32, #tpu.memory_space<vmem_shared>> -> memref<128x128xf32, #tpu.memory_space<vmem_shared>>
      %dma_wait3A_228 = arith.constant 0 : i32
      %dma_wait3A_229 = arith.constant 0 : i32
      %dma_wait3A_230 = tpu.memref_slice %arg10[%run_scoped3A_16, %dma_wait3A_228, %dma_wait3A_229] : memref<2x128x128xf32, #tpu.memory_space<vmem>> -> memref<1x128x128xf32, #tpu.memory_space<vmem>>
      %dma_wait3A_231 = tpu.memref_squeeze %dma_wait3A_230 : memref<1x128x128xf32, #tpu.memory_space<vmem>> -> memref<128x128xf32, #tpu.memory_space<vmem>>
      tpu.wait_dma2 semaphore(%run_scoped3A_207 : memref<!tpu.dma_semaphore, #tpu.memory_space<semaphore_mem>>) src(%dma_wait3A_231 : memref<128x128xf32, #tpu.memory_space<vmem>>) dst(%dma_wait3A_227 : memref<128x128xf32, #tpu.memory_space<vmem_shared>>)
      tpu.yield
    }) : () -> ()
    %add3A_17 = arith.constant 512 : i32
    %add3A_18 = arith.addi %mul3A_0, %add3A_17 : i32
    %run_scoped3A_19 = arith.constant 0 : i32
    "tpu.region"() ({
      %run_scoped3A_207 = tpu.sem_alloc : memref<!tpu.dma_semaphore, #tpu.memory_space<semaphore_mem>>
      %dma_start3A_208 = arith.constant 0 : i32
      %dma_start3A_209 = arith.constant 0 : i32
      %dma_start3A_210 = tpu.memref_slice %arg10[%run_scoped3A_19, %dma_start3A_208, %dma_start3A_209] : memref<2x128x128xf32, #tpu.memory_space<vmem>> -> memref<1x128x128xf32, #tpu.memory_space<vmem>>
      %dma_start3A_211 = tpu.memref_squeeze %dma_start3A_210 : memref<1x128x128xf32, #tpu.memory_space<vmem>> -> memref<128x128xf32, #tpu.memory_space<vmem>>
      %dma_start3A_212 = arith.constant 0 : i32
      %dma_start3A_213 = tpu.memref_slice %arg7[%add3A_18, %dma_start3A_212] : memref<10240x128xf32, #tpu.memory_space<vmem_shared>> -> memref<128x128xf32, #tpu.memory_space<vmem_shared>>
      %dma_start3A_214 = arith.constant 0 : i32
      %dma_start3A_215 = tpu.memref_slice %arg7[%add3A_18, %dma_start3A_214] : memref<10240x128xf32, #tpu.memory_space<vmem_shared>> -> memref<128x128xf32, #tpu.memory_space<vmem_shared>>
      %dma_start3A_216 = arith.constant 0 : i32
      %dma_start3A_217 = arith.constant 0 : i32
      %dma_start3A_218 = tpu.memref_slice %arg10[%run_scoped3A_19, %dma_start3A_216, %dma_start3A_217] : memref<2x128x128xf32, #tpu.memory_space<vmem>> -> memref<1x128x128xf32, #tpu.memory_space<vmem>>
      %dma_start3A_219 = tpu.memref_squeeze %dma_start3A_218 : memref<1x128x128xf32, #tpu.memory_space<vmem>> -> memref<128x128xf32, #tpu.memory_space<vmem>>
      tpu.enqueue_dma source(%dma_start3A_219 : memref<128x128xf32, #tpu.memory_space<vmem>>) target(%dma_start3A_215 : memref<128x128xf32, #tpu.memory_space<vmem_shared>>) target_semaphore(%run_scoped3A_207 : memref<!tpu.dma_semaphore, #tpu.memory_space<semaphore_mem>>)
      %dma_wait3A_220 = arith.constant 0 : i32
      %dma_wait3A_221 = arith.constant 0 : i32
      %dma_wait3A_222 = tpu.memref_slice %arg10[%run_scoped3A_19, %dma_wait3A_220, %dma_wait3A_221] : memref<2x128x128xf32, #tpu.memory_space<vmem>> -> memref<1x128x128xf32, #tpu.memory_space<vmem>>
      %dma_wait3A_223 = tpu.memref_squeeze %dma_wait3A_222 : memref<1x128x128xf32, #tpu.memory_space<vmem>> -> memref<128x128xf32, #tpu.memory_space<vmem>>
      %dma_wait3A_224 = arith.constant 0 : i32
      %dma_wait3A_225 = tpu.memref_slice %arg7[%add3A_18, %dma_wait3A_224] : memref<10240x128xf32, #tpu.memory_space<vmem_shared>> -> memref<128x128xf32, #tpu.memory_space<vmem_shared>>
      %dma_wait3A_226 = arith.constant 0 : i32
      %dma_wait3A_227 = tpu.memref_slice %arg7[%add3A_18, %dma_wait3A_226] : memref<10240x128xf32, #tpu.memory_space<vmem_shared>> -> memref<128x128xf32, #tpu.memory_space<vmem_shared>>
      %dma_wait3A_228 = arith.constant 0 : i32
      %dma_wait3A_229 = arith.constant 0 : i32
      %dma_wait3A_230 = tpu.memref_slice %arg10[%run_scoped3A_19, %dma_wait3A_228, %dma_wait3A_229] : memref<2x128x128xf32, #tpu.memory_space<vmem>> -> memref<1x128x128xf32, #tpu.memory_space<vmem>>
      %dma_wait3A_231 = tpu.memref_squeeze %dma_wait3A_230 : memref<1x128x128xf32, #tpu.memory_space<vmem>> -> memref<128x128xf32, #tpu.memory_space<vmem>>
      tpu.wait_dma2 semaphore(%run_scoped3A_207 : memref<!tpu.dma_semaphore, #tpu.memory_space<semaphore_mem>>) src(%dma_wait3A_231 : memref<128x128xf32, #tpu.memory_space<vmem>>) dst(%dma_wait3A_227 : memref<128x128xf32, #tpu.memory_space<vmem_shared>>)
      tpu.yield
    }) : () -> ()
    %barrier3A = arith.constant 0 : index
    tpu.barrier barrier_id(%barrier3A)
    %add3A_20 = arith.constant 0 : i32
    %add3A_21 = arith.addi %mul3A_4, %add3A_20 : i32
    %dma_start3A = arith.constant 0 : i32
    %dma_start3A_22 = arith.constant 0 : i32
    %dma_start3A_23 = arith.constant 0 : i32
    %dma_start3A_24 = tpu.memref_slice %arg8[%dma_start3A, %dma_start3A_23] : memref<4x128xi32, #tpu.memory_space<vmem>> -> memref<1x128xi32, #tpu.memory_space<vmem>>
    %dma_start3A_25 = tpu.memref_squeeze %dma_start3A_24 : memref<1x128xi32, #tpu.memory_space<vmem>> -> memref<128xi32, #tpu.memory_space<vmem>>
    %dma_start3A_26 = arith.constant 0 : i32
    %dma_start3A_27 = tpu.memref_slice %arg3[%add3A_21, %dma_start3A_26] : memref<2560x128xi32, #tpu.memory_space<hbm>> -> memref<1x128xi32, #tpu.memory_space<hbm>>
    %dma_start3A_28 = tpu.memref_squeeze %dma_start3A_27 : memref<1x128xi32, #tpu.memory_space<hbm>> -> memref<128xi32, #tpu.memory_space<hbm>>
    %dma_start3A_29 = tpu.memref_slice %arg11[%dma_start3A_22] : memref<4x!tpu.dma_semaphore, #tpu.memory_space<semaphore_mem>> -> memref<1x!tpu.dma_semaphore, #tpu.memory_space<semaphore_mem>>
    %dma_start3A_30 = tpu.memref_squeeze %dma_start3A_29 : memref<1x!tpu.dma_semaphore, #tpu.memory_space<semaphore_mem>> -> memref<!tpu.dma_semaphore, #tpu.memory_space<semaphore_mem>>
    %dma_start3A_31 = arith.constant 0 : i32
    %dma_start3A_32 = tpu.memref_slice %arg8[%dma_start3A, %dma_start3A_31] : memref<4x128xi32, #tpu.memory_space<vmem>> -> memref<1x128xi32, #tpu.memory_space<vmem>>
    %dma_start3A_33 = tpu.memref_squeeze %dma_start3A_32 : memref<1x128xi32, #tpu.memory_space<vmem>> -> memref<128xi32, #tpu.memory_space<vmem>>
    %dma_start3A_34 = arith.constant 0 : i32
    %dma_start3A_35 = tpu.memref_slice %arg3[%add3A_21, %dma_start3A_34] : memref<2560x128xi32, #tpu.memory_space<hbm>> -> memref<1x128xi32, #tpu.memory_space<hbm>>
    %dma_start3A_36 = tpu.memref_squeeze %dma_start3A_35 : memref<1x128xi32, #tpu.memory_space<hbm>> -> memref<128xi32, #tpu.memory_space<hbm>>
    tpu.enqueue_dma source(%dma_start3A_36 : memref<128xi32, #tpu.memory_space<hbm>>) target(%dma_start3A_33 : memref<128xi32, #tpu.memory_space<vmem>>) target_semaphore(%dma_start3A_30 : memref<!tpu.dma_semaphore, #tpu.memory_space<semaphore_mem>>)
    %add3A_37 = arith.constant 0 : i32
    %add3A_38 = arith.addi %mul3A_4, %add3A_37 : i32
    %dma_start3A_39 = arith.constant 0 : i32
    %dma_start3A_40 = arith.constant 0 : i32
    %dma_start3A_41 = arith.constant 0 : i32
    %dma_start3A_42 = tpu.memref_slice %arg9[%dma_start3A_39, %dma_start3A_41] : memref<4x128xi32, #tpu.memory_space<vmem>> -> memref<1x128xi32, #tpu.memory_space<vmem>>
    %dma_start3A_43 = tpu.memref_squeeze %dma_start3A_42 : memref<1x128xi32, #tpu.memory_space<vmem>> -> memref<128xi32, #tpu.memory_space<vmem>>
    %dma_start3A_44 = arith.constant 0 : i32
    %dma_start3A_45 = tpu.memref_slice %arg4[%add3A_38, %dma_start3A_44] : memref<2560x128xi32, #tpu.memory_space<hbm>> -> memref<1x128xi32, #tpu.memory_space<hbm>>
    %dma_start3A_46 = tpu.memref_squeeze %dma_start3A_45 : memref<1x128xi32, #tpu.memory_space<hbm>> -> memref<128xi32, #tpu.memory_space<hbm>>
    %dma_start3A_47 = tpu.memref_slice %arg11[%dma_start3A_40] : memref<4x!tpu.dma_semaphore, #tpu.memory_space<semaphore_mem>> -> memref<1x!tpu.dma_semaphore, #tpu.memory_space<semaphore_mem>>
    %dma_start3A_48 = tpu.memref_squeeze %dma_start3A_47 : memref<1x!tpu.dma_semaphore, #tpu.memory_space<semaphore_mem>> -> memref<!tpu.dma_semaphore, #tpu.memory_space<semaphore_mem>>
    %dma_start3A_49 = arith.constant 0 : i32
    %dma_start3A_50 = tpu.memref_slice %arg9[%dma_start3A_39, %dma_start3A_49] : memref<4x128xi32, #tpu.memory_space<vmem>> -> memref<1x128xi32, #tpu.memory_space<vmem>>
    %dma_start3A_51 = tpu.memref_squeeze %dma_start3A_50 : memref<1x128xi32, #tpu.memory_space<vmem>> -> memref<128xi32, #tpu.memory_space<vmem>>
    %dma_start3A_52 = arith.constant 0 : i32
    %dma_start3A_53 = tpu.memref_slice %arg4[%add3A_38, %dma_start3A_52] : memref<2560x128xi32, #tpu.memory_space<hbm>> -> memref<1x128xi32, #tpu.memory_space<hbm>>
    %dma_start3A_54 = tpu.memref_squeeze %dma_start3A_53 : memref<1x128xi32, #tpu.memory_space<hbm>> -> memref<128xi32, #tpu.memory_space<hbm>>
    tpu.enqueue_dma source(%dma_start3A_54 : memref<128xi32, #tpu.memory_space<hbm>>) target(%dma_start3A_51 : memref<128xi32, #tpu.memory_space<vmem>>) target_semaphore(%dma_start3A_48 : memref<!tpu.dma_semaphore, #tpu.memory_space<semaphore_mem>>)
    %add3A_55 = arith.constant 1 : i32
    %add3A_56 = arith.addi %mul3A_4, %add3A_55 : i32
    %dma_start3A_57 = arith.constant 1 : i32
    %dma_start3A_58 = arith.constant 1 : i32
    %dma_start3A_59 = arith.constant 0 : i32
    %dma_start3A_60 = tpu.memref_slice %arg8[%dma_start3A_57, %dma_start3A_59] : memref<4x128xi32, #tpu.memory_space<vmem>> -> memref<1x128xi32, #tpu.memory_space<vmem>>
    %dma_start3A_61 = tpu.memref_squeeze %dma_start3A_60 : memref<1x128xi32, #tpu.memory_space<vmem>> -> memref<128xi32, #tpu.memory_space<vmem>>
    %dma_start3A_62 = arith.constant 0 : i32
    %dma_start3A_63 = tpu.memref_slice %arg3[%add3A_56, %dma_start3A_62] : memref<2560x128xi32, #tpu.memory_space<hbm>> -> memref<1x128xi32, #tpu.memory_space<hbm>>
    %dma_start3A_64 = tpu.memref_squeeze %dma_start3A_63 : memref<1x128xi32, #tpu.memory_space<hbm>> -> memref<128xi32, #tpu.memory_space<hbm>>
    %dma_start3A_65 = tpu.memref_slice %arg11[%dma_start3A_58] : memref<4x!tpu.dma_semaphore, #tpu.memory_space<semaphore_mem>> -> memref<1x!tpu.dma_semaphore, #tpu.memory_space<semaphore_mem>>
    %dma_start3A_66 = tpu.memref_squeeze %dma_start3A_65 : memref<1x!tpu.dma_semaphore, #tpu.memory_space<semaphore_mem>> -> memref<!tpu.dma_semaphore, #tpu.memory_space<semaphore_mem>>
    %dma_start3A_67 = arith.constant 0 : i32
    %dma_start3A_68 = tpu.memref_slice %arg8[%dma_start3A_57, %dma_start3A_67] : memref<4x128xi32, #tpu.memory_space<vmem>> -> memref<1x128xi32, #tpu.memory_space<vmem>>
    %dma_start3A_69 = tpu.memref_squeeze %dma_start3A_68 : memref<1x128xi32, #tpu.memory_space<vmem>> -> memref<128xi32, #tpu.memory_space<vmem>>
    %dma_start3A_70 = arith.constant 0 : i32
    %dma_start3A_71 = tpu.memref_slice %arg3[%add3A_56, %dma_start3A_70] : memref<2560x128xi32, #tpu.memory_space<hbm>> -> memref<1x128xi32, #tpu.memory_space<hbm>>
    %dma_start3A_72 = tpu.memref_squeeze %dma_start3A_71 : memref<1x128xi32, #tpu.memory_space<hbm>> -> memref<128xi32, #tpu.memory_space<hbm>>
    tpu.enqueue_dma source(%dma_start3A_72 : memref<128xi32, #tpu.memory_space<hbm>>) target(%dma_start3A_69 : memref<128xi32, #tpu.memory_space<vmem>>) target_semaphore(%dma_start3A_66 : memref<!tpu.dma_semaphore, #tpu.memory_space<semaphore_mem>>)
    %add3A_73 = arith.constant 1 : i32
    %add3A_74 = arith.addi %mul3A_4, %add3A_73 : i32
    %dma_start3A_75 = arith.constant 1 : i32
    %dma_start3A_76 = arith.constant 1 : i32
    %dma_start3A_77 = arith.constant 0 : i32
    %dma_start3A_78 = tpu.memref_slice %arg9[%dma_start3A_75, %dma_start3A_77] : memref<4x128xi32, #tpu.memory_space<vmem>> -> memref<1x128xi32, #tpu.memory_space<vmem>>
    %dma_start3A_79 = tpu.memref_squeeze %dma_start3A_78 : memref<1x128xi32, #tpu.memory_space<vmem>> -> memref<128xi32, #tpu.memory_space<vmem>>
    %dma_start3A_80 = arith.constant 0 : i32
    %dma_start3A_81 = tpu.memref_slice %arg4[%add3A_74, %dma_start3A_80] : memref<2560x128xi32, #tpu.memory_space<hbm>> -> memref<1x128xi32, #tpu.memory_space<hbm>>
    %dma_start3A_82 = tpu.memref_squeeze %dma_start3A_81 : memref<1x128xi32, #tpu.memory_space<hbm>> -> memref<128xi32, #tpu.memory_space<hbm>>
    %dma_start3A_83 = tpu.memref_slice %arg11[%dma_start3A_76] : memref<4x!tpu.dma_semaphore, #tpu.memory_space<semaphore_mem>> -> memref<1x!tpu.dma_semaphore, #tpu.memory_space<semaphore_mem>>
    %dma_start3A_84 = tpu.memref_squeeze %dma_start3A_83 : memref<1x!tpu.dma_semaphore, #tpu.memory_space<semaphore_mem>> -> memref<!tpu.dma_semaphore, #tpu.memory_space<semaphore_mem>>
    %dma_start3A_85 = arith.constant 0 : i32
    %dma_start3A_86 = tpu.memref_slice %arg9[%dma_start3A_75, %dma_start3A_85] : memref<4x128xi32, #tpu.memory_space<vmem>> -> memref<1x128xi32, #tpu.memory_space<vmem>>
    %dma_start3A_87 = tpu.memref_squeeze %dma_start3A_86 : memref<1x128xi32, #tpu.memory_space<vmem>> -> memref<128xi32, #tpu.memory_space<vmem>>
    %dma_start3A_88 = arith.constant 0 : i32
    %dma_start3A_89 = tpu.memref_slice %arg4[%add3A_74, %dma_start3A_88] : memref<2560x128xi32, #tpu.memory_space<hbm>> -> memref<1x128xi32, #tpu.memory_space<hbm>>
    %dma_start3A_90 = tpu.memref_squeeze %dma_start3A_89 : memref<1x128xi32, #tpu.memory_space<hbm>> -> memref<128xi32, #tpu.memory_space<hbm>>
    tpu.enqueue_dma source(%dma_start3A_90 : memref<128xi32, #tpu.memory_space<hbm>>) target(%dma_start3A_87 : memref<128xi32, #tpu.memory_space<vmem>>) target_semaphore(%dma_start3A_84 : memref<!tpu.dma_semaphore, #tpu.memory_space<semaphore_mem>>)
    %add3A_91 = arith.constant 0 : i32
    %add3A_92 = arith.addi %mul3A_4, %add3A_91 : i32
    %dma_wait3A = arith.constant 0 : i32
    %dma_wait3A_93 = arith.constant 0 : i32
    %dma_wait3A_94 = arith.constant 0 : i32
    %dma_wait3A_95 = tpu.memref_slice %arg8[%dma_wait3A, %dma_wait3A_94] : memref<4x128xi32, #tpu.memory_space<vmem>> -> memref<1x128xi32, #tpu.memory_space<vmem>>
    %dma_wait3A_96 = tpu.memref_squeeze %dma_wait3A_95 : memref<1x128xi32, #tpu.memory_space<vmem>> -> memref<128xi32, #tpu.memory_space<vmem>>
    %dma_wait3A_97 = arith.constant 0 : i32
    %dma_wait3A_98 = tpu.memref_slice %arg3[%add3A_92, %dma_wait3A_97] : memref<2560x128xi32, #tpu.memory_space<hbm>> -> memref<1x128xi32, #tpu.memory_space<hbm>>
    %dma_wait3A_99 = tpu.memref_squeeze %dma_wait3A_98 : memref<1x128xi32, #tpu.memory_space<hbm>> -> memref<128xi32, #tpu.memory_space<hbm>>
    %dma_wait3A_100 = tpu.memref_slice %arg11[%dma_wait3A_93] : memref<4x!tpu.dma_semaphore, #tpu.memory_space<semaphore_mem>> -> memref<1x!tpu.dma_semaphore, #tpu.memory_space<semaphore_mem>>
    %dma_wait3A_101 = tpu.memref_squeeze %dma_wait3A_100 : memref<1x!tpu.dma_semaphore, #tpu.memory_space<semaphore_mem>> -> memref<!tpu.dma_semaphore, #tpu.memory_space<semaphore_mem>>
    %dma_wait3A_102 = arith.constant 0 : i32
    %dma_wait3A_103 = tpu.memref_slice %arg8[%dma_wait3A, %dma_wait3A_102] : memref<4x128xi32, #tpu.memory_space<vmem>> -> memref<1x128xi32, #tpu.memory_space<vmem>>
    %dma_wait3A_104 = tpu.memref_squeeze %dma_wait3A_103 : memref<1x128xi32, #tpu.memory_space<vmem>> -> memref<128xi32, #tpu.memory_space<vmem>>
    %dma_wait3A_105 = arith.constant 0 : i32
    %dma_wait3A_106 = tpu.memref_slice %arg3[%add3A_92, %dma_wait3A_105] : memref<2560x128xi32, #tpu.memory_space<hbm>> -> memref<1x128xi32, #tpu.memory_space<hbm>>
    %dma_wait3A_107 = tpu.memref_squeeze %dma_wait3A_106 : memref<1x128xi32, #tpu.memory_space<hbm>> -> memref<128xi32, #tpu.memory_space<hbm>>
    tpu.wait_dma2 semaphore(%dma_wait3A_101 : memref<!tpu.dma_semaphore, #tpu.memory_space<semaphore_mem>>) src(%dma_wait3A_107 : memref<128xi32, #tpu.memory_space<hbm>>) dst(%dma_wait3A_104 : memref<128xi32, #tpu.memory_space<vmem>>)
    %add3A_108 = arith.constant 0 : i32
    %add3A_109 = arith.addi %mul3A_4, %add3A_108 : i32
    %dma_wait3A_110 = arith.constant 0 : i32
    %dma_wait3A_111 = arith.constant 0 : i32
    %dma_wait3A_112 = arith.constant 0 : i32
    %dma_wait3A_113 = tpu.memref_slice %arg9[%dma_wait3A_110, %dma_wait3A_112] : memref<4x128xi32, #tpu.memory_space<vmem>> -> memref<1x128xi32, #tpu.memory_space<vmem>>
    %dma_wait3A_114 = tpu.memref_squeeze %dma_wait3A_113 : memref<1x128xi32, #tpu.memory_space<vmem>> -> memref<128xi32, #tpu.memory_space<vmem>>
    %dma_wait3A_115 = arith.constant 0 : i32
    %dma_wait3A_116 = tpu.memref_slice %arg4[%add3A_109, %dma_wait3A_115] : memref<2560x128xi32, #tpu.memory_space<hbm>> -> memref<1x128xi32, #tpu.memory_space<hbm>>
    %dma_wait3A_117 = tpu.memref_squeeze %dma_wait3A_116 : memref<1x128xi32, #tpu.memory_space<hbm>> -> memref<128xi32, #tpu.memory_space<hbm>>
    %dma_wait3A_118 = tpu.memref_slice %arg11[%dma_wait3A_111] : memref<4x!tpu.dma_semaphore, #tpu.memory_space<semaphore_mem>> -> memref<1x!tpu.dma_semaphore, #tpu.memory_space<semaphore_mem>>
    %dma_wait3A_119 = tpu.memref_squeeze %dma_wait3A_118 : memref<1x!tpu.dma_semaphore, #tpu.memory_space<semaphore_mem>> -> memref<!tpu.dma_semaphore, #tpu.memory_space<semaphore_mem>>
    %dma_wait3A_120 = arith.constant 0 : i32
    %dma_wait3A_121 = tpu.memref_slice %arg9[%dma_wait3A_110, %dma_wait3A_120] : memref<4x128xi32, #tpu.memory_space<vmem>> -> memref<1x128xi32, #tpu.memory_space<vmem>>
    %dma_wait3A_122 = tpu.memref_squeeze %dma_wait3A_121 : memref<1x128xi32, #tpu.memory_space<vmem>> -> memref<128xi32, #tpu.memory_space<vmem>>
    %dma_wait3A_123 = arith.constant 0 : i32
    %dma_wait3A_124 = tpu.memref_slice %arg4[%add3A_109, %dma_wait3A_123] : memref<2560x128xi32, #tpu.memory_space<hbm>> -> memref<1x128xi32, #tpu.memory_space<hbm>>
    %dma_wait3A_125 = tpu.memref_squeeze %dma_wait3A_124 : memref<1x128xi32, #tpu.memory_space<hbm>> -> memref<128xi32, #tpu.memory_space<hbm>>
    tpu.wait_dma2 semaphore(%dma_wait3A_119 : memref<!tpu.dma_semaphore, #tpu.memory_space<semaphore_mem>>) src(%dma_wait3A_125 : memref<128xi32, #tpu.memory_space<hbm>>) dst(%dma_wait3A_122 : memref<128xi32, #tpu.memory_space<vmem>>)
    %dma_start3A_126 = arith.constant 0 : i32
    %dma_start3A_127 = arith.constant 0 : i32
    %dma_start3A_128 = arith.constant 0 : i32
    %dma_start3A_129 = arith.constant 0 : i32
    %dma_start3A_130 = arith.constant 0 : i32
    %dma_start3A_131 = tpu.memref_slice %arg10[%dma_start3A_127, %dma_start3A_129, %dma_start3A_130] : memref<2x128x128xf32, #tpu.memory_space<vmem>> -> memref<1x128x128xf32, #tpu.memory_space<vmem>>
    %dma_start3A_132 = tpu.memref_squeeze %dma_start3A_131 : memref<1x128x128xf32, #tpu.memory_space<vmem>> -> memref<128x128xf32, #tpu.memory_space<vmem>>
    %dma_start3A_133 = arith.constant 0 : i32
    %dma_start3A_134 = tpu.memref_slice %arg8[%dma_start3A_126, %dma_start3A_133] : memref<4x128xi32, #tpu.memory_space<vmem>> -> memref<1x128xi32, #tpu.memory_space<vmem>>
    %dma_start3A_135 = tpu.memref_squeeze %dma_start3A_134 : memref<1x128xi32, #tpu.memory_space<vmem>> -> memref<128xi32, #tpu.memory_space<vmem>>
    %dma_start3A_136 = arith.constant 0 : i32
    %dma_start3A_137 = arith.constant 0 : i32
    %dma_start3A_138 = tpu.memref_slice %arg2[%dma_start3A_136, %dma_start3A_137] : memref<10240x128xf32, #tpu.memory_space<hbm>> -> memref<10240x128xf32, #tpu.memory_space<hbm>>
    %dma_start3A_139 = tpu.memref_slice %arg12[%dma_start3A_128] : memref<2x!tpu.dma_semaphore, #tpu.memory_space<semaphore_mem>> -> memref<1x!tpu.dma_semaphore, #tpu.memory_space<semaphore_mem>>
    %dma_start3A_140 = tpu.memref_squeeze %dma_start3A_139 : memref<1x!tpu.dma_semaphore, #tpu.memory_space<semaphore_mem>> -> memref<!tpu.dma_semaphore, #tpu.memory_space<semaphore_mem>>
    tpu.enqueue_indirect_dma source(%dma_start3A_138 : memref<10240x128xf32, #tpu.memory_space<hbm>>) target(%dma_start3A_132 : memref<128x128xf32, #tpu.memory_space<vmem>>) offsets(%dma_start3A_135 : memref<128xi32, #tpu.memory_space<vmem>>) semaphore(%dma_start3A_140 : memref<!tpu.dma_semaphore, #tpu.memory_space<semaphore_mem>>)
    %scan3A = arith.constant 0 : i32
    %scan3A_141 = arith.constant 0 : i32
    %scan3A_142 = arith.constant 80 : i32
    %scan3A_143 = arith.addi %scan3A_141, %scan3A_142 : i32
    %scan3A_144 = arith.constant 1 : i32
    scf.for %scan3A_207 = %scan3A_141 to %scan3A_143 step %scan3A_144  : i32 {
      %rem3A = arith.constant 2 : i32
      %rem3A_208 = arith.remsi %scan3A_207, %rem3A : i32
      %add3A_209 = arith.constant 1 : i32
      %add3A_210 = arith.addi %scan3A_207, %add3A_209 : i32
      %rem3A_211 = arith.constant 2 : i32
      %rem3A_212 = arith.remsi %add3A_210, %rem3A_211 : i32
      %ge3A = arith.constant 1 : i32
      %ge3A_213 = arith.cmpi sge, %scan3A_207, %ge3A : i32
      %convert_element_type3A = arith.extui %ge3A_213 : i1 to i32
      %cond3A = arith.constant 0 : i32
      %cond3A_214 = arith.cmpi ne, %convert_element_type3A, %cond3A : i32
      scf.if %cond3A_214 {
        %sub3A = arith.constant 1 : i32
        %sub3A_256 = arith.subi %scan3A_207, %sub3A : i32
        %rem3A_257 = arith.constant 4 : i32
        %rem3A_258 = arith.remsi %sub3A_256, %rem3A_257 : i32
        %dma_wait3A_259 = arith.constant 0 : i32
        %dma_wait3A_260 = arith.constant 0 : i32
        %dma_wait3A_261 = tpu.memref_slice %arg10[%rem3A_212, %dma_wait3A_259, %dma_wait3A_260] : memref<2x128x128xf32, #tpu.memory_space<vmem>> -> memref<1x128x128xf32, #tpu.memory_space<vmem>>
        %dma_wait3A_262 = tpu.memref_squeeze %dma_wait3A_261 : memref<1x128x128xf32, #tpu.memory_space<vmem>> -> memref<128x128xf32, #tpu.memory_space<vmem>>
        %dma_wait3A_263 = arith.constant 0 : i32
        %dma_wait3A_264 = tpu.memref_slice %arg9[%rem3A_258, %dma_wait3A_263] : memref<4x128xi32, #tpu.memory_space<vmem>> -> memref<1x128xi32, #tpu.memory_space<vmem>>
        %dma_wait3A_265 = tpu.memref_squeeze %dma_wait3A_264 : memref<1x128xi32, #tpu.memory_space<vmem>> -> memref<128xi32, #tpu.memory_space<vmem>>
        %dma_wait3A_266 = arith.constant 0 : i32
        %dma_wait3A_267 = arith.constant 0 : i32
        %dma_wait3A_268 = tpu.memref_slice %arg7[%dma_wait3A_266, %dma_wait3A_267] : memref<10240x128xf32, #tpu.memory_space<vmem_shared>> -> memref<10240x128xf32, #tpu.memory_space<vmem_shared>>
        %dma_wait3A_269 = tpu.memref_slice %arg13[%rem3A_212] : memref<2x!tpu.dma_semaphore, #tpu.memory_space<semaphore_mem>> -> memref<1x!tpu.dma_semaphore, #tpu.memory_space<semaphore_mem>>
        %dma_wait3A_270 = tpu.memref_squeeze %dma_wait3A_269 : memref<1x!tpu.dma_semaphore, #tpu.memory_space<semaphore_mem>> -> memref<!tpu.dma_semaphore, #tpu.memory_space<semaphore_mem>>
        tpu.wait_indirect_dma semaphore(%dma_wait3A_270 : memref<!tpu.dma_semaphore, #tpu.memory_space<semaphore_mem>>) src(%dma_wait3A_262 : memref<128x128xf32, #tpu.memory_space<vmem>>) dst(%dma_wait3A_268 : memref<10240x128xf32, #tpu.memory_space<vmem_shared>>)
      } else {
      }
      %add3A_215 = arith.constant 2 : i32
      %add3A_216 = arith.addi %scan3A_207, %add3A_215 : i32
      %lt3A = arith.constant 80 : i32
      %lt3A_217 = arith.cmpi slt, %add3A_216, %lt3A : i32
      %convert_element_type3A_218 = arith.extui %lt3A_217 : i1 to i32
      %cond3A_219 = arith.constant 0 : i32
      %cond3A_220 = arith.cmpi ne, %convert_element_type3A_218, %cond3A_219 : i32
      scf.if %cond3A_220 {
        %add3A_256 = arith.constant 2 : i32
        %add3A_257 = arith.addi %scan3A_207, %add3A_256 : i32
        %add3A_258 = arith.constant 2 : i32
        %add3A_259 = arith.addi %scan3A_207, %add3A_258 : i32
        %rem3A_260 = arith.constant 4 : i32
        %rem3A_261 = arith.remsi %add3A_259, %rem3A_260 : i32
        %add3A_262 = arith.addi %mul3A_4, %add3A_257 : i32
        %dma_start3A_263 = arith.constant 0 : i32
        %dma_start3A_264 = tpu.memref_slice %arg8[%rem3A_261, %dma_start3A_263] : memref<4x128xi32, #tpu.memory_space<vmem>> -> memref<1x128xi32, #tpu.memory_space<vmem>>
        %dma_start3A_265 = tpu.memref_squeeze %dma_start3A_264 : memref<1x128xi32, #tpu.memory_space<vmem>> -> memref<128xi32, #tpu.memory_space<vmem>>
        %dma_start3A_266 = arith.constant 0 : i32
        %dma_start3A_267 = tpu.memref_slice %arg3[%add3A_262, %dma_start3A_266] : memref<2560x128xi32, #tpu.memory_space<hbm>> -> memref<1x128xi32, #tpu.memory_space<hbm>>
        %dma_start3A_268 = tpu.memref_squeeze %dma_start3A_267 : memref<1x128xi32, #tpu.memory_space<hbm>> -> memref<128xi32, #tpu.memory_space<hbm>>
        %dma_start3A_269 = tpu.memref_slice %arg11[%rem3A_261] : memref<4x!tpu.dma_semaphore, #tpu.memory_space<semaphore_mem>> -> memref<1x!tpu.dma_semaphore, #tpu.memory_space<semaphore_mem>>
        %dma_start3A_270 = tpu.memref_squeeze %dma_start3A_269 : memref<1x!tpu.dma_semaphore, #tpu.memory_space<semaphore_mem>> -> memref<!tpu.dma_semaphore, #tpu.memory_space<semaphore_mem>>
        %dma_start3A_271 = arith.constant 0 : i32
        %dma_start3A_272 = tpu.memref_slice %arg8[%rem3A_261, %dma_start3A_271] : memref<4x128xi32, #tpu.memory_space<vmem>> -> memref<1x128xi32, #tpu.memory_space<vmem>>
        %dma_start3A_273 = tpu.memref_squeeze %dma_start3A_272 : memref<1x128xi32, #tpu.memory_space<vmem>> -> memref<128xi32, #tpu.memory_space<vmem>>
        %dma_start3A_274 = arith.constant 0 : i32
        %dma_start3A_275 = tpu.memref_slice %arg3[%add3A_262, %dma_start3A_274] : memref<2560x128xi32, #tpu.memory_space<hbm>> -> memref<1x128xi32, #tpu.memory_space<hbm>>
        %dma_start3A_276 = tpu.memref_squeeze %dma_start3A_275 : memref<1x128xi32, #tpu.memory_space<hbm>> -> memref<128xi32, #tpu.memory_space<hbm>>
        tpu.enqueue_dma source(%dma_start3A_276 : memref<128xi32, #tpu.memory_space<hbm>>) target(%dma_start3A_273 : memref<128xi32, #tpu.memory_space<vmem>>) target_semaphore(%dma_start3A_270 : memref<!tpu.dma_semaphore, #tpu.memory_space<semaphore_mem>>)
        %add3A_277 = arith.addi %mul3A_4, %add3A_257 : i32
        %dma_start3A_278 = arith.constant 0 : i32
        %dma_start3A_279 = tpu.memref_slice %arg9[%rem3A_261, %dma_start3A_278] : memref<4x128xi32, #tpu.memory_space<vmem>> -> memref<1x128xi32, #tpu.memory_space<vmem>>
        %dma_start3A_280 = tpu.memref_squeeze %dma_start3A_279 : memref<1x128xi32, #tpu.memory_space<vmem>> -> memref<128xi32, #tpu.memory_space<vmem>>
        %dma_start3A_281 = arith.constant 0 : i32
        %dma_start3A_282 = tpu.memref_slice %arg4[%add3A_277, %dma_start3A_281] : memref<2560x128xi32, #tpu.memory_space<hbm>> -> memref<1x128xi32, #tpu.memory_space<hbm>>
        %dma_start3A_283 = tpu.memref_squeeze %dma_start3A_282 : memref<1x128xi32, #tpu.memory_space<hbm>> -> memref<128xi32, #tpu.memory_space<hbm>>
        %dma_start3A_284 = tpu.memref_slice %arg11[%rem3A_261] : memref<4x!tpu.dma_semaphore, #tpu.memory_space<semaphore_mem>> -> memref<1x!tpu.dma_semaphore, #tpu.memory_space<semaphore_mem>>
        %dma_start3A_285 = tpu.memref_squeeze %dma_start3A_284 : memref<1x!tpu.dma_semaphore, #tpu.memory_space<semaphore_mem>> -> memref<!tpu.dma_semaphore, #tpu.memory_space<semaphore_mem>>
        %dma_start3A_286 = arith.constant 0 : i32
        %dma_start3A_287 = tpu.memref_slice %arg9[%rem3A_261, %dma_start3A_286] : memref<4x128xi32, #tpu.memory_space<vmem>> -> memref<1x128xi32, #tpu.memory_space<vmem>>
        %dma_start3A_288 = tpu.memref_squeeze %dma_start3A_287 : memref<1x128xi32, #tpu.memory_space<vmem>> -> memref<128xi32, #tpu.memory_space<vmem>>
        %dma_start3A_289 = arith.constant 0 : i32
        %dma_start3A_290 = tpu.memref_slice %arg4[%add3A_277, %dma_start3A_289] : memref<2560x128xi32, #tpu.memory_space<hbm>> -> memref<1x128xi32, #tpu.memory_space<hbm>>
        %dma_start3A_291 = tpu.memref_squeeze %dma_start3A_290 : memref<1x128xi32, #tpu.memory_space<hbm>> -> memref<128xi32, #tpu.memory_space<hbm>>
        tpu.enqueue_dma source(%dma_start3A_291 : memref<128xi32, #tpu.memory_space<hbm>>) target(%dma_start3A_288 : memref<128xi32, #tpu.memory_space<vmem>>) target_semaphore(%dma_start3A_285 : memref<!tpu.dma_semaphore, #tpu.memory_space<semaphore_mem>>)
      } else {
      }
      %add3A_221 = arith.constant 1 : i32
      %add3A_222 = arith.addi %scan3A_207, %add3A_221 : i32
      %lt3A_223 = arith.constant 80 : i32
      %lt3A_224 = arith.cmpi slt, %add3A_222, %lt3A_223 : i32
      %convert_element_type3A_225 = arith.extui %lt3A_224 : i1 to i32
      %cond3A_226 = arith.constant 0 : i32
      %cond3A_227 = arith.cmpi ne, %convert_element_type3A_225, %cond3A_226 : i32
      scf.if %cond3A_227 {
        %add3A_256 = arith.constant 1 : i32
        %add3A_257 = arith.addi %scan3A_207, %add3A_256 : i32
        %add3A_258 = arith.constant 1 : i32
        %add3A_259 = arith.addi %scan3A_207, %add3A_258 : i32
        %rem3A_260 = arith.constant 4 : i32
        %rem3A_261 = arith.remsi %add3A_259, %rem3A_260 : i32
        %add3A_262 = arith.addi %mul3A_4, %add3A_257 : i32
        %dma_wait3A_263 = arith.constant 0 : i32
        %dma_wait3A_264 = tpu.memref_slice %arg8[%rem3A_261, %dma_wait3A_263] : memref<4x128xi32, #tpu.memory_space<vmem>> -> memref<1x128xi32, #tpu.memory_space<vmem>>
        %dma_wait3A_265 = tpu.memref_squeeze %dma_wait3A_264 : memref<1x128xi32, #tpu.memory_space<vmem>> -> memref<128xi32, #tpu.memory_space<vmem>>
        %dma_wait3A_266 = arith.constant 0 : i32
        %dma_wait3A_267 = tpu.memref_slice %arg3[%add3A_262, %dma_wait3A_266] : memref<2560x128xi32, #tpu.memory_space<hbm>> -> memref<1x128xi32, #tpu.memory_space<hbm>>
        %dma_wait3A_268 = tpu.memref_squeeze %dma_wait3A_267 : memref<1x128xi32, #tpu.memory_space<hbm>> -> memref<128xi32, #tpu.memory_space<hbm>>
        %dma_wait3A_269 = tpu.memref_slice %arg11[%rem3A_261] : memref<4x!tpu.dma_semaphore, #tpu.memory_space<semaphore_mem>> -> memref<1x!tpu.dma_semaphore, #tpu.memory_space<semaphore_mem>>
        %dma_wait3A_270 = tpu.memref_squeeze %dma_wait3A_269 : memref<1x!tpu.dma_semaphore, #tpu.memory_space<semaphore_mem>> -> memref<!tpu.dma_semaphore, #tpu.memory_space<semaphore_mem>>
        %dma_wait3A_271 = arith.constant 0 : i32
        %dma_wait3A_272 = tpu.memref_slice %arg8[%rem3A_261, %dma_wait3A_271] : memref<4x128xi32, #tpu.memory_space<vmem>> -> memref<1x128xi32, #tpu.memory_space<vmem>>
        %dma_wait3A_273 = tpu.memref_squeeze %dma_wait3A_272 : memref<1x128xi32, #tpu.memory_space<vmem>> -> memref<128xi32, #tpu.memory_space<vmem>>
        %dma_wait3A_274 = arith.constant 0 : i32
        %dma_wait3A_275 = tpu.memref_slice %arg3[%add3A_262, %dma_wait3A_274] : memref<2560x128xi32, #tpu.memory_space<hbm>> -> memref<1x128xi32, #tpu.memory_space<hbm>>
        %dma_wait3A_276 = tpu.memref_squeeze %dma_wait3A_275 : memref<1x128xi32, #tpu.memory_space<hbm>> -> memref<128xi32, #tpu.memory_space<hbm>>
        tpu.wait_dma2 semaphore(%dma_wait3A_270 : memref<!tpu.dma_semaphore, #tpu.memory_space<semaphore_mem>>) src(%dma_wait3A_276 : memref<128xi32, #tpu.memory_space<hbm>>) dst(%dma_wait3A_273 : memref<128xi32, #tpu.memory_space<vmem>>)
        %add3A_277 = arith.addi %mul3A_4, %add3A_257 : i32
        %dma_wait3A_278 = arith.constant 0 : i32
        %dma_wait3A_279 = tpu.memref_slice %arg9[%rem3A_261, %dma_wait3A_278] : memref<4x128xi32, #tpu.memory_space<vmem>> -> memref<1x128xi32, #tpu.memory_space<vmem>>
        %dma_wait3A_280 = tpu.memref_squeeze %dma_wait3A_279 : memref<1x128xi32, #tpu.memory_space<vmem>> -> memref<128xi32, #tpu.memory_space<vmem>>
        %dma_wait3A_281 = arith.constant 0 : i32
        %dma_wait3A_282 = tpu.memref_slice %arg4[%add3A_277, %dma_wait3A_281] : memref<2560x128xi32, #tpu.memory_space<hbm>> -> memref<1x128xi32, #tpu.memory_space<hbm>>
        %dma_wait3A_283 = tpu.memref_squeeze %dma_wait3A_282 : memref<1x128xi32, #tpu.memory_space<hbm>> -> memref<128xi32, #tpu.memory_space<hbm>>
        %dma_wait3A_284 = tpu.memref_slice %arg11[%rem3A_261] : memref<4x!tpu.dma_semaphore, #tpu.memory_space<semaphore_mem>> -> memref<1x!tpu.dma_semaphore, #tpu.memory_space<semaphore_mem>>
        %dma_wait3A_285 = tpu.memref_squeeze %dma_wait3A_284 : memref<1x!tpu.dma_semaphore, #tpu.memory_space<semaphore_mem>> -> memref<!tpu.dma_semaphore, #tpu.memory_space<semaphore_mem>>
        %dma_wait3A_286 = arith.constant 0 : i32
        %dma_wait3A_287 = tpu.memref_slice %arg9[%rem3A_261, %dma_wait3A_286] : memref<4x128xi32, #tpu.memory_space<vmem>> -> memref<1x128xi32, #tpu.memory_space<vmem>>
        %dma_wait3A_288 = tpu.memref_squeeze %dma_wait3A_287 : memref<1x128xi32, #tpu.memory_space<vmem>> -> memref<128xi32, #tpu.memory_space<vmem>>
        %dma_wait3A_289 = arith.constant 0 : i32
        %dma_wait3A_290 = tpu.memref_slice %arg4[%add3A_277, %dma_wait3A_289] : memref<2560x128xi32, #tpu.memory_space<hbm>> -> memref<1x128xi32, #tpu.memory_space<hbm>>
        %dma_wait3A_291 = tpu.memref_squeeze %dma_wait3A_290 : memref<1x128xi32, #tpu.memory_space<hbm>> -> memref<128xi32, #tpu.memory_space<hbm>>
        tpu.wait_dma2 semaphore(%dma_wait3A_285 : memref<!tpu.dma_semaphore, #tpu.memory_space<semaphore_mem>>) src(%dma_wait3A_291 : memref<128xi32, #tpu.memory_space<hbm>>) dst(%dma_wait3A_288 : memref<128xi32, #tpu.memory_space<vmem>>)
        %add3A_292 = arith.constant 1 : i32
        %add3A_293 = arith.addi %scan3A_207, %add3A_292 : i32
        %rem3A_294 = arith.constant 4 : i32
        %rem3A_295 = arith.remsi %add3A_293, %rem3A_294 : i32
        %dma_start3A_296 = arith.constant 0 : i32
        %dma_start3A_297 = arith.constant 0 : i32
        %dma_start3A_298 = tpu.memref_slice %arg10[%rem3A_212, %dma_start3A_296, %dma_start3A_297] : memref<2x128x128xf32, #tpu.memory_space<vmem>> -> memref<1x128x128xf32, #tpu.memory_space<vmem>>
        %dma_start3A_299 = tpu.memref_squeeze %dma_start3A_298 : memref<1x128x128xf32, #tpu.memory_space<vmem>> -> memref<128x128xf32, #tpu.memory_space<vmem>>
        %dma_start3A_300 = arith.constant 0 : i32
        %dma_start3A_301 = tpu.memref_slice %arg8[%rem3A_295, %dma_start3A_300] : memref<4x128xi32, #tpu.memory_space<vmem>> -> memref<1x128xi32, #tpu.memory_space<vmem>>
        %dma_start3A_302 = tpu.memref_squeeze %dma_start3A_301 : memref<1x128xi32, #tpu.memory_space<vmem>> -> memref<128xi32, #tpu.memory_space<vmem>>
        %dma_start3A_303 = arith.constant 0 : i32
        %dma_start3A_304 = arith.constant 0 : i32
        %dma_start3A_305 = tpu.memref_slice %arg2[%dma_start3A_303, %dma_start3A_304] : memref<10240x128xf32, #tpu.memory_space<hbm>> -> memref<10240x128xf32, #tpu.memory_space<hbm>>
        %dma_start3A_306 = tpu.memref_slice %arg12[%rem3A_212] : memref<2x!tpu.dma_semaphore, #tpu.memory_space<semaphore_mem>> -> memref<1x!tpu.dma_semaphore, #tpu.memory_space<semaphore_mem>>
        %dma_start3A_307 = tpu.memref_squeeze %dma_start3A_306 : memref<1x!tpu.dma_semaphore, #tpu.memory_space<semaphore_mem>> -> memref<!tpu.dma_semaphore, #tpu.memory_space<semaphore_mem>>
        tpu.enqueue_indirect_dma source(%dma_start3A_305 : memref<10240x128xf32, #tpu.memory_space<hbm>>) target(%dma_start3A_299 : memref<128x128xf32, #tpu.memory_space<vmem>>) offsets(%dma_start3A_302 : memref<128xi32, #tpu.memory_space<vmem>>) semaphore(%dma_start3A_307 : memref<!tpu.dma_semaphore, #tpu.memory_space<semaphore_mem>>)
      } else {
      }
      %rem3A_228 = arith.constant 4 : i32
      %rem3A_229 = arith.remsi %scan3A_207, %rem3A_228 : i32
      %dma_wait3A_230 = arith.constant 0 : i32
      %dma_wait3A_231 = arith.constant 0 : i32
      %dma_wait3A_232 = tpu.memref_slice %arg10[%rem3A_208, %dma_wait3A_230, %dma_wait3A_231] : memref<2x128x128xf32, #tpu.memory_space<vmem>> -> memref<1x128x128xf32, #tpu.memory_space<vmem>>
      %dma_wait3A_233 = tpu.memref_squeeze %dma_wait3A_232 : memref<1x128x128xf32, #tpu.memory_space<vmem>> -> memref<128x128xf32, #tpu.memory_space<vmem>>
      %dma_wait3A_234 = arith.constant 0 : i32
      %dma_wait3A_235 = tpu.memref_slice %arg8[%rem3A_229, %dma_wait3A_234] : memref<4x128xi32, #tpu.memory_space<vmem>> -> memref<1x128xi32, #tpu.memory_space<vmem>>
      %dma_wait3A_236 = tpu.memref_squeeze %dma_wait3A_235 : memref<1x128xi32, #tpu.memory_space<vmem>> -> memref<128xi32, #tpu.memory_space<vmem>>
      %dma_wait3A_237 = arith.constant 0 : i32
      %dma_wait3A_238 = arith.constant 0 : i32
      %dma_wait3A_239 = tpu.memref_slice %arg2[%dma_wait3A_237, %dma_wait3A_238] : memref<10240x128xf32, #tpu.memory_space<hbm>> -> memref<10240x128xf32, #tpu.memory_space<hbm>>
      %dma_wait3A_240 = tpu.memref_slice %arg12[%rem3A_208] : memref<2x!tpu.dma_semaphore, #tpu.memory_space<semaphore_mem>> -> memref<1x!tpu.dma_semaphore, #tpu.memory_space<semaphore_mem>>
      %dma_wait3A_241 = tpu.memref_squeeze %dma_wait3A_240 : memref<1x!tpu.dma_semaphore, #tpu.memory_space<semaphore_mem>> -> memref<!tpu.dma_semaphore, #tpu.memory_space<semaphore_mem>>
      tpu.wait_indirect_dma semaphore(%dma_wait3A_241 : memref<!tpu.dma_semaphore, #tpu.memory_space<semaphore_mem>>) src(%dma_wait3A_239 : memref<10240x128xf32, #tpu.memory_space<hbm>>) dst(%dma_wait3A_233 : memref<128x128xf32, #tpu.memory_space<vmem>>)
      %rem3A_242 = arith.constant 4 : i32
      %rem3A_243 = arith.remsi %scan3A_207, %rem3A_242 : i32
      %dma_start3A_244 = arith.constant 0 : i32
      %dma_start3A_245 = arith.constant 0 : i32
      %dma_start3A_246 = tpu.memref_slice %arg10[%rem3A_208, %dma_start3A_244, %dma_start3A_245] : memref<2x128x128xf32, #tpu.memory_space<vmem>> -> memref<1x128x128xf32, #tpu.memory_space<vmem>>
      %dma_start3A_247 = tpu.memref_squeeze %dma_start3A_246 : memref<1x128x128xf32, #tpu.memory_space<vmem>> -> memref<128x128xf32, #tpu.memory_space<vmem>>
      %dma_start3A_248 = arith.constant 0 : i32
      %dma_start3A_249 = tpu.memref_slice %arg9[%rem3A_243, %dma_start3A_248] : memref<4x128xi32, #tpu.memory_space<vmem>> -> memref<1x128xi32, #tpu.memory_space<vmem>>
      %dma_start3A_250 = tpu.memref_squeeze %dma_start3A_249 : memref<1x128xi32, #tpu.memory_space<vmem>> -> memref<128xi32, #tpu.memory_space<vmem>>
      %dma_start3A_251 = arith.constant 0 : i32
      %dma_start3A_252 = arith.constant 0 : i32
      %dma_start3A_253 = tpu.memref_slice %arg7[%dma_start3A_251, %dma_start3A_252] : memref<10240x128xf32, #tpu.memory_space<vmem_shared>> -> memref<10240x128xf32, #tpu.memory_space<vmem_shared>>
      %dma_start3A_254 = tpu.memref_slice %arg13[%rem3A_208] : memref<2x!tpu.dma_semaphore, #tpu.memory_space<semaphore_mem>> -> memref<1x!tpu.dma_semaphore, #tpu.memory_space<semaphore_mem>>
      %dma_start3A_255 = tpu.memref_squeeze %dma_start3A_254 : memref<1x!tpu.dma_semaphore, #tpu.memory_space<semaphore_mem>> -> memref<!tpu.dma_semaphore, #tpu.memory_space<semaphore_mem>>
      tpu.enqueue_indirect_dma source(%dma_start3A_247 : memref<128x128xf32, #tpu.memory_space<vmem>>) target(%dma_start3A_253 : memref<10240x128xf32, #tpu.memory_space<vmem_shared>>) offsets(%dma_start3A_250 : memref<128xi32, #tpu.memory_space<vmem>>) semaphore(%dma_start3A_255 : memref<!tpu.dma_semaphore, #tpu.memory_space<semaphore_mem>>) {add = true}
    }
    %scan3A_145 = arith.constant 80 : i32
    %dma_wait3A_146 = arith.constant 1 : i32
    %dma_wait3A_147 = arith.constant 3 : i32
    %dma_wait3A_148 = arith.constant 1 : i32
    %dma_wait3A_149 = arith.constant 0 : i32
    %dma_wait3A_150 = arith.constant 0 : i32
    %dma_wait3A_151 = tpu.memref_slice %arg10[%dma_wait3A_146, %dma_wait3A_149, %dma_wait3A_150] : memref<2x128x128xf32, #tpu.memory_space<vmem>> -> memref<1x128x128xf32, #tpu.memory_space<vmem>>
    %dma_wait3A_152 = tpu.memref_squeeze %dma_wait3A_151 : memref<1x128x128xf32, #tpu.memory_space<vmem>> -> memref<128x128xf32, #tpu.memory_space<vmem>>
    %dma_wait3A_153 = arith.constant 0 : i32
    %dma_wait3A_154 = tpu.memref_slice %arg9[%dma_wait3A_147, %dma_wait3A_153] : memref<4x128xi32, #tpu.memory_space<vmem>> -> memref<1x128xi32, #tpu.memory_space<vmem>>
    %dma_wait3A_155 = tpu.memref_squeeze %dma_wait3A_154 : memref<1x128xi32, #tpu.memory_space<vmem>> -> memref<128xi32, #tpu.memory_space<vmem>>
    %dma_wait3A_156 = arith.constant 0 : i32
    %dma_wait3A_157 = arith.constant 0 : i32
    %dma_wait3A_158 = tpu.memref_slice %arg7[%dma_wait3A_156, %dma_wait3A_157] : memref<10240x128xf32, #tpu.memory_space<vmem_shared>> -> memref<10240x128xf32, #tpu.memory_space<vmem_shared>>
    %dma_wait3A_159 = tpu.memref_slice %arg13[%dma_wait3A_148] : memref<2x!tpu.dma_semaphore, #tpu.memory_space<semaphore_mem>> -> memref<1x!tpu.dma_semaphore, #tpu.memory_space<semaphore_mem>>
    %dma_wait3A_160 = tpu.memref_squeeze %dma_wait3A_159 : memref<1x!tpu.dma_semaphore, #tpu.memory_space<semaphore_mem>> -> memref<!tpu.dma_semaphore, #tpu.memory_space<semaphore_mem>>
    tpu.wait_indirect_dma semaphore(%dma_wait3A_160 : memref<!tpu.dma_semaphore, #tpu.memory_space<semaphore_mem>>) src(%dma_wait3A_152 : memref<128x128xf32, #tpu.memory_space<vmem>>) dst(%dma_wait3A_158 : memref<10240x128xf32, #tpu.memory_space<vmem_shared>>)
    %barrier3A_161 = arith.constant 0 : index
    tpu.barrier barrier_id(%barrier3A_161)
    %add3A_162 = arith.constant 0 : i32
    %add3A_163 = arith.addi %mul3A_0, %add3A_162 : i32
    %run_scoped3A_164 = arith.constant 0 : i32
    "tpu.region"() ({
      %run_scoped3A_207 = tpu.sem_alloc : memref<!tpu.dma_semaphore, #tpu.memory_space<semaphore_mem>>
      %dma_start3A_208 = arith.constant 0 : i32
      %dma_start3A_209 = arith.constant 0 : i32
      %dma_start3A_210 = tpu.memref_slice %arg10[%run_scoped3A_164, %dma_start3A_208, %dma_start3A_209] : memref<2x128x128xf32, #tpu.memory_space<vmem>> -> memref<1x128x128xf32, #tpu.memory_space<vmem>>
      %dma_start3A_211 = tpu.memref_squeeze %dma_start3A_210 : memref<1x128x128xf32, #tpu.memory_space<vmem>> -> memref<128x128xf32, #tpu.memory_space<vmem>>
      %dma_start3A_212 = arith.constant 0 : i32
      %dma_start3A_213 = tpu.memref_slice %arg7[%add3A_163, %dma_start3A_212] : memref<10240x128xf32, #tpu.memory_space<vmem_shared>> -> memref<128x128xf32, #tpu.memory_space<vmem_shared>>
      %dma_start3A_214 = arith.constant 0 : i32
      %dma_start3A_215 = arith.constant 0 : i32
      %dma_start3A_216 = tpu.memref_slice %arg10[%run_scoped3A_164, %dma_start3A_214, %dma_start3A_215] : memref<2x128x128xf32, #tpu.memory_space<vmem>> -> memref<1x128x128xf32, #tpu.memory_space<vmem>>
      %dma_start3A_217 = tpu.memref_squeeze %dma_start3A_216 : memref<1x128x128xf32, #tpu.memory_space<vmem>> -> memref<128x128xf32, #tpu.memory_space<vmem>>
      %dma_start3A_218 = arith.constant 0 : i32
      %dma_start3A_219 = tpu.memref_slice %arg7[%add3A_163, %dma_start3A_218] : memref<10240x128xf32, #tpu.memory_space<vmem_shared>> -> memref<128x128xf32, #tpu.memory_space<vmem_shared>>
      tpu.enqueue_dma source(%dma_start3A_219 : memref<128x128xf32, #tpu.memory_space<vmem_shared>>) target(%dma_start3A_217 : memref<128x128xf32, #tpu.memory_space<vmem>>) target_semaphore(%run_scoped3A_207 : memref<!tpu.dma_semaphore, #tpu.memory_space<semaphore_mem>>)
      %dma_wait3A_220 = arith.constant 0 : i32
      %dma_wait3A_221 = arith.constant 0 : i32
      %dma_wait3A_222 = tpu.memref_slice %arg10[%run_scoped3A_164, %dma_wait3A_220, %dma_wait3A_221] : memref<2x128x128xf32, #tpu.memory_space<vmem>> -> memref<1x128x128xf32, #tpu.memory_space<vmem>>
      %dma_wait3A_223 = tpu.memref_squeeze %dma_wait3A_222 : memref<1x128x128xf32, #tpu.memory_space<vmem>> -> memref<128x128xf32, #tpu.memory_space<vmem>>
      %dma_wait3A_224 = arith.constant 0 : i32
      %dma_wait3A_225 = tpu.memref_slice %arg7[%add3A_163, %dma_wait3A_224] : memref<10240x128xf32, #tpu.memory_space<vmem_shared>> -> memref<128x128xf32, #tpu.memory_space<vmem_shared>>
      %dma_wait3A_226 = arith.constant 0 : i32
      %dma_wait3A_227 = arith.constant 0 : i32
      %dma_wait3A_228 = tpu.memref_slice %arg10[%run_scoped3A_164, %dma_wait3A_226, %dma_wait3A_227] : memref<2x128x128xf32, #tpu.memory_space<vmem>> -> memref<1x128x128xf32, #tpu.memory_space<vmem>>
      %dma_wait3A_229 = tpu.memref_squeeze %dma_wait3A_228 : memref<1x128x128xf32, #tpu.memory_space<vmem>> -> memref<128x128xf32, #tpu.memory_space<vmem>>
      %dma_wait3A_230 = arith.constant 0 : i32
      %dma_wait3A_231 = tpu.memref_slice %arg7[%add3A_163, %dma_wait3A_230] : memref<10240x128xf32, #tpu.memory_space<vmem_shared>> -> memref<128x128xf32, #tpu.memory_space<vmem_shared>>
      tpu.wait_dma2 semaphore(%run_scoped3A_207 : memref<!tpu.dma_semaphore, #tpu.memory_space<semaphore_mem>>) src(%dma_wait3A_231 : memref<128x128xf32, #tpu.memory_space<vmem_shared>>) dst(%dma_wait3A_229 : memref<128x128xf32, #tpu.memory_space<vmem>>)
      tpu.yield
    }) : () -> ()
    %mul3A_165 = arith.constant 10240 : i32
    %mul3A_166 = arith.muli %arg0, %mul3A_165 : i32
    %add3A_167 = arith.addi %mul3A_166, %mul3A_0 : i32
    %add3A_168 = arith.constant 0 : i32
    %add3A_169 = arith.addi %add3A_167, %add3A_168 : i32
    %run_scoped3A_170 = arith.constant 0 : i32
    "tpu.region"() ({
      %run_scoped3A_207 = tpu.sem_alloc : memref<!tpu.dma_semaphore, #tpu.memory_space<semaphore_mem>>
      %dma_start3A_208 = arith.constant 0 : i32
      %dma_start3A_209 = arith.constant 0 : i32
      %dma_start3A_210 = tpu.memref_slice %arg10[%run_scoped3A_170, %dma_start3A_208, %dma_start3A_209] : memref<2x128x128xf32, #tpu.memory_space<vmem>> -> memref<1x128x128xf32, #tpu.memory_space<vmem>>
      %dma_start3A_211 = tpu.memref_squeeze %dma_start3A_210 : memref<1x128x128xf32, #tpu.memory_space<vmem>> -> memref<128x128xf32, #tpu.memory_space<vmem>>
      %dma_start3A_212 = arith.constant 0 : i32
      %dma_start3A_213 = tpu.memref_slice %arg6[%add3A_169, %dma_start3A_212] : memref<20480x128xf32, #tpu.memory_space<hbm>> -> memref<128x128xf32, #tpu.memory_space<hbm>>
      %dma_start3A_214 = arith.constant 0 : i32
      %dma_start3A_215 = tpu.memref_slice %arg6[%add3A_169, %dma_start3A_214] : memref<20480x128xf32, #tpu.memory_space<hbm>> -> memref<128x128xf32, #tpu.memory_space<hbm>>
      %dma_start3A_216 = arith.constant 0 : i32
      %dma_start3A_217 = arith.constant 0 : i32
      %dma_start3A_218 = tpu.memref_slice %arg10[%run_scoped3A_170, %dma_start3A_216, %dma_start3A_217] : memref<2x128x128xf32, #tpu.memory_space<vmem>> -> memref<1x128x128xf32, #tpu.memory_space<vmem>>
      %dma_start3A_219 = tpu.memref_squeeze %dma_start3A_218 : memref<1x128x128xf32, #tpu.memory_space<vmem>> -> memref<128x128xf32, #tpu.memory_space<vmem>>
      tpu.enqueue_dma source(%dma_start3A_219 : memref<128x128xf32, #tpu.memory_space<vmem>>) target(%dma_start3A_215 : memref<128x128xf32, #tpu.memory_space<hbm>>) target_semaphore(%run_scoped3A_207 : memref<!tpu.dma_semaphore, #tpu.memory_space<semaphore_mem>>)
      %dma_wait3A_220 = arith.constant 0 : i32
      %dma_wait3A_221 = arith.constant 0 : i32
      %dma_wait3A_222 = tpu.memref_slice %arg10[%run_scoped3A_170, %dma_wait3A_220, %dma_wait3A_221] : memref<2x128x128xf32, #tpu.memory_space<vmem>> -> memref<1x128x128xf32, #tpu.memory_space<vmem>>
      %dma_wait3A_223 = tpu.memref_squeeze %dma_wait3A_222 : memref<1x128x128xf32, #tpu.memory_space<vmem>> -> memref<128x128xf32, #tpu.memory_space<vmem>>
      %dma_wait3A_224 = arith.constant 0 : i32
      %dma_wait3A_225 = tpu.memref_slice %arg6[%add3A_169, %dma_wait3A_224] : memref<20480x128xf32, #tpu.memory_space<hbm>> -> memref<128x128xf32, #tpu.memory_space<hbm>>
      %dma_wait3A_226 = arith.constant 0 : i32
      %dma_wait3A_227 = tpu.memref_slice %arg6[%add3A_169, %dma_wait3A_226] : memref<20480x128xf32, #tpu.memory_space<hbm>> -> memref<128x128xf32, #tpu.memory_space<hbm>>
      %dma_wait3A_228 = arith.constant 0 : i32
      %dma_wait3A_229 = arith.constant 0 : i32
      %dma_wait3A_230 = tpu.memref_slice %arg10[%run_scoped3A_170, %dma_wait3A_228, %dma_wait3A_229] : memref<2x128x128xf32, #tpu.memory_space<vmem>> -> memref<1x128x128xf32, #tpu.memory_space<vmem>>
      %dma_wait3A_231 = tpu.memref_squeeze %dma_wait3A_230 : memref<1x128x128xf32, #tpu.memory_space<vmem>> -> memref<128x128xf32, #tpu.memory_space<vmem>>
      tpu.wait_dma2 semaphore(%run_scoped3A_207 : memref<!tpu.dma_semaphore, #tpu.memory_space<semaphore_mem>>) src(%dma_wait3A_231 : memref<128x128xf32, #tpu.memory_space<vmem>>) dst(%dma_wait3A_227 : memref<128x128xf32, #tpu.memory_space<hbm>>)
      tpu.yield
    }) : () -> ()
    %add3A_171 = arith.constant 128 : i32
    %add3A_172 = arith.addi %mul3A_0, %add3A_171 : i32
    %run_scoped3A_173 = arith.constant 0 : i32
    "tpu.region"() ({
      %run_scoped3A_207 = tpu.sem_alloc : memref<!tpu.dma_semaphore, #tpu.memory_space<semaphore_mem>>
      %dma_start3A_208 = arith.constant 0 : i32
      %dma_start3A_209 = arith.constant 0 : i32
      %dma_start3A_210 = tpu.memref_slice %arg10[%run_scoped3A_173, %dma_start3A_208, %dma_start3A_209] : memref<2x128x128xf32, #tpu.memory_space<vmem>> -> memref<1x128x128xf32, #tpu.memory_space<vmem>>
      %dma_start3A_211 = tpu.memref_squeeze %dma_start3A_210 : memref<1x128x128xf32, #tpu.memory_space<vmem>> -> memref<128x128xf32, #tpu.memory_space<vmem>>
      %dma_start3A_212 = arith.constant 0 : i32
      %dma_start3A_213 = tpu.memref_slice %arg7[%add3A_172, %dma_start3A_212] : memref<10240x128xf32, #tpu.memory_space<vmem_shared>> -> memref<128x128xf32, #tpu.memory_space<vmem_shared>>
      %dma_start3A_214 = arith.constant 0 : i32
      %dma_start3A_215 = arith.constant 0 : i32
      %dma_start3A_216 = tpu.memref_slice %arg10[%run_scoped3A_173, %dma_start3A_214, %dma_start3A_215] : memref<2x128x128xf32, #tpu.memory_space<vmem>> -> memref<1x128x128xf32, #tpu.memory_space<vmem>>
      %dma_start3A_217 = tpu.memref_squeeze %dma_start3A_216 : memref<1x128x128xf32, #tpu.memory_space<vmem>> -> memref<128x128xf32, #tpu.memory_space<vmem>>
      %dma_start3A_218 = arith.constant 0 : i32
      %dma_start3A_219 = tpu.memref_slice %arg7[%add3A_172, %dma_start3A_218] : memref<10240x128xf32, #tpu.memory_space<vmem_shared>> -> memref<128x128xf32, #tpu.memory_space<vmem_shared>>
      tpu.enqueue_dma source(%dma_start3A_219 : memref<128x128xf32, #tpu.memory_space<vmem_shared>>) target(%dma_start3A_217 : memref<128x128xf32, #tpu.memory_space<vmem>>) target_semaphore(%run_scoped3A_207 : memref<!tpu.dma_semaphore, #tpu.memory_space<semaphore_mem>>)
      %dma_wait3A_220 = arith.constant 0 : i32
      %dma_wait3A_221 = arith.constant 0 : i32
      %dma_wait3A_222 = tpu.memref_slice %arg10[%run_scoped3A_173, %dma_wait3A_220, %dma_wait3A_221] : memref<2x128x128xf32, #tpu.memory_space<vmem>> -> memref<1x128x128xf32, #tpu.memory_space<vmem>>
      %dma_wait3A_223 = tpu.memref_squeeze %dma_wait3A_222 : memref<1x128x128xf32, #tpu.memory_space<vmem>> -> memref<128x128xf32, #tpu.memory_space<vmem>>
      %dma_wait3A_224 = arith.constant 0 : i32
      %dma_wait3A_225 = tpu.memref_slice %arg7[%add3A_172, %dma_wait3A_224] : memref<10240x128xf32, #tpu.memory_space<vmem_shared>> -> memref<128x128xf32, #tpu.memory_space<vmem_shared>>
      %dma_wait3A_226 = arith.constant 0 : i32
      %dma_wait3A_227 = arith.constant 0 : i32
      %dma_wait3A_228 = tpu.memref_slice %arg10[%run_scoped3A_173, %dma_wait3A_226, %dma_wait3A_227] : memref<2x128x128xf32, #tpu.memory_space<vmem>> -> memref<1x128x128xf32, #tpu.memory_space<vmem>>
      %dma_wait3A_229 = tpu.memref_squeeze %dma_wait3A_228 : memref<1x128x128xf32, #tpu.memory_space<vmem>> -> memref<128x128xf32, #tpu.memory_space<vmem>>
      %dma_wait3A_230 = arith.constant 0 : i32
      %dma_wait3A_231 = tpu.memref_slice %arg7[%add3A_172, %dma_wait3A_230] : memref<10240x128xf32, #tpu.memory_space<vmem_shared>> -> memref<128x128xf32, #tpu.memory_space<vmem_shared>>
      tpu.wait_dma2 semaphore(%run_scoped3A_207 : memref<!tpu.dma_semaphore, #tpu.memory_space<semaphore_mem>>) src(%dma_wait3A_231 : memref<128x128xf32, #tpu.memory_space<vmem_shared>>) dst(%dma_wait3A_229 : memref<128x128xf32, #tpu.memory_space<vmem>>)
      tpu.yield
    }) : () -> ()
    %mul3A_174 = arith.constant 10240 : i32
    %mul3A_175 = arith.muli %arg0, %mul3A_174 : i32
    %add3A_176 = arith.addi %mul3A_175, %mul3A_0 : i32
    %add3A_177 = arith.constant 128 : i32
    %add3A_178 = arith.addi %add3A_176, %add3A_177 : i32
    %run_scoped3A_179 = arith.constant 0 : i32
    "tpu.region"() ({
      %run_scoped3A_207 = tpu.sem_alloc : memref<!tpu.dma_semaphore, #tpu.memory_space<semaphore_mem>>
      %dma_start3A_208 = arith.constant 0 : i32
      %dma_start3A_209 = arith.constant 0 : i32
      %dma_start3A_210 = tpu.memref_slice %arg10[%run_scoped3A_179, %dma_start3A_208, %dma_start3A_209] : memref<2x128x128xf32, #tpu.memory_space<vmem>> -> memref<1x128x128xf32, #tpu.memory_space<vmem>>
      %dma_start3A_211 = tpu.memref_squeeze %dma_start3A_210 : memref<1x128x128xf32, #tpu.memory_space<vmem>> -> memref<128x128xf32, #tpu.memory_space<vmem>>
      %dma_start3A_212 = arith.constant 0 : i32
      %dma_start3A_213 = tpu.memref_slice %arg6[%add3A_178, %dma_start3A_212] : memref<20480x128xf32, #tpu.memory_space<hbm>> -> memref<128x128xf32, #tpu.memory_space<hbm>>
      %dma_start3A_214 = arith.constant 0 : i32
      %dma_start3A_215 = tpu.memref_slice %arg6[%add3A_178, %dma_start3A_214] : memref<20480x128xf32, #tpu.memory_space<hbm>> -> memref<128x128xf32, #tpu.memory_space<hbm>>
      %dma_start3A_216 = arith.constant 0 : i32
      %dma_start3A_217 = arith.constant 0 : i32
      %dma_start3A_218 = tpu.memref_slice %arg10[%run_scoped3A_179, %dma_start3A_216, %dma_start3A_217] : memref<2x128x128xf32, #tpu.memory_space<vmem>> -> memref<1x128x128xf32, #tpu.memory_space<vmem>>
      %dma_start3A_219 = tpu.memref_squeeze %dma_start3A_218 : memref<1x128x128xf32, #tpu.memory_space<vmem>> -> memref<128x128xf32, #tpu.memory_space<vmem>>
      tpu.enqueue_dma source(%dma_start3A_219 : memref<128x128xf32, #tpu.memory_space<vmem>>) target(%dma_start3A_215 : memref<128x128xf32, #tpu.memory_space<hbm>>) target_semaphore(%run_scoped3A_207 : memref<!tpu.dma_semaphore, #tpu.memory_space<semaphore_mem>>)
      %dma_wait3A_220 = arith.constant 0 : i32
      %dma_wait3A_221 = arith.constant 0 : i32
      %dma_wait3A_222 = tpu.memref_slice %arg10[%run_scoped3A_179, %dma_wait3A_220, %dma_wait3A_221] : memref<2x128x128xf32, #tpu.memory_space<vmem>> -> memref<1x128x128xf32, #tpu.memory_space<vmem>>
      %dma_wait3A_223 = tpu.memref_squeeze %dma_wait3A_222 : memref<1x128x128xf32, #tpu.memory_space<vmem>> -> memref<128x128xf32, #tpu.memory_space<vmem>>
      %dma_wait3A_224 = arith.constant 0 : i32
      %dma_wait3A_225 = tpu.memref_slice %arg6[%add3A_178, %dma_wait3A_224] : memref<20480x128xf32, #tpu.memory_space<hbm>> -> memref<128x128xf32, #tpu.memory_space<hbm>>
      %dma_wait3A_226 = arith.constant 0 : i32
      %dma_wait3A_227 = tpu.memref_slice %arg6[%add3A_178, %dma_wait3A_226] : memref<20480x128xf32, #tpu.memory_space<hbm>> -> memref<128x128xf32, #tpu.memory_space<hbm>>
      %dma_wait3A_228 = arith.constant 0 : i32
      %dma_wait3A_229 = arith.constant 0 : i32
      %dma_wait3A_230 = tpu.memref_slice %arg10[%run_scoped3A_179, %dma_wait3A_228, %dma_wait3A_229] : memref<2x128x128xf32, #tpu.memory_space<vmem>> -> memref<1x128x128xf32, #tpu.memory_space<vmem>>
      %dma_wait3A_231 = tpu.memref_squeeze %dma_wait3A_230 : memref<1x128x128xf32, #tpu.memory_space<vmem>> -> memref<128x128xf32, #tpu.memory_space<vmem>>
      tpu.wait_dma2 semaphore(%run_scoped3A_207 : memref<!tpu.dma_semaphore, #tpu.memory_space<semaphore_mem>>) src(%dma_wait3A_231 : memref<128x128xf32, #tpu.memory_space<vmem>>) dst(%dma_wait3A_227 : memref<128x128xf32, #tpu.memory_space<hbm>>)
      tpu.yield
    }) : () -> ()
    %add3A_180 = arith.constant 256 : i32
    %add3A_181 = arith.addi %mul3A_0, %add3A_180 : i32
    %run_scoped3A_182 = arith.constant 0 : i32
    "tpu.region"() ({
      %run_scoped3A_207 = tpu.sem_alloc : memref<!tpu.dma_semaphore, #tpu.memory_space<semaphore_mem>>
      %dma_start3A_208 = arith.constant 0 : i32
      %dma_start3A_209 = arith.constant 0 : i32
      %dma_start3A_210 = tpu.memref_slice %arg10[%run_scoped3A_182, %dma_start3A_208, %dma_start3A_209] : memref<2x128x128xf32, #tpu.memory_space<vmem>> -> memref<1x128x128xf32, #tpu.memory_space<vmem>>
      %dma_start3A_211 = tpu.memref_squeeze %dma_start3A_210 : memref<1x128x128xf32, #tpu.memory_space<vmem>> -> memref<128x128xf32, #tpu.memory_space<vmem>>
      %dma_start3A_212 = arith.constant 0 : i32
      %dma_start3A_213 = tpu.memref_slice %arg7[%add3A_181, %dma_start3A_212] : memref<10240x128xf32, #tpu.memory_space<vmem_shared>> -> memref<128x128xf32, #tpu.memory_space<vmem_shared>>
      %dma_start3A_214 = arith.constant 0 : i32
      %dma_start3A_215 = arith.constant 0 : i32
      %dma_start3A_216 = tpu.memref_slice %arg10[%run_scoped3A_182, %dma_start3A_214, %dma_start3A_215] : memref<2x128x128xf32, #tpu.memory_space<vmem>> -> memref<1x128x128xf32, #tpu.memory_space<vmem>>
      %dma_start3A_217 = tpu.memref_squeeze %dma_start3A_216 : memref<1x128x128xf32, #tpu.memory_space<vmem>> -> memref<128x128xf32, #tpu.memory_space<vmem>>
      %dma_start3A_218 = arith.constant 0 : i32
      %dma_start3A_219 = tpu.memref_slice %arg7[%add3A_181, %dma_start3A_218] : memref<10240x128xf32, #tpu.memory_space<vmem_shared>> -> memref<128x128xf32, #tpu.memory_space<vmem_shared>>
      tpu.enqueue_dma source(%dma_start3A_219 : memref<128x128xf32, #tpu.memory_space<vmem_shared>>) target(%dma_start3A_217 : memref<128x128xf32, #tpu.memory_space<vmem>>) target_semaphore(%run_scoped3A_207 : memref<!tpu.dma_semaphore, #tpu.memory_space<semaphore_mem>>)
      %dma_wait3A_220 = arith.constant 0 : i32
      %dma_wait3A_221 = arith.constant 0 : i32
      %dma_wait3A_222 = tpu.memref_slice %arg10[%run_scoped3A_182, %dma_wait3A_220, %dma_wait3A_221] : memref<2x128x128xf32, #tpu.memory_space<vmem>> -> memref<1x128x128xf32, #tpu.memory_space<vmem>>
      %dma_wait3A_223 = tpu.memref_squeeze %dma_wait3A_222 : memref<1x128x128xf32, #tpu.memory_space<vmem>> -> memref<128x128xf32, #tpu.memory_space<vmem>>
      %dma_wait3A_224 = arith.constant 0 : i32
      %dma_wait3A_225 = tpu.memref_slice %arg7[%add3A_181, %dma_wait3A_224] : memref<10240x128xf32, #tpu.memory_space<vmem_shared>> -> memref<128x128xf32, #tpu.memory_space<vmem_shared>>
      %dma_wait3A_226 = arith.constant 0 : i32
      %dma_wait3A_227 = arith.constant 0 : i32
      %dma_wait3A_228 = tpu.memref_slice %arg10[%run_scoped3A_182, %dma_wait3A_226, %dma_wait3A_227] : memref<2x128x128xf32, #tpu.memory_space<vmem>> -> memref<1x128x128xf32, #tpu.memory_space<vmem>>
      %dma_wait3A_229 = tpu.memref_squeeze %dma_wait3A_228 : memref<1x128x128xf32, #tpu.memory_space<vmem>> -> memref<128x128xf32, #tpu.memory_space<vmem>>
      %dma_wait3A_230 = arith.constant 0 : i32
      %dma_wait3A_231 = tpu.memref_slice %arg7[%add3A_181, %dma_wait3A_230] : memref<10240x128xf32, #tpu.memory_space<vmem_shared>> -> memref<128x128xf32, #tpu.memory_space<vmem_shared>>
      tpu.wait_dma2 semaphore(%run_scoped3A_207 : memref<!tpu.dma_semaphore, #tpu.memory_space<semaphore_mem>>) src(%dma_wait3A_231 : memref<128x128xf32, #tpu.memory_space<vmem_shared>>) dst(%dma_wait3A_229 : memref<128x128xf32, #tpu.memory_space<vmem>>)
      tpu.yield
    }) : () -> ()
    %mul3A_183 = arith.constant 10240 : i32
    %mul3A_184 = arith.muli %arg0, %mul3A_183 : i32
    %add3A_185 = arith.addi %mul3A_184, %mul3A_0 : i32
    %add3A_186 = arith.constant 256 : i32
    %add3A_187 = arith.addi %add3A_185, %add3A_186 : i32
    %run_scoped3A_188 = arith.constant 0 : i32
    "tpu.region"() ({
      %run_scoped3A_207 = tpu.sem_alloc : memref<!tpu.dma_semaphore, #tpu.memory_space<semaphore_mem>>
      %dma_start3A_208 = arith.constant 0 : i32
      %dma_start3A_209 = arith.constant 0 : i32
      %dma_start3A_210 = tpu.memref_slice %arg10[%run_scoped3A_188, %dma_start3A_208, %dma_start3A_209] : memref<2x128x128xf32, #tpu.memory_space<vmem>> -> memref<1x128x128xf32, #tpu.memory_space<vmem>>
      %dma_start3A_211 = tpu.memref_squeeze %dma_start3A_210 : memref<1x128x128xf32, #tpu.memory_space<vmem>> -> memref<128x128xf32, #tpu.memory_space<vmem>>
      %dma_start3A_212 = arith.constant 0 : i32
      %dma_start3A_213 = tpu.memref_slice %arg6[%add3A_187, %dma_start3A_212] : memref<20480x128xf32, #tpu.memory_space<hbm>> -> memref<128x128xf32, #tpu.memory_space<hbm>>
      %dma_start3A_214 = arith.constant 0 : i32
      %dma_start3A_215 = tpu.memref_slice %arg6[%add3A_187, %dma_start3A_214] : memref<20480x128xf32, #tpu.memory_space<hbm>> -> memref<128x128xf32, #tpu.memory_space<hbm>>
      %dma_start3A_216 = arith.constant 0 : i32
      %dma_start3A_217 = arith.constant 0 : i32
      %dma_start3A_218 = tpu.memref_slice %arg10[%run_scoped3A_188, %dma_start3A_216, %dma_start3A_217] : memref<2x128x128xf32, #tpu.memory_space<vmem>> -> memref<1x128x128xf32, #tpu.memory_space<vmem>>
      %dma_start3A_219 = tpu.memref_squeeze %dma_start3A_218 : memref<1x128x128xf32, #tpu.memory_space<vmem>> -> memref<128x128xf32, #tpu.memory_space<vmem>>
      tpu.enqueue_dma source(%dma_start3A_219 : memref<128x128xf32, #tpu.memory_space<vmem>>) target(%dma_start3A_215 : memref<128x128xf32, #tpu.memory_space<hbm>>) target_semaphore(%run_scoped3A_207 : memref<!tpu.dma_semaphore, #tpu.memory_space<semaphore_mem>>)
      %dma_wait3A_220 = arith.constant 0 : i32
      %dma_wait3A_221 = arith.constant 0 : i32
      %dma_wait3A_222 = tpu.memref_slice %arg10[%run_scoped3A_188, %dma_wait3A_220, %dma_wait3A_221] : memref<2x128x128xf32, #tpu.memory_space<vmem>> -> memref<1x128x128xf32, #tpu.memory_space<vmem>>
      %dma_wait3A_223 = tpu.memref_squeeze %dma_wait3A_222 : memref<1x128x128xf32, #tpu.memory_space<vmem>> -> memref<128x128xf32, #tpu.memory_space<vmem>>
      %dma_wait3A_224 = arith.constant 0 : i32
      %dma_wait3A_225 = tpu.memref_slice %arg6[%add3A_187, %dma_wait3A_224] : memref<20480x128xf32, #tpu.memory_space<hbm>> -> memref<128x128xf32, #tpu.memory_space<hbm>>
      %dma_wait3A_226 = arith.constant 0 : i32
      %dma_wait3A_227 = tpu.memref_slice %arg6[%add3A_187, %dma_wait3A_226] : memref<20480x128xf32, #tpu.memory_space<hbm>> -> memref<128x128xf32, #tpu.memory_space<hbm>>
      %dma_wait3A_228 = arith.constant 0 : i32
      %dma_wait3A_229 = arith.constant 0 : i32
      %dma_wait3A_230 = tpu.memref_slice %arg10[%run_scoped3A_188, %dma_wait3A_228, %dma_wait3A_229] : memref<2x128x128xf32, #tpu.memory_space<vmem>> -> memref<1x128x128xf32, #tpu.memory_space<vmem>>
      %dma_wait3A_231 = tpu.memref_squeeze %dma_wait3A_230 : memref<1x128x128xf32, #tpu.memory_space<vmem>> -> memref<128x128xf32, #tpu.memory_space<vmem>>
      tpu.wait_dma2 semaphore(%run_scoped3A_207 : memref<!tpu.dma_semaphore, #tpu.memory_space<semaphore_mem>>) src(%dma_wait3A_231 : memref<128x128xf32, #tpu.memory_space<vmem>>) dst(%dma_wait3A_227 : memref<128x128xf32, #tpu.memory_space<hbm>>)
      tpu.yield
    }) : () -> ()
    %add3A_189 = arith.constant 384 : i32
    %add3A_190 = arith.addi %mul3A_0, %add3A_189 : i32
    %run_scoped3A_191 = arith.constant 0 : i32
    "tpu.region"() ({
      %run_scoped3A_207 = tpu.sem_alloc : memref<!tpu.dma_semaphore, #tpu.memory_space<semaphore_mem>>
      %dma_start3A_208 = arith.constant 0 : i32
      %dma_start3A_209 = arith.constant 0 : i32
      %dma_start3A_210 = tpu.memref_slice %arg10[%run_scoped3A_191, %dma_start3A_208, %dma_start3A_209] : memref<2x128x128xf32, #tpu.memory_space<vmem>> -> memref<1x128x128xf32, #tpu.memory_space<vmem>>
      %dma_start3A_211 = tpu.memref_squeeze %dma_start3A_210 : memref<1x128x128xf32, #tpu.memory_space<vmem>> -> memref<128x128xf32, #tpu.memory_space<vmem>>
      %dma_start3A_212 = arith.constant 0 : i32
      %dma_start3A_213 = tpu.memref_slice %arg7[%add3A_190, %dma_start3A_212] : memref<10240x128xf32, #tpu.memory_space<vmem_shared>> -> memref<128x128xf32, #tpu.memory_space<vmem_shared>>
      %dma_start3A_214 = arith.constant 0 : i32
      %dma_start3A_215 = arith.constant 0 : i32
      %dma_start3A_216 = tpu.memref_slice %arg10[%run_scoped3A_191, %dma_start3A_214, %dma_start3A_215] : memref<2x128x128xf32, #tpu.memory_space<vmem>> -> memref<1x128x128xf32, #tpu.memory_space<vmem>>
      %dma_start3A_217 = tpu.memref_squeeze %dma_start3A_216 : memref<1x128x128xf32, #tpu.memory_space<vmem>> -> memref<128x128xf32, #tpu.memory_space<vmem>>
      %dma_start3A_218 = arith.constant 0 : i32
      %dma_start3A_219 = tpu.memref_slice %arg7[%add3A_190, %dma_start3A_218] : memref<10240x128xf32, #tpu.memory_space<vmem_shared>> -> memref<128x128xf32, #tpu.memory_space<vmem_shared>>
      tpu.enqueue_dma source(%dma_start3A_219 : memref<128x128xf32, #tpu.memory_space<vmem_shared>>) target(%dma_start3A_217 : memref<128x128xf32, #tpu.memory_space<vmem>>) target_semaphore(%run_scoped3A_207 : memref<!tpu.dma_semaphore, #tpu.memory_space<semaphore_mem>>)
      %dma_wait3A_220 = arith.constant 0 : i32
      %dma_wait3A_221 = arith.constant 0 : i32
      %dma_wait3A_222 = tpu.memref_slice %arg10[%run_scoped3A_191, %dma_wait3A_220, %dma_wait3A_221] : memref<2x128x128xf32, #tpu.memory_space<vmem>> -> memref<1x128x128xf32, #tpu.memory_space<vmem>>
      %dma_wait3A_223 = tpu.memref_squeeze %dma_wait3A_222 : memref<1x128x128xf32, #tpu.memory_space<vmem>> -> memref<128x128xf32, #tpu.memory_space<vmem>>
      %dma_wait3A_224 = arith.constant 0 : i32
      %dma_wait3A_225 = tpu.memref_slice %arg7[%add3A_190, %dma_wait3A_224] : memref<10240x128xf32, #tpu.memory_space<vmem_shared>> -> memref<128x128xf32, #tpu.memory_space<vmem_shared>>
      %dma_wait3A_226 = arith.constant 0 : i32
      %dma_wait3A_227 = arith.constant 0 : i32
      %dma_wait3A_228 = tpu.memref_slice %arg10[%run_scoped3A_191, %dma_wait3A_226, %dma_wait3A_227] : memref<2x128x128xf32, #tpu.memory_space<vmem>> -> memref<1x128x128xf32, #tpu.memory_space<vmem>>
      %dma_wait3A_229 = tpu.memref_squeeze %dma_wait3A_228 : memref<1x128x128xf32, #tpu.memory_space<vmem>> -> memref<128x128xf32, #tpu.memory_space<vmem>>
      %dma_wait3A_230 = arith.constant 0 : i32
      %dma_wait3A_231 = tpu.memref_slice %arg7[%add3A_190, %dma_wait3A_230] : memref<10240x128xf32, #tpu.memory_space<vmem_shared>> -> memref<128x128xf32, #tpu.memory_space<vmem_shared>>
      tpu.wait_dma2 semaphore(%run_scoped3A_207 : memref<!tpu.dma_semaphore, #tpu.memory_space<semaphore_mem>>) src(%dma_wait3A_231 : memref<128x128xf32, #tpu.memory_space<vmem_shared>>) dst(%dma_wait3A_229 : memref<128x128xf32, #tpu.memory_space<vmem>>)
      tpu.yield
    }) : () -> ()
    %mul3A_192 = arith.constant 10240 : i32
    %mul3A_193 = arith.muli %arg0, %mul3A_192 : i32
    %add3A_194 = arith.addi %mul3A_193, %mul3A_0 : i32
    %add3A_195 = arith.constant 384 : i32
    %add3A_196 = arith.addi %add3A_194, %add3A_195 : i32
    %run_scoped3A_197 = arith.constant 0 : i32
    "tpu.region"() ({
      %run_scoped3A_207 = tpu.sem_alloc : memref<!tpu.dma_semaphore, #tpu.memory_space<semaphore_mem>>
      %dma_start3A_208 = arith.constant 0 : i32
      %dma_start3A_209 = arith.constant 0 : i32
      %dma_start3A_210 = tpu.memref_slice %arg10[%run_scoped3A_197, %dma_start3A_208, %dma_start3A_209] : memref<2x128x128xf32, #tpu.memory_space<vmem>> -> memref<1x128x128xf32, #tpu.memory_space<vmem>>
      %dma_start3A_211 = tpu.memref_squeeze %dma_start3A_210 : memref<1x128x128xf32, #tpu.memory_space<vmem>> -> memref<128x128xf32, #tpu.memory_space<vmem>>
      %dma_start3A_212 = arith.constant 0 : i32
      %dma_start3A_213 = tpu.memref_slice %arg6[%add3A_196, %dma_start3A_212] : memref<20480x128xf32, #tpu.memory_space<hbm>> -> memref<128x128xf32, #tpu.memory_space<hbm>>
      %dma_start3A_214 = arith.constant 0 : i32
      %dma_start3A_215 = tpu.memref_slice %arg6[%add3A_196, %dma_start3A_214] : memref<20480x128xf32, #tpu.memory_space<hbm>> -> memref<128x128xf32, #tpu.memory_space<hbm>>
      %dma_start3A_216 = arith.constant 0 : i32
      %dma_start3A_217 = arith.constant 0 : i32
      %dma_start3A_218 = tpu.memref_slice %arg10[%run_scoped3A_197, %dma_start3A_216, %dma_start3A_217] : memref<2x128x128xf32, #tpu.memory_space<vmem>> -> memref<1x128x128xf32, #tpu.memory_space<vmem>>
      %dma_start3A_219 = tpu.memref_squeeze %dma_start3A_218 : memref<1x128x128xf32, #tpu.memory_space<vmem>> -> memref<128x128xf32, #tpu.memory_space<vmem>>
      tpu.enqueue_dma source(%dma_start3A_219 : memref<128x128xf32, #tpu.memory_space<vmem>>) target(%dma_start3A_215 : memref<128x128xf32, #tpu.memory_space<hbm>>) target_semaphore(%run_scoped3A_207 : memref<!tpu.dma_semaphore, #tpu.memory_space<semaphore_mem>>)
      %dma_wait3A_220 = arith.constant 0 : i32
      %dma_wait3A_221 = arith.constant 0 : i32
      %dma_wait3A_222 = tpu.memref_slice %arg10[%run_scoped3A_197, %dma_wait3A_220, %dma_wait3A_221] : memref<2x128x128xf32, #tpu.memory_space<vmem>> -> memref<1x128x128xf32, #tpu.memory_space<vmem>>
      %dma_wait3A_223 = tpu.memref_squeeze %dma_wait3A_222 : memref<1x128x128xf32, #tpu.memory_space<vmem>> -> memref<128x128xf32, #tpu.memory_space<vmem>>
      %dma_wait3A_224 = arith.constant 0 : i32
      %dma_wait3A_225 = tpu.memref_slice %arg6[%add3A_196, %dma_wait3A_224] : memref<20480x128xf32, #tpu.memory_space<hbm>> -> memref<128x128xf32, #tpu.memory_space<hbm>>
      %dma_wait3A_226 = arith.constant 0 : i32
      %dma_wait3A_227 = tpu.memref_slice %arg6[%add3A_196, %dma_wait3A_226] : memref<20480x128xf32, #tpu.memory_space<hbm>> -> memref<128x128xf32, #tpu.memory_space<hbm>>
      %dma_wait3A_228 = arith.constant 0 : i32
      %dma_wait3A_229 = arith.constant 0 : i32
      %dma_wait3A_230 = tpu.memref_slice %arg10[%run_scoped3A_197, %dma_wait3A_228, %dma_wait3A_229] : memref<2x128x128xf32, #tpu.memory_space<vmem>> -> memref<1x128x128xf32, #tpu.memory_space<vmem>>
      %dma_wait3A_231 = tpu.memref_squeeze %dma_wait3A_230 : memref<1x128x128xf32, #tpu.memory_space<vmem>> -> memref<128x128xf32, #tpu.memory_space<vmem>>
      tpu.wait_dma2 semaphore(%run_scoped3A_207 : memref<!tpu.dma_semaphore, #tpu.memory_space<semaphore_mem>>) src(%dma_wait3A_231 : memref<128x128xf32, #tpu.memory_space<vmem>>) dst(%dma_wait3A_227 : memref<128x128xf32, #tpu.memory_space<hbm>>)
      tpu.yield
    }) : () -> ()
    %add3A_198 = arith.constant 512 : i32
    %add3A_199 = arith.addi %mul3A_0, %add3A_198 : i32
    %run_scoped3A_200 = arith.constant 0 : i32
    "tpu.region"() ({
      %run_scoped3A_207 = tpu.sem_alloc : memref<!tpu.dma_semaphore, #tpu.memory_space<semaphore_mem>>
      %dma_start3A_208 = arith.constant 0 : i32
      %dma_start3A_209 = arith.constant 0 : i32
      %dma_start3A_210 = tpu.memref_slice %arg10[%run_scoped3A_200, %dma_start3A_208, %dma_start3A_209] : memref<2x128x128xf32, #tpu.memory_space<vmem>> -> memref<1x128x128xf32, #tpu.memory_space<vmem>>
      %dma_start3A_211 = tpu.memref_squeeze %dma_start3A_210 : memref<1x128x128xf32, #tpu.memory_space<vmem>> -> memref<128x128xf32, #tpu.memory_space<vmem>>
      %dma_start3A_212 = arith.constant 0 : i32
      %dma_start3A_213 = tpu.memref_slice %arg7[%add3A_199, %dma_start3A_212] : memref<10240x128xf32, #tpu.memory_space<vmem_shared>> -> memref<128x128xf32, #tpu.memory_space<vmem_shared>>
      %dma_start3A_214 = arith.constant 0 : i32
      %dma_start3A_215 = arith.constant 0 : i32
      %dma_start3A_216 = tpu.memref_slice %arg10[%run_scoped3A_200, %dma_start3A_214, %dma_start3A_215] : memref<2x128x128xf32, #tpu.memory_space<vmem>> -> memref<1x128x128xf32, #tpu.memory_space<vmem>>
      %dma_start3A_217 = tpu.memref_squeeze %dma_start3A_216 : memref<1x128x128xf32, #tpu.memory_space<vmem>> -> memref<128x128xf32, #tpu.memory_space<vmem>>
      %dma_start3A_218 = arith.constant 0 : i32
      %dma_start3A_219 = tpu.memref_slice %arg7[%add3A_199, %dma_start3A_218] : memref<10240x128xf32, #tpu.memory_space<vmem_shared>> -> memref<128x128xf32, #tpu.memory_space<vmem_shared>>
      tpu.enqueue_dma source(%dma_start3A_219 : memref<128x128xf32, #tpu.memory_space<vmem_shared>>) target(%dma_start3A_217 : memref<128x128xf32, #tpu.memory_space<vmem>>) target_semaphore(%run_scoped3A_207 : memref<!tpu.dma_semaphore, #tpu.memory_space<semaphore_mem>>)
      %dma_wait3A_220 = arith.constant 0 : i32
      %dma_wait3A_221 = arith.constant 0 : i32
      %dma_wait3A_222 = tpu.memref_slice %arg10[%run_scoped3A_200, %dma_wait3A_220, %dma_wait3A_221] : memref<2x128x128xf32, #tpu.memory_space<vmem>> -> memref<1x128x128xf32, #tpu.memory_space<vmem>>
      %dma_wait3A_223 = tpu.memref_squeeze %dma_wait3A_222 : memref<1x128x128xf32, #tpu.memory_space<vmem>> -> memref<128x128xf32, #tpu.memory_space<vmem>>
      %dma_wait3A_224 = arith.constant 0 : i32
      %dma_wait3A_225 = tpu.memref_slice %arg7[%add3A_199, %dma_wait3A_224] : memref<10240x128xf32, #tpu.memory_space<vmem_shared>> -> memref<128x128xf32, #tpu.memory_space<vmem_shared>>
      %dma_wait3A_226 = arith.constant 0 : i32
      %dma_wait3A_227 = arith.constant 0 : i32
      %dma_wait3A_228 = tpu.memref_slice %arg10[%run_scoped3A_200, %dma_wait3A_226, %dma_wait3A_227] : memref<2x128x128xf32, #tpu.memory_space<vmem>> -> memref<1x128x128xf32, #tpu.memory_space<vmem>>
      %dma_wait3A_229 = tpu.memref_squeeze %dma_wait3A_228 : memref<1x128x128xf32, #tpu.memory_space<vmem>> -> memref<128x128xf32, #tpu.memory_space<vmem>>
      %dma_wait3A_230 = arith.constant 0 : i32
      %dma_wait3A_231 = tpu.memref_slice %arg7[%add3A_199, %dma_wait3A_230] : memref<10240x128xf32, #tpu.memory_space<vmem_shared>> -> memref<128x128xf32, #tpu.memory_space<vmem_shared>>
      tpu.wait_dma2 semaphore(%run_scoped3A_207 : memref<!tpu.dma_semaphore, #tpu.memory_space<semaphore_mem>>) src(%dma_wait3A_231 : memref<128x128xf32, #tpu.memory_space<vmem_shared>>) dst(%dma_wait3A_229 : memref<128x128xf32, #tpu.memory_space<vmem>>)
      tpu.yield
    }) : () -> ()
    %mul3A_201 = arith.constant 10240 : i32
    %mul3A_202 = arith.muli %arg0, %mul3A_201 : i32
    %add3A_203 = arith.addi %mul3A_202, %mul3A_0 : i32
    %add3A_204 = arith.constant 512 : i32
    %add3A_205 = arith.addi %add3A_203, %add3A_204 : i32
    %run_scoped3A_206 = arith.constant 0 : i32
    "tpu.region"() ({
      %run_scoped3A_207 = tpu.sem_alloc : memref<!tpu.dma_semaphore, #tpu.memory_space<semaphore_mem>>
      %dma_start3A_208 = arith.constant 0 : i32
      %dma_start3A_209 = arith.constant 0 : i32
      %dma_start3A_210 = tpu.memref_slice %arg10[%run_scoped3A_206, %dma_start3A_208, %dma_start3A_209] : memref<2x128x128xf32, #tpu.memory_space<vmem>> -> memref<1x128x128xf32, #tpu.memory_space<vmem>>
      %dma_start3A_211 = tpu.memref_squeeze %dma_start3A_210 : memref<1x128x128xf32, #tpu.memory_space<vmem>> -> memref<128x128xf32, #tpu.memory_space<vmem>>
      %dma_start3A_212 = arith.constant 0 : i32
      %dma_start3A_213 = tpu.memref_slice %arg6[%add3A_205, %dma_start3A_212] : memref<20480x128xf32, #tpu.memory_space<hbm>> -> memref<128x128xf32, #tpu.memory_space<hbm>>
      %dma_start3A_214 = arith.constant 0 : i32
      %dma_start3A_215 = tpu.memref_slice %arg6[%add3A_205, %dma_start3A_214] : memref<20480x128xf32, #tpu.memory_space<hbm>> -> memref<128x128xf32, #tpu.memory_space<hbm>>
      %dma_start3A_216 = arith.constant 0 : i32
      %dma_start3A_217 = arith.constant 0 : i32
      %dma_start3A_218 = tpu.memref_slice %arg10[%run_scoped3A_206, %dma_start3A_216, %dma_start3A_217] : memref<2x128x128xf32, #tpu.memory_space<vmem>> -> memref<1x128x128xf32, #tpu.memory_space<vmem>>
      %dma_start3A_219 = tpu.memref_squeeze %dma_start3A_218 : memref<1x128x128xf32, #tpu.memory_space<vmem>> -> memref<128x128xf32, #tpu.memory_space<vmem>>
      tpu.enqueue_dma source(%dma_start3A_219 : memref<128x128xf32, #tpu.memory_space<vmem>>) target(%dma_start3A_215 : memref<128x128xf32, #tpu.memory_space<hbm>>) target_semaphore(%run_scoped3A_207 : memref<!tpu.dma_semaphore, #tpu.memory_space<semaphore_mem>>)
      %dma_wait3A_220 = arith.constant 0 : i32
      %dma_wait3A_221 = arith.constant 0 : i32
      %dma_wait3A_222 = tpu.memref_slice %arg10[%run_scoped3A_206, %dma_wait3A_220, %dma_wait3A_221] : memref<2x128x128xf32, #tpu.memory_space<vmem>> -> memref<1x128x128xf32, #tpu.memory_space<vmem>>
      %dma_wait3A_223 = tpu.memref_squeeze %dma_wait3A_222 : memref<1x128x128xf32, #tpu.memory_space<vmem>> -> memref<128x128xf32, #tpu.memory_space<vmem>>
      %dma_wait3A_224 = arith.constant 0 : i32
      %dma_wait3A_225 = tpu.memref_slice %arg6[%add3A_205, %dma_wait3A_224] : memref<20480x128xf32, #tpu.memory_space<hbm>> -> memref<128x128xf32, #tpu.memory_space<hbm>>
      %dma_wait3A_226 = arith.constant 0 : i32
      %dma_wait3A_227 = tpu.memref_slice %arg6[%add3A_205, %dma_wait3A_226] : memref<20480x128xf32, #tpu.memory_space<hbm>> -> memref<128x128xf32, #tpu.memory_space<hbm>>
      %dma_wait3A_228 = arith.constant 0 : i32
      %dma_wait3A_229 = arith.constant 0 : i32
      %dma_wait3A_230 = tpu.memref_slice %arg10[%run_scoped3A_206, %dma_wait3A_228, %dma_wait3A_229] : memref<2x128x128xf32, #tpu.memory_space<vmem>> -> memref<1x128x128xf32, #tpu.memory_space<vmem>>
      %dma_wait3A_231 = tpu.memref_squeeze %dma_wait3A_230 : memref<1x128x128xf32, #tpu.memory_space<vmem>> -> memref<128x128xf32, #tpu.memory_space<vmem>>
      tpu.wait_dma2 semaphore(%run_scoped3A_207 : memref<!tpu.dma_semaphore, #tpu.memory_space<semaphore_mem>>) src(%dma_wait3A_231 : memref<128x128xf32, #tpu.memory_space<vmem>>) dst(%dma_wait3A_227 : memref<128x128xf32, #tpu.memory_space<hbm>>)
      tpu.yield
    }) : () -> ()
    return
  }
}

module attributes {stable_mosaic.version = 14 : i64} {
  func.func @_prep_body(%arg0: i32, %arg1: memref<1024x128xf32, #tpu.memory_space<vmem>>, %arg2: memref<1024x1xf32, #tpu.memory_space<vmem>>, %arg3: memref<1024x1xf32, #tpu.memory_space<vmem>>, %arg4: memref<1024x128xf32, #tpu.memory_space<vmem>>, %arg5: memref<1024x1xf32, #tpu.memory_space<vmem>>, %arg6: memref<1024x1xf32, #tpu.memory_space<vmem>>) attributes {dimension_semantics = [#tpu.dimension_semantics<arbitrary>], iteration_bounds = array<i64: 10>, scalar_prefetch = 0 : i64, scratch_operands = 0 : i64, tpu.core_type = #tpu.core_type<tc>, window_params = [{transform_indices = @transform_0, window_bounds = array<i64: 1024, 128>}, {transform_indices = @transform_1, window_bounds = array<i64: 1024, 1>}, {transform_indices = @transform_2, window_bounds = array<i64: 1024, 1>}, {transform_indices = @transform_3, window_bounds = array<i64: 1024, 128>}, {transform_indices = @transform_4, window_bounds = array<i64: 1024, 1>}, {transform_indices = @transform_5, window_bounds = array<i64: 1024, 1>}]} {
    %get3A = arith.constant 0 : index
    %get3A_0 = arith.constant 0 : index
    %get3A_1 = vector.load %arg2[%get3A, %get3A_0] : memref<1024x1xf32, #tpu.memory_space<vmem>>, vector<1024x1xf32>
    %max3A = arith.constant 1.000000e+00 : f32
    %max3A_2 = vector.broadcast %max3A : f32 to vector<1024x1xf32>
    %max3A_3 = arith.maximumf %get3A_1, %max3A_2 : vector<1024x1xf32>
    %rsqrt3A = math.rsqrt %max3A_3 : vector<1024x1xf32>
    %get3A_4 = arith.constant 0 : index
    %get3A_5 = arith.constant 0 : index
    %get3A_6 = vector.load %arg3[%get3A_4, %get3A_5] : memref<1024x1xf32, #tpu.memory_space<vmem>>, vector<1024x1xf32>
    %max3A_7 = arith.constant 1.000000e+00 : f32
    %max3A_8 = vector.broadcast %max3A_7 : f32 to vector<1024x1xf32>
    %max3A_9 = arith.maximumf %get3A_6, %max3A_8 : vector<1024x1xf32>
    %rsqrt3A_10 = math.rsqrt %max3A_9 : vector<1024x1xf32>
    %get3A_11 = arith.constant 0 : index
    %get3A_12 = arith.constant 0 : index
    %get3A_13 = vector.load %arg1[%get3A_11, %get3A_12] : memref<1024x128xf32, #tpu.memory_space<vmem>>, vector<1024x128xf32>
    %mul3A = vector.broadcast %rsqrt3A : vector<1024x1xf32> to vector<1024x128xf32>
    %mul3A_14 = arith.mulf %get3A_13, %mul3A : vector<1024x128xf32>
    %swap3A = arith.constant 0 : index
    %swap3A_15 = arith.constant 0 : index
    %swap3A_16 = vector.load %arg4[%swap3A, %swap3A_15] : memref<1024x128xf32, #tpu.memory_space<vmem>>, vector<1024x128xf32>
    tpu.vector_store %arg4[%swap3A, %swap3A_15], %mul3A_14 {strides = array<i32>} : memref<1024x128xf32, #tpu.memory_space<vmem>>, vector<1024x128xf32>,
    %swap3A_17 = arith.constant 0 : index
    %swap3A_18 = arith.constant 0 : index
    %swap3A_19 = vector.load %arg6[%swap3A_17, %swap3A_18] : memref<1024x1xf32, #tpu.memory_space<vmem>>, vector<1024x1xf32>
    tpu.vector_store %arg6[%swap3A_17, %swap3A_18], %rsqrt3A {strides = array<i32>} : memref<1024x1xf32, #tpu.memory_space<vmem>>, vector<1024x1xf32>,
    %swap3A_20 = arith.constant 0 : index
    %swap3A_21 = arith.constant 0 : index
    %swap3A_22 = vector.load %arg5[%swap3A_20, %swap3A_21] : memref<1024x1xf32, #tpu.memory_space<vmem>>, vector<1024x1xf32>
    tpu.vector_store %arg5[%swap3A_20, %swap3A_21], %rsqrt3A_10 {strides = array<i32>} : memref<1024x1xf32, #tpu.memory_space<vmem>>, vector<1024x1xf32>,
    return
  }
  func.func @transform_0(%arg0: i32) -> (i32, i32) {
    %c0_i32 = arith.constant 0 : i32
    %c0_i32_0 = arith.constant 0 : i32
    return %arg0, %c0_i32 : i32, i32
  }
  func.func @transform_1(%arg0: i32) -> (i32, i32) {
    %c0_i32 = arith.constant 0 : i32
    %c0_i32_0 = arith.constant 0 : i32
    return %arg0, %c0_i32 : i32, i32
  }
  func.func @transform_2(%arg0: i32) -> (i32, i32) {
    %add3A = arith.constant 30 : i32
    %add3A_0 = arith.addi %arg0, %add3A : i32
    %c0_i32 = arith.constant 0 : i32
    %c0_i32_1 = arith.constant 0 : i32
    return %add3A_0, %c0_i32 : i32, i32
  }
  func.func @transform_3(%arg0: i32) -> (i32, i32) {
    %c0_i32 = arith.constant 0 : i32
    %c0_i32_0 = arith.constant 0 : i32
    return %arg0, %c0_i32 : i32, i32
  }
  func.func @transform_4(%arg0: i32) -> (i32, i32) {
    %c0_i32 = arith.constant 0 : i32
    %c0_i32_0 = arith.constant 0 : i32
    return %arg0, %c0_i32 : i32, i32
  }
  func.func @transform_5(%arg0: i32) -> (i32, i32) {
    %c0_i32 = arith.constant 0 : i32
    %c0_i32_0 = arith.constant 0 : i32
    return %arg0, %c0_i32 : i32, i32
  }
}

module attributes {stable_mosaic.version = 14 : i64} {
  func.func @_layer_body(%arg0: i32, %arg1: memref<1024x128xf32, #tpu.memory_space<vmem>>, %arg2: memref<1024x128xf32, #tpu.memory_space<vmem>>, %arg3: memref<1024x1xf32, #tpu.memory_space<vmem>>, %arg4: memref<1024x1xf32, #tpu.memory_space<vmem>>, %arg5: memref<128x128xf32, #tpu.memory_space<vmem>>, %arg6: memref<1x128xf32, #tpu.memory_space<vmem>>, %arg7: memref<1024x128xf32, #tpu.memory_space<vmem>>) attributes {dimension_semantics = [#tpu.dimension_semantics<arbitrary>], iteration_bounds = array<i64: 10>, scalar_prefetch = 0 : i64, scratch_operands = 0 : i64, tpu.core_type = #tpu.core_type<tc>, window_params = [{transform_indices = @transform_0, window_bounds = array<i64: 1024, 128>}, {transform_indices = @transform_1, window_bounds = array<i64: 1024, 128>}, {transform_indices = @transform_2, window_bounds = array<i64: 1024, 1>}, {transform_indices = @transform_3, window_bounds = array<i64: 1024, 1>}, {pipeline_mode = #tpu.pipeline_mode<synchronous>, transform_indices = @transform_4, window_bounds = array<i64: 128, 128>}, {pipeline_mode = #tpu.pipeline_mode<synchronous>, transform_indices = @transform_5, window_bounds = array<i64: 1, 128>}, {transform_indices = @transform_6, window_bounds = array<i64: 1024, 128>}]} {
    %get3A = arith.constant 0 : index
    %get3A_0 = arith.constant 0 : index
    %get3A_1 = vector.load %arg1[%get3A, %get3A_0] : memref<1024x128xf32, #tpu.memory_space<vmem>>, vector<1024x128xf32>
    %get3A_2 = arith.constant 0 : index
    %get3A_3 = arith.constant 0 : index
    %get3A_4 = vector.load %arg2[%get3A_2, %get3A_3] : memref<1024x128xf32, #tpu.memory_space<vmem>>, vector<1024x128xf32>
    %add3A = arith.addf %get3A_1, %get3A_4 : vector<1024x128xf32>
    %get3A_5 = arith.constant 0 : index
    %get3A_6 = arith.constant 0 : index
    %get3A_7 = vector.load %arg3[%get3A_5, %get3A_6] : memref<1024x1xf32, #tpu.memory_space<vmem>>, vector<1024x1xf32>
    %mul3A = vector.broadcast %get3A_7 : vector<1024x1xf32> to vector<1024x128xf32>
    %mul3A_8 = arith.mulf %add3A, %mul3A : vector<1024x128xf32>
    %get3A_9 = arith.constant 0 : index
    %get3A_10 = arith.constant 0 : index
    %get3A_11 = vector.load %arg5[%get3A_9, %get3A_10] : memref<128x128xf32, #tpu.memory_space<vmem>>, vector<128x128xf32>
    %dot_general3A = arith.constant dense<0.000000e+00> : vector<1024x128xf32>
    %dot_general3A_12 = tpu.matmul %mul3A_8, %get3A_11, %dot_general3A {dimension_numbers = #tpu.dot_dimension_numbers<[1], [0], [0], [1], [0, 0, 1, 1], [], []>, transpose_lhs_hint = false} : vector<1024x128xf32>, vector<128x128xf32>, vector<1024x128xf32> -> vector<1024x128xf32>
    %get3A_13 = arith.constant 0 : index
    %get3A_14 = arith.constant 0 : index
    %get3A_15 = vector.load %arg6[%get3A_13, %get3A_14] : memref<1x128xf32, #tpu.memory_space<vmem>>, vector<1x128xf32>
    %add3A_16 = vector.broadcast %get3A_15 : vector<1x128xf32> to vector<1024x128xf32>
    %add3A_17 = arith.addf %dot_general3A_12, %add3A_16 : vector<1024x128xf32>
    %max3A = arith.constant 0.000000e+00 : f32
    %max3A_18 = vector.broadcast %max3A : f32 to vector<1024x128xf32>
    %max3A_19 = arith.maximumf %add3A_17, %max3A_18 : vector<1024x128xf32>
    %get3A_20 = arith.constant 0 : index
    %get3A_21 = arith.constant 0 : index
    %get3A_22 = vector.load %arg4[%get3A_20, %get3A_21] : memref<1024x1xf32, #tpu.memory_space<vmem>>, vector<1024x1xf32>
    %mul3A_23 = vector.broadcast %get3A_22 : vector<1024x1xf32> to vector<1024x128xf32>
    %mul3A_24 = arith.mulf %max3A_19, %mul3A_23 : vector<1024x128xf32>
    %swap3A = arith.constant 0 : index
    %swap3A_25 = arith.constant 0 : index
    %swap3A_26 = vector.load %arg7[%swap3A, %swap3A_25] : memref<1024x128xf32, #tpu.memory_space<vmem>>, vector<1024x128xf32>
    tpu.vector_store %arg7[%swap3A, %swap3A_25], %mul3A_24 {strides = array<i32>} : memref<1024x128xf32, #tpu.memory_space<vmem>>, vector<1024x128xf32>,
    return
  }
  func.func @transform_0(%arg0: i32) -> (i32, i32) {
    %c0_i32 = arith.constant 0 : i32
    %c0_i32_0 = arith.constant 0 : i32
    return %arg0, %c0_i32 : i32, i32
  }
  func.func @transform_1(%arg0: i32) -> (i32, i32) {
    %add3A = arith.constant 10 : i32
    %add3A_0 = arith.addi %arg0, %add3A : i32
    %c0_i32 = arith.constant 0 : i32
    %c0_i32_1 = arith.constant 0 : i32
    return %add3A_0, %c0_i32 : i32, i32
  }
  func.func @transform_2(%arg0: i32) -> (i32, i32) {
    %c0_i32 = arith.constant 0 : i32
    %c0_i32_0 = arith.constant 0 : i32
    return %arg0, %c0_i32 : i32, i32
  }
  func.func @transform_3(%arg0: i32) -> (i32, i32) {
    %c0_i32 = arith.constant 0 : i32
    %c0_i32_0 = arith.constant 0 : i32
    return %arg0, %c0_i32 : i32, i32
  }
  func.func @transform_4(%arg0: i32) -> (i32, i32) {
    %c0_i32 = arith.constant 0 : i32
    %c0_i32_0 = arith.constant 0 : i32
    %c0_i32_1 = arith.constant 0 : i32
    return %c0_i32, %c0_i32_0 : i32, i32
  }
  func.func @transform_5(%arg0: i32) -> (i32, i32) {
    %c0_i32 = arith.constant 0 : i32
    %c0_i32_0 = arith.constant 0 : i32
    %c0_i32_1 = arith.constant 0 : i32
    return %c0_i32, %c0_i32_0 : i32, i32
  }
  func.func @transform_6(%arg0: i32) -> (i32, i32) {
    %c0_i32 = arith.constant 0 : i32
    %c0_i32_0 = arith.constant 0 : i32
    return %arg0, %c0_i32 : i32, i32
  }
}

module attributes {stable_mosaic.version = 14 : i64} {
  func.func @_head_body(%arg0: i32, %arg1: memref<1024x128xf32, #tpu.memory_space<vmem>>, %arg2: memref<1024x128xf32, #tpu.memory_space<vmem>>, %arg3: memref<1024x1xf32, #tpu.memory_space<vmem>>, %arg4: memref<128x128xf32, #tpu.memory_space<vmem>>, %arg5: memref<1x128xf32, #tpu.memory_space<vmem>>, %arg6: memref<1x128xf32, #tpu.memory_space<vmem>>, %arg7: memref<1x1xf32, #tpu.memory_space<vmem>>, %arg8: memref<1x1xf32, #tpu.memory_space<vmem>>, %arg9: memref<1x128xf32, #tpu.memory_space<vmem>>) attributes {dimension_semantics = [#tpu.dimension_semantics<arbitrary>], iteration_bounds = array<i64: 10>, scalar_prefetch = 0 : i64, scratch_operands = 1 : i64, tpu.core_type = #tpu.core_type<tc>, window_params = [{transform_indices = @transform_0, window_bounds = array<i64: 1024, 128>}, {transform_indices = @transform_1, window_bounds = array<i64: 1024, 128>}, {transform_indices = @transform_2, window_bounds = array<i64: 1024, 1>}, {pipeline_mode = #tpu.pipeline_mode<synchronous>, transform_indices = @transform_3, window_bounds = array<i64: 128, 128>}, {pipeline_mode = #tpu.pipeline_mode<synchronous>, transform_indices = @transform_4, window_bounds = array<i64: 1, 128>}, {pipeline_mode = #tpu.pipeline_mode<synchronous>, transform_indices = @transform_5, window_bounds = array<i64: 1, 128>}, {pipeline_mode = #tpu.pipeline_mode<synchronous>, transform_indices = @transform_6, window_bounds = array<i64: 1, 1>}, {pipeline_mode = #tpu.pipeline_mode<synchronous>, transform_indices = @transform_7, window_bounds = array<i64: 1, 1>}]} {
    %get3A = arith.constant 0 : index
    %get3A_0 = arith.constant 0 : index
    %get3A_1 = vector.load %arg1[%get3A, %get3A_0] : memref<1024x128xf32, #tpu.memory_space<vmem>>, vector<1024x128xf32>
    %get3A_2 = arith.constant 0 : index
    %get3A_3 = arith.constant 0 : index
    %get3A_4 = vector.load %arg2[%get3A_2, %get3A_3] : memref<1024x128xf32, #tpu.memory_space<vmem>>, vector<1024x128xf32>
    %add3A = arith.addf %get3A_1, %get3A_4 : vector<1024x128xf32>
    %get3A_5 = arith.constant 0 : index
    %get3A_6 = arith.constant 0 : index
    %get3A_7 = vector.load %arg3[%get3A_5, %get3A_6] : memref<1024x1xf32, #tpu.memory_space<vmem>>, vector<1024x1xf32>
    %mul3A = vector.broadcast %get3A_7 : vector<1024x1xf32> to vector<1024x128xf32>
    %mul3A_8 = arith.mulf %add3A, %mul3A : vector<1024x128xf32>
    %get3A_9 = arith.constant 0 : index
    %get3A_10 = arith.constant 0 : index
    %get3A_11 = vector.load %arg4[%get3A_9, %get3A_10] : memref<128x128xf32, #tpu.memory_space<vmem>>, vector<128x128xf32>
    %dot_general3A = arith.constant dense<0.000000e+00> : vector<1024x128xf32>
    %dot_general3A_12 = tpu.matmul %mul3A_8, %get3A_11, %dot_general3A {dimension_numbers = #tpu.dot_dimension_numbers<[1], [0], [0], [1], [0, 0, 1, 1], [], []>, transpose_lhs_hint = false} : vector<1024x128xf32>, vector<128x128xf32>, vector<1024x128xf32> -> vector<1024x128xf32>
    %get3A_13 = arith.constant 0 : index
    %get3A_14 = arith.constant 0 : index
    %get3A_15 = vector.load %arg5[%get3A_13, %get3A_14] : memref<1x128xf32, #tpu.memory_space<vmem>>, vector<1x128xf32>
    %add3A_16 = vector.broadcast %get3A_15 : vector<1x128xf32> to vector<1024x128xf32>
    %add3A_17 = arith.addf %dot_general3A_12, %add3A_16 : vector<1024x128xf32>
    %max3A = arith.constant 0.000000e+00 : f32
    %max3A_18 = vector.broadcast %max3A : f32 to vector<1024x128xf32>
    %max3A_19 = arith.maximumf %add3A_17, %max3A_18 : vector<1024x128xf32>
    %mul3A_20 = arith.constant 1024 : i32
    %mul3A_21 = arith.muli %arg0, %mul3A_20 : i32
    %iota3A = tpu.iota {dimensions = array<i32: 0>} : vector<1024x1xi32>
    %add3A_22 = vector.broadcast %mul3A_21 : i32 to vector<1024x1xi32>
    %add3A_23 = arith.addi %add3A_22, %iota3A : vector<1024x1xi32>
    %lt3A = arith.constant 10000 : i32
    %lt3A_24 = vector.broadcast %lt3A : i32 to vector<1024x1xi32>
    %lt3A_25 = arith.cmpi slt, %add3A_23, %lt3A_24 : vector<1024x1xi32>
    %jit3A = arith.constant 0.000000e+00 : f32
    %broadcast_in_dim3A = vector.shape_cast %lt3A_25 : vector<1024x1xi1> to vector<1024x1xi1>
    %broadcast_in_dim3A_26 = vector.broadcast %broadcast_in_dim3A : vector<1024x1xi1> to vector<1024x128xi1>
    %broadcast_in_dim3A_27 = vector.broadcast %jit3A : f32 to vector<1024x128xf32>
    %select_n3A = arith.select %broadcast_in_dim3A_26, %max3A_19, %broadcast_in_dim3A_27 : vector<1024x128xi1>, vector<1024x128xf32>
    %reduce_sum3A = arith.constant dense<0.000000e+00> : vector<128xf32>
    %reduce_sum3A_28 = vector.multi_reduction <add>, %select_n3A, %reduce_sum3A [0] : vector<1024x128xf32> to vector<128xf32>
    %broadcast_in_dim3A_29 = vector.shape_cast %reduce_sum3A_28 : vector<128xf32> to vector<1x128xf32>
    %eq3A = arith.constant 0 : i32
    %eq3A_30 = arith.cmpi eq, %arg0, %eq3A : i32
    %convert_element_type3A = arith.extui %eq3A_30 : i1 to i32
    %cond3A = arith.constant 0 : i32
    %cond3A_31 = arith.cmpi ne, %convert_element_type3A, %cond3A : i32
    scf.if %cond3A_31 {
      %swap3A = arith.constant 0 : index
      %swap3A_41 = arith.constant 0 : index
      %swap3A_42 = vector.load %arg9[%swap3A, %swap3A_41] : memref<1x128xf32, #tpu.memory_space<vmem>>, vector<1x128xf32>
      tpu.vector_store %arg9[%swap3A, %swap3A_41], %broadcast_in_dim3A_29 {strides = array<i32>} : memref<1x128xf32, #tpu.memory_space<vmem>>, vector<1x128xf32>,
    } else {
    }
    %gt3A = arith.constant 0 : i32
    %gt3A_32 = arith.cmpi sgt, %arg0, %gt3A : i32
    %convert_element_type3A_33 = arith.extui %gt3A_32 : i1 to i32
    %cond3A_34 = arith.constant 0 : i32
    %cond3A_35 = arith.cmpi ne, %convert_element_type3A_33, %cond3A_34 : i32
    scf.if %cond3A_35 {
      %get3A_41 = arith.constant 0 : index
      %get3A_42 = arith.constant 0 : index
      %get3A_43 = vector.load %arg9[%get3A_41, %get3A_42] : memref<1x128xf32, #tpu.memory_space<vmem>>, vector<1x128xf32>
      %add3A_44 = arith.addf %get3A_43, %broadcast_in_dim3A_29 : vector<1x128xf32>
      %swap3A = arith.constant 0 : index
      %swap3A_45 = arith.constant 0 : index
      %swap3A_46 = vector.load %arg9[%swap3A, %swap3A_45] : memref<1x128xf32, #tpu.memory_space<vmem>>, vector<1x128xf32>
      tpu.vector_store %arg9[%swap3A, %swap3A_45], %add3A_44 {strides = array<i32>} : memref<1x128xf32, #tpu.memory_space<vmem>>, vector<1x128xf32>,
    } else {
    }
    %eq3A_36 = arith.constant 9 : i32
    %eq3A_37 = arith.cmpi eq, %arg0, %eq3A_36 : i32
    %convert_element_type3A_38 = arith.extui %eq3A_37 : i1 to i32
    %cond3A_39 = arith.constant 0 : i32
    %cond3A_40 = arith.cmpi ne, %convert_element_type3A_38, %cond3A_39 : i32
    scf.if %cond3A_40 {
      %get3A_41 = arith.constant 0 : index
      %get3A_42 = arith.constant 0 : index
      %get3A_43 = vector.load %arg9[%get3A_41, %get3A_42] : memref<1x128xf32, #tpu.memory_space<vmem>>, vector<1x128xf32>
      %mul3A_44 = arith.constant 9.99999974E-5 : f32
      %mul3A_45 = vector.broadcast %mul3A_44 : f32 to vector<1x128xf32>
      %mul3A_46 = arith.mulf %get3A_43, %mul3A_45 : vector<1x128xf32>
      %get3A_47 = arith.constant 0 : index
      %get3A_48 = arith.constant 0 : index
      %get3A_49 = vector.load %arg6[%get3A_47, %get3A_48] : memref<1x128xf32, #tpu.memory_space<vmem>>, vector<1x128xf32>
      %mul3A_50 = arith.mulf %mul3A_46, %get3A_49 : vector<1x128xf32>
      %reduce_sum3A_51 = arith.constant dense<0.000000e+00> : vector<1xf32>
      %reduce_sum3A_52 = vector.multi_reduction <add>, %mul3A_50, %reduce_sum3A_51 [1] : vector<1x128xf32> to vector<1xf32>
      %broadcast_in_dim3A_53 = vector.shape_cast %reduce_sum3A_52 : vector<1xf32> to vector<1x1xf32>
      %get3A_54 = arith.constant 0 : index
      %get3A_55 = arith.constant 0 : index
      %get3A_56 = vector.load %arg7[%get3A_54, %get3A_55] : memref<1x1xf32, #tpu.memory_space<vmem>>, vector<1x1xf32>
      %add3A_57 = arith.addf %broadcast_in_dim3A_53, %get3A_56 : vector<1x1xf32>
      %swap3A = arith.constant 0 : index
      %swap3A_58 = arith.constant 0 : index
      %swap3A_59 = vector.load %arg8[%swap3A, %swap3A_58] : memref<1x1xf32, #tpu.memory_space<vmem>>, vector<1x1xf32>
      tpu.vector_store %arg8[%swap3A, %swap3A_58], %add3A_57 {strides = array<i32>} : memref<1x1xf32, #tpu.memory_space<vmem>>, vector<1x1xf32>,
    } else {
    }
    return
  }
  func.func @transform_0(%arg0: i32) -> (i32, i32) {
    %c0_i32 = arith.constant 0 : i32
    %c0_i32_0 = arith.constant 0 : i32
    return %arg0, %c0_i32 : i32, i32
  }
  func.func @transform_1(%arg0: i32) -> (i32, i32) {
    %add3A = arith.constant 10 : i32
    %add3A_0 = arith.addi %arg0, %add3A : i32
    %c0_i32 = arith.constant 0 : i32
    %c0_i32_1 = arith.constant 0 : i32
    return %add3A_0, %c0_i32 : i32, i32
  }
  func.func @transform_2(%arg0: i32) -> (i32, i32) {
    %c0_i32 = arith.constant 0 : i32
    %c0_i32_0 = arith.constant 0 : i32
    return %arg0, %c0_i32 : i32, i32
  }
  func.func @transform_3(%arg0: i32) -> (i32, i32) {
    %c0_i32 = arith.constant 0 : i32
    %c0_i32_0 = arith.constant 0 : i32
    %c0_i32_1 = arith.constant 0 : i32
    return %c0_i32, %c0_i32_0 : i32, i32
  }
  func.func @transform_4(%arg0: i32) -> (i32, i32) {
    %c0_i32 = arith.constant 0 : i32
    %c0_i32_0 = arith.constant 0 : i32
    %c0_i32_1 = arith.constant 0 : i32
    return %c0_i32, %c0_i32_0 : i32, i32
  }
  func.func @transform_5(%arg0: i32) -> (i32, i32) {
    %c0_i32 = arith.constant 0 : i32
    %c0_i32_0 = arith.constant 0 : i32
    %c0_i32_1 = arith.constant 0 : i32
    return %c0_i32, %c0_i32_0 : i32, i32
  }
  func.func @transform_6(%arg0: i32) -> (i32, i32) {
    %c0_i32 = arith.constant 0 : i32
    %c0_i32_0 = arith.constant 0 : i32
    %c0_i32_1 = arith.constant 0 : i32
    return %c0_i32, %c0_i32_0 : i32, i32
  }
  func.func @transform_7(%arg0: i32) -> (i32, i32) {
    %c0_i32 = arith.constant 0 : i32
    %c0_i32_0 = arith.constant 0 : i32
    %c0_i32_1 = arith.constant 0 : i32
    return %c0_i32, %c0_i32_0 : i32, i32
  }
}

</mosaic_0001>

<sc_bundles>
// kernel: kernel.10.cloned.1.call-start
scs
__scs_entry_jumppad:
0x0: {  	(pc) =	sbr.rel $0x88, $3  }
0x1: {  	(tag) =	ssettag $0x0;
	lr =	simm.s32 $0x1  }
0x2: {  	[smem:$0x3F97] =	sst lr;
	_ =	strace $0xD0000000  }
0x3: {  	_ = 	snop  }
0x4: {  	_ = 	snop  }
0x5: {  	_ = 	snop  }
0x6: {  	_ = 	snop  }
0x7: {  	_ = 	snop  }
__scs_overlays_trampoline_lowered:
0x8: {  	[smem:$0x3FA6] =	sst s0  }
0x9: {  	[smem:$0x3FA7] =	sst s1  }
0xa: {  	[smem:$0x3FA8] =	sst s2  }
0xb: {  	[smem:$0x3FA9] =	sst s3  }
0xc: {  	[smem:$0x3FAA] =	sst s4  }
0xd: {  	[smem:$0x3FAB] =	sst s5  }
0xe: {  	[smem:$0x3FAC] =	sst s6  }
0xf: {  	[smem:$0x3FAD] =	sst s7  }
0x10: {  	[smem:$0x3FAE] =	sst s8  }
0x11: {  	[smem:$0x3FAF] =	sst s9;
	s0 =	simm.s32 @!p0 $0x0  }
0x12: {  	s1 =	sld [smem:$0x3F95];
	s0 =	simm.s32 @p0 $0x1  }
0x13: {  	[smem:$0x3FB0] =	sst s0;
	s0 =	simm.s32 @!p1 $0x0  }
0x14: {  	s2 =	sld [smem:$0x3F94];
	s0 =	simm.s32 @p1 $0x1  }
0x15: {  	[smem:$0x3FB1] =	sst s0;
	s0 =	simm.s32 @!p2 $0x0  }
0x16: {  	s3 =	sld [smem:$0x3FDB];
	s0 =	simm.s32 @p2 $0x1  }
0x17: {  	s4 =	simm.s32 $0x1BF5;
	[smem:$0x3FB3] =	sst s0  }
0x18: {  	s0 =	sld [smem:$0x3F96];
	_ =	swait.ge [sflag:s4], $0x0  }
0x19: {  	s7 =	sld [smem:$0x3F97]  }
0x1a: {  	s8 =	sadd.s32 $0xFFFFE003, lr  }
0x1b: {  	s9 =	sadd.s32 $0xFFFFFEF7, lr;
	s5 =	simm.s32 $0xFFFFFFFF;
	p2 =	slt.u32 s8, $0xFFFFF086  }
0x1c: {  	p1 =	slt.u32 s9, $0xF7A;
	s5 =	simm.s32 @!p2 $0x0  }
0x1d: {  	s5 =	simm.s32 @p1 $0x1;
	p0 =	seq.s32 s7, s2  }
0x1e: {  	s7 =	smul.u32 @!p0 $0xF7A, s2;
	p2 =	seq.s32 @!p0 s5, $0x0  }
0x1f: {  	s9 =	smul.u32 $0xF7A, s1;
	s8 =	simm.s32 @!p0 $0x1BF5;
	p2 =	por !p2, p0  }
0x20: {  	[sflag:s8] =	ssyncset.s32 @!p0 $0xFFFFF086;
	s6 =	sadd.s32 @!p0 s3, s7;
	s7 =	simm.s32 @!p0 $0x108  }
0x21: {  	s3 =	sadd.s32 s3, s9;
	s6 =	sadd.s32 @!p0 $0x88, s6;
	s7 =	simm.s32 @p2 $0x1082  }
0x22: {  	[simem:s7], [sflag:s8] =	dma.local @!p0 [hbm:s6], $0xF7A  }
0x23: {  	s9 =	sor.u32 $0xD0000000, s2;
	s6 =	simm.s32 $0x108;
	_ =	swait.ge @!p0 [sflag:s8], $0x0  }
0x24: {  	s3 =	sadd.s32 $0x88, s3;
	s6 =	simm.s32 @!p1 $0x1082;
	[sflag:s4] =	ssyncset.s32 $0xFFFFF086  }
0x25: {  	[simem:s6], [sflag:s4] =	dma.local [hbm:s3], $0xF7A  }
0x26: {  	[smem:$0x3F97] =	sst s1;
	(tag) =	ssettag s2;
	_ =	strace s9  }
0x27: {  	s1 =	sld [smem:$0x3FA7]  }
0x28: {  	s2 =	sld [smem:$0x3FA8]  }
0x29: {  	s4 =	sld [smem:$0x3FAA]  }
0x2a: {  	p0 =	seq.s32 s5, $0x0;
	s5 =	sld [smem:$0x3FAB]  }
0x2b: {  	s6 =	sld [smem:$0x3FAC]  }
0x2c: {  	s7 =	sld [smem:$0x3FAD]  }
0x2d: {  	s3 =	simm.s32 $0x108;
	s8 =	sld [smem:$0x3FAE]  }
0x2e: {  	s3 =	simm.s32 @!p0 $0x1082;
	s9 =	sld [smem:$0x3FAF]  }
0x2f: {  	lr =	sadd.s32 s0, s3;
	s0 =	sld [smem:$0x3FA6]  }
0x30: {  	s3 =	sld [smem:$0x3FA9]  }
0x31: {  	[smem:$0x3FB2] =	sst s10  }
0x32: {  	s10 =	sld [smem:$0x3FB0];
	_ =	sdelay $0x3  }
0x33: {  	p0 =	seq.s32 s10, $0x1;
	s10 =	sld [smem:$0x3FB2];
	_ =	sdelay $0x3  }
0x34: {  	[smem:$0x3FB2] =	sst s10  }
0x35: {  	s10 =	sld [smem:$0x3FB1];
	_ =	sdelay $0x3  }
0x36: {  	p1 =	seq.s32 s10, $0x1;
	s10 =	sld [smem:$0x3FB2];
	_ =	sdelay $0x3  }
0x37: {  	[smem:$0x3FB2] =	sst s10  }
0x38: {  	s10 =	sld [smem:$0x3FB3]  }
0x39: {  	_ = 	snop;
	(pc) =	sbr.ind lr, $3  }
0x3a: {  	_ = 	snop  }
0x3b: {  	_ = 	snop  }
0x3c: {  	p2 =	seq.s32 s10, $0x1;
	s10 =	sld [smem:$0x3FB2]  }
0x3d: {  	_ =	shalt  }
0x3e: {  	_ =	shalt  }
0x3f: {  	_ =	shalt  }
0x40: {  	_ =	shalt  }
0x41: {  	_ =	shalt  }
0x42: {  	_ =	shalt  }
0x43: {  	_ =	shalt  }
0x44: {  	_ =	shalt  }
0x45: {  	_ =	shalt  }
0x46: {  	_ =	shalt  }
0x47: {  	_ =	shalt  }
0x48: {  	_ =	shalt  }
0x49: {  	_ =	shalt  }
0x4a: {  	_ =	shalt  }
0x4b: {  	_ =	shalt  }
0x4c: {  	_ =	shalt  }
0x4d: {  	_ =	shalt  }
0x4e: {  	_ =	shalt  }
0x4f: {  	_ =	shalt  }
0x50: {  	_ =	shalt  }
0x51: {  	_ =	shalt  }
0x52: {  	_ =	shalt  }
0x53: {  	_ =	shalt  }
0x54: {  	_ =	shalt  }
0x55: {  	_ =	shalt  }
0x56: {  	_ =	shalt  }
0x57: {  	_ =	shalt  }
0x58: {  	_ =	shalt  }
0x59: {  	_ =	shalt  }
0x5a: {  	_ =	shalt  }
0x5b: {  	_ =	shalt  }
0x5c: {  	_ =	shalt  }
0x5d: {  	_ =	shalt  }
0x5e: {  	_ =	shalt  }
0x5f: {  	_ =	shalt  }
0x60: {  	_ =	shalt  }
0x61: {  	_ =	shalt  }
0x62: {  	_ =	shalt  }
0x63: {  	_ =	shalt  }
0x64: {  	_ =	shalt  }
0x65: {  	_ =	shalt  }
0x66: {  	_ =	shalt  }
0x67: {  	_ =	shalt  }
0x68: {  	_ =	shalt  }
0x69: {  	_ =	shalt  }
0x6a: {  	_ =	shalt  }
0x6b: {  	_ =	shalt  }
0x6c: {  	_ =	shalt  }
0x6d: {  	_ =	shalt  }
0x6e: {  	_ =	shalt  }
0x6f: {  	_ =	shalt  }
0x70: {  	_ =	shalt  }
0x71: {  	_ =	shalt  }
0x72: {  	_ =	shalt  }
0x73: {  	_ =	shalt  }
0x74: {  	_ =	shalt  }
0x75: {  	_ =	shalt  }
0x76: {  	_ =	shalt  }
0x77: {  	_ =	shalt  }
0x78: {  	_ =	shalt  }
0x79: {  	_ =	shalt  }
0x7a: {  	_ =	shalt  }
0x7b: {  	_ =	shalt  }
0x7c: {  	_ =	shalt  }
0x7d: {  	_ =	shalt  }
0x7e: {  	_ =	shalt  }
0x7f: {  	_ =	shalt  }
0x80: {  	_ =	shalt  }
0x81: {  	_ =	shalt  }
0x82: {  	_ =	shalt  }
0x83: {  	_ =	shalt  }
0x84: {  	_ =	shalt  }
0x85: {  	_ =	shalt  }
0x86: {  	_ =	shalt  }
0x87: {  	_ =	shalt  }
.Lfunc_end0:
.L_simem_size_0:
called_computation_lowered:
.L_overlay_start_0:
0x88: {  	s2 =	sld [smem:$0x3FD9]  }
0x89: {  	s3 =	sld [smem:$0x3FFE];
	_ =	sdelay $0x1  }
0x8a: {  	s1 =	srdreg.scid  }
0x8b: {  	s0 =	sand.u32 $0x1, s1  }
0x8c: {  	s17 =	sshll.u32 s0, $0xA;
	s2 =	sadd.s32 s3, s2  }
0x8d: {  	s2 =	sadd.s32 s2, s17  }
0x8e: {  	[smem:$0x3FBE] =	sst s2  }
0x8f: {  	_ = 	snop  }
0x90: {  	s2 =	sld [smem:$0x3FD0];
	(tm) =	ssettm $0x1  }
0x91: {  	s18 =	sld [smem:$0x3FFB];
	_ =	sdelay $0x3  }
0x92: {  	_ =	strace s18  }
0x93: {  	s3 =	sld [smem:$0x3FFC];
	_ =	sdelay $0x3  }
0x94: {  	_ =	strace s3  }
0x95: {  	s3 =	sld [smem:$0x3FFD];
	_ =	sdelay $0x3  }
0x96: {  	_ =	strace s3  }
0x97: {  	_ =	strace $0x8FFFFFFF  }
0x98: {  	s19 =	sld [smem:$0x3FDB];
	_ =	sdelay $0x1  }
0x99: {  	s4 =	simm.s32 $_scs_section_size  }
0x9a: {  	s5 =	simm.s32 $_size__tile_overlayer_lowered;
	s6 =	simm.s32 $_tile_overlayer_lowered  }
0x9b: {  	s22 =	simm.s32 $0x1BFF;
	s21 =	sshll.u32 s6, $0x1;
	s3 =	sadd.s32 s4, s19  }
0x9c: {  	s7 =	simm.s32 $0x0;
	s20 =	sshll.u32 s5, $0x1;
	s5 =	sadd.s32 s21, s3  }
0x9d: {  	[timem:s7], [sflag:s22] =	dma.local [hbm:s5], s20  }
0x9e: {  	_ =	swait.ge [sflag:s22], s20  }
0x9f: {  	s4 =	ssub.s32 $0x0, s20;
	[sflag:s22] =	ssyncset.done $0x0  }
0xa0: {  	[sflag:s22] =	ssyncadd.s32 s4;
	_ =	sdelay $0x1  }
0xa1: {  	s23 =	simm.s32 $0x1B8B  }
0xa2: {  	_ =	swait.ge [sflag:s23], $0x1  }
0xa3: {  	[sflag:s23] =	ssyncset.done $0x0  }
0xa4: {  	s25 =	simm.s32 $0x1B8E;
	s24 =	sld [smem:$0x3FFE];
	[sflag:s23] =	ssyncadd.s32 $0xFFFFFFFF  }
0xa5: {  	s26 =	simm.s32 $execute0_lowered;
	[smem:$0x3FD2] =	sst s25  }
0xa6: {  	s5 =	sshll.u32 s26, $0x1;
	_ =	strace $0x80000046;
	[dreg:$0x1] =	wrdreg $0xFFFFFFFF  }
0xa7: {  	s28 =	simm.s32 $_size_execute0_lowered;
	s3 =	sadd.s32 s3, s5;
	[dreg:$0x0] =	wrdreg $0x0  }
0xa8: {  	s5 =	sshll.u32 s28, $0x1;
	[dreg:$0x2] =	wrdreg s3  }
0xa9: {  	[dreg:$0x3] =	wrdreg s5  }
0xaa: {  	[dreg:$0x4] =	wrdreg $0xC0  }
0xab: {  	_ =	task [dreg:s7], $0x5FFFF  }
0xac: {  	[dreg:$0x1] =	wrdreg $0xFFFFFFFF  }
0xad: {  	[dreg:$0x0] =	wrdreg $0x60  }
0xae: {  	[dreg:$0x2] =	wrdreg s24  }
0xaf: {  	[dreg:$0x3] =	wrdreg s2  }
0xb0: {  	[dreg:$0x4] =	wrdreg $0x0  }
0xb1: {  	[dreg:$0x5] =	wrdreg $0x9  }
0xb2: {  	_ =	task.clear_ibuf [dreg:s7], $0x6FFFF;
	_ =	strace $0x90000046  }
0xb3: {  	s29 =	simm.s32 $0x9;
	_ =	strace $0x80000048  }
0xb4: {  	_ =	swait.ge [sflag:s29], $0x1  }
0xb5: {  	[sflag:s29] =	ssyncadd.s32 $0xFFFFFFFF  }
0xb6: {  	_ =	strace $0x90000048  }
0xb7: {  	_ =	sfence  }
0xb8: {  	s30 =	sld [smem:$0x0];
	_ =	sdelay $0x2  }
0xb9: {  	s31 =	sshll.u32 s1, $0xD;
	s1 =	sshrl.u32 s1, $0x2  }
0xba: {  	s3 =	sand.u32 $0x4000, s31;
	s1 =	sadd.s32 s1, s30  }
0xbb: {  	s0 =	sor.u32 s3, s0;
	s1 =	sshll.u32 s1, $0x11  }
0xbc: {  	s0 =	sor.u32 s1, s0  }
0xbd: {  	s0 =	sadd.s32 $0x8F2B, s0  }
0xbe: {  	[sflag:s0] =	ssyncadd.remote.s32 $0x1  }
0xbf: {  	_ =	sfence.sel $0xFFFF  }
0xc0: {  	[dreg:$0x0] =	wrdreg $0xFFFFFFFF;
	(pc) =	sbr.abs _section_cstart, $3  }
0xc1: {  	[dreg:$0x1] =	wrdreg $0xFFFFFFFF  }
0xc2: {  	_ =	task.clear_ibuf [dreg:s7], $0x2FFFF;
	_ =	strace $0x9FFFFFFF  }
0xc3: {  	(tm) =	ssettm $0x7FFFFFFF  }
tec
execute0_lowered:
.L_overlay_start_1:
0x0: {  	(tag) =	ssettag $0x1  }
0x1: {  	s6 =	rddreg [dreg:$0x0]  }
0x2: {  	s2 =	rddreg [dreg:$0x1]  }
0x3: {  	s0 =	srdreg.scid;
	s3 =	rddreg [dreg:$0x2]  }
0x4: {  	s1 =	rddreg [dreg:$0x3];
	s4 =	simm.s32 $0x0;
	s5 =	sand.u32 $0x1, s0  }
0x5: {  	s12 =	simm.s32 $0x600;
	s0 =	stileid.u32;
	s7 =	smul.u32 $0x50000, s5  }
0x6: {  	s13 =	simm.s32 $0x500;
	s14 =	simm.s32 $0x80;
	s8 =	smul.u32 $0x5000, s0  }
0x7: {  	s15 =	simm.s32 $0x0;
	[smem:$0x7FF] =	sst s4;
	s9 =	smul.u32 $0x500, s0  }
0x8: {  	s29 =	smul.u32 $0x5000, s5;
	_ =	strace $0x80000047;
	s31 =	ssub.s32 $0x2, s5  }
0x9: {  	s5 =	sadd.s32 $0x20A00, s6;
	s11 =	sshrl.u32 s31, $0x1;
	s7 =	sadd.s32 s8, s7  }
0xa: {  	s30 =	sadd.s32 s9, s29;
	s8 =	ssub.s32 s31, s11;
	s7 =	sshrl.u32 s7, $0x3  }
0xb: {  	s11 =	simm.s32 $0x1;
	s10 =	sadd.s32 s7, s6;
	s7 =	sshrl.u32 s30, $0x3  }
0xc: {  	s8 =	smax.u32 s8, $0x1;
	s7 =	sadd.s32 s7, s6;
	s6 =	sadd.s32 s9, s3  }
0xd: {  	s9 =	sadd.s32 $0xCA00, s10;
	s10 =	simm.s32 $0x580;
	s7 =	sadd.s32 $0x20C00, s7  }
.LBB2_1:
0xe: {  	[tilespmem:s10], [sflag:$0x1] =	stream.linear.gather [hbm4b:s2+s4], $0x80, $0x38;
	[tilespmem:$0xB00] =	vst v63  }
0xf: {  	_ =	swait.ge [sflag:s11], $0x80  }
0x10: {  	[sflag:s11] =	ssyncset.done $0x0  }
0x11: {  	[sflag:s11] =	ssyncadd.s32 $0xFFFFFF80  }
0x12: {  	[tilespmem:s12], [sflag:$0x1] =	stream.linear.gather [hbm4b:s5+s4], $0x500, $0x38;
	[tilespmem:$0xB00] =	vst v63  }
0x13: {  	_ =	swait.ge [sflag:s11], $0x500  }
0x14: {  	[sflag:s11] =	ssyncset.done $0x0  }
0x15: {  	[sflag:s11] =	ssyncadd.s32 $0xFFFFFB00  }
0x16: {  	[spmem:s6] =	stream.linear.scatter [tilespmem:s12], [sflag:$0x1], $0x500, $0x38;
	[tilespmem:$0xB00] =	vst v63  }
0x17: {  	_ =	swait.ge [sflag:s11], $0x500  }
0x18: {  	[sflag:s11] =	ssyncset.done $0x0  }
0x19: {  	[sflag:s11] =	ssyncadd.s32 $0xFFFFFB00  }
0x1a: {  	s16 =	sadd.s32 $0x0, s9;
	[bflag:$0x0] =	sbarrier.arrive $0xFFFF  }
0x1b: {  	[tilespmem:s13], [sflag:$0x1] =	stream.linear.gather [hbm4b:s16+s4], $0x80, $0x38;
	[tilespmem:$0xB00] =	vst v63  }
0x1c: {  	_ =	swait.ge [sflag:s11], $0x80  }
0x1d: {  	[sflag:s11] =	ssyncset.done $0x0  }
0x1e: {  	[sflag:s11] =	ssyncadd.s32 $0xFFFFFF80  }
0x1f: {  	[spmem:s3] =	stream.indirect.scatter.add.f32 [tilespmem:s10], [sflag:$0x1], $0x1, s13, s14, $0xb8;
	[tilespmem:$0xB00] =	vst v63  }
0x20: {  	_ =	swait.ge [sflag:s11], $0x80  }
0x21: {  	s17 =	simm.s32 $0x20;
	s16 =	simm.s32 $0x10;
	[sflag:s11] =	ssyncset.done $0x0  }
.LBB2_2:
0x22: {  	s18 =	sadd.s32 s16, s9  }
0x23: {  	[sflag:s11] =	ssyncadd.s32 $0xFFFFFF80;
	s16 =	smov.u32 s17;
	s19 =	sadd.s32 $0x10, s17  }
0x24: {  	[tilespmem:s13], [sflag:$0x1] =	stream.linear.gather [hbm4b:s18+s4], $0x80, $0x38;
	[tilespmem:$0xB00] =	vst v63  }
0x25: {  	p0 =	sne.s32 s17, $0x9F0;
	_ =	swait.ge [sflag:s11], $0x80  }
.Ltmp0:
0x26: {  	[sflag:s11] =	ssyncset.done $0x0;
	(pc) =	sbr.rel @p0 .LBB2_2-.Ltmp0, $4  }
0x27: {  	[sflag:s11] =	ssyncadd.s32 $0xFFFFFF80  }
0x28: {  	[spmem:s3] =	stream.indirect.scatter.add.f32 [tilespmem:s10], [sflag:$0x1], $0x1, s13, s14, $0xb8;
	[tilespmem:$0xB00] =	vst v63  }
0x29: {  	_ =	swait.ge [sflag:s11], $0x80  }
0x2a: {  	s17 =	smov.u32 s19;
	[sflag:s11] =	ssyncset.done $0x0  }
0x2b: {  	s16 =	sadd.s32 s16, s9;
	[sflag:s11] =	ssyncadd.s32 $0xFFFFFF80  }
0x2c: {  	[tilespmem:s13], [sflag:$0x1] =	stream.linear.gather [hbm4b:s16+s4], $0x80, $0x38;
	[tilespmem:$0xB00] =	vst v63  }
0x2d: {  	_ =	swait.ge [sflag:s11], $0x80  }
0x2e: {  	[sflag:s11] =	ssyncset.done $0x0  }
0x2f: {  	[sflag:s11] =	ssyncadd.s32 $0xFFFFFF80  }
0x30: {  	[spmem:s3] =	stream.indirect.scatter.add.f32 [tilespmem:s10], [sflag:$0x1], $0x1, s13, s14, $0xb8;
	[tilespmem:$0xB00] =	vst v63  }
0x31: {  	_ =	swait.ge [sflag:s11], $0x80  }
0x32: {  	[sflag:s11] =	ssyncset.done $0x0  }
0x33: {  	[sflag:s11] =	ssyncadd.s32 $0xFFFFFF80  }
0x34: {  	[bflag:$0x0] =	sbarrier.arrive $0xFFFF  }
0x35: {  	[tilespmem:s12], [sflag:$0x1] =	stream.linear.gather [spmem:s6], $0x500, $0x38;
	[tilespmem:$0xB00] =	vst v63  }
0x36: {  	s15 =	sadd.s32 $0x1, s15;
	_ =	swait.ge [sflag:s11], $0x500  }
0x37: {  	p0 =	sne.s32 s15, s8;
	[sflag:s11] =	ssyncset.done $0x0  }
.Ltmp1:
0x38: {  	[sflag:s11] =	ssyncadd.s32 $0xFFFFFB00;
	(pc) =	sbr.rel @p0 .LBB2_1-.Ltmp1, $4  }
0x39: {  	[hbm4b:s7+s4] =	stream.linear.scatter [tilespmem:s12], [sflag:$0x1], $0x500, $0x38;
	[tilespmem:$0xB00] =	vst v63  }
0x3a: {  	_ =	swait.ge [sflag:s11], $0x500  }
0x3b: {  	[sflag:s11] =	ssyncset.done $0x0  }
0x3c: {  	[sflag:s11] =	ssyncadd.s32 $0xFFFFFB00  }
0x3d: {  	_ =	sfence.sel $0x180000  }
0x3e: {  	[bflag:$0x0] =	sbarrier.arrive $0xFFFF  }
0x3f: {  	p0 =	sne.s32 s0, $0x0;
	_ =	strace $0x90000047  }
0x40: {  	s0 =	sadd.s32 @!p0 $0x100000, s1;
	[bflag:$0x2] =	sbarrier.arrive $0xFFFF  }
0x41: {  	[sflag:s0] =	ssyncadd.tile.s32 @!p0 $0x1;
	_ =	shalt  }
.Lfunc_end2:
_tile_overlayer_lowered:
.L_overlay_start_2:
0x42: {  	(tag) =	ssettag $0x2  }
0x43: {  	s0 =	rddreg [dreg:$0x0];
	s2 =	stileid.u32  }
0x44: {  	s1 =	rddreg [dreg:$0x1];
	p0 =	sne.s32 s2, $0x0  }
0x45: {  	s3 =	rddreg [dreg:$0x2];
	[bflag:$0x3] =	sbarrier.arrive $0xFFFF;
	s2 =	simm.s32 @!p0 $0x1C01  }
0x46: {  	[timem:s3], [sflag:s2] =	dma.local @!p0 [hbm:s0], s1  }
0x47: {  	s0 =	simm.s32 @!p0 $0x1  }
0x48: {  	_ =	swait.ge @!p0 [sflag:s0], s1  }
0x49: {  	s1 =	ssub.s32 @!p0 $0x0, s1;
	[sflag:s0] =	ssyncset.done @!p0 $0x0  }
0x4a: {  	[sflag:s0] =	ssyncadd.s32 @!p0 s1  }
0x4b: {  	[bflag:$0x3] =	sbarrier.arrive $0xFFFF  }
0x4c: {  	_ =	shalt  }

// kernel: kernel.13.cloned.1.call-start
scs
__scs_entry_jumppad:
0x0: {  	(pc) =	sbr.rel $0x88, $3  }
0x1: {  	(tag) =	ssettag $0x0;
	lr =	simm.s32 $0x1  }
0x2: {  	[smem:$0x3F97] =	sst lr;
	_ =	strace $0xD0000000  }
0x3: {  	_ = 	snop  }
0x4: {  	_ = 	snop  }
0x5: {  	_ = 	snop  }
0x6: {  	_ = 	snop  }
0x7: {  	_ = 	snop  }
__scs_overlays_trampoline_lowered:
0x8: {  	[smem:$0x3FA6] =	sst s0  }
0x9: {  	[smem:$0x3FA7] =	sst s1  }
0xa: {  	[smem:$0x3FA8] =	sst s2  }
0xb: {  	[smem:$0x3FA9] =	sst s3  }
0xc: {  	[smem:$0x3FAA] =	sst s4  }
0xd: {  	[smem:$0x3FAB] =	sst s5  }
0xe: {  	[smem:$0x3FAC] =	sst s6  }
0xf: {  	[smem:$0x3FAD] =	sst s7  }
0x10: {  	[smem:$0x3FAE] =	sst s8  }
0x11: {  	[smem:$0x3FAF] =	sst s9;
	s0 =	simm.s32 @!p0 $0x0  }
0x12: {  	s1 =	sld [smem:$0x3F95];
	s0 =	simm.s32 @p0 $0x1  }
0x13: {  	[smem:$0x3FB0] =	sst s0;
	s0 =	simm.s32 @!p1 $0x0  }
0x14: {  	s2 =	sld [smem:$0x3F94];
	s0 =	simm.s32 @p1 $0x1  }
0x15: {  	[smem:$0x3FB1] =	sst s0;
	s0 =	simm.s32 @!p2 $0x0  }
0x16: {  	s3 =	sld [smem:$0x3FDB];
	s0 =	simm.s32 @p2 $0x1  }
0x17: {  	s4 =	simm.s32 $0x1BF5;
	[smem:$0x3FB3] =	sst s0  }
0x18: {  	s0 =	sld [smem:$0x3F96];
	_ =	swait.ge [sflag:s4], $0x0  }
0x19: {  	s7 =	sld [smem:$0x3F97]  }
0x1a: {  	s8 =	sadd.s32 $0xFFFFE003, lr  }
0x1b: {  	s9 =	sadd.s32 $0xFFFFFEF7, lr;
	s5 =	simm.s32 $0xFFFFFFFF;
	p2 =	slt.u32 s8, $0xFFFFF086  }
0x1c: {  	p1 =	slt.u32 s9, $0xF7A;
	s5 =	simm.s32 @!p2 $0x0  }
0x1d: {  	s5 =	simm.s32 @p1 $0x1;
	p0 =	seq.s32 s7, s2  }
0x1e: {  	s7 =	smul.u32 @!p0 $0xF7A, s2;
	p2 =	seq.s32 @!p0 s5, $0x0  }
0x1f: {  	s9 =	smul.u32 $0xF7A, s1;
	s8 =	simm.s32 @!p0 $0x1BF5;
	p2 =	por !p2, p0  }
0x20: {  	[sflag:s8] =	ssyncset.s32 @!p0 $0xFFFFF086;
	s6 =	sadd.s32 @!p0 s3, s7;
	s7 =	simm.s32 @!p0 $0x108  }
0x21: {  	s3 =	sadd.s32 s3, s9;
	s6 =	sadd.s32 @!p0 $0x88, s6;
	s7 =	simm.s32 @p2 $0x1082  }
0x22: {  	[simem:s7], [sflag:s8] =	dma.local @!p0 [hbm:s6], $0xF7A  }
0x23: {  	s9 =	sor.u32 $0xD0000000, s2;
	s6 =	simm.s32 $0x108;
	_ =	swait.ge @!p0 [sflag:s8], $0x0  }
0x24: {  	s3 =	sadd.s32 $0x88, s3;
	s6 =	simm.s32 @!p1 $0x1082;
	[sflag:s4] =	ssyncset.s32 $0xFFFFF086  }
0x25: {  	[simem:s6], [sflag:s4] =	dma.local [hbm:s3], $0xF7A  }
0x26: {  	[smem:$0x3F97] =	sst s1;
	(tag) =	ssettag s2;
	_ =	strace s9  }
0x27: {  	s1 =	sld [smem:$0x3FA7]  }
0x28: {  	s2 =	sld [smem:$0x3FA8]  }
0x29: {  	s4 =	sld [smem:$0x3FAA]  }
0x2a: {  	p0 =	seq.s32 s5, $0x0;
	s5 =	sld [smem:$0x3FAB]  }
0x2b: {  	s6 =	sld [smem:$0x3FAC]  }
0x2c: {  	s7 =	sld [smem:$0x3FAD]  }
0x2d: {  	s3 =	simm.s32 $0x108;
	s8 =	sld [smem:$0x3FAE]  }
0x2e: {  	s3 =	simm.s32 @!p0 $0x1082;
	s9 =	sld [smem:$0x3FAF]  }
0x2f: {  	lr =	sadd.s32 s0, s3;
	s0 =	sld [smem:$0x3FA6]  }
0x30: {  	s3 =	sld [smem:$0x3FA9]  }
0x31: {  	[smem:$0x3FB2] =	sst s10  }
0x32: {  	s10 =	sld [smem:$0x3FB0];
	_ =	sdelay $0x3  }
0x33: {  	p0 =	seq.s32 s10, $0x1;
	s10 =	sld [smem:$0x3FB2];
	_ =	sdelay $0x3  }
0x34: {  	[smem:$0x3FB2] =	sst s10  }
0x35: {  	s10 =	sld [smem:$0x3FB1];
	_ =	sdelay $0x3  }
0x36: {  	p1 =	seq.s32 s10, $0x1;
	s10 =	sld [smem:$0x3FB2];
	_ =	sdelay $0x3  }
0x37: {  	[smem:$0x3FB2] =	sst s10  }
0x38: {  	s10 =	sld [smem:$0x3FB3]  }
0x39: {  	_ = 	snop;
	(pc) =	sbr.ind lr, $3  }
0x3a: {  	_ = 	snop  }
0x3b: {  	_ = 	snop  }
0x3c: {  	p2 =	seq.s32 s10, $0x1;
	s10 =	sld [smem:$0x3FB2]  }
0x3d: {  	_ =	shalt  }
0x3e: {  	_ =	shalt  }
0x3f: {  	_ =	shalt  }
0x40: {  	_ =	shalt  }
0x41: {  	_ =	shalt  }
0x42: {  	_ =	shalt  }
0x43: {  	_ =	shalt  }
0x44: {  	_ =	shalt  }
0x45: {  	_ =	shalt  }
0x46: {  	_ =	shalt  }
0x47: {  	_ =	shalt  }
0x48: {  	_ =	shalt  }
0x49: {  	_ =	shalt  }
0x4a: {  	_ =	shalt  }
0x4b: {  	_ =	shalt  }
0x4c: {  	_ =	shalt  }
0x4d: {  	_ =	shalt  }
0x4e: {  	_ =	shalt  }
0x4f: {  	_ =	shalt  }
0x50: {  	_ =	shalt  }
0x51: {  	_ =	shalt  }
0x52: {  	_ =	shalt  }
0x53: {  	_ =	shalt  }
0x54: {  	_ =	shalt  }
0x55: {  	_ =	shalt  }
0x56: {  	_ =	shalt  }
0x57: {  	_ =	shalt  }
0x58: {  	_ =	shalt  }
0x59: {  	_ =	shalt  }
0x5a: {  	_ =	shalt  }
0x5b: {  	_ =	shalt  }
0x5c: {  	_ =	shalt  }
0x5d: {  	_ =	shalt  }
0x5e: {  	_ =	shalt  }
0x5f: {  	_ =	shalt  }
0x60: {  	_ =	shalt  }
0x61: {  	_ =	shalt  }
0x62: {  	_ =	shalt  }
0x63: {  	_ =	shalt  }
0x64: {  	_ =	shalt  }
0x65: {  	_ =	shalt  }
0x66: {  	_ =	shalt  }
0x67: {  	_ =	shalt  }
0x68: {  	_ =	shalt  }
0x69: {  	_ =	shalt  }
0x6a: {  	_ =	shalt  }
0x6b: {  	_ =	shalt  }
0x6c: {  	_ =	shalt  }
0x6d: {  	_ =	shalt  }
0x6e: {  	_ =	shalt  }
0x6f: {  	_ =	shalt  }
0x70: {  	_ =	shalt  }
0x71: {  	_ =	shalt  }
0x72: {  	_ =	shalt  }
0x73: {  	_ =	shalt  }
0x74: {  	_ =	shalt  }
0x75: {  	_ =	shalt  }
0x76: {  	_ =	shalt  }
0x77: {  	_ =	shalt  }
0x78: {  	_ =	shalt  }
0x79: {  	_ =	shalt  }
0x7a: {  	_ =	shalt  }
0x7b: {  	_ =	shalt  }
0x7c: {  	_ =	shalt  }
0x7d: {  	_ =	shalt  }
0x7e: {  	_ =	shalt  }
0x7f: {  	_ =	shalt  }
0x80: {  	_ =	shalt  }
0x81: {  	_ =	shalt  }
0x82: {  	_ =	shalt  }
0x83: {  	_ =	shalt  }
0x84: {  	_ =	shalt  }
0x85: {  	_ =	shalt  }
0x86: {  	_ =	shalt  }
0x87: {  	_ =	shalt  }
.Lfunc_end0:
.L_simem_size_0:
called_computation.1_lowered:
.L_overlay_start_0:
0x88: {  	s2 =	sld [smem:$0x3FD9]  }
0x89: {  	s3 =	sld [smem:$0x3FFE];
	_ =	sdelay $0x1  }
0x8a: {  	s1 =	srdreg.scid  }
0x8b: {  	s0 =	sand.u32 $0x1, s1  }
0x8c: {  	s16 =	sshll.u32 s0, $0xA;
	s2 =	sadd.s32 s3, s2  }
0x8d: {  	s2 =	sadd.s32 s2, s16  }
0x8e: {  	[smem:$0x3FBE] =	sst s2  }
0x8f: {  	_ = 	snop  }
0x90: {  	(tm) =	ssettm $0x1  }
0x91: {  	s17 =	sld [smem:$0x3FFB];
	_ =	sdelay $0x3  }
0x92: {  	_ =	strace s17  }
0x93: {  	s2 =	sld [smem:$0x3FFC];
	_ =	sdelay $0x3  }
0x94: {  	_ =	strace s2  }
0x95: {  	s2 =	sld [smem:$0x3FFD];
	_ =	sdelay $0x3  }
0x96: {  	_ =	strace s2  }
0x97: {  	_ =	strace $0x8FFFFFFF  }
0x98: {  	s18 =	sld [smem:$0x3FDB];
	_ =	sdelay $0x1  }
0x99: {  	s19 =	simm.s32 $_scs_section_size  }
0x9a: {  	s4 =	simm.s32 $_size__tile_overlayer_lowered;
	s5 =	simm.s32 $_tile_overlayer_lowered  }
0x9b: {  	s22 =	simm.s32 $0x1BFF;
	s21 =	sshll.u32 s5, $0x1;
	s2 =	sadd.s32 s19, s18  }
0x9c: {  	s6 =	simm.s32 $0x0;
	s20 =	sshll.u32 s4, $0x1;
	s4 =	sadd.s32 s21, s2  }
0x9d: {  	[timem:s6], [sflag:s22] =	dma.local [hbm:s4], s20  }
0x9e: {  	_ =	swait.ge [sflag:s22], s20  }
0x9f: {  	s3 =	ssub.s32 $0x0, s20;
	[sflag:s22] =	ssyncset.done $0x0  }
0xa0: {  	[sflag:s22] =	ssyncadd.s32 s3;
	_ =	sdelay $0x1  }
0xa1: {  	s23 =	simm.s32 $0x1B8B  }
0xa2: {  	_ =	swait.ge [sflag:s23], $0x1  }
0xa3: {  	[sflag:s23] =	ssyncset.done $0x0  }
0xa4: {  	s25 =	simm.s32 $0x1B8E;
	s24 =	sld [smem:$0x3FFE];
	[sflag:s23] =	ssyncadd.s32 $0xFFFFFFFF  }
0xa5: {  	s26 =	simm.s32 $execute0_lowered;
	[smem:$0x3FD2] =	sst s25  }
0xa6: {  	s4 =	sshll.u32 s26, $0x1;
	_ =	strace $0x80000049;
	[dreg:$0x1] =	wrdreg $0xFFFFFFFF  }
0xa7: {  	s28 =	simm.s32 $_size_execute0_lowered;
	s2 =	sadd.s32 s2, s4;
	[dreg:$0x0] =	wrdreg $0x0  }
0xa8: {  	s4 =	sshll.u32 s28, $0x1;
	[dreg:$0x2] =	wrdreg s2  }
0xa9: {  	[dreg:$0x3] =	wrdreg s4  }
0xaa: {  	[dreg:$0x4] =	wrdreg $0xC0  }
0xab: {  	_ =	task [dreg:s6], $0x5FFFF  }
0xac: {  	[dreg:$0x1] =	wrdreg $0xFFFFFFFF  }
0xad: {  	[dreg:$0x0] =	wrdreg $0x60  }
0xae: {  	[dreg:$0x2] =	wrdreg s24  }
0xaf: {  	[dreg:$0x3] =	wrdreg $0x0  }
0xb0: {  	[dreg:$0x4] =	wrdreg $0x9  }
0xb1: {  	_ =	task.clear_ibuf [dreg:s6], $0x5FFFF;
	_ =	strace $0x90000049  }
0xb2: {  	s29 =	simm.s32 $0x9;
	_ =	strace $0x8000004B  }
0xb3: {  	_ =	swait.ge [sflag:s29], $0x1  }
0xb4: {  	[sflag:s29] =	ssyncadd.s32 $0xFFFFFFFF  }
0xb5: {  	_ =	strace $0x9000004B  }
0xb6: {  	_ =	sfence  }
0xb7: {  	s30 =	sld [smem:$0x0];
	_ =	sdelay $0x2  }
0xb8: {  	s31 =	sshll.u32 s1, $0xD;
	s1 =	sshrl.u32 s1, $0x2  }
0xb9: {  	s3 =	sand.u32 $0x4000, s31;
	s1 =	sadd.s32 s1, s30  }
0xba: {  	s0 =	sor.u32 s3, s0;
	s1 =	sshll.u32 s1, $0x11  }
0xbb: {  	s0 =	sor.u32 s1, s0  }
0xbc: {  	s0 =	sadd.s32 $0x8F2B, s0  }
0xbd: {  	[sflag:s0] =	ssyncadd.remote.s32 $0x1  }
0xbe: {  	_ =	sfence.sel $0xFFFF  }
0xbf: {  	[dreg:$0x0] =	wrdreg $0xFFFFFFFF;
	(pc) =	sbr.abs _section_cstart, $3  }
0xc0: {  	[dreg:$0x1] =	wrdreg $0xFFFFFFFF  }
0xc1: {  	_ =	task.clear_ibuf [dreg:s6], $0x2FFFF;
	_ =	strace $0x9FFFFFFF  }
0xc2: {  	(tm) =	ssettm $0x7FFFFFFF  }
0xc3: {  	_ =	shalt  }
tec
execute0_lowered:
.L_overlay_start_1:
0x0: {  	(tag) =	ssettag $0x1  }
0x1: {  	s0 =	rddreg [dreg:$0x0]  }
0x2: {  	s2 =	rddreg [dreg:$0x1];
	s1 =	srdreg.scid  }
0x3: {  	s15 =	stileid.u32;
	s3 =	simm.s32 $0x0;
	s31 =	simm.s32 $0x2  }
0x4: {  	s1 =	sand.u32 $0x1, s1;
	s7 =	smul.u32 $0x280, s15;
	[smem:$0x7FF] =	sst s3  }
0x5: {  	s4 =	sadd.s32 $0x2C000, s0;
	s5 =	sadd.s32 $0x22000, s0;
	s18 =	smul.u32 $0x50000, s15  }
0x6: {  	s6 =	sadd.s32 $0x2A00, s0;
	s17 =	sadd.s32 $0xCA00, s0;
	s26 =	smul.u32 $0x500, s15  }
0x7: {  	s8 =	smul.u32 $0x2800, s1;
	_ =	strace $0x8000004A;
	[dreg:$0x4] =	wrdreg s17  }
0x8: {  	s19 =	ssub.s32 $0x2, s1;
	s9 =	sshll.u32 s1, $0x4;
	s1 =	smul.u32 $0x5000, s1  }
0x9: {  	s10 =	sshrl.u32 s19, $0x1;
	s9 =	sor.u32 s15, s9;
	s15 =	simm.s32 $0x8  }
0xa: {  	s7 =	sadd.s32 s7, s8;
	s8 =	sshrl.u32 s18, $0x2;
	s13 =	smul.u32 $0x500, s9  }
0xb: {  	s1 =	sadd.s32 s26, s1;
	s26 =	simm.s32 $0x9;
	s7 =	sshll.u32 s7, $0x4  }
0xc: {  	s8 =	sadd.s32 s8, s2;
	[dreg:$0x3] =	wrdreg s1;
	s14 =	sadd.s32 s5, s13  }
0xd: {  	s20 =	sor.u32 $0x10, s13;
	s16 =	sadd.s32 s6, s13;
	[dreg:$0x5] =	wrdreg s14  }
0xe: {  	s1 =	simm.s32 $0x80;
	[dreg:$0x6] =	wrdreg s16;
	s21 =	sadd.s32 s5, s20  }
0xf: {  	s0 =	sadd.s32 s7, s0;
	s14 =	sadd.s32 s6, s20;
	[dreg:$0x7] =	wrdreg s21  }
0x10: {  	s7 =	ssub.s32 s19, s10;
	s22 =	sadd.s32 $0x54000, s0;
	[dreg:$0x8] =	wrdreg s14  }
0x11: {  	s9 =	sadd.s32 $0x4000, s8;
	s23 =	sadd.s32 $0x54800, s0;
	[dreg:$0x9] =	wrdreg s22  }
0x12: {  	s10 =	sadd.s32 $0x8000, s8;
	s24 =	sadd.s32 $0x55000, s0;
	[dreg:$0xa] =	wrdreg s23  }
0x13: {  	s11 =	sadd.s32 $0xC000, s8;
	s25 =	sadd.s32 $0x55800, s0;
	[dreg:$0xb] =	wrdreg s24  }
0x14: {  	s12 =	sadd.s32 $0x10000, s8;
	s0 =	sadd.s32 $0x56000, s0;
	[dreg:$0xc] =	wrdreg s25  }
0x15: {  	s29 =	sor.u32 $0x20, s13;
	s28 =	smax.u32 s7, $0x1;
	[dreg:$0xd] =	wrdreg s0  }
0x16: {  	s19 =	simm.s32 $0x18400;
	s30 =	sadd.s32 s5, s29;
	[dreg:$0xe] =	wrdreg s28  }
0x17: {  	s16 =	simm.s32 $0x0;
	[dreg:$0xf] =	wrdreg s30;
	s0 =	sadd.s32 s6, s29  }
0x18: {  	s25 =	simm.s32 $0x14400;
	[dreg:$0x10] =	wrdreg s0;
	s0 =	simm.s32 $0x1  }
.LBB2_1:
0x19: {  	s7 =	rddreg [dreg:$0x4]  }
0x1a: {  	[tilespmem:s25], [sflag:$0x9] =	stream.linear.gather [hbm4b:s7+s3], $0x4000, $0x38;
	[tilespmem:$0x1C400] =	vst v63  }
0x1b: {  	_ =	swait.ge [sflag:s26], $0x4000  }
0x1c: {  	[sflag:s26] =	ssyncset.done $0x0  }
0x1d: {  	[sflag:s26] =	ssyncadd.s32 $0xFFFFC000  }
0x1e: {  	[spmem:s8] =	stream.linear.scatter [tilespmem:s25], [sflag:$0x9], $0x4000, $0x38;
	[tilespmem:$0x1C400] =	vst v63  }
0x1f: {  	_ =	swait.ge [sflag:s26], $0x4000  }
0x20: {  	[sflag:s26] =	ssyncset.done $0x0  }
0x21: {  	[sflag:s26] =	ssyncadd.s32 $0xFFFFC000  }
0x22: {  	[spmem:s9] =	stream.linear.scatter [tilespmem:s25], [sflag:$0x9], $0x4000, $0x38;
	[tilespmem:$0x1C400] =	vst v63  }
0x23: {  	_ =	swait.ge [sflag:s26], $0x4000  }
0x24: {  	[sflag:s26] =	ssyncset.done $0x0  }
0x25: {  	[sflag:s26] =	ssyncadd.s32 $0xFFFFC000  }
0x26: {  	[spmem:s10] =	stream.linear.scatter [tilespmem:s25], [sflag:$0x9], $0x4000, $0x38;
	[tilespmem:$0x1C400] =	vst v63  }
0x27: {  	_ =	swait.ge [sflag:s26], $0x4000  }
0x28: {  	[sflag:s26] =	ssyncset.done $0x0  }
0x29: {  	[sflag:s26] =	ssyncadd.s32 $0xFFFFC000  }
0x2a: {  	[spmem:s11] =	stream.linear.scatter [tilespmem:s25], [sflag:$0x9], $0x4000, $0x38;
	[tilespmem:$0x1C400] =	vst v63  }
0x2b: {  	_ =	swait.ge [sflag:s26], $0x4000  }
0x2c: {  	[sflag:s26] =	ssyncset.done $0x0  }
0x2d: {  	[sflag:s26] =	ssyncadd.s32 $0xFFFFC000  }
0x2e: {  	[spmem:s12] =	stream.linear.scatter [tilespmem:s25], [sflag:$0x9], $0x4000, $0x38;
	[tilespmem:$0x1C400] =	vst v63  }
0x2f: {  	_ =	swait.ge [sflag:s26], $0x4000  }
0x30: {  	[sflag:s26] =	ssyncset.done $0x0  }
0x31: {  	[sflag:s26] =	ssyncadd.s32 $0xFFFFC000  }
0x32: {  	[bflag:$0x0] =	sbarrier.arrive $0xFFFF  }
0x33: {  	s13 =	simm.s32 $0x14000;
	s22 =	rddreg [dreg:$0x5]  }
0x34: {  	[tilespmem:s13], [sflag:$0x1] =	stream.linear.gather [hbm4b:s22+s3], $0x80, $0x38;
	[tilespmem:$0x1C400] =	vst v63  }
0x35: {  	s14 =	simm.s32 $0x14200;
	s23 =	rddreg [dreg:$0x6]  }
0x36: {  	[tilespmem:s14], [sflag:$0x1] =	stream.linear.gather [hbm4b:s23+s3], $0x80, $0x38;
	[tilespmem:$0x1C400] =	vst v63  }
0x37: {  	s17 =	simm.s32 $0x14080;
	s24 =	rddreg [dreg:$0x7]  }
0x38: {  	[tilespmem:s17], [sflag:$0x2] =	stream.linear.gather [hbm4b:s24+s3], $0x80, $0x38;
	[tilespmem:$0x1C400] =	vst v63  }
0x39: {  	s18 =	simm.s32 $0x14280;
	s30 =	rddreg [dreg:$0x8]  }
0x3a: {  	[tilespmem:s18], [sflag:$0x2] =	stream.linear.gather [hbm4b:s30+s3], $0x80, $0x38;
	[tilespmem:$0x1C400] =	vst v63  }
0x3b: {  	_ =	swait.ge [sflag:s0], $0x80  }
0x3c: {  	[sflag:s0] =	ssyncset.done $0x0  }
0x3d: {  	[sflag:s0] =	ssyncadd.s32 $0xFFFFFF80  }
0x3e: {  	_ =	swait.ge [sflag:s0], $0x80  }
0x3f: {  	[sflag:s0] =	ssyncset.done $0x0  }
0x40: {  	[sflag:s0] =	ssyncadd.s32 $0xFFFFFF80  }
0x41: {  	[tilespmem:s25], [sflag:$0x5] =	stream.indirect.gather [hbm4b:s4+s1], $0x80, s13, s1, $0xb8;
	[tilespmem:$0x1C400] =	vst v63  }
0x42: {  	s21 =	simm.s32 $0x14100;
	s20 =	rddreg [dreg:$0xf]  }
0x43: {  	[tilespmem:s21], [sflag:$0x3] =	stream.linear.gather [hbm4b:s20+s3], $0x80, $0x38;
	[tilespmem:$0x1C400] =	vst v63  }
0x44: {  	s23 =	simm.s32 $0x14300;
	s22 =	rddreg [dreg:$0x10]  }
0x45: {  	[tilespmem:s23], [sflag:$0x3] =	stream.linear.gather [hbm4b:s22+s3], $0x80, $0x38;
	[tilespmem:$0x1C400] =	vst v63  }
0x46: {  	_ =	swait.ge [sflag:s31], $0x80  }
0x47: {  	[sflag:s31] =	ssyncset.done $0x0  }
0x48: {  	[sflag:s31] =	ssyncadd.s32 $0xFFFFFF80  }
0x49: {  	_ =	swait.ge [sflag:s31], $0x80  }
0x4a: {  	[sflag:s31] =	ssyncset.done $0x0  }
0x4b: {  	s24 =	simm.s32 $0x5;
	[sflag:s31] =	ssyncadd.s32 $0xFFFFFF80  }
0x4c: {  	[tilespmem:s19], [sflag:$0x6] =	stream.indirect.gather [hbm4b:s4+s1], $0x80, s17, s1, $0xb8;
	[tilespmem:$0x1C400] =	vst v63  }
0x4d: {  	p0 =	por $0x0, $0x0;
	s30 =	simm.s32 $0x2;
	_ =	swait.ge [sflag:s24], $0x4000  }
0x4e: {  	s21 =	sand.u32 $0x1, s30;
	s20 =	simm.s32 $0x3;
	[sflag:s24] =	ssyncset.done $0x0  }
0x4f: {  	s7 =	sadd.s32 $0x7, s21;
	s22 =	simm.s32 $0x30;
	[sflag:s24] =	ssyncadd.s32 $0xFFFFC000  }
0x50: {  	[spmem:s2] =	stream.indirect.scatter.add.f32 [tilespmem:s25], [sflag:$0x7], $0x80, s14, s1, $0xb8;
	[tilespmem:$0x1C400] =	vst v63  }
0x51: {  	s23 =	sand.u32 $0x3, s30;
	s22 =	sand.u32 @!p0 $0x70, s22;
	_ =	swait.ge [sflag:s7], $0x4000  }
0x52: {  	s13 =	sadd.s32 $0x1, s23;
	s23 =	sshll.u32 s23, $0x7;
	s19 =	rddreg [dreg:$0x3]  }
0x53: {  	s23 =	sor.u32 $0x14000, s23;
	s17 =	sand.u32 @!p0 $0x3, s20;
	s19 =	sadd.s32 @!p0 $0x30, s19  }
0x54: {  	s20 =	simm.s32 @!p0 $0x0;
	s24 =	sshll.u32 @!p0 s17, $0x7;
	s19 =	sand.u32 @!p0 $0xFFFFF80, s19  }
0x55: {  	s17 =	sadd.s32 @!p0 $0x1, s17;
	[sflag:s7] =	ssyncset.done $0x0;
	s19 =	sor.u32 @!p0 s22, s19  }
0x56: {  	[sflag:s7] =	ssyncadd.s32 $0xFFFFC000;
	s22 =	sor.u32 @!p0 $0x14000, s24;
	s18 =	sadd.s32 @!p0 s5, s19  }
0x57: {  	[tilespmem:s22], [sflag:s17] =	stream.linear.gather @!p0 [hbm4b:s18+s20], $0x80, $0x38;
	[tilespmem:$0x1C400] =	vst v63  }
0x58: {  	s7 =	simm.s32 $0x1;
	s19 =	sadd.s32 @!p0 s6, s19;
	s18 =	sor.u32 @!p0 $0x14200, s24  }
0x59: {  	[tilespmem:s18], [sflag:s17] =	stream.linear.gather @!p0 [hbm4b:s19+s20], $0x80, $0x38;
	[tilespmem:$0x1C400] =	vst v63  }
0x5a: {  	s14 =	simm.s32 $0x200;
	s29 =	sand.u32 $0x1, s7;
	_ =	swait.ge [sflag:s13], $0x80  }
0x5b: {  	s30 =	sshll.u32 s29, $0xE;
	s28 =	sadd.s32 $0x7, s29;
	[sflag:s13] =	ssyncset.done $0x0  }
0x5c: {  	s29 =	sadd.s32 $0x5, s29;
	s24 =	sand.u32 $0x600, s14;
	[sflag:s13] =	ssyncadd.s32 $0xFFFFFF80  }
0x5d: {  	s14 =	simm.s32 $0x3;
	s24 =	sshrl.u32 s24, $0x2;
	_ =	swait.ge [sflag:s13], $0x80  }
0x5e: {  	s22 =	sand.u32 $0x3, s14;
	s18 =	simm.s32 $0x4;
	[sflag:s13] =	ssyncset.done $0x0  }
0x5f: {  	[sflag:s13] =	ssyncadd.s32 $0xFFFFFF80;
	s13 =	sadd.s32 $0x5, s21;
	s21 =	sshll.u32 s21, $0xE  }
0x60: {  	s20 =	simm.s32 $0x5;
	s17 =	simm.s32 $0x400;
	s21 =	sadd.s32 $0x14400, s21  }
0x61: {  	[tilespmem:s21], [sflag:s13] =	stream.indirect.gather [hbm4b:s4+s1], $0x80, s23, s1, $0xb8;
	[tilespmem:$0x1C400] =	vst v63  }
0x62: {  	s19 =	simm.s32 $0x40;
	s23 =	sor.u32 $0x14200, s24;
	_ =	swait.ge [sflag:s29], $0x4000  }
0x63: {  	s24 =	sadd.s32 $0x14400, s30;
	s21 =	sand.u32 $0x1, s14;
	[sflag:s29] =	ssyncset.done $0x0  }
.LBB2_2:
0x64: {  	s30 =	sadd.s32 $0x7, s21;
	[sflag:s29] =	ssyncadd.s32 $0xFFFFC000;
	s29 =	smov.u32 s18  }
0x65: {  	s18 =	smov.u32 s20;
	s20 =	sadd.s32 $0x1, s20;
	s7 =	smov.u32 s17  }
0x66: {  	[spmem:s2] =	stream.indirect.scatter.add.f32 [tilespmem:s24], [sflag:s28], $0x80, s23, s1, $0xb8;
	[tilespmem:$0x1C400] =	vst v63  }
0x67: {  	s17 =	sadd.s32 $0x200, s17;
	p0 =	sne.s32 s20, $0x51;
	s23 =	smov.u32 s19  }
0x68: {  	s28 =	sadd.s32 $0xFFFFFFFE, s29;
	s7 =	sand.u32 $0x600, s7;
	_ =	swait.ge [sflag:s30], $0x4000  }
0x69: {  	s13 =	sand.u32 $0x1, s28;
	p1 =	sgt.u32 s28, $0x4D;
	s24 =	rddreg [dreg:$0x3]  }
0x6a: {  	s28 =	sand.u32 @!p1 $0x3, s29;
	s29 =	simm.s32 @!p1 $0x0;
	s24 =	sadd.s32 @!p1 s23, s24  }
0x6b: {  	[sflag:s30] =	ssyncset.done $0x0;
	s23 =	sand.u32 @!p1 $0x70, s23;
	s24 =	sand.u32 @!p1 $0xFFFFF80, s24  }
0x6c: {  	s14 =	sshll.u32 @!p1 s28, $0x7;
	[sflag:s30] =	ssyncadd.s32 $0xFFFFC000;
	s23 =	sor.u32 @!p1 s23, s24  }
0x6d: {  	s28 =	sadd.s32 @!p1 $0x1, s28;
	s24 =	sor.u32 @!p1 $0x14000, s14;
	s30 =	sadd.s32 @!p1 s5, s23  }
0x6e: {  	[tilespmem:s24], [sflag:s28] =	stream.linear.gather @!p1 [hbm4b:s30+s29], $0x80, $0x38;
	[tilespmem:$0x1C400] =	vst v63  }
0x6f: {  	s14 =	sor.u32 @!p1 $0x14200, s14;
	s23 =	sadd.s32 @!p1 s6, s23;
	s24 =	sadd.s32 $0x1, s22  }
0x70: {  	[tilespmem:s14], [sflag:s28] =	stream.linear.gather @!p1 [hbm4b:s23+s29], $0x80, $0x38;
	[tilespmem:$0x1C400] =	vst v63  }
0x71: {  	s19 =	sadd.s32 $0x10, s19;
	s7 =	sshrl.u32 s7, $0x2;
	_ =	swait.ge [sflag:s24], $0x80  }
0x72: {  	s30 =	sadd.s32 $0x5, s21;
	s21 =	sshll.u32 s21, $0xE;
	[sflag:s24] =	ssyncset.done $0x0  }
0x73: {  	s22 =	sshll.u32 s22, $0x7;
	s14 =	sshll.u32 s13, $0xE;
	[sflag:s24] =	ssyncadd.s32 $0xFFFFFF80  }
0x74: {  	s28 =	sadd.s32 $0x7, s13;
	s29 =	sadd.s32 $0x5, s13;
	_ =	swait.ge [sflag:s24], $0x80  }
.Ltmp0:
0x75: {  	s23 =	sor.u32 $0x14200, s7;
	[sflag:s24] =	ssyncset.done $0x0;
	(pc) =	sbr.rel @p0 .LBB2_2-.Ltmp0, $4  }
0x76: {  	s7 =	sor.u32 $0x14000, s22;
	s13 =	sadd.s32 $0x14400, s21;
	[sflag:s24] =	ssyncadd.s32 $0xFFFFFF80  }
0x77: {  	[tilespmem:s13], [sflag:s30] =	stream.indirect.gather [hbm4b:s4+s1], $0x80, s7, s1, $0xb8;
	[tilespmem:$0x1C400] =	vst v63  }
0x78: {  	s24 =	sadd.s32 $0x14400, s14;
	s30 =	sadd.s32 $0xFFFFFFFF, s18;
	_ =	swait.ge [sflag:s29], $0x4000  }
0x79: {  	s21 =	sand.u32 $0x1, s30;
	s22 =	sand.u32 $0x3, s30;
	[sflag:s29] =	ssyncset.done $0x0  }
0x7a: {  	s7 =	sadd.s32 $0x7, s21;
	[sflag:s29] =	ssyncadd.s32 $0xFFFFC000  }
0x7b: {  	[spmem:s2] =	stream.indirect.scatter.add.f32 [tilespmem:s24], [sflag:s28], $0x80, s23, s1, $0xb8;
	[tilespmem:$0x1C400] =	vst v63  }
0x7c: {  	s14 =	sadd.s32 $0xFFFFFFFE, s18;
	_ =	swait.ge [sflag:s7], $0x4000  }
0x7d: {  	p0 =	sgt.u32 s14, $0x4D;
	s13 =	rddreg [dreg:$0x3]  }
0x7e: {  	s18 =	sand.u32 @!p0 $0x3, s18;
	s20 =	simm.s32 @!p0 $0x0;
	s13 =	sadd.s32 @!p0 s19, s13  }
0x7f: {  	[sflag:s7] =	ssyncset.done $0x0;
	s19 =	sand.u32 @!p0 $0x70, s19;
	s13 =	sand.u32 @!p0 $0xFFFFF80, s13  }
0x80: {  	s23 =	sshll.u32 @!p0 s18, $0x7;
	[sflag:s7] =	ssyncadd.s32 $0xFFFFC000;
	s13 =	sor.u32 @!p0 s19, s13  }
0x81: {  	s7 =	sadd.s32 @!p0 $0x1, s18;
	s19 =	sor.u32 @!p0 $0x14000, s23;
	s18 =	sadd.s32 @!p0 s5, s13  }
0x82: {  	[tilespmem:s19], [sflag:s7] =	stream.linear.gather @!p0 [hbm4b:s18+s20], $0x80, $0x38;
	[tilespmem:$0x1C400] =	vst v63  }
0x83: {  	s13 =	sadd.s32 @!p0 s6, s13;
	s18 =	sor.u32 @!p0 $0x14200, s23;
	s23 =	sadd.s32 $0x1, s22  }
0x84: {  	[tilespmem:s18], [sflag:s7] =	stream.linear.gather @!p0 [hbm4b:s13+s20], $0x80, $0x38;
	[tilespmem:$0x1C400] =	vst v63  }
0x85: {  	_ =	swait.ge [sflag:s23], $0x80  }
0x86: {  	[sflag:s23] =	ssyncset.done $0x0  }
0x87: {  	s29 =	sadd.s32 $0x5, s21;
	[sflag:s23] =	ssyncadd.s32 $0xFFFFFF80  }
0x88: {  	s24 =	sshll.u32 s21, $0xE;
	s30 =	sand.u32 $0x1, s14;
	_ =	swait.ge [sflag:s23], $0x80  }
0x89: {  	s28 =	sshll.u32 s22, $0x7;
	s14 =	sadd.s32 $0x5, s30;
	[sflag:s23] =	ssyncset.done $0x0  }
0x8a: {  	s13 =	sor.u32 $0x14000, s28;
	s7 =	sadd.s32 $0x14400, s24;
	[sflag:s23] =	ssyncadd.s32 $0xFFFFFF80  }
0x8b: {  	[tilespmem:s7], [sflag:s29] =	stream.indirect.gather [hbm4b:s4+s1], $0x80, s13, s1, $0xb8;
	[tilespmem:$0x1C400] =	vst v63  }
0x8c: {  	_ =	swait.ge [sflag:s14], $0x4000  }
0x8d: {  	s18 =	sand.u32 $0x600, s17;
	[sflag:s14] =	ssyncset.done $0x0  }
0x8e: {  	s19 =	sshll.u32 s30, $0xE;
	[sflag:s14] =	ssyncadd.s32 $0xFFFFC000;
	s14 =	sshrl.u32 s18, $0x2  }
0x8f: {  	s7 =	sadd.s32 $0x7, s30;
	s13 =	sadd.s32 $0x14400, s19;
	s14 =	sor.u32 $0x14200, s14  }
0x90: {  	[spmem:s2] =	stream.indirect.scatter.add.f32 [tilespmem:s13], [sflag:s7], $0x80, s14, s1, $0xb8;
	[tilespmem:$0x1C400] =	vst v63  }
0x91: {  	_ =	swait.ge [sflag:s7], $0x4000  }
0x92: {  	[sflag:s7] =	ssyncset.done $0x0  }
0x93: {  	s20 =	simm.s32 $0x6;
	[sflag:s7] =	ssyncadd.s32 $0xFFFFC000  }
0x94: {  	_ =	swait.ge [sflag:s20], $0x4000  }
0x95: {  	[sflag:s20] =	ssyncset.done $0x0  }
0x96: {  	s21 =	simm.s32 $0x14380;
	s19 =	simm.s32 $0x18400;
	[sflag:s20] =	ssyncadd.s32 $0xFFFFC000  }
0x97: {  	[spmem:s2] =	stream.indirect.scatter.add.f32 [tilespmem:s19], [sflag:$0x8], $0x80, s21, s1, $0xb8;
	[tilespmem:$0x1C400] =	vst v63  }
0x98: {  	_ =	swait.ge [sflag:s15], $0x4000  }
0x99: {  	[sflag:s15] =	ssyncset.done $0x0  }
0x9a: {  	[sflag:s15] =	ssyncadd.s32 $0xFFFFC000  }
0x9b: {  	[bflag:$0x0] =	sbarrier.arrive $0xFFFF  }
0x9c: {  	[tilespmem:s25], [sflag:$0x9] =	stream.linear.gather [spmem:s8], $0x4000, $0x38;
	[tilespmem:$0x1C400] =	vst v63  }
0x9d: {  	_ =	swait.ge [sflag:s26], $0x4000  }
0x9e: {  	[sflag:s26] =	ssyncset.done $0x0  }
0x9f: {  	s22 =	rddreg [dreg:$0x9];
	[sflag:s26] =	ssyncadd.s32 $0xFFFFC000  }
0xa0: {  	[hbm4b:s22+s3] =	stream.linear.scatter [tilespmem:s25], [sflag:$0x9], $0x4000, $0x38;
	[tilespmem:$0x1C400] =	vst v63  }
0xa1: {  	_ =	swait.ge [sflag:s26], $0x4000  }
0xa2: {  	[sflag:s26] =	ssyncset.done $0x0  }
0xa3: {  	[sflag:s26] =	ssyncadd.s32 $0xFFFFC000  }
0xa4: {  	[tilespmem:s25], [sflag:$0x9] =	stream.linear.gather [spmem:s9], $0x4000, $0x38;
	[tilespmem:$0x1C400] =	vst v63  }
0xa5: {  	_ =	swait.ge [sflag:s26], $0x4000  }
0xa6: {  	[sflag:s26] =	ssyncset.done $0x0  }
0xa7: {  	s23 =	rddreg [dreg:$0xa];
	[sflag:s26] =	ssyncadd.s32 $0xFFFFC000  }
0xa8: {  	[hbm4b:s23+s3] =	stream.linear.scatter [tilespmem:s25], [sflag:$0x9], $0x4000, $0x38;
	[tilespmem:$0x1C400] =	vst v63  }
0xa9: {  	_ =	swait.ge [sflag:s26], $0x4000  }
0xaa: {  	[sflag:s26] =	ssyncset.done $0x0  }
0xab: {  	[sflag:s26] =	ssyncadd.s32 $0xFFFFC000  }
0xac: {  	[tilespmem:s25], [sflag:$0x9] =	stream.linear.gather [spmem:s10], $0x4000, $0x38;
	[tilespmem:$0x1C400] =	vst v63  }
0xad: {  	_ =	swait.ge [sflag:s26], $0x4000  }
0xae: {  	[sflag:s26] =	ssyncset.done $0x0  }
0xaf: {  	s24 =	rddreg [dreg:$0xb];
	[sflag:s26] =	ssyncadd.s32 $0xFFFFC000  }
0xb0: {  	[hbm4b:s24+s3] =	stream.linear.scatter [tilespmem:s25], [sflag:$0x9], $0x4000, $0x38;
	[tilespmem:$0x1C400] =	vst v63  }
0xb1: {  	_ =	swait.ge [sflag:s26], $0x4000  }
0xb2: {  	[sflag:s26] =	ssyncset.done $0x0  }
0xb3: {  	[sflag:s26] =	ssyncadd.s32 $0xFFFFC000  }
0xb4: {  	[tilespmem:s25], [sflag:$0x9] =	stream.linear.gather [spmem:s11], $0x4000, $0x38;
	[tilespmem:$0x1C400] =	vst v63  }
0xb5: {  	_ =	swait.ge [sflag:s26], $0x4000  }
0xb6: {  	[sflag:s26] =	ssyncset.done $0x0  }
0xb7: {  	s28 =	rddreg [dreg:$0xc];
	[sflag:s26] =	ssyncadd.s32 $0xFFFFC000  }
0xb8: {  	[hbm4b:s28+s3] =	stream.linear.scatter [tilespmem:s25], [sflag:$0x9], $0x4000, $0x38;
	[tilespmem:$0x1C400] =	vst v63  }
0xb9: {  	_ =	swait.ge [sflag:s26], $0x4000  }
0xba: {  	[sflag:s26] =	ssyncset.done $0x0  }
0xbb: {  	[sflag:s26] =	ssyncadd.s32 $0xFFFFC000  }
0xbc: {  	[tilespmem:s25], [sflag:$0x9] =	stream.linear.gather [spmem:s12], $0x4000, $0x38;
	[tilespmem:$0x1C400] =	vst v63  }
0xbd: {  	_ =	swait.ge [sflag:s26], $0x4000  }
0xbe: {  	[sflag:s26] =	ssyncset.done $0x0  }
0xbf: {  	s29 =	rddreg [dreg:$0xd];
	[sflag:s26] =	ssyncadd.s32 $0xFFFFC000  }
0xc0: {  	[hbm4b:s29+s3] =	stream.linear.scatter [tilespmem:s25], [sflag:$0x9], $0x4000, $0x38;
	[tilespmem:$0x1C400] =	vst v63  }
0xc1: {  	_ =	swait.ge [sflag:s26], $0x4000  }
0xc2: {  	s16 =	sadd.s32 $0x1, s16;
	s30 =	rddreg [dreg:$0xe]  }
0xc3: {  	p0 =	sne.s32 s16, s30  }
.Ltmp1:
0xc4: {  	_ = 	snop;
	(pc) =	sbr.rel @p0 .LBB2_1-.Ltmp1, $3  }
0xc5: {  	_ =	sdelay $0x1  }
0xc6: {  	[sflag:s26] =	ssyncset.done $0x0  }
0xc7: {  	[sflag:s26] =	ssyncadd.s32 $0xFFFFC000  }
0xc8: {  	_ =	sfence.sel $0x180000  }
0xc9: {  	[bflag:$0x0] =	sbarrier.arrive $0xFFFF  }
0xca: {  	_ =	strace $0x9000004A  }
0xcb: {  	s0 =	stileid.u32;
	[bflag:$0x2] =	sbarrier.arrive $0xFFFF  }
0xcc: {  	p0 =	sne.s32 s0, $0x0;
	s0 =	rddreg [dreg:$0x2]  }
0xcd: {  	s0 =	sadd.s32 @!p0 $0x100000, s0  }
0xce: {  	[sflag:s0] =	ssyncadd.tile.s32 @!p0 $0x1;
	_ =	shalt  }
.Lfunc_end2:
_tile_overlayer_lowered:
.L_overlay_start_2:
0xcf: {  	(tag) =	ssettag $0x2  }
0xd0: {  	s0 =	rddreg [dreg:$0x0];
	s2 =	stileid.u32  }
0xd1: {  	s1 =	rddreg [dreg:$0x1];
	p0 =	sne.s32 s2, $0x0  }
0xd2: {  	s3 =	rddreg [dreg:$0x2];
	[bflag:$0x3] =	sbarrier.arrive $0xFFFF;
	s2 =	simm.s32 @!p0 $0x1C09  }
0xd3: {  	[timem:s3], [sflag:s2] =	dma.local @!p0 [hbm:s0], s1  }
0xd4: {  	s0 =	simm.s32 @!p0 $0x9  }
0xd5: {  	_ =	swait.ge @!p0 [sflag:s0], s1  }
0xd6: {  	s1 =	ssub.s32 @!p0 $0x0, s1;
	[sflag:s0] =	ssyncset.done @!p0 $0x0  }
0xd7: {  	[sflag:s0] =	ssyncadd.s32 @!p0 s1  }
0xd8: {  	[bflag:$0x3] =	sbarrier.arrive $0xFFFF  }
0xd9: {  	_ =	shalt  }

// kernel: kernel.16.cloned.1.call-start
scs
__scs_entry_jumppad:
0x0: {  	(pc) =	sbr.rel $0x88, $3  }
0x1: {  	(tag) =	ssettag $0x0;
	lr =	simm.s32 $0x1  }
0x2: {  	[smem:$0x3F97] =	sst lr;
	_ =	strace $0xD0000000  }
0x3: {  	_ = 	snop  }
0x4: {  	_ = 	snop  }
0x5: {  	_ = 	snop  }
0x6: {  	_ = 	snop  }
0x7: {  	_ = 	snop  }
__scs_overlays_trampoline_lowered:
0x8: {  	[smem:$0x3FA6] =	sst s0  }
0x9: {  	[smem:$0x3FA7] =	sst s1  }
0xa: {  	[smem:$0x3FA8] =	sst s2  }
0xb: {  	[smem:$0x3FA9] =	sst s3  }
0xc: {  	[smem:$0x3FAA] =	sst s4  }
0xd: {  	[smem:$0x3FAB] =	sst s5  }
0xe: {  	[smem:$0x3FAC] =	sst s6  }
0xf: {  	[smem:$0x3FAD] =	sst s7  }
0x10: {  	[smem:$0x3FAE] =	sst s8  }
0x11: {  	[smem:$0x3FAF] =	sst s9;
	s0 =	simm.s32 @!p0 $0x0  }
0x12: {  	s1 =	sld [smem:$0x3F95];
	s0 =	simm.s32 @p0 $0x1  }
0x13: {  	[smem:$0x3FB0] =	sst s0;
	s0 =	simm.s32 @!p1 $0x0  }
0x14: {  	s2 =	sld [smem:$0x3F94];
	s0 =	simm.s32 @p1 $0x1  }
0x15: {  	[smem:$0x3FB1] =	sst s0;
	s0 =	simm.s32 @!p2 $0x0  }
0x16: {  	s3 =	sld [smem:$0x3FDB];
	s0 =	simm.s32 @p2 $0x1  }
0x17: {  	s4 =	simm.s32 $0x1BF5;
	[smem:$0x3FB3] =	sst s0  }
0x18: {  	s0 =	sld [smem:$0x3F96];
	_ =	swait.ge [sflag:s4], $0x0  }
0x19: {  	s7 =	sld [smem:$0x3F97]  }
0x1a: {  	s8 =	sadd.s32 $0xFFFFE003, lr  }
0x1b: {  	s9 =	sadd.s32 $0xFFFFFEF7, lr;
	s5 =	simm.s32 $0xFFFFFFFF;
	p2 =	slt.u32 s8, $0xFFFFF086  }
0x1c: {  	p1 =	slt.u32 s9, $0xF7A;
	s5 =	simm.s32 @!p2 $0x0  }
0x1d: {  	s5 =	simm.s32 @p1 $0x1;
	p0 =	seq.s32 s7, s2  }
0x1e: {  	s7 =	smul.u32 @!p0 $0xF7A, s2;
	p2 =	seq.s32 @!p0 s5, $0x0  }
0x1f: {  	s9 =	smul.u32 $0xF7A, s1;
	s8 =	simm.s32 @!p0 $0x1BF5;
	p2 =	por !p2, p0  }
0x20: {  	[sflag:s8] =	ssyncset.s32 @!p0 $0xFFFFF086;
	s6 =	sadd.s32 @!p0 s3, s7;
	s7 =	simm.s32 @!p0 $0x108  }
0x21: {  	s3 =	sadd.s32 s3, s9;
	s6 =	sadd.s32 @!p0 $0x88, s6;
	s7 =	simm.s32 @p2 $0x1082  }
0x22: {  	[simem:s7], [sflag:s8] =	dma.local @!p0 [hbm:s6], $0xF7A  }
0x23: {  	s9 =	sor.u32 $0xD0000000, s2;
	s6 =	simm.s32 $0x108;
	_ =	swait.ge @!p0 [sflag:s8], $0x0  }
0x24: {  	s3 =	sadd.s32 $0x88, s3;
	s6 =	simm.s32 @!p1 $0x1082;
	[sflag:s4] =	ssyncset.s32 $0xFFFFF086  }
0x25: {  	[simem:s6], [sflag:s4] =	dma.local [hbm:s3], $0xF7A  }
0x26: {  	[smem:$0x3F97] =	sst s1;
	(tag) =	ssettag s2;
	_ =	strace s9  }
0x27: {  	s1 =	sld [smem:$0x3FA7]  }
0x28: {  	s2 =	sld [smem:$0x3FA8]  }
0x29: {  	s4 =	sld [smem:$0x3FAA]  }
0x2a: {  	p0 =	seq.s32 s5, $0x0;
	s5 =	sld [smem:$0x3FAB]  }
0x2b: {  	s6 =	sld [smem:$0x3FAC]  }
0x2c: {  	s7 =	sld [smem:$0x3FAD]  }
0x2d: {  	s3 =	simm.s32 $0x108;
	s8 =	sld [smem:$0x3FAE]  }
0x2e: {  	s3 =	simm.s32 @!p0 $0x1082;
	s9 =	sld [smem:$0x3FAF]  }
0x2f: {  	lr =	sadd.s32 s0, s3;
	s0 =	sld [smem:$0x3FA6]  }
0x30: {  	s3 =	sld [smem:$0x3FA9]  }
0x31: {  	[smem:$0x3FB2] =	sst s10  }
0x32: {  	s10 =	sld [smem:$0x3FB0];
	_ =	sdelay $0x3  }
0x33: {  	p0 =	seq.s32 s10, $0x1;
	s10 =	sld [smem:$0x3FB2];
	_ =	sdelay $0x3  }
0x34: {  	[smem:$0x3FB2] =	sst s10  }
0x35: {  	s10 =	sld [smem:$0x3FB1];
	_ =	sdelay $0x3  }
0x36: {  	p1 =	seq.s32 s10, $0x1;
	s10 =	sld [smem:$0x3FB2];
	_ =	sdelay $0x3  }
0x37: {  	[smem:$0x3FB2] =	sst s10  }
0x38: {  	s10 =	sld [smem:$0x3FB3]  }
0x39: {  	_ = 	snop;
	(pc) =	sbr.ind lr, $3  }
0x3a: {  	_ = 	snop  }
0x3b: {  	_ = 	snop  }
0x3c: {  	p2 =	seq.s32 s10, $0x1;
	s10 =	sld [smem:$0x3FB2]  }
0x3d: {  	_ =	shalt  }
0x3e: {  	_ =	shalt  }
0x3f: {  	_ =	shalt  }
0x40: {  	_ =	shalt  }
0x41: {  	_ =	shalt  }
0x42: {  	_ =	shalt  }
0x43: {  	_ =	shalt  }
0x44: {  	_ =	shalt  }
0x45: {  	_ =	shalt  }
0x46: {  	_ =	shalt  }
0x47: {  	_ =	shalt  }
0x48: {  	_ =	shalt  }
0x49: {  	_ =	shalt  }
0x4a: {  	_ =	shalt  }
0x4b: {  	_ =	shalt  }
0x4c: {  	_ =	shalt  }
0x4d: {  	_ =	shalt  }
0x4e: {  	_ =	shalt  }
0x4f: {  	_ =	shalt  }
0x50: {  	_ =	shalt  }
0x51: {  	_ =	shalt  }
0x52: {  	_ =	shalt  }
0x53: {  	_ =	shalt  }
0x54: {  	_ =	shalt  }
0x55: {  	_ =	shalt  }
0x56: {  	_ =	shalt  }
0x57: {  	_ =	shalt  }
0x58: {  	_ =	shalt  }
0x59: {  	_ =	shalt  }
0x5a: {  	_ =	shalt  }
0x5b: {  	_ =	shalt  }
0x5c: {  	_ =	shalt  }
0x5d: {  	_ =	shalt  }
0x5e: {  	_ =	shalt  }
0x5f: {  	_ =	shalt  }
0x60: {  	_ =	shalt  }
0x61: {  	_ =	shalt  }
0x62: {  	_ =	shalt  }
0x63: {  	_ =	shalt  }
0x64: {  	_ =	shalt  }
0x65: {  	_ =	shalt  }
0x66: {  	_ =	shalt  }
0x67: {  	_ =	shalt  }
0x68: {  	_ =	shalt  }
0x69: {  	_ =	shalt  }
0x6a: {  	_ =	shalt  }
0x6b: {  	_ =	shalt  }
0x6c: {  	_ =	shalt  }
0x6d: {  	_ =	shalt  }
0x6e: {  	_ =	shalt  }
0x6f: {  	_ =	shalt  }
0x70: {  	_ =	shalt  }
0x71: {  	_ =	shalt  }
0x72: {  	_ =	shalt  }
0x73: {  	_ =	shalt  }
0x74: {  	_ =	shalt  }
0x75: {  	_ =	shalt  }
0x76: {  	_ =	shalt  }
0x77: {  	_ =	shalt  }
0x78: {  	_ =	shalt  }
0x79: {  	_ =	shalt  }
0x7a: {  	_ =	shalt  }
0x7b: {  	_ =	shalt  }
0x7c: {  	_ =	shalt  }
0x7d: {  	_ =	shalt  }
0x7e: {  	_ =	shalt  }
0x7f: {  	_ =	shalt  }
0x80: {  	_ =	shalt  }
0x81: {  	_ =	shalt  }
0x82: {  	_ =	shalt  }
0x83: {  	_ =	shalt  }
0x84: {  	_ =	shalt  }
0x85: {  	_ =	shalt  }
0x86: {  	_ =	shalt  }
0x87: {  	_ =	shalt  }
.Lfunc_end0:
.L_simem_size_0:
called_computation.2_lowered:
.L_overlay_start_0:
0x88: {  	s2 =	sld [smem:$0x3FD9]  }
0x89: {  	s3 =	sld [smem:$0x3FFE];
	_ =	sdelay $0x1  }
0x8a: {  	s1 =	srdreg.scid  }
0x8b: {  	s0 =	sand.u32 $0x1, s1  }
0x8c: {  	s16 =	sshll.u32 s0, $0xA;
	s2 =	sadd.s32 s3, s2  }
0x8d: {  	s2 =	sadd.s32 s2, s16  }
0x8e: {  	[smem:$0x3FBE] =	sst s2  }
0x8f: {  	_ = 	snop  }
0x90: {  	(tm) =	ssettm $0x1  }
0x91: {  	s17 =	sld [smem:$0x3FFB];
	_ =	sdelay $0x3  }
0x92: {  	_ =	strace s17  }
0x93: {  	s2 =	sld [smem:$0x3FFC];
	_ =	sdelay $0x3  }
0x94: {  	_ =	strace s2  }
0x95: {  	s2 =	sld [smem:$0x3FFD];
	_ =	sdelay $0x3  }
0x96: {  	_ =	strace s2  }
0x97: {  	_ =	strace $0x8FFFFFFF  }
0x98: {  	s18 =	sld [smem:$0x3FDB];
	_ =	sdelay $0x1  }
0x99: {  	s19 =	simm.s32 $_scs_section_size  }
0x9a: {  	s4 =	simm.s32 $_size__tile_overlayer_lowered;
	s5 =	simm.s32 $_tile_overlayer_lowered  }
0x9b: {  	s22 =	simm.s32 $0x1BFF;
	s21 =	sshll.u32 s5, $0x1;
	s2 =	sadd.s32 s19, s18  }
0x9c: {  	s6 =	simm.s32 $0x0;
	s20 =	sshll.u32 s4, $0x1;
	s4 =	sadd.s32 s21, s2  }
0x9d: {  	[timem:s6], [sflag:s22] =	dma.local [hbm:s4], s20  }
0x9e: {  	_ =	swait.ge [sflag:s22], s20  }
0x9f: {  	s3 =	ssub.s32 $0x0, s20;
	[sflag:s22] =	ssyncset.done $0x0  }
0xa0: {  	[sflag:s22] =	ssyncadd.s32 s3;
	_ =	sdelay $0x1  }
0xa1: {  	s23 =	simm.s32 $0x1B8B  }
0xa2: {  	_ =	swait.ge [sflag:s23], $0x1  }
0xa3: {  	[sflag:s23] =	ssyncset.done $0x0  }
0xa4: {  	s25 =	simm.s32 $0x1B8E;
	s24 =	sld [smem:$0x3FFE];
	[sflag:s23] =	ssyncadd.s32 $0xFFFFFFFF  }
0xa5: {  	s26 =	simm.s32 $execute0_lowered;
	[smem:$0x3FD2] =	sst s25  }
0xa6: {  	s4 =	sshll.u32 s26, $0x1;
	_ =	strace $0x8000004C;
	[dreg:$0x1] =	wrdreg $0xFFFFFFFF  }
0xa7: {  	s28 =	simm.s32 $_size_execute0_lowered;
	s2 =	sadd.s32 s2, s4;
	[dreg:$0x0] =	wrdreg $0x0  }
0xa8: {  	s4 =	sshll.u32 s28, $0x1;
	[dreg:$0x2] =	wrdreg s2  }
0xa9: {  	[dreg:$0x3] =	wrdreg s4  }
0xaa: {  	[dreg:$0x4] =	wrdreg $0xC0  }
0xab: {  	_ =	task [dreg:s6], $0x5FFFF  }
0xac: {  	[dreg:$0x1] =	wrdreg $0xFFFFFFFF  }
0xad: {  	[dreg:$0x0] =	wrdreg $0x60  }
0xae: {  	[dreg:$0x2] =	wrdreg s24  }
0xaf: {  	[dreg:$0x3] =	wrdreg $0x0  }
0xb0: {  	[dreg:$0x4] =	wrdreg $0x9  }
0xb1: {  	_ =	task.clear_ibuf [dreg:s6], $0x5FFFF;
	_ =	strace $0x9000004C  }
0xb2: {  	s29 =	simm.s32 $0x9;
	_ =	strace $0x8000004E  }
0xb3: {  	_ =	swait.ge [sflag:s29], $0x1  }
0xb4: {  	[sflag:s29] =	ssyncadd.s32 $0xFFFFFFFF  }
0xb5: {  	_ =	strace $0x9000004E  }
0xb6: {  	_ =	sfence  }
0xb7: {  	s30 =	sld [smem:$0x0];
	_ =	sdelay $0x2  }
0xb8: {  	s31 =	sshll.u32 s1, $0xD;
	s1 =	sshrl.u32 s1, $0x2  }
0xb9: {  	s3 =	sand.u32 $0x4000, s31;
	s1 =	sadd.s32 s1, s30  }
0xba: {  	s0 =	sor.u32 s3, s0;
	s1 =	sshll.u32 s1, $0x11  }
0xbb: {  	s0 =	sor.u32 s1, s0  }
0xbc: {  	s0 =	sadd.s32 $0x8F2B, s0  }
0xbd: {  	[sflag:s0] =	ssyncadd.remote.s32 $0x1  }
0xbe: {  	_ =	sfence.sel $0xFFFF  }
0xbf: {  	[dreg:$0x0] =	wrdreg $0xFFFFFFFF;
	(pc) =	sbr.abs _section_cstart, $3  }
0xc0: {  	[dreg:$0x1] =	wrdreg $0xFFFFFFFF  }
0xc1: {  	_ =	task.clear_ibuf [dreg:s6], $0x2FFFF;
	_ =	strace $0x9FFFFFFF  }
0xc2: {  	(tm) =	ssettm $0x7FFFFFFF  }
0xc3: {  	_ =	shalt  }
tec
execute0_lowered:
.L_overlay_start_1:
0x0: {  	(tag) =	ssettag $0x1  }
0x1: {  	s0 =	rddreg [dreg:$0x0]  }
0x2: {  	s2 =	rddreg [dreg:$0x1];
	s1 =	srdreg.scid  }
0x3: {  	s15 =	stileid.u32;
	s3 =	simm.s32 $0x0;
	s31 =	simm.s32 $0x2  }
0x4: {  	s1 =	sand.u32 $0x1, s1;
	s7 =	smul.u32 $0x280, s15;
	[smem:$0x7FF] =	sst s3  }
0x5: {  	s4 =	sadd.s32 $0x2C000, s0;
	s5 =	sadd.s32 $0x22000, s0;
	s18 =	smul.u32 $0x50000, s15  }
0x6: {  	s6 =	sadd.s32 $0x2A00, s0;
	s17 =	sadd.s32 $0xCA00, s0;
	s26 =	smul.u32 $0x500, s15  }
0x7: {  	s8 =	smul.u32 $0x2800, s1;
	_ =	strace $0x8000004D;
	[dreg:$0x4] =	wrdreg s17  }
0x8: {  	s19 =	ssub.s32 $0x2, s1;
	s9 =	sshll.u32 s1, $0x4;
	s1 =	smul.u32 $0x5000, s1  }
0x9: {  	s10 =	sshrl.u32 s19, $0x1;
	s9 =	sor.u32 s15, s9;
	s15 =	simm.s32 $0x8  }
0xa: {  	s7 =	sadd.s32 s7, s8;
	s8 =	sshrl.u32 s18, $0x2;
	s13 =	smul.u32 $0x500, s9  }
0xb: {  	s1 =	sadd.s32 s26, s1;
	s26 =	simm.s32 $0x9;
	s7 =	sshll.u32 s7, $0x4  }
0xc: {  	s8 =	sadd.s32 s8, s2;
	[dreg:$0x3] =	wrdreg s1;
	s14 =	sadd.s32 s5, s13  }
0xd: {  	s20 =	sor.u32 $0x10, s13;
	s16 =	sadd.s32 s6, s13;
	[dreg:$0x5] =	wrdreg s14  }
0xe: {  	s1 =	simm.s32 $0x80;
	[dreg:$0x6] =	wrdreg s16;
	s21 =	sadd.s32 s5, s20  }
0xf: {  	s0 =	sadd.s32 s7, s0;
	s14 =	sadd.s32 s6, s20;
	[dreg:$0x7] =	wrdreg s21  }
0x10: {  	s7 =	ssub.s32 s19, s10;
	s22 =	sadd.s32 $0x54000, s0;
	[dreg:$0x8] =	wrdreg s14  }
0x11: {  	s9 =	sadd.s32 $0x4000, s8;
	s23 =	sadd.s32 $0x54800, s0;
	[dreg:$0x9] =	wrdreg s22  }
0x12: {  	s10 =	sadd.s32 $0x8000, s8;
	s24 =	sadd.s32 $0x55000, s0;
	[dreg:$0xa] =	wrdreg s23  }
0x13: {  	s11 =	sadd.s32 $0xC000, s8;
	s25 =	sadd.s32 $0x55800, s0;
	[dreg:$0xb] =	wrdreg s24  }
0x14: {  	s12 =	sadd.s32 $0x10000, s8;
	s0 =	sadd.s32 $0x56000, s0;
	[dreg:$0xc] =	wrdreg s25  }
0x15: {  	s29 =	sor.u32 $0x20, s13;
	s28 =	smax.u32 s7, $0x1;
	[dreg:$0xd] =	wrdreg s0  }
0x16: {  	s19 =	simm.s32 $0x18400;
	s30 =	sadd.s32 s5, s29;
	[dreg:$0xe] =	wrdreg s28  }
0x17: {  	s16 =	simm.s32 $0x0;
	[dreg:$0xf] =	wrdreg s30;
	s0 =	sadd.s32 s6, s29  }
0x18: {  	s25 =	simm.s32 $0x14400;
	[dreg:$0x10] =	wrdreg s0;
	s0 =	simm.s32 $0x1  }
.LBB2_1:
0x19: {  	s7 =	rddreg [dreg:$0x4]  }
0x1a: {  	[tilespmem:s25], [sflag:$0x9] =	stream.linear.gather [hbm4b:s7+s3], $0x4000, $0x38;
	[tilespmem:$0x1C400] =	vst v63  }
0x1b: {  	_ =	swait.ge [sflag:s26], $0x4000  }
0x1c: {  	[sflag:s26] =	ssyncset.done $0x0  }
0x1d: {  	[sflag:s26] =	ssyncadd.s32 $0xFFFFC000  }
0x1e: {  	[spmem:s8] =	stream.linear.scatter [tilespmem:s25], [sflag:$0x9], $0x4000, $0x38;
	[tilespmem:$0x1C400] =	vst v63  }
0x1f: {  	_ =	swait.ge [sflag:s26], $0x4000  }
0x20: {  	[sflag:s26] =	ssyncset.done $0x0  }
0x21: {  	[sflag:s26] =	ssyncadd.s32 $0xFFFFC000  }
0x22: {  	[spmem:s9] =	stream.linear.scatter [tilespmem:s25], [sflag:$0x9], $0x4000, $0x38;
	[tilespmem:$0x1C400] =	vst v63  }
0x23: {  	_ =	swait.ge [sflag:s26], $0x4000  }
0x24: {  	[sflag:s26] =	ssyncset.done $0x0  }
0x25: {  	[sflag:s26] =	ssyncadd.s32 $0xFFFFC000  }
0x26: {  	[spmem:s10] =	stream.linear.scatter [tilespmem:s25], [sflag:$0x9], $0x4000, $0x38;
	[tilespmem:$0x1C400] =	vst v63  }
0x27: {  	_ =	swait.ge [sflag:s26], $0x4000  }
0x28: {  	[sflag:s26] =	ssyncset.done $0x0  }
0x29: {  	[sflag:s26] =	ssyncadd.s32 $0xFFFFC000  }
0x2a: {  	[spmem:s11] =	stream.linear.scatter [tilespmem:s25], [sflag:$0x9], $0x4000, $0x38;
	[tilespmem:$0x1C400] =	vst v63  }
0x2b: {  	_ =	swait.ge [sflag:s26], $0x4000  }
0x2c: {  	[sflag:s26] =	ssyncset.done $0x0  }
0x2d: {  	[sflag:s26] =	ssyncadd.s32 $0xFFFFC000  }
0x2e: {  	[spmem:s12] =	stream.linear.scatter [tilespmem:s25], [sflag:$0x9], $0x4000, $0x38;
	[tilespmem:$0x1C400] =	vst v63  }
0x2f: {  	_ =	swait.ge [sflag:s26], $0x4000  }
0x30: {  	[sflag:s26] =	ssyncset.done $0x0  }
0x31: {  	[sflag:s26] =	ssyncadd.s32 $0xFFFFC000  }
0x32: {  	[bflag:$0x0] =	sbarrier.arrive $0xFFFF  }
0x33: {  	s13 =	simm.s32 $0x14000;
	s22 =	rddreg [dreg:$0x5]  }
0x34: {  	[tilespmem:s13], [sflag:$0x1] =	stream.linear.gather [hbm4b:s22+s3], $0x80, $0x38;
	[tilespmem:$0x1C400] =	vst v63  }
0x35: {  	s14 =	simm.s32 $0x14200;
	s23 =	rddreg [dreg:$0x6]  }
0x36: {  	[tilespmem:s14], [sflag:$0x1] =	stream.linear.gather [hbm4b:s23+s3], $0x80, $0x38;
	[tilespmem:$0x1C400] =	vst v63  }
0x37: {  	s17 =	simm.s32 $0x14080;
	s24 =	rddreg [dreg:$0x7]  }
0x38: {  	[tilespmem:s17], [sflag:$0x2] =	stream.linear.gather [hbm4b:s24+s3], $0x80, $0x38;
	[tilespmem:$0x1C400] =	vst v63  }
0x39: {  	s18 =	simm.s32 $0x14280;
	s30 =	rddreg [dreg:$0x8]  }
0x3a: {  	[tilespmem:s18], [sflag:$0x2] =	stream.linear.gather [hbm4b:s30+s3], $0x80, $0x38;
	[tilespmem:$0x1C400] =	vst v63  }
0x3b: {  	_ =	swait.ge [sflag:s0], $0x80  }
0x3c: {  	[sflag:s0] =	ssyncset.done $0x0  }
0x3d: {  	[sflag:s0] =	ssyncadd.s32 $0xFFFFFF80  }
0x3e: {  	_ =	swait.ge [sflag:s0], $0x80  }
0x3f: {  	[sflag:s0] =	ssyncset.done $0x0  }
0x40: {  	[sflag:s0] =	ssyncadd.s32 $0xFFFFFF80  }
0x41: {  	[tilespmem:s25], [sflag:$0x5] =	stream.indirect.gather [hbm4b:s4+s1], $0x80, s13, s1, $0xb8;
	[tilespmem:$0x1C400] =	vst v63  }
0x42: {  	s21 =	simm.s32 $0x14100;
	s20 =	rddreg [dreg:$0xf]  }
0x43: {  	[tilespmem:s21], [sflag:$0x3] =	stream.linear.gather [hbm4b:s20+s3], $0x80, $0x38;
	[tilespmem:$0x1C400] =	vst v63  }
0x44: {  	s23 =	simm.s32 $0x14300;
	s22 =	rddreg [dreg:$0x10]  }
0x45: {  	[tilespmem:s23], [sflag:$0x3] =	stream.linear.gather [hbm4b:s22+s3], $0x80, $0x38;
	[tilespmem:$0x1C400] =	vst v63  }
0x46: {  	_ =	swait.ge [sflag:s31], $0x80  }
0x47: {  	[sflag:s31] =	ssyncset.done $0x0  }
0x48: {  	[sflag:s31] =	ssyncadd.s32 $0xFFFFFF80  }
0x49: {  	_ =	swait.ge [sflag:s31], $0x80  }
0x4a: {  	[sflag:s31] =	ssyncset.done $0x0  }
0x4b: {  	s24 =	simm.s32 $0x5;
	[sflag:s31] =	ssyncadd.s32 $0xFFFFFF80  }
0x4c: {  	[tilespmem:s19], [sflag:$0x6] =	stream.indirect.gather [hbm4b:s4+s1], $0x80, s17, s1, $0xb8;
	[tilespmem:$0x1C400] =	vst v63  }
0x4d: {  	p0 =	por $0x0, $0x0;
	s30 =	simm.s32 $0x2;
	_ =	swait.ge [sflag:s24], $0x4000  }
0x4e: {  	s21 =	sand.u32 $0x1, s30;
	s20 =	simm.s32 $0x3;
	[sflag:s24] =	ssyncset.done $0x0  }
0x4f: {  	s7 =	sadd.s32 $0x7, s21;
	s22 =	simm.s32 $0x30;
	[sflag:s24] =	ssyncadd.s32 $0xFFFFC000  }
0x50: {  	[spmem:s2] =	stream.indirect.scatter.add.f32 [tilespmem:s25], [sflag:$0x7], $0x80, s14, s1, $0xb8;
	[tilespmem:$0x1C400] =	vst v63  }
0x51: {  	s23 =	sand.u32 $0x3, s30;
	s22 =	sand.u32 @!p0 $0x70, s22;
	_ =	swait.ge [sflag:s7], $0x4000  }
0x52: {  	s13 =	sadd.s32 $0x1, s23;
	s23 =	sshll.u32 s23, $0x7;
	s19 =	rddreg [dreg:$0x3]  }
0x53: {  	s23 =	sor.u32 $0x14000, s23;
	s17 =	sand.u32 @!p0 $0x3, s20;
	s19 =	sadd.s32 @!p0 $0x30, s19  }
0x54: {  	s20 =	simm.s32 @!p0 $0x0;
	s24 =	sshll.u32 @!p0 s17, $0x7;
	s19 =	sand.u32 @!p0 $0xFFFFF80, s19  }
0x55: {  	s17 =	sadd.s32 @!p0 $0x1, s17;
	[sflag:s7] =	ssyncset.done $0x0;
	s19 =	sor.u32 @!p0 s22, s19  }
0x56: {  	[sflag:s7] =	ssyncadd.s32 $0xFFFFC000;
	s22 =	sor.u32 @!p0 $0x14000, s24;
	s18 =	sadd.s32 @!p0 s5, s19  }
0x57: {  	[tilespmem:s22], [sflag:s17] =	stream.linear.gather @!p0 [hbm4b:s18+s20], $0x80, $0x38;
	[tilespmem:$0x1C400] =	vst v63  }
0x58: {  	s7 =	simm.s32 $0x1;
	s19 =	sadd.s32 @!p0 s6, s19;
	s18 =	sor.u32 @!p0 $0x14200, s24  }
0x59: {  	[tilespmem:s18], [sflag:s17] =	stream.linear.gather @!p0 [hbm4b:s19+s20], $0x80, $0x38;
	[tilespmem:$0x1C400] =	vst v63  }
0x5a: {  	s14 =	simm.s32 $0x200;
	s29 =	sand.u32 $0x1, s7;
	_ =	swait.ge [sflag:s13], $0x80  }
0x5b: {  	s30 =	sshll.u32 s29, $0xE;
	s28 =	sadd.s32 $0x7, s29;
	[sflag:s13] =	ssyncset.done $0x0  }
0x5c: {  	s29 =	sadd.s32 $0x5, s29;
	s24 =	sand.u32 $0x600, s14;
	[sflag:s13] =	ssyncadd.s32 $0xFFFFFF80  }
0x5d: {  	s14 =	simm.s32 $0x3;
	s24 =	sshrl.u32 s24, $0x2;
	_ =	swait.ge [sflag:s13], $0x80  }
0x5e: {  	s22 =	sand.u32 $0x3, s14;
	s18 =	simm.s32 $0x4;
	[sflag:s13] =	ssyncset.done $0x0  }
0x5f: {  	[sflag:s13] =	ssyncadd.s32 $0xFFFFFF80;
	s13 =	sadd.s32 $0x5, s21;
	s21 =	sshll.u32 s21, $0xE  }
0x60: {  	s20 =	simm.s32 $0x5;
	s17 =	simm.s32 $0x400;
	s21 =	sadd.s32 $0x14400, s21  }
0x61: {  	[tilespmem:s21], [sflag:s13] =	stream.indirect.gather [hbm4b:s4+s1], $0x80, s23, s1, $0xb8;
	[tilespmem:$0x1C400] =	vst v63  }
0x62: {  	s19 =	simm.s32 $0x40;
	s23 =	sor.u32 $0x14200, s24;
	_ =	swait.ge [sflag:s29], $0x4000  }
0x63: {  	s24 =	sadd.s32 $0x14400, s30;
	s21 =	sand.u32 $0x1, s14;
	[sflag:s29] =	ssyncset.done $0x0  }
.LBB2_2:
0x64: {  	s30 =	sadd.s32 $0x7, s21;
	[sflag:s29] =	ssyncadd.s32 $0xFFFFC000;
	s29 =	smov.u32 s18  }
0x65: {  	s18 =	smov.u32 s20;
	s20 =	sadd.s32 $0x1, s20;
	s7 =	smov.u32 s17  }
0x66: {  	[spmem:s2] =	stream.indirect.scatter.add.f32 [tilespmem:s24], [sflag:s28], $0x80, s23, s1, $0xb8;
	[tilespmem:$0x1C400] =	vst v63  }
0x67: {  	s17 =	sadd.s32 $0x200, s17;
	p0 =	sne.s32 s20, $0x51;
	s23 =	smov.u32 s19  }
0x68: {  	s28 =	sadd.s32 $0xFFFFFFFE, s29;
	s7 =	sand.u32 $0x600, s7;
	_ =	swait.ge [sflag:s30], $0x4000  }
0x69: {  	s13 =	sand.u32 $0x1, s28;
	p1 =	sgt.u32 s28, $0x4D;
	s24 =	rddreg [dreg:$0x3]  }
0x6a: {  	s28 =	sand.u32 @!p1 $0x3, s29;
	s29 =	simm.s32 @!p1 $0x0;
	s24 =	sadd.s32 @!p1 s23, s24  }
0x6b: {  	[sflag:s30] =	ssyncset.done $0x0;
	s23 =	sand.u32 @!p1 $0x70, s23;
	s24 =	sand.u32 @!p1 $0xFFFFF80, s24  }
0x6c: {  	s14 =	sshll.u32 @!p1 s28, $0x7;
	[sflag:s30] =	ssyncadd.s32 $0xFFFFC000;
	s23 =	sor.u32 @!p1 s23, s24  }
0x6d: {  	s28 =	sadd.s32 @!p1 $0x1, s28;
	s24 =	sor.u32 @!p1 $0x14000, s14;
	s30 =	sadd.s32 @!p1 s5, s23  }
0x6e: {  	[tilespmem:s24], [sflag:s28] =	stream.linear.gather @!p1 [hbm4b:s30+s29], $0x80, $0x38;
	[tilespmem:$0x1C400] =	vst v63  }
0x6f: {  	s14 =	sor.u32 @!p1 $0x14200, s14;
	s23 =	sadd.s32 @!p1 s6, s23;
	s24 =	sadd.s32 $0x1, s22  }
0x70: {  	[tilespmem:s14], [sflag:s28] =	stream.linear.gather @!p1 [hbm4b:s23+s29], $0x80, $0x38;
	[tilespmem:$0x1C400] =	vst v63  }
0x71: {  	s19 =	sadd.s32 $0x10, s19;
	s7 =	sshrl.u32 s7, $0x2;
	_ =	swait.ge [sflag:s24], $0x80  }
0x72: {  	s30 =	sadd.s32 $0x5, s21;
	s21 =	sshll.u32 s21, $0xE;
	[sflag:s24] =	ssyncset.done $0x0  }
0x73: {  	s22 =	sshll.u32 s22, $0x7;
	s14 =	sshll.u32 s13, $0xE;
	[sflag:s24] =	ssyncadd.s32 $0xFFFFFF80  }
0x74: {  	s28 =	sadd.s32 $0x7, s13;
	s29 =	sadd.s32 $0x5, s13;
	_ =	swait.ge [sflag:s24], $0x80  }
.Ltmp0:
0x75: {  	s23 =	sor.u32 $0x14200, s7;
	[sflag:s24] =	ssyncset.done $0x0;
	(pc) =	sbr.rel @p0 .LBB2_2-.Ltmp0, $4  }
0x76: {  	s7 =	sor.u32 $0x14000, s22;
	s13 =	sadd.s32 $0x14400, s21;
	[sflag:s24] =	ssyncadd.s32 $0xFFFFFF80  }
0x77: {  	[tilespmem:s13], [sflag:s30] =	stream.indirect.gather [hbm4b:s4+s1], $0x80, s7, s1, $0xb8;
	[tilespmem:$0x1C400] =	vst v63  }
0x78: {  	s24 =	sadd.s32 $0x14400, s14;
	s30 =	sadd.s32 $0xFFFFFFFF, s18;
	_ =	swait.ge [sflag:s29], $0x4000  }
0x79: {  	s21 =	sand.u32 $0x1, s30;
	s22 =	sand.u32 $0x3, s30;
	[sflag:s29] =	ssyncset.done $0x0  }
0x7a: {  	s7 =	sadd.s32 $0x7, s21;
	[sflag:s29] =	ssyncadd.s32 $0xFFFFC000  }
0x7b: {  	[spmem:s2] =	stream.indirect.scatter.add.f32 [tilespmem:s24], [sflag:s28], $0x80, s23, s1, $0xb8;
	[tilespmem:$0x1C400] =	vst v63  }
0x7c: {  	s14 =	sadd.s32 $0xFFFFFFFE, s18;
	_ =	swait.ge [sflag:s7], $0x4000  }
0x7d: {  	p0 =	sgt.u32 s14, $0x4D;
	s13 =	rddreg [dreg:$0x3]  }
0x7e: {  	s18 =	sand.u32 @!p0 $0x3, s18;
	s20 =	simm.s32 @!p0 $0x0;
	s13 =	sadd.s32 @!p0 s19, s13  }
0x7f: {  	[sflag:s7] =	ssyncset.done $0x0;
	s19 =	sand.u32 @!p0 $0x70, s19;
	s13 =	sand.u32 @!p0 $0xFFFFF80, s13  }
0x80: {  	s23 =	sshll.u32 @!p0 s18, $0x7;
	[sflag:s7] =	ssyncadd.s32 $0xFFFFC000;
	s13 =	sor.u32 @!p0 s19, s13  }
0x81: {  	s7 =	sadd.s32 @!p0 $0x1, s18;
	s19 =	sor.u32 @!p0 $0x14000, s23;
	s18 =	sadd.s32 @!p0 s5, s13  }
0x82: {  	[tilespmem:s19], [sflag:s7] =	stream.linear.gather @!p0 [hbm4b:s18+s20], $0x80, $0x38;
	[tilespmem:$0x1C400] =	vst v63  }
0x83: {  	s13 =	sadd.s32 @!p0 s6, s13;
	s18 =	sor.u32 @!p0 $0x14200, s23;
	s23 =	sadd.s32 $0x1, s22  }
0x84: {  	[tilespmem:s18], [sflag:s7] =	stream.linear.gather @!p0 [hbm4b:s13+s20], $0x80, $0x38;
	[tilespmem:$0x1C400] =	vst v63  }
0x85: {  	_ =	swait.ge [sflag:s23], $0x80  }
0x86: {  	[sflag:s23] =	ssyncset.done $0x0  }
0x87: {  	s29 =	sadd.s32 $0x5, s21;
	[sflag:s23] =	ssyncadd.s32 $0xFFFFFF80  }
0x88: {  	s24 =	sshll.u32 s21, $0xE;
	s30 =	sand.u32 $0x1, s14;
	_ =	swait.ge [sflag:s23], $0x80  }
0x89: {  	s28 =	sshll.u32 s22, $0x7;
	s14 =	sadd.s32 $0x5, s30;
	[sflag:s23] =	ssyncset.done $0x0  }
0x8a: {  	s13 =	sor.u32 $0x14000, s28;
	s7 =	sadd.s32 $0x14400, s24;
	[sflag:s23] =	ssyncadd.s32 $0xFFFFFF80  }
0x8b: {  	[tilespmem:s7], [sflag:s29] =	stream.indirect.gather [hbm4b:s4+s1], $0x80, s13, s1, $0xb8;
	[tilespmem:$0x1C400] =	vst v63  }
0x8c: {  	_ =	swait.ge [sflag:s14], $0x4000  }
0x8d: {  	s18 =	sand.u32 $0x600, s17;
	[sflag:s14] =	ssyncset.done $0x0  }
0x8e: {  	s19 =	sshll.u32 s30, $0xE;
	[sflag:s14] =	ssyncadd.s32 $0xFFFFC000;
	s14 =	sshrl.u32 s18, $0x2  }
0x8f: {  	s7 =	sadd.s32 $0x7, s30;
	s13 =	sadd.s32 $0x14400, s19;
	s14 =	sor.u32 $0x14200, s14  }
0x90: {  	[spmem:s2] =	stream.indirect.scatter.add.f32 [tilespmem:s13], [sflag:s7], $0x80, s14, s1, $0xb8;
	[tilespmem:$0x1C400] =	vst v63  }
0x91: {  	_ =	swait.ge [sflag:s7], $0x4000  }
0x92: {  	[sflag:s7] =	ssyncset.done $0x0  }
0x93: {  	s20 =	simm.s32 $0x6;
	[sflag:s7] =	ssyncadd.s32 $0xFFFFC000  }
0x94: {  	_ =	swait.ge [sflag:s20], $0x4000  }
0x95: {  	[sflag:s20] =	ssyncset.done $0x0  }
0x96: {  	s21 =	simm.s32 $0x14380;
	s19 =	simm.s32 $0x18400;
	[sflag:s20] =	ssyncadd.s32 $0xFFFFC000  }
0x97: {  	[spmem:s2] =	stream.indirect.scatter.add.f32 [tilespmem:s19], [sflag:$0x8], $0x80, s21, s1, $0xb8;
	[tilespmem:$0x1C400] =	vst v63  }
0x98: {  	_ =	swait.ge [sflag:s15], $0x4000  }
0x99: {  	[sflag:s15] =	ssyncset.done $0x0  }
0x9a: {  	[sflag:s15] =	ssyncadd.s32 $0xFFFFC000  }
0x9b: {  	[bflag:$0x0] =	sbarrier.arrive $0xFFFF  }
0x9c: {  	[tilespmem:s25], [sflag:$0x9] =	stream.linear.gather [spmem:s8], $0x4000, $0x38;
	[tilespmem:$0x1C400] =	vst v63  }
0x9d: {  	_ =	swait.ge [sflag:s26], $0x4000  }
0x9e: {  	[sflag:s26] =	ssyncset.done $0x0  }
0x9f: {  	s22 =	rddreg [dreg:$0x9];
	[sflag:s26] =	ssyncadd.s32 $0xFFFFC000  }
0xa0: {  	[hbm4b:s22+s3] =	stream.linear.scatter [tilespmem:s25], [sflag:$0x9], $0x4000, $0x38;
	[tilespmem:$0x1C400] =	vst v63  }
0xa1: {  	_ =	swait.ge [sflag:s26], $0x4000  }
0xa2: {  	[sflag:s26] =	ssyncset.done $0x0  }
0xa3: {  	[sflag:s26] =	ssyncadd.s32 $0xFFFFC000  }
0xa4: {  	[tilespmem:s25], [sflag:$0x9] =	stream.linear.gather [spmem:s9], $0x4000, $0x38;
	[tilespmem:$0x1C400] =	vst v63  }
0xa5: {  	_ =	swait.ge [sflag:s26], $0x4000  }
0xa6: {  	[sflag:s26] =	ssyncset.done $0x0  }
0xa7: {  	s23 =	rddreg [dreg:$0xa];
	[sflag:s26] =	ssyncadd.s32 $0xFFFFC000  }
0xa8: {  	[hbm4b:s23+s3] =	stream.linear.scatter [tilespmem:s25], [sflag:$0x9], $0x4000, $0x38;
	[tilespmem:$0x1C400] =	vst v63  }
0xa9: {  	_ =	swait.ge [sflag:s26], $0x4000  }
0xaa: {  	[sflag:s26] =	ssyncset.done $0x0  }
0xab: {  	[sflag:s26] =	ssyncadd.s32 $0xFFFFC000  }
0xac: {  	[tilespmem:s25], [sflag:$0x9] =	stream.linear.gather [spmem:s10], $0x4000, $0x38;
	[tilespmem:$0x1C400] =	vst v63  }
0xad: {  	_ =	swait.ge [sflag:s26], $0x4000  }
0xae: {  	[sflag:s26] =	ssyncset.done $0x0  }
0xaf: {  	s24 =	rddreg [dreg:$0xb];
	[sflag:s26] =	ssyncadd.s32 $0xFFFFC000  }
0xb0: {  	[hbm4b:s24+s3] =	stream.linear.scatter [tilespmem:s25], [sflag:$0x9], $0x4000, $0x38;
	[tilespmem:$0x1C400] =	vst v63  }
0xb1: {  	_ =	swait.ge [sflag:s26], $0x4000  }
0xb2: {  	[sflag:s26] =	ssyncset.done $0x0  }
0xb3: {  	[sflag:s26] =	ssyncadd.s32 $0xFFFFC000  }
0xb4: {  	[tilespmem:s25], [sflag:$0x9] =	stream.linear.gather [spmem:s11], $0x4000, $0x38;
	[tilespmem:$0x1C400] =	vst v63  }
0xb5: {  	_ =	swait.ge [sflag:s26], $0x4000  }
0xb6: {  	[sflag:s26] =	ssyncset.done $0x0  }
0xb7: {  	s28 =	rddreg [dreg:$0xc];
	[sflag:s26] =	ssyncadd.s32 $0xFFFFC000  }
0xb8: {  	[hbm4b:s28+s3] =	stream.linear.scatter [tilespmem:s25], [sflag:$0x9], $0x4000, $0x38;
	[tilespmem:$0x1C400] =	vst v63  }
0xb9: {  	_ =	swait.ge [sflag:s26], $0x4000  }
0xba: {  	[sflag:s26] =	ssyncset.done $0x0  }
0xbb: {  	[sflag:s26] =	ssyncadd.s32 $0xFFFFC000  }
0xbc: {  	[tilespmem:s25], [sflag:$0x9] =	stream.linear.gather [spmem:s12], $0x4000, $0x38;
	[tilespmem:$0x1C400] =	vst v63  }
0xbd: {  	_ =	swait.ge [sflag:s26], $0x4000  }
0xbe: {  	[sflag:s26] =	ssyncset.done $0x0  }
0xbf: {  	s29 =	rddreg [dreg:$0xd];
	[sflag:s26] =	ssyncadd.s32 $0xFFFFC000  }
0xc0: {  	[hbm4b:s29+s3] =	stream.linear.scatter [tilespmem:s25], [sflag:$0x9], $0x4000, $0x38;
	[tilespmem:$0x1C400] =	vst v63  }
0xc1: {  	_ =	swait.ge [sflag:s26], $0x4000  }
0xc2: {  	s16 =	sadd.s32 $0x1, s16;
	s30 =	rddreg [dreg:$0xe]  }
0xc3: {  	p0 =	sne.s32 s16, s30  }
.Ltmp1:
0xc4: {  	_ = 	snop;
	(pc) =	sbr.rel @p0 .LBB2_1-.Ltmp1, $3  }
0xc5: {  	_ =	sdelay $0x1  }
0xc6: {  	[sflag:s26] =	ssyncset.done $0x0  }
0xc7: {  	[sflag:s26] =	ssyncadd.s32 $0xFFFFC000  }
0xc8: {  	_ =	sfence.sel $0x180000  }
0xc9: {  	[bflag:$0x0] =	sbarrier.arrive $0xFFFF  }
0xca: {  	_ =	strace $0x9000004D  }
0xcb: {  	s0 =	stileid.u32;
	[bflag:$0x2] =	sbarrier.arrive $0xFFFF  }
0xcc: {  	p0 =	sne.s32 s0, $0x0;
	s0 =	rddreg [dreg:$0x2]  }
0xcd: {  	s0 =	sadd.s32 @!p0 $0x100000, s0  }
0xce: {  	[sflag:s0] =	ssyncadd.tile.s32 @!p0 $0x1;
	_ =	shalt  }
.Lfunc_end2:
_tile_overlayer_lowered:
.L_overlay_start_2:
0xcf: {  	(tag) =	ssettag $0x2  }
0xd0: {  	s0 =	rddreg [dreg:$0x0];
	s2 =	stileid.u32  }
0xd1: {  	s1 =	rddreg [dreg:$0x1];
	p0 =	sne.s32 s2, $0x0  }
0xd2: {  	s3 =	rddreg [dreg:$0x2];
	[bflag:$0x3] =	sbarrier.arrive $0xFFFF;
	s2 =	simm.s32 @!p0 $0x1C09  }
0xd3: {  	[timem:s3], [sflag:s2] =	dma.local @!p0 [hbm:s0], s1  }
0xd4: {  	s0 =	simm.s32 @!p0 $0x9  }
0xd5: {  	_ =	swait.ge @!p0 [sflag:s0], s1  }
0xd6: {  	s1 =	ssub.s32 @!p0 $0x0, s1;
	[sflag:s0] =	ssyncset.done @!p0 $0x0  }
0xd7: {  	[sflag:s0] =	ssyncadd.s32 @!p0 s1  }
0xd8: {  	[bflag:$0x3] =	sbarrier.arrive $0xFFFF  }
0xd9: {  	_ =	shalt  }

// kernel: kernel.19.cloned.1.call-start
scs
__scs_entry_jumppad:
0x0: {  	(pc) =	sbr.rel $0x88, $3  }
0x1: {  	(tag) =	ssettag $0x0;
	lr =	simm.s32 $0x1  }
0x2: {  	[smem:$0x3F97] =	sst lr;
	_ =	strace $0xD0000000  }
0x3: {  	_ = 	snop  }
0x4: {  	_ = 	snop  }
0x5: {  	_ = 	snop  }
0x6: {  	_ = 	snop  }
0x7: {  	_ = 	snop  }
__scs_overlays_trampoline_lowered:
0x8: {  	[smem:$0x3FA6] =	sst s0  }
0x9: {  	[smem:$0x3FA7] =	sst s1  }
0xa: {  	[smem:$0x3FA8] =	sst s2  }
0xb: {  	[smem:$0x3FA9] =	sst s3  }
0xc: {  	[smem:$0x3FAA] =	sst s4  }
0xd: {  	[smem:$0x3FAB] =	sst s5  }
0xe: {  	[smem:$0x3FAC] =	sst s6  }
0xf: {  	[smem:$0x3FAD] =	sst s7  }
0x10: {  	[smem:$0x3FAE] =	sst s8  }
0x11: {  	[smem:$0x3FAF] =	sst s9;
	s0 =	simm.s32 @!p0 $0x0  }
0x12: {  	s1 =	sld [smem:$0x3F95];
	s0 =	simm.s32 @p0 $0x1  }
0x13: {  	[smem:$0x3FB0] =	sst s0;
	s0 =	simm.s32 @!p1 $0x0  }
0x14: {  	s2 =	sld [smem:$0x3F94];
	s0 =	simm.s32 @p1 $0x1  }
0x15: {  	[smem:$0x3FB1] =	sst s0;
	s0 =	simm.s32 @!p2 $0x0  }
0x16: {  	s3 =	sld [smem:$0x3FDB];
	s0 =	simm.s32 @p2 $0x1  }
0x17: {  	s4 =	simm.s32 $0x1BF5;
	[smem:$0x3FB3] =	sst s0  }
0x18: {  	s0 =	sld [smem:$0x3F96];
	_ =	swait.ge [sflag:s4], $0x0  }
0x19: {  	s7 =	sld [smem:$0x3F97]  }
0x1a: {  	s8 =	sadd.s32 $0xFFFFE003, lr  }
0x1b: {  	s9 =	sadd.s32 $0xFFFFFEF7, lr;
	s5 =	simm.s32 $0xFFFFFFFF;
	p2 =	slt.u32 s8, $0xFFFFF086  }
0x1c: {  	p1 =	slt.u32 s9, $0xF7A;
	s5 =	simm.s32 @!p2 $0x0  }
0x1d: {  	s5 =	simm.s32 @p1 $0x1;
	p0 =	seq.s32 s7, s2  }
0x1e: {  	s7 =	smul.u32 @!p0 $0xF7A, s2;
	p2 =	seq.s32 @!p0 s5, $0x0  }
0x1f: {  	s9 =	smul.u32 $0xF7A, s1;
	s8 =	simm.s32 @!p0 $0x1BF5;
	p2 =	por !p2, p0  }
0x20: {  	[sflag:s8] =	ssyncset.s32 @!p0 $0xFFFFF086;
	s6 =	sadd.s32 @!p0 s3, s7;
	s7 =	simm.s32 @!p0 $0x108  }
0x21: {  	s3 =	sadd.s32 s3, s9;
	s6 =	sadd.s32 @!p0 $0x88, s6;
	s7 =	simm.s32 @p2 $0x1082  }
0x22: {  	[simem:s7], [sflag:s8] =	dma.local @!p0 [hbm:s6], $0xF7A  }
0x23: {  	s9 =	sor.u32 $0xD0000000, s2;
	s6 =	simm.s32 $0x108;
	_ =	swait.ge @!p0 [sflag:s8], $0x0  }
0x24: {  	s3 =	sadd.s32 $0x88, s3;
	s6 =	simm.s32 @!p1 $0x1082;
	[sflag:s4] =	ssyncset.s32 $0xFFFFF086  }
0x25: {  	[simem:s6], [sflag:s4] =	dma.local [hbm:s3], $0xF7A  }
0x26: {  	[smem:$0x3F97] =	sst s1;
	(tag) =	ssettag s2;
	_ =	strace s9  }
0x27: {  	s1 =	sld [smem:$0x3FA7]  }
0x28: {  	s2 =	sld [smem:$0x3FA8]  }
0x29: {  	s4 =	sld [smem:$0x3FAA]  }
0x2a: {  	p0 =	seq.s32 s5, $0x0;
	s5 =	sld [smem:$0x3FAB]  }
0x2b: {  	s6 =	sld [smem:$0x3FAC]  }
0x2c: {  	s7 =	sld [smem:$0x3FAD]  }
0x2d: {  	s3 =	simm.s32 $0x108;
	s8 =	sld [smem:$0x3FAE]  }
0x2e: {  	s3 =	simm.s32 @!p0 $0x1082;
	s9 =	sld [smem:$0x3FAF]  }
0x2f: {  	lr =	sadd.s32 s0, s3;
	s0 =	sld [smem:$0x3FA6]  }
0x30: {  	s3 =	sld [smem:$0x3FA9]  }
0x31: {  	[smem:$0x3FB2] =	sst s10  }
0x32: {  	s10 =	sld [smem:$0x3FB0];
	_ =	sdelay $0x3  }
0x33: {  	p0 =	seq.s32 s10, $0x1;
	s10 =	sld [smem:$0x3FB2];
	_ =	sdelay $0x3  }
0x34: {  	[smem:$0x3FB2] =	sst s10  }
0x35: {  	s10 =	sld [smem:$0x3FB1];
	_ =	sdelay $0x3  }
0x36: {  	p1 =	seq.s32 s10, $0x1;
	s10 =	sld [smem:$0x3FB2];
	_ =	sdelay $0x3  }
0x37: {  	[smem:$0x3FB2] =	sst s10  }
0x38: {  	s10 =	sld [smem:$0x3FB3]  }
0x39: {  	_ = 	snop;
	(pc) =	sbr.ind lr, $3  }
0x3a: {  	_ = 	snop  }
0x3b: {  	_ = 	snop  }
0x3c: {  	p2 =	seq.s32 s10, $0x1;
	s10 =	sld [smem:$0x3FB2]  }
0x3d: {  	_ =	shalt  }
0x3e: {  	_ =	shalt  }
0x3f: {  	_ =	shalt  }
0x40: {  	_ =	shalt  }
0x41: {  	_ =	shalt  }
0x42: {  	_ =	shalt  }
0x43: {  	_ =	shalt  }
0x44: {  	_ =	shalt  }
0x45: {  	_ =	shalt  }
0x46: {  	_ =	shalt  }
0x47: {  	_ =	shalt  }
0x48: {  	_ =	shalt  }
0x49: {  	_ =	shalt  }
0x4a: {  	_ =	shalt  }
0x4b: {  	_ =	shalt  }
0x4c: {  	_ =	shalt  }
0x4d: {  	_ =	shalt  }
0x4e: {  	_ =	shalt  }
0x4f: {  	_ =	shalt  }
0x50: {  	_ =	shalt  }
0x51: {  	_ =	shalt  }
0x52: {  	_ =	shalt  }
0x53: {  	_ =	shalt  }
0x54: {  	_ =	shalt  }
0x55: {  	_ =	shalt  }
0x56: {  	_ =	shalt  }
0x57: {  	_ =	shalt  }
0x58: {  	_ =	shalt  }
0x59: {  	_ =	shalt  }
0x5a: {  	_ =	shalt  }
0x5b: {  	_ =	shalt  }
0x5c: {  	_ =	shalt  }
0x5d: {  	_ =	shalt  }
0x5e: {  	_ =	shalt  }
0x5f: {  	_ =	shalt  }
0x60: {  	_ =	shalt  }
0x61: {  	_ =	shalt  }
0x62: {  	_ =	shalt  }
0x63: {  	_ =	shalt  }
0x64: {  	_ =	shalt  }
0x65: {  	_ =	shalt  }
0x66: {  	_ =	shalt  }
0x67: {  	_ =	shalt  }
0x68: {  	_ =	shalt  }
0x69: {  	_ =	shalt  }
0x6a: {  	_ =	shalt  }
0x6b: {  	_ =	shalt  }
0x6c: {  	_ =	shalt  }
0x6d: {  	_ =	shalt  }
0x6e: {  	_ =	shalt  }
0x6f: {  	_ =	shalt  }
0x70: {  	_ =	shalt  }
0x71: {  	_ =	shalt  }
0x72: {  	_ =	shalt  }
0x73: {  	_ =	shalt  }
0x74: {  	_ =	shalt  }
0x75: {  	_ =	shalt  }
0x76: {  	_ =	shalt  }
0x77: {  	_ =	shalt  }
0x78: {  	_ =	shalt  }
0x79: {  	_ =	shalt  }
0x7a: {  	_ =	shalt  }
0x7b: {  	_ =	shalt  }
0x7c: {  	_ =	shalt  }
0x7d: {  	_ =	shalt  }
0x7e: {  	_ =	shalt  }
0x7f: {  	_ =	shalt  }
0x80: {  	_ =	shalt  }
0x81: {  	_ =	shalt  }
0x82: {  	_ =	shalt  }
0x83: {  	_ =	shalt  }
0x84: {  	_ =	shalt  }
0x85: {  	_ =	shalt  }
0x86: {  	_ =	shalt  }
0x87: {  	_ =	shalt  }
.Lfunc_end0:
.L_simem_size_0:
called_computation.3_lowered:
.L_overlay_start_0:
0x88: {  	s2 =	sld [smem:$0x3FD9]  }
0x89: {  	s3 =	sld [smem:$0x3FFE];
	_ =	sdelay $0x1  }
0x8a: {  	s1 =	srdreg.scid  }
0x8b: {  	s0 =	sand.u32 $0x1, s1  }
0x8c: {  	s16 =	sshll.u32 s0, $0xA;
	s2 =	sadd.s32 s3, s2  }
0x8d: {  	s2 =	sadd.s32 s2, s16  }
0x8e: {  	[smem:$0x3FBE] =	sst s2  }
0x8f: {  	_ = 	snop  }
0x90: {  	(tm) =	ssettm $0x1  }
0x91: {  	s17 =	sld [smem:$0x3FFB];
	_ =	sdelay $0x3  }
0x92: {  	_ =	strace s17  }
0x93: {  	s2 =	sld [smem:$0x3FFC];
	_ =	sdelay $0x3  }
0x94: {  	_ =	strace s2  }
0x95: {  	s2 =	sld [smem:$0x3FFD];
	_ =	sdelay $0x3  }
0x96: {  	_ =	strace s2  }
0x97: {  	_ =	strace $0x8FFFFFFF  }
0x98: {  	s18 =	sld [smem:$0x3FDB];
	_ =	sdelay $0x1  }
0x99: {  	s19 =	simm.s32 $_scs_section_size  }
0x9a: {  	s4 =	simm.s32 $_size__tile_overlayer_lowered;
	s5 =	simm.s32 $_tile_overlayer_lowered  }
0x9b: {  	s22 =	simm.s32 $0x1BFF;
	s21 =	sshll.u32 s5, $0x1;
	s2 =	sadd.s32 s19, s18  }
0x9c: {  	s6 =	simm.s32 $0x0;
	s20 =	sshll.u32 s4, $0x1;
	s4 =	sadd.s32 s21, s2  }
0x9d: {  	[timem:s6], [sflag:s22] =	dma.local [hbm:s4], s20  }
0x9e: {  	_ =	swait.ge [sflag:s22], s20  }
0x9f: {  	s3 =	ssub.s32 $0x0, s20;
	[sflag:s22] =	ssyncset.done $0x0  }
0xa0: {  	[sflag:s22] =	ssyncadd.s32 s3;
	_ =	sdelay $0x1  }
0xa1: {  	s23 =	simm.s32 $0x1B8B  }
0xa2: {  	_ =	swait.ge [sflag:s23], $0x1  }
0xa3: {  	[sflag:s23] =	ssyncset.done $0x0  }
0xa4: {  	s25 =	simm.s32 $0x1B8E;
	s24 =	sld [smem:$0x3FFE];
	[sflag:s23] =	ssyncadd.s32 $0xFFFFFFFF  }
0xa5: {  	s26 =	simm.s32 $execute0_lowered;
	[smem:$0x3FD2] =	sst s25  }
0xa6: {  	s4 =	sshll.u32 s26, $0x1;
	_ =	strace $0x8000004F;
	[dreg:$0x1] =	wrdreg $0xFFFFFFFF  }
0xa7: {  	s28 =	simm.s32 $_size_execute0_lowered;
	s2 =	sadd.s32 s2, s4;
	[dreg:$0x0] =	wrdreg $0x0  }
0xa8: {  	s4 =	sshll.u32 s28, $0x1;
	[dreg:$0x2] =	wrdreg s2  }
0xa9: {  	[dreg:$0x3] =	wrdreg s4  }
0xaa: {  	[dreg:$0x4] =	wrdreg $0xC0  }
0xab: {  	_ =	task [dreg:s6], $0x5FFFF  }
0xac: {  	[dreg:$0x1] =	wrdreg $0xFFFFFFFF  }
0xad: {  	[dreg:$0x0] =	wrdreg $0x60  }
0xae: {  	[dreg:$0x2] =	wrdreg s24  }
0xaf: {  	[dreg:$0x3] =	wrdreg $0x0  }
0xb0: {  	[dreg:$0x4] =	wrdreg $0x9  }
0xb1: {  	_ =	task.clear_ibuf [dreg:s6], $0x5FFFF;
	_ =	strace $0x9000004F  }
0xb2: {  	s29 =	simm.s32 $0x9;
	_ =	strace $0x80000051  }
0xb3: {  	_ =	swait.ge [sflag:s29], $0x1  }
0xb4: {  	[sflag:s29] =	ssyncadd.s32 $0xFFFFFFFF  }
0xb5: {  	_ =	strace $0x90000051  }
0xb6: {  	_ =	sfence  }
0xb7: {  	s30 =	sld [smem:$0x0];
	_ =	sdelay $0x2  }
0xb8: {  	s31 =	sshll.u32 s1, $0xD;
	s1 =	sshrl.u32 s1, $0x2  }
0xb9: {  	s3 =	sand.u32 $0x4000, s31;
	s1 =	sadd.s32 s1, s30  }
0xba: {  	s0 =	sor.u32 s3, s0;
	s1 =	sshll.u32 s1, $0x11  }
0xbb: {  	s0 =	sor.u32 s1, s0  }
0xbc: {  	s0 =	sadd.s32 $0x8F2B, s0  }
0xbd: {  	[sflag:s0] =	ssyncadd.remote.s32 $0x1  }
0xbe: {  	_ =	sfence.sel $0xFFFF  }
0xbf: {  	[dreg:$0x0] =	wrdreg $0xFFFFFFFF;
	(pc) =	sbr.abs _section_cstart, $3  }
0xc0: {  	[dreg:$0x1] =	wrdreg $0xFFFFFFFF  }
0xc1: {  	_ =	task.clear_ibuf [dreg:s6], $0x2FFFF;
	_ =	strace $0x9FFFFFFF  }
0xc2: {  	(tm) =	ssettm $0x7FFFFFFF  }
0xc3: {  	_ =	shalt  }
tec
execute0_lowered:
.L_overlay_start_1:
0x0: {  	(tag) =	ssettag $0x1  }
0x1: {  	s0 =	rddreg [dreg:$0x0]  }
0x2: {  	s2 =	rddreg [dreg:$0x1];
	s1 =	srdreg.scid  }
0x3: {  	s15 =	stileid.u32;
	s3 =	simm.s32 $0x0;
	s31 =	simm.s32 $0x2  }
0x4: {  	s1 =	sand.u32 $0x1, s1;
	s7 =	smul.u32 $0x280, s15;
	[smem:$0x7FF] =	sst s3  }
0x5: {  	s4 =	sadd.s32 $0x2C000, s0;
	s5 =	sadd.s32 $0x22000, s0;
	s18 =	smul.u32 $0x50000, s15  }
0x6: {  	s6 =	sadd.s32 $0x2A00, s0;
	s17 =	sadd.s32 $0xCA00, s0;
	s26 =	smul.u32 $0x500, s15  }
0x7: {  	s8 =	smul.u32 $0x2800, s1;
	_ =	strace $0x80000050;
	[dreg:$0x4] =	wrdreg s17  }
0x8: {  	s19 =	ssub.s32 $0x2, s1;
	s9 =	sshll.u32 s1, $0x4;
	s1 =	smul.u32 $0x5000, s1  }
0x9: {  	s10 =	sshrl.u32 s19, $0x1;
	s9 =	sor.u32 s15, s9;
	s15 =	simm.s32 $0x8  }
0xa: {  	s7 =	sadd.s32 s7, s8;
	s8 =	sshrl.u32 s18, $0x2;
	s13 =	smul.u32 $0x500, s9  }
0xb: {  	s1 =	sadd.s32 s26, s1;
	s26 =	simm.s32 $0x9;
	s7 =	sshll.u32 s7, $0x4  }
0xc: {  	s8 =	sadd.s32 s8, s2;
	[dreg:$0x3] =	wrdreg s1;
	s14 =	sadd.s32 s5, s13  }
0xd: {  	s20 =	sor.u32 $0x10, s13;
	s16 =	sadd.s32 s6, s13;
	[dreg:$0x5] =	wrdreg s14  }
0xe: {  	s1 =	simm.s32 $0x80;
	[dreg:$0x6] =	wrdreg s16;
	s21 =	sadd.s32 s5, s20  }
0xf: {  	s0 =	sadd.s32 s7, s0;
	s14 =	sadd.s32 s6, s20;
	[dreg:$0x7] =	wrdreg s21  }
0x10: {  	s7 =	ssub.s32 s19, s10;
	s22 =	sadd.s32 $0x54000, s0;
	[dreg:$0x8] =	wrdreg s14  }
0x11: {  	s9 =	sadd.s32 $0x4000, s8;
	s23 =	sadd.s32 $0x54800, s0;
	[dreg:$0x9] =	wrdreg s22  }
0x12: {  	s10 =	sadd.s32 $0x8000, s8;
	s24 =	sadd.s32 $0x55000, s0;
	[dreg:$0xa] =	wrdreg s23  }
0x13: {  	s11 =	sadd.s32 $0xC000, s8;
	s25 =	sadd.s32 $0x55800, s0;
	[dreg:$0xb] =	wrdreg s24  }
0x14: {  	s12 =	sadd.s32 $0x10000, s8;
	s0 =	sadd.s32 $0x56000, s0;
	[dreg:$0xc] =	wrdreg s25  }
0x15: {  	s29 =	sor.u32 $0x20, s13;
	s28 =	smax.u32 s7, $0x1;
	[dreg:$0xd] =	wrdreg s0  }
0x16: {  	s19 =	simm.s32 $0x18400;
	s30 =	sadd.s32 s5, s29;
	[dreg:$0xe] =	wrdreg s28  }
0x17: {  	s16 =	simm.s32 $0x0;
	[dreg:$0xf] =	wrdreg s30;
	s0 =	sadd.s32 s6, s29  }
0x18: {  	s25 =	simm.s32 $0x14400;
	[dreg:$0x10] =	wrdreg s0;
	s0 =	simm.s32 $0x1  }
.LBB2_1:
0x19: {  	s7 =	rddreg [dreg:$0x4]  }
0x1a: {  	[tilespmem:s25], [sflag:$0x9] =	stream.linear.gather [hbm4b:s7+s3], $0x4000, $0x38;
	[tilespmem:$0x1C400] =	vst v63  }
0x1b: {  	_ =	swait.ge [sflag:s26], $0x4000  }
0x1c: {  	[sflag:s26] =	ssyncset.done $0x0  }
0x1d: {  	[sflag:s26] =	ssyncadd.s32 $0xFFFFC000  }
0x1e: {  	[spmem:s8] =	stream.linear.scatter [tilespmem:s25], [sflag:$0x9], $0x4000, $0x38;
	[tilespmem:$0x1C400] =	vst v63  }
0x1f: {  	_ =	swait.ge [sflag:s26], $0x4000  }
0x20: {  	[sflag:s26] =	ssyncset.done $0x0  }
0x21: {  	[sflag:s26] =	ssyncadd.s32 $0xFFFFC000  }
0x22: {  	[spmem:s9] =	stream.linear.scatter [tilespmem:s25], [sflag:$0x9], $0x4000, $0x38;
	[tilespmem:$0x1C400] =	vst v63  }
0x23: {  	_ =	swait.ge [sflag:s26], $0x4000  }
0x24: {  	[sflag:s26] =	ssyncset.done $0x0  }
0x25: {  	[sflag:s26] =	ssyncadd.s32 $0xFFFFC000  }
0x26: {  	[spmem:s10] =	stream.linear.scatter [tilespmem:s25], [sflag:$0x9], $0x4000, $0x38;
	[tilespmem:$0x1C400] =	vst v63  }
0x27: {  	_ =	swait.ge [sflag:s26], $0x4000  }
0x28: {  	[sflag:s26] =	ssyncset.done $0x0  }
0x29: {  	[sflag:s26] =	ssyncadd.s32 $0xFFFFC000  }
0x2a: {  	[spmem:s11] =	stream.linear.scatter [tilespmem:s25], [sflag:$0x9], $0x4000, $0x38;
	[tilespmem:$0x1C400] =	vst v63  }
0x2b: {  	_ =	swait.ge [sflag:s26], $0x4000  }
0x2c: {  	[sflag:s26] =	ssyncset.done $0x0  }
0x2d: {  	[sflag:s26] =	ssyncadd.s32 $0xFFFFC000  }
0x2e: {  	[spmem:s12] =	stream.linear.scatter [tilespmem:s25], [sflag:$0x9], $0x4000, $0x38;
	[tilespmem:$0x1C400] =	vst v63  }
0x2f: {  	_ =	swait.ge [sflag:s26], $0x4000  }
0x30: {  	[sflag:s26] =	ssyncset.done $0x0  }
0x31: {  	[sflag:s26] =	ssyncadd.s32 $0xFFFFC000  }
0x32: {  	[bflag:$0x0] =	sbarrier.arrive $0xFFFF  }
0x33: {  	s13 =	simm.s32 $0x14000;
	s22 =	rddreg [dreg:$0x5]  }
0x34: {  	[tilespmem:s13], [sflag:$0x1] =	stream.linear.gather [hbm4b:s22+s3], $0x80, $0x38;
	[tilespmem:$0x1C400] =	vst v63  }
0x35: {  	s14 =	simm.s32 $0x14200;
	s23 =	rddreg [dreg:$0x6]  }
0x36: {  	[tilespmem:s14], [sflag:$0x1] =	stream.linear.gather [hbm4b:s23+s3], $0x80, $0x38;
	[tilespmem:$0x1C400] =	vst v63  }
0x37: {  	s17 =	simm.s32 $0x14080;
	s24 =	rddreg [dreg:$0x7]  }
0x38: {  	[tilespmem:s17], [sflag:$0x2] =	stream.linear.gather [hbm4b:s24+s3], $0x80, $0x38;
	[tilespmem:$0x1C400] =	vst v63  }
0x39: {  	s18 =	simm.s32 $0x14280;
	s30 =	rddreg [dreg:$0x8]  }
0x3a: {  	[tilespmem:s18], [sflag:$0x2] =	stream.linear.gather [hbm4b:s30+s3], $0x80, $0x38;
	[tilespmem:$0x1C400] =	vst v63  }
0x3b: {  	_ =	swait.ge [sflag:s0], $0x80  }
0x3c: {  	[sflag:s0] =	ssyncset.done $0x0  }
0x3d: {  	[sflag:s0] =	ssyncadd.s32 $0xFFFFFF80  }
0x3e: {  	_ =	swait.ge [sflag:s0], $0x80  }
0x3f: {  	[sflag:s0] =	ssyncset.done $0x0  }
0x40: {  	[sflag:s0] =	ssyncadd.s32 $0xFFFFFF80  }
0x41: {  	[tilespmem:s25], [sflag:$0x5] =	stream.indirect.gather [hbm4b:s4+s1], $0x80, s13, s1, $0xb8;
	[tilespmem:$0x1C400] =	vst v63  }
0x42: {  	s21 =	simm.s32 $0x14100;
	s20 =	rddreg [dreg:$0xf]  }
0x43: {  	[tilespmem:s21], [sflag:$0x3] =	stream.linear.gather [hbm4b:s20+s3], $0x80, $0x38;
	[tilespmem:$0x1C400] =	vst v63  }
0x44: {  	s23 =	simm.s32 $0x14300;
	s22 =	rddreg [dreg:$0x10]  }
0x45: {  	[tilespmem:s23], [sflag:$0x3] =	stream.linear.gather [hbm4b:s22+s3], $0x80, $0x38;
	[tilespmem:$0x1C400] =	vst v63  }
0x46: {  	_ =	swait.ge [sflag:s31], $0x80  }
0x47: {  	[sflag:s31] =	ssyncset.done $0x0  }
0x48: {  	[sflag:s31] =	ssyncadd.s32 $0xFFFFFF80  }
0x49: {  	_ =	swait.ge [sflag:s31], $0x80  }
0x4a: {  	[sflag:s31] =	ssyncset.done $0x0  }
0x4b: {  	s24 =	simm.s32 $0x5;
	[sflag:s31] =	ssyncadd.s32 $0xFFFFFF80  }
0x4c: {  	[tilespmem:s19], [sflag:$0x6] =	stream.indirect.gather [hbm4b:s4+s1], $0x80, s17, s1, $0xb8;
	[tilespmem:$0x1C400] =	vst v63  }
0x4d: {  	p0 =	por $0x0, $0x0;
	s30 =	simm.s32 $0x2;
	_ =	swait.ge [sflag:s24], $0x4000  }
0x4e: {  	s21 =	sand.u32 $0x1, s30;
	s20 =	simm.s32 $0x3;
	[sflag:s24] =	ssyncset.done $0x0  }
0x4f: {  	s7 =	sadd.s32 $0x7, s21;
	s22 =	simm.s32 $0x30;
	[sflag:s24] =	ssyncadd.s32 $0xFFFFC000  }
0x50: {  	[spmem:s2] =	stream.indirect.scatter.add.f32 [tilespmem:s25], [sflag:$0x7], $0x80, s14, s1, $0xb8;
	[tilespmem:$0x1C400] =	vst v63  }
0x51: {  	s23 =	sand.u32 $0x3, s30;
	s22 =	sand.u32 @!p0 $0x70, s22;
	_ =	swait.ge [sflag:s7], $0x4000  }
0x52: {  	s13 =	sadd.s32 $0x1, s23;
	s23 =	sshll.u32 s23, $0x7;
	s19 =	rddreg [dreg:$0x3]  }
0x53: {  	s23 =	sor.u32 $0x14000, s23;
	s17 =	sand.u32 @!p0 $0x3, s20;
	s19 =	sadd.s32 @!p0 $0x30, s19  }
0x54: {  	s20 =	simm.s32 @!p0 $0x0;
	s24 =	sshll.u32 @!p0 s17, $0x7;
	s19 =	sand.u32 @!p0 $0xFFFFF80, s19  }
0x55: {  	s17 =	sadd.s32 @!p0 $0x1, s17;
	[sflag:s7] =	ssyncset.done $0x0;
	s19 =	sor.u32 @!p0 s22, s19  }
0x56: {  	[sflag:s7] =	ssyncadd.s32 $0xFFFFC000;
	s22 =	sor.u32 @!p0 $0x14000, s24;
	s18 =	sadd.s32 @!p0 s5, s19  }
0x57: {  	[tilespmem:s22], [sflag:s17] =	stream.linear.gather @!p0 [hbm4b:s18+s20], $0x80, $0x38;
	[tilespmem:$0x1C400] =	vst v63  }
0x58: {  	s7 =	simm.s32 $0x1;
	s19 =	sadd.s32 @!p0 s6, s19;
	s18 =	sor.u32 @!p0 $0x14200, s24  }
0x59: {  	[tilespmem:s18], [sflag:s17] =	stream.linear.gather @!p0 [hbm4b:s19+s20], $0x80, $0x38;
	[tilespmem:$0x1C400] =	vst v63  }
0x5a: {  	s14 =	simm.s32 $0x200;
	s29 =	sand.u32 $0x1, s7;
	_ =	swait.ge [sflag:s13], $0x80  }
0x5b: {  	s30 =	sshll.u32 s29, $0xE;
	s28 =	sadd.s32 $0x7, s29;
	[sflag:s13] =	ssyncset.done $0x0  }
0x5c: {  	s29 =	sadd.s32 $0x5, s29;
	s24 =	sand.u32 $0x600, s14;
	[sflag:s13] =	ssyncadd.s32 $0xFFFFFF80  }
0x5d: {  	s14 =	simm.s32 $0x3;
	s24 =	sshrl.u32 s24, $0x2;
	_ =	swait.ge [sflag:s13], $0x80  }
0x5e: {  	s22 =	sand.u32 $0x3, s14;
	s18 =	simm.s32 $0x4;
	[sflag:s13] =	ssyncset.done $0x0  }
0x5f: {  	[sflag:s13] =	ssyncadd.s32 $0xFFFFFF80;
	s13 =	sadd.s32 $0x5, s21;
	s21 =	sshll.u32 s21, $0xE  }
0x60: {  	s20 =	simm.s32 $0x5;
	s17 =	simm.s32 $0x400;
	s21 =	sadd.s32 $0x14400, s21  }
0x61: {  	[tilespmem:s21], [sflag:s13] =	stream.indirect.gather [hbm4b:s4+s1], $0x80, s23, s1, $0xb8;
	[tilespmem:$0x1C400] =	vst v63  }
0x62: {  	s19 =	simm.s32 $0x40;
	s23 =	sor.u32 $0x14200, s24;
	_ =	swait.ge [sflag:s29], $0x4000  }
0x63: {  	s24 =	sadd.s32 $0x14400, s30;
	s21 =	sand.u32 $0x1, s14;
	[sflag:s29] =	ssyncset.done $0x0  }
.LBB2_2:
0x64: {  	s30 =	sadd.s32 $0x7, s21;
	[sflag:s29] =	ssyncadd.s32 $0xFFFFC000;
	s29 =	smov.u32 s18  }
0x65: {  	s18 =	smov.u32 s20;
	s20 =	sadd.s32 $0x1, s20;
	s7 =	smov.u32 s17  }
0x66: {  	[spmem:s2] =	stream.indirect.scatter.add.f32 [tilespmem:s24], [sflag:s28], $0x80, s23, s1, $0xb8;
	[tilespmem:$0x1C400] =	vst v63  }
0x67: {  	s17 =	sadd.s32 $0x200, s17;
	p0 =	sne.s32 s20, $0x51;
	s23 =	smov.u32 s19  }
0x68: {  	s28 =	sadd.s32 $0xFFFFFFFE, s29;
	s7 =	sand.u32 $0x600, s7;
	_ =	swait.ge [sflag:s30], $0x4000  }
0x69: {  	s13 =	sand.u32 $0x1, s28;
	p1 =	sgt.u32 s28, $0x4D;
	s24 =	rddreg [dreg:$0x3]  }
0x6a: {  	s28 =	sand.u32 @!p1 $0x3, s29;
	s29 =	simm.s32 @!p1 $0x0;
	s24 =	sadd.s32 @!p1 s23, s24  }
0x6b: {  	[sflag:s30] =	ssyncset.done $0x0;
	s23 =	sand.u32 @!p1 $0x70, s23;
	s24 =	sand.u32 @!p1 $0xFFFFF80, s24  }
0x6c: {  	s14 =	sshll.u32 @!p1 s28, $0x7;
	[sflag:s30] =	ssyncadd.s32 $0xFFFFC000;
	s23 =	sor.u32 @!p1 s23, s24  }
0x6d: {  	s28 =	sadd.s32 @!p1 $0x1, s28;
	s24 =	sor.u32 @!p1 $0x14000, s14;
	s30 =	sadd.s32 @!p1 s5, s23  }
0x6e: {  	[tilespmem:s24], [sflag:s28] =	stream.linear.gather @!p1 [hbm4b:s30+s29], $0x80, $0x38;
	[tilespmem:$0x1C400] =	vst v63  }
0x6f: {  	s14 =	sor.u32 @!p1 $0x14200, s14;
	s23 =	sadd.s32 @!p1 s6, s23;
	s24 =	sadd.s32 $0x1, s22  }
0x70: {  	[tilespmem:s14], [sflag:s28] =	stream.linear.gather @!p1 [hbm4b:s23+s29], $0x80, $0x38;
	[tilespmem:$0x1C400] =	vst v63  }
0x71: {  	s19 =	sadd.s32 $0x10, s19;
	s7 =	sshrl.u32 s7, $0x2;
	_ =	swait.ge [sflag:s24], $0x80  }
0x72: {  	s30 =	sadd.s32 $0x5, s21;
	s21 =	sshll.u32 s21, $0xE;
	[sflag:s24] =	ssyncset.done $0x0  }
0x73: {  	s22 =	sshll.u32 s22, $0x7;
	s14 =	sshll.u32 s13, $0xE;
	[sflag:s24] =	ssyncadd.s32 $0xFFFFFF80  }
0x74: {  	s28 =	sadd.s32 $0x7, s13;
	s29 =	sadd.s32 $0x5, s13;
	_ =	swait.ge [sflag:s24], $0x80  }
.Ltmp0:
0x75: {  	s23 =	sor.u32 $0x14200, s7;
	[sflag:s24] =	ssyncset.done $0x0;
	(pc) =	sbr.rel @p0 .LBB2_2-.Ltmp0, $4  }
0x76: {  	s7 =	sor.u32 $0x14000, s22;
	s13 =	sadd.s32 $0x14400, s21;
	[sflag:s24] =	ssyncadd.s32 $0xFFFFFF80  }
0x77: {  	[tilespmem:s13], [sflag:s30] =	stream.indirect.gather [hbm4b:s4+s1], $0x80, s7, s1, $0xb8;
	[tilespmem:$0x1C400] =	vst v63  }
0x78: {  	s24 =	sadd.s32 $0x14400, s14;
	s30 =	sadd.s32 $0xFFFFFFFF, s18;
	_ =	swait.ge [sflag:s29], $0x4000  }
0x79: {  	s21 =	sand.u32 $0x1, s30;
	s22 =	sand.u32 $0x3, s30;
	[sflag:s29] =	ssyncset.done $0x0  }
0x7a: {  	s7 =	sadd.s32 $0x7, s21;
	[sflag:s29] =	ssyncadd.s32 $0xFFFFC000  }
0x7b: {  	[spmem:s2] =	stream.indirect.scatter.add.f32 [tilespmem:s24], [sflag:s28], $0x80, s23, s1, $0xb8;
	[tilespmem:$0x1C400] =	vst v63  }
0x7c: {  	s14 =	sadd.s32 $0xFFFFFFFE, s18;
	_ =	swait.ge [sflag:s7], $0x4000  }
0x7d: {  	p0 =	sgt.u32 s14, $0x4D;
	s13 =	rddreg [dreg:$0x3]  }
0x7e: {  	s18 =	sand.u32 @!p0 $0x3, s18;
	s20 =	simm.s32 @!p0 $0x0;
	s13 =	sadd.s32 @!p0 s19, s13  }
0x7f: {  	[sflag:s7] =	ssyncset.done $0x0;
	s19 =	sand.u32 @!p0 $0x70, s19;
	s13 =	sand.u32 @!p0 $0xFFFFF80, s13  }
0x80: {  	s23 =	sshll.u32 @!p0 s18, $0x7;
	[sflag:s7] =	ssyncadd.s32 $0xFFFFC000;
	s13 =	sor.u32 @!p0 s19, s13  }
0x81: {  	s7 =	sadd.s32 @!p0 $0x1, s18;
	s19 =	sor.u32 @!p0 $0x14000, s23;
	s18 =	sadd.s32 @!p0 s5, s13  }
0x82: {  	[tilespmem:s19], [sflag:s7] =	stream.linear.gather @!p0 [hbm4b:s18+s20], $0x80, $0x38;
	[tilespmem:$0x1C400] =	vst v63  }
0x83: {  	s13 =	sadd.s32 @!p0 s6, s13;
	s18 =	sor.u32 @!p0 $0x14200, s23;
	s23 =	sadd.s32 $0x1, s22  }
0x84: {  	[tilespmem:s18], [sflag:s7] =	stream.linear.gather @!p0 [hbm4b:s13+s20], $0x80, $0x38;
	[tilespmem:$0x1C400] =	vst v63  }
0x85: {  	_ =	swait.ge [sflag:s23], $0x80  }
0x86: {  	[sflag:s23] =	ssyncset.done $0x0  }
0x87: {  	s29 =	sadd.s32 $0x5, s21;
	[sflag:s23] =	ssyncadd.s32 $0xFFFFFF80  }
0x88: {  	s24 =	sshll.u32 s21, $0xE;
	s30 =	sand.u32 $0x1, s14;
	_ =	swait.ge [sflag:s23], $0x80  }
0x89: {  	s28 =	sshll.u32 s22, $0x7;
	s14 =	sadd.s32 $0x5, s30;
	[sflag:s23] =	ssyncset.done $0x0  }
0x8a: {  	s13 =	sor.u32 $0x14000, s28;
	s7 =	sadd.s32 $0x14400, s24;
	[sflag:s23] =	ssyncadd.s32 $0xFFFFFF80  }
0x8b: {  	[tilespmem:s7], [sflag:s29] =	stream.indirect.gather [hbm4b:s4+s1], $0x80, s13, s1, $0xb8;
	[tilespmem:$0x1C400] =	vst v63  }
0x8c: {  	_ =	swait.ge [sflag:s14], $0x4000  }
0x8d: {  	s18 =	sand.u32 $0x600, s17;
	[sflag:s14] =	ssyncset.done $0x0  }
0x8e: {  	s19 =	sshll.u32 s30, $0xE;
	[sflag:s14] =	ssyncadd.s32 $0xFFFFC000;
	s14 =	sshrl.u32 s18, $0x2  }
0x8f: {  	s7 =	sadd.s32 $0x7, s30;
	s13 =	sadd.s32 $0x14400, s19;
	s14 =	sor.u32 $0x14200, s14  }
0x90: {  	[spmem:s2] =	stream.indirect.scatter.add.f32 [tilespmem:s13], [sflag:s7], $0x80, s14, s1, $0xb8;
	[tilespmem:$0x1C400] =	vst v63  }
0x91: {  	_ =	swait.ge [sflag:s7], $0x4000  }
0x92: {  	[sflag:s7] =	ssyncset.done $0x0  }
0x93: {  	s20 =	simm.s32 $0x6;
	[sflag:s7] =	ssyncadd.s32 $0xFFFFC000  }
0x94: {  	_ =	swait.ge [sflag:s20], $0x4000  }
0x95: {  	[sflag:s20] =	ssyncset.done $0x0  }
0x96: {  	s21 =	simm.s32 $0x14380;
	s19 =	simm.s32 $0x18400;
	[sflag:s20] =	ssyncadd.s32 $0xFFFFC000  }
0x97: {  	[spmem:s2] =	stream.indirect.scatter.add.f32 [tilespmem:s19], [sflag:$0x8], $0x80, s21, s1, $0xb8;
	[tilespmem:$0x1C400] =	vst v63  }
0x98: {  	_ =	swait.ge [sflag:s15], $0x4000  }
0x99: {  	[sflag:s15] =	ssyncset.done $0x0  }
0x9a: {  	[sflag:s15] =	ssyncadd.s32 $0xFFFFC000  }
0x9b: {  	[bflag:$0x0] =	sbarrier.arrive $0xFFFF  }
0x9c: {  	[tilespmem:s25], [sflag:$0x9] =	stream.linear.gather [spmem:s8], $0x4000, $0x38;
	[tilespmem:$0x1C400] =	vst v63  }
0x9d: {  	_ =	swait.ge [sflag:s26], $0x4000  }
0x9e: {  	[sflag:s26] =	ssyncset.done $0x0  }
0x9f: {  	s22 =	rddreg [dreg:$0x9];
	[sflag:s26] =	ssyncadd.s32 $0xFFFFC000  }
0xa0: {  	[hbm4b:s22+s3] =	stream.linear.scatter [tilespmem:s25], [sflag:$0x9], $0x4000, $0x38;
	[tilespmem:$0x1C400] =	vst v63  }
0xa1: {  	_ =	swait.ge [sflag:s26], $0x4000  }
0xa2: {  	[sflag:s26] =	ssyncset.done $0x0  }
0xa3: {  	[sflag:s26] =	ssyncadd.s32 $0xFFFFC000  }
0xa4: {  	[tilespmem:s25], [sflag:$0x9] =	stream.linear.gather [spmem:s9], $0x4000, $0x38;
	[tilespmem:$0x1C400] =	vst v63  }
0xa5: {  	_ =	swait.ge [sflag:s26], $0x4000  }
0xa6: {  	[sflag:s26] =	ssyncset.done $0x0  }
0xa7: {  	s23 =	rddreg [dreg:$0xa];
	[sflag:s26] =	ssyncadd.s32 $0xFFFFC000  }
0xa8: {  	[hbm4b:s23+s3] =	stream.linear.scatter [tilespmem:s25], [sflag:$0x9], $0x4000, $0x38;
	[tilespmem:$0x1C400] =	vst v63  }
0xa9: {  	_ =	swait.ge [sflag:s26], $0x4000  }
0xaa: {  	[sflag:s26] =	ssyncset.done $0x0  }
0xab: {  	[sflag:s26] =	ssyncadd.s32 $0xFFFFC000  }
0xac: {  	[tilespmem:s25], [sflag:$0x9] =	stream.linear.gather [spmem:s10], $0x4000, $0x38;
	[tilespmem:$0x1C400] =	vst v63  }
0xad: {  	_ =	swait.ge [sflag:s26], $0x4000  }
0xae: {  	[sflag:s26] =	ssyncset.done $0x0  }
0xaf: {  	s24 =	rddreg [dreg:$0xb];
	[sflag:s26] =	ssyncadd.s32 $0xFFFFC000  }
0xb0: {  	[hbm4b:s24+s3] =	stream.linear.scatter [tilespmem:s25], [sflag:$0x9], $0x4000, $0x38;
	[tilespmem:$0x1C400] =	vst v63  }
0xb1: {  	_ =	swait.ge [sflag:s26], $0x4000  }
0xb2: {  	[sflag:s26] =	ssyncset.done $0x0  }
0xb3: {  	[sflag:s26] =	ssyncadd.s32 $0xFFFFC000  }
0xb4: {  	[tilespmem:s25], [sflag:$0x9] =	stream.linear.gather [spmem:s11], $0x4000, $0x38;
	[tilespmem:$0x1C400] =	vst v63  }
0xb5: {  	_ =	swait.ge [sflag:s26], $0x4000  }
0xb6: {  	[sflag:s26] =	ssyncset.done $0x0  }
0xb7: {  	s28 =	rddreg [dreg:$0xc];
	[sflag:s26] =	ssyncadd.s32 $0xFFFFC000  }
0xb8: {  	[hbm4b:s28+s3] =	stream.linear.scatter [tilespmem:s25], [sflag:$0x9], $0x4000, $0x38;
	[tilespmem:$0x1C400] =	vst v63  }
0xb9: {  	_ =	swait.ge [sflag:s26], $0x4000  }
0xba: {  	[sflag:s26] =	ssyncset.done $0x0  }
0xbb: {  	[sflag:s26] =	ssyncadd.s32 $0xFFFFC000  }
0xbc: {  	[tilespmem:s25], [sflag:$0x9] =	stream.linear.gather [spmem:s12], $0x4000, $0x38;
	[tilespmem:$0x1C400] =	vst v63  }
0xbd: {  	_ =	swait.ge [sflag:s26], $0x4000  }
0xbe: {  	[sflag:s26] =	ssyncset.done $0x0  }
0xbf: {  	s29 =	rddreg [dreg:$0xd];
	[sflag:s26] =	ssyncadd.s32 $0xFFFFC000  }
0xc0: {  	[hbm4b:s29+s3] =	stream.linear.scatter [tilespmem:s25], [sflag:$0x9], $0x4000, $0x38;
	[tilespmem:$0x1C400] =	vst v63  }
0xc1: {  	_ =	swait.ge [sflag:s26], $0x4000  }
0xc2: {  	s16 =	sadd.s32 $0x1, s16;
	s30 =	rddreg [dreg:$0xe]  }
0xc3: {  	p0 =	sne.s32 s16, s30  }
.Ltmp1:
0xc4: {  	_ = 	snop;
	(pc) =	sbr.rel @p0 .LBB2_1-.Ltmp1, $3  }
0xc5: {  	_ =	sdelay $0x1  }
0xc6: {  	[sflag:s26] =	ssyncset.done $0x0  }
0xc7: {  	[sflag:s26] =	ssyncadd.s32 $0xFFFFC000  }
0xc8: {  	_ =	sfence.sel $0x180000  }
0xc9: {  	[bflag:$0x0] =	sbarrier.arrive $0xFFFF  }
0xca: {  	_ =	strace $0x90000050  }
0xcb: {  	s0 =	stileid.u32;
	[bflag:$0x2] =	sbarrier.arrive $0xFFFF  }
0xcc: {  	p0 =	sne.s32 s0, $0x0;
	s0 =	rddreg [dreg:$0x2]  }
0xcd: {  	s0 =	sadd.s32 @!p0 $0x100000, s0  }
0xce: {  	[sflag:s0] =	ssyncadd.tile.s32 @!p0 $0x1;
	_ =	shalt  }
.Lfunc_end2:
_tile_overlayer_lowered:
.L_overlay_start_2:
0xcf: {  	(tag) =	ssettag $0x2  }
0xd0: {  	s0 =	rddreg [dreg:$0x0];
	s2 =	stileid.u32  }
0xd1: {  	s1 =	rddreg [dreg:$0x1];
	p0 =	sne.s32 s2, $0x0  }
0xd2: {  	s3 =	rddreg [dreg:$0x2];
	[bflag:$0x3] =	sbarrier.arrive $0xFFFF;
	s2 =	simm.s32 @!p0 $0x1C09  }
0xd3: {  	[timem:s3], [sflag:s2] =	dma.local @!p0 [hbm:s0], s1  }
0xd4: {  	s0 =	simm.s32 @!p0 $0x9  }
0xd5: {  	_ =	swait.ge @!p0 [sflag:s0], s1  }
0xd6: {  	s1 =	ssub.s32 @!p0 $0x0, s1;
	[sflag:s0] =	ssyncset.done @!p0 $0x0  }
0xd7: {  	[sflag:s0] =	ssyncadd.s32 @!p0 s1  }
0xd8: {  	[bflag:$0x3] =	sbarrier.arrive $0xFFFF  }
0xd9: {  	_ =	shalt  }

</sc_bundles>
